<compile_context>
chip_gen: v7x
topology: tpu7x:2x2x1
jax: 0.10.2.dev20260603
libtpu: 0.0.44.dev20260713+nightly
codegen_flags: <defaults>
</compile_context>

<pallas_src>
import dataclasses
import functools

import jax
import jax.numpy as jnp
from jax import lax
from jax.experimental import pallas as pl
from jax.experimental.pallas import tpu as pltpu
from jax.experimental.pallas import tpu_sc as plsc

N = 10000
E = 320000
D = 128
S = 50

NC = 2
NS = 16
NW = NC * NS
EPW = E // NW
CH = 80
NCH = EPW // CH
NBLK = 5
BCH = NCH // NBLK
EB = EPW // NBLK
RPT = 632
RPT_LAST = N - RPT * (NS - 1)
NODE_CH = N // CH
SP = 56

_mesh = plsc.VectorSubcoreMesh(core_axis_name="c", subcore_axis_name="s")
_sc_params = pltpu.CompilerParams()
if "needs_layout_passes" in pltpu.CompilerParams.__dataclass_fields__:
    _sc_params = dataclasses.replace(_sc_params, needs_layout_passes=False)


@functools.partial(
    pl.kernel,
    mesh=_mesh,
    compiler_params=_sc_params,
    out_type=jax.ShapeDtypeStruct((NW, N), jnp.float32),
    scratch_types=[
        pltpu.VMEM((N,), jnp.float32),
        pltpu.VMEM((EB,), jnp.int32),
        pltpu.VMEM((EB,), jnp.float32),
    ],
)
def _sc_degree(dst_hbm, ew_hbm, deg_out, deg_v, dst_v, w_v):
    c = lax.axis_index("c")
    s = lax.axis_index("s")
    wid = c * NS + s

    @pl.loop(0, N // 16)
    def _zero(i):
        deg_v[pl.ds(i * 16, 16)] = jnp.zeros((16,), jnp.float32)

    @pl.loop(0, NBLK)
    def _block(b):
        base = wid * EPW + b * EB
        pltpu.sync_copy(dst_hbm.at[pl.ds(base, EB)], dst_v)
        pltpu.sync_copy(ew_hbm.at[pl.ds(base, EB)], w_v)

        @pl.loop(0, EB // 16)
        def _acc(i):
            idx = dst_v[pl.ds(i * 16, 16)]
            w16 = w_v[pl.ds(i * 16, 16)]
            plsc.addupdate_scatter(deg_v, [idx], w16)

    pltpu.sync_copy(deg_v, deg_out.at[wid])


@functools.partial(
    pl.kernel,
    mesh=_mesh,
    compiler_params=_sc_params,
    out_type=jax.ShapeDtypeStruct((NC, N, D), jnp.float32),
    scratch_types=[
        pltpu.VMEM_SHARED((N, D), jnp.float32),
        pltpu.VMEM((BCH, CH), jnp.int32),
        pltpu.VMEM((BCH, CH), jnp.int32),
        pltpu.VMEM((BCH, CH), jnp.float32),
        pltpu.VMEM((CH, D), jnp.float32),
        pltpu.SemaphoreType.DMA,
    ],
)
def _sc_aggregate(hs_hbm, src_r_hbm, dst_r_hbm, ew_r_hbm, zeros_hbm, agg_out,
                  acc, src_v, dst_v, w_v, rows, sem):
    c = lax.axis_index("c")
    s = lax.axis_index("s")
    wid = c * NS + s

    @pl.when(s < NS - 1)
    def _zero_main():
        pltpu.sync_copy(zeros_hbm.at[pl.ds(s * RPT, RPT)],
                        acc.at[pl.ds(s * RPT, RPT)])

    @pl.when(s == NS - 1)
    def _zero_last():
        pltpu.sync_copy(zeros_hbm.at[pl.ds((NS - 1) * RPT, RPT_LAST)],
                        acc.at[pl.ds((NS - 1) * RPT, RPT_LAST)])

    plsc.subcore_barrier()

    @pl.loop(0, NBLK)
    def _block(b):
        pltpu.sync_copy(src_r_hbm.at[wid, b], src_v)
        pltpu.sync_copy(dst_r_hbm.at[wid, b], dst_v)
        pltpu.sync_copy(ew_r_hbm.at[wid, b], w_v)

        @pl.loop(0, BCH)
        def _chunk(k):
            pltpu.async_copy(hs_hbm.at[src_v.at[k]], rows, sem).wait()

            @pl.loop(0, CH // 16)
            def _scale(jb):
                w16 = w_v[k, pl.ds(jb * 16, 16)]
                for l in range(16):
                    wj = w16[l]
                    j = jb * 16 + l
                    for t in range(D // 16):
                        sl = pl.ds(t * 16, 16)
                        rows[j, sl] = rows[j, sl] * wj

            pltpu.sync_copy(rows, acc.at[dst_v.at[k]], add=True)

    plsc.subcore_barrier()

    @pl.when(s < NS - 1)
    def _flush_main():
        pltpu.sync_copy(acc.at[pl.ds(s * RPT, RPT)],
                        agg_out.at[c, pl.ds(s * RPT, RPT)])

    @pl.when(s == NS - 1)
    def _flush_last():
        pltpu.sync_copy(acc.at[pl.ds((NS - 1) * RPT, RPT_LAST)],
                        agg_out.at[c, pl.ds((NS - 1) * RPT, RPT_LAST)])


@functools.partial(
    pl.kernel,
    mesh=_mesh,
    compiler_params=_sc_params,
    out_type=(jax.ShapeDtypeStruct((NC, SP, D), jnp.float32),
              jax.ShapeDtypeStruct((NC, NS, 64), jnp.float32)),
    scratch_types=[
        pltpu.VMEM_SHARED((SP, D), jnp.float32),
        pltpu.VMEM((1, CH), jnp.int32),
        pltpu.VMEM((CH, D), jnp.float32),
        pltpu.VMEM((64,), jnp.float32),
    ],
)
def _sc_segment(h_hbm, st_hbm, zeros_hbm, seg_out, cnt_out,
                acc, sidx, rows, cnt_v):
    c = lax.axis_index("c")
    s = lax.axis_index("s")
    wid = c * NS + s

    @pl.when(s < SP // 8)
    def _zero_acc():
        pltpu.sync_copy(zeros_hbm.at[pl.ds(s * 8, 8)], acc.at[pl.ds(s * 8, 8)])

    for t in range(4):
        cnt_v[pl.ds(t * 16, 16)] = jnp.zeros((16,), jnp.float32)
    plsc.subcore_barrier()

    @pl.loop(wid, NODE_CH, step=NW)
    def _chunk(k):
        base = k * CH
        pltpu.sync_copy(h_hbm.at[pl.ds(base, CH)], rows)
        pltpu.sync_copy(st_hbm.at[pl.ds(base, CH)], sidx.at[0])
        pltpu.sync_copy(rows, acc.at[sidx.at[0]], add=True)
        for t in range(CH // 16):
            st16 = sidx[0, pl.ds(t * 16, 16)]
            plsc.addupdate_scatter(cnt_v, [st16], jnp.ones((16,), jnp.float32))

    pltpu.sync_copy(cnt_v, cnt_out.at[c, s])
    plsc.subcore_barrier()

    @pl.when(s < SP // 8)
    def _flush():
        pltpu.sync_copy(acc.at[pl.ds(s * 8, 8)], seg_out.at[c, pl.ds(s * 8, 8)])


def _tc1_body(x_ref, w1_ref, degp_ref, hs1_ref, dinv_ref):
    deg = jnp.sum(degp_ref[...], axis=0) + 1.0
    dinv = jnp.where(deg > 0, lax.rsqrt(deg), 0.0)
    dinv_ref[...] = dinv[:, None]
    h1 = jnp.dot(x_ref[...], w1_ref[...], preferred_element_type=jnp.float32)
    hs1_ref[...] = h1 * dinv[:, None]


def _tc2_body(agg_ref, hs1_ref, dinv_ref, b1_ref, w2_ref, hs2_ref):
    dinv = dinv_ref[...]
    pre = (agg_ref[0] + agg_ref[1] + hs1_ref[...]) * dinv + b1_ref[...][None, :]
    a1 = jnp.maximum(pre, 0.0)
    h2 = jnp.dot(a1, w2_ref[...], preferred_element_type=jnp.float32)
    hs2_ref[...] = h2 * dinv


def _tc3_body(agg_ref, hs2_ref, dinv_ref, b2_ref, h_ref):
    h_ref[...] = ((agg_ref[0] + agg_ref[1] + hs2_ref[...]) * dinv_ref[...]
                  + b2_ref[...][None, :])


def _tc4_body(seg_ref, cnt_ref, out_ref):
    cnt = jnp.sum(cnt_ref[...], axis=(0, 1))[:S]
    total = seg_ref[0, :S] + seg_ref[1, :S]
    out_ref[...] = total / jnp.maximum(cnt, 1.0)[:, None]


def kernel(x, edge_index, edge_weight, state_of_county, W1, b1, W2, b2):
    src_r = edge_index[0].reshape(NW, NBLK, BCH, CH)
    dst_r = edge_index[1].reshape(NW, NBLK, BCH, CH)
    ew_r = edge_weight.reshape(NW, NBLK, BCH, CH)
    zeros_nd = jnp.zeros((N, D), jnp.float32)

    deg_parts = _sc_degree(edge_index[1], edge_weight)

    hs1, dinv = pl.pallas_call(
        _tc1_body,
        out_shape=(jax.ShapeDtypeStruct((N, D), jnp.float32),
                   jax.ShapeDtypeStruct((N, 1), jnp.float32)),
    )(x, W1, deg_parts)

    agg1 = _sc_aggregate(hs1, src_r, dst_r, ew_r, zeros_nd)

    hs2 = pl.pallas_call(
        _tc2_body,
        out_shape=jax.ShapeDtypeStruct((N, D), jnp.float32),
    )(agg1, hs1, dinv, b1, W2)

    agg2 = _sc_aggregate(hs2, src_r, dst_r, ew_r, zeros_nd)

    h_final = pl.pallas_call(
        _tc3_body,
        out_shape=jax.ShapeDtypeStruct((N, D), jnp.float32),
    )(agg2, hs2, dinv, b2)

    seg, cnt = _sc_segment(h_final, state_of_county, zeros_nd)

    out = pl.pallas_call(
        _tc4_body,
        out_shape=jax.ShapeDtypeStruct((S, D), jnp.float32),
    )(seg, cnt)
    return out

# --- scband reference (transcript-rebuilt; emitter-appended) ---
"""Pipeline reference for scband-micro-gcn-39642548142524 (READ-ONLY COPY).

The authoritative reference and input builder live on the scoring server;
editing this copy changes nothing except your own understanding.
"""

import jax, jax.numpy as jnp
import numpy as np

N = 10000          # n_nodes (counties)
E = 320000         # n_edges (avg_degree=32)
IN_DIM = 128
HID = 128
OUT = 128
S = 50             # num_states


def setup_inputs(seed: int = 0) -> dict:
    key = jax.random.key(seed)
    ks = jax.random.split(key, 8)
    x = jax.random.normal(ks[0], (N, IN_DIM), dtype=jnp.float32)
    # buffers derived from dense_to_sparse(A_county_global)
    edge_index = jax.random.randint(ks[1], (2, E), 0, N, dtype=jnp.int32)
    edge_weight = jax.random.uniform(ks[2], (E,), dtype=jnp.float32)
    state_of_county = jax.random.randint(ks[3], (N,), 0, S, dtype=jnp.int32)
    # GCNConv params (lin weight applied pre-aggregation, bias post-aggregation)
    W1 = jax.random.normal(ks[4], (IN_DIM, HID), dtype=jnp.float32) * (1.0 / np.sqrt(IN_DIM))
    b1 = jnp.zeros((HID,), dtype=jnp.float32)
    W2 = jax.random.normal(ks[5], (HID, OUT), dtype=jnp.float32) * (1.0 / np.sqrt(HID))
    b2 = jnp.zeros((OUT,), dtype=jnp.float32)
    return {"x": x, "edge_index": edge_index, "edge_weight": edge_weight,
            "state_of_county": state_of_county, "W1": W1, "b1": b1, "W2": W2, "b2": b2}


def _gcn_conv(x, W, b, src, dst, ew, n):
    # x' = x @ W ; add self-loops with weight 1 ; symmetric normalization D^-1/2 A D^-1/2 ; scatter-add ; + b
    h = x @ W
    loop = jnp.arange(n, dtype=src.dtype)
    s = jnp.concatenate([src, loop])
    d = jnp.concatenate([dst, loop])
    w = jnp.concatenate([ew, jnp.ones((n,), dtype=ew.dtype)])
    deg = jnp.zeros((n,), dtype=ew.dtype).at[d].add(w)
    deg_safe = jnp.where(deg > 0, deg, 1.0)
    dinv = jnp.where(deg > 0, jax.lax.rsqrt(deg_safe), 0.0)
    norm = dinv[s] * w * dinv[d]
    msg = h[s] * norm[:, None]
    out = jnp.zeros_like(h).at[d].add(msg)
    return out + b


def reference(x, edge_index, edge_weight, state_of_county, W1, b1, W2, b2):
    src, dst = edge_index[0], edge_index[1]
    h = jax.nn.relu(_gcn_conv(x, W1, b1, src, dst, edge_weight, N))
    # Dropout(0.2) is identity in eval mode
    h = _gcn_conv(h, W2, b2, src, dst, edge_weight, N)
    summed = jnp.zeros((S, h.shape[1]), dtype=h.dtype).at[state_of_county].add(h)
    counts = jnp.zeros((S, 1), dtype=h.dtype).at[state_of_county].add(jnp.ones((N, 1), dtype=h.dtype))
    return summed / jnp.clip(counts, 1.0, None)

if __name__ == "__main__":
    import jax
    _d = setup_inputs()
    print(jax.jit(kernel)(*tuple(_d.values())))

</pallas_src>

<mosaic_0001>
#map = affine_map<(d0, d1) -> (0, 0)>
#map1 = affine_map<(d0, d1) -> (0, 0, 0, 0)>
#map2 = affine_map<(d0, d1) -> (0, 0, 0)>
module attributes {stable_mosaic.version = 14 : i64} {
  func.func @_sc_aggregate(%arg0: i32, %arg1: i32, %arg2: memref<10000x128xf32, #tpu.memory_space<hbm>>, %arg3: memref<32x5x25x80xi32, #tpu.memory_space<hbm>>, %arg4: memref<32x5x25x80xi32, #tpu.memory_space<hbm>>, %arg5: memref<32x5x25x80xf32, #tpu.memory_space<hbm>>, %arg6: memref<10000x128xf32, #tpu.memory_space<hbm>>, %arg7: memref<2x10000x128xf32, #tpu.memory_space<hbm>>, %arg8: memref<10000x128xf32, #tpu.memory_space<vmem_shared>>, %arg9: memref<25x80xi32, #tpu.memory_space<vmem>>, %arg10: memref<25x80xi32, #tpu.memory_space<vmem>>, %arg11: memref<25x80xf32, #tpu.memory_space<vmem>>, %arg12: memref<80x128xf32, #tpu.memory_space<vmem>>, %arg13: memref<!tpu.dma_semaphore, #tpu.memory_space<semaphore_mem>>) attributes {dimension_semantics = [#tpu.dimension_semantics<core_parallel>, #tpu.dimension_semantics<subcore_parallel>], iteration_bounds = array<i64: 2, 16>, scalar_prefetch = 0 : i64, scratch_operands = 6 : i64, tpu.core_type = #tpu.core_type<sc_vector_subcore>, window_params = [{transform_indices = #map}, {transform_indices = #map1}, {transform_indices = #map1}, {transform_indices = #map1}, {transform_indices = #map}, {transform_indices = #map2}]} {
    %mul3A = arith.constant 16 : i32
    %mul3A_0 = arith.muli %arg0, %mul3A : i32
    %add3A = arith.addi %mul3A_0, %arg1 : i32
    %lt3A = arith.constant 15 : i32
    %lt3A_1 = arith.cmpi slt, %arg1, %lt3A : i32
    %convert_element_type3A = arith.extui %lt3A_1 : i1 to i32
    %cond3A = arith.constant 0 : i32
    %cond3A_2 = arith.cmpi ne, %convert_element_type3A, %cond3A : i32
    scf.if %cond3A_2 {
      %mul3A_22 = arith.constant 632 : i32
      %mul3A_23 = arith.muli %arg1, %mul3A_22 : i32
      %mul3A_24 = arith.constant 632 : i32
      %mul3A_25 = arith.muli %arg1, %mul3A_24 : i32
      "tpu.region"() ({
        %run_scoped3A = tpu.sem_alloc : memref<!tpu.dma_semaphore, #tpu.memory_space<semaphore_mem>>
        %dma_start3A = arith.constant 0 : i32
        %dma_start3A_26 = tpu.memref_slice %arg8[%mul3A_25, %dma_start3A] : memref<10000x128xf32, #tpu.memory_space<vmem_shared>> -> memref<632x128xf32, #tpu.memory_space<vmem_shared>>
        %dma_start3A_27 = arith.constant 0 : i32
        %dma_start3A_28 = tpu.memref_slice %arg6[%mul3A_23, %dma_start3A_27] : memref<10000x128xf32, #tpu.memory_space<hbm>> -> memref<632x128xf32, #tpu.memory_space<hbm>>
        tpu.enqueue_dma source(%dma_start3A_28 : memref<632x128xf32, #tpu.memory_space<hbm>>) target(%dma_start3A_26 : memref<632x128xf32, #tpu.memory_space<vmem_shared>>) target_semaphore(%run_scoped3A : memref<!tpu.dma_semaphore, #tpu.memory_space<semaphore_mem>>)
        %dma_wait3A = arith.constant 0 : i32
        %dma_wait3A_29 = tpu.memref_slice %arg8[%mul3A_25, %dma_wait3A] : memref<10000x128xf32, #tpu.memory_space<vmem_shared>> -> memref<632x128xf32, #tpu.memory_space<vmem_shared>>
        %dma_wait3A_30 = arith.constant 0 : i32
        %dma_wait3A_31 = tpu.memref_slice %arg6[%mul3A_23, %dma_wait3A_30] : memref<10000x128xf32, #tpu.memory_space<hbm>> -> memref<632x128xf32, #tpu.memory_space<hbm>>
        tpu.wait_dma2 semaphore(%run_scoped3A : memref<!tpu.dma_semaphore, #tpu.memory_space<semaphore_mem>>) src(%dma_wait3A_31 : memref<632x128xf32, #tpu.memory_space<hbm>>) dst(%dma_wait3A_29 : memref<632x128xf32, #tpu.memory_space<vmem_shared>>)
        tpu.yield
      }) : () -> ()
    } else {
    }
    %eq3A = arith.constant 15 : i32
    %eq3A_3 = arith.cmpi eq, %arg1, %eq3A : i32
    %convert_element_type3A_4 = arith.extui %eq3A_3 : i1 to i32
    %cond3A_5 = arith.constant 0 : i32
    %cond3A_6 = arith.cmpi ne, %convert_element_type3A_4, %cond3A_5 : i32
    scf.if %cond3A_6 {
      "tpu.region"() ({
        %run_scoped3A = tpu.sem_alloc : memref<!tpu.dma_semaphore, #tpu.memory_space<semaphore_mem>>
        %dma_start3A = arith.constant 9480 : i32
        %dma_start3A_22 = arith.constant 0 : i32
        %dma_start3A_23 = tpu.memref_slice %arg8[%dma_start3A, %dma_start3A_22] : memref<10000x128xf32, #tpu.memory_space<vmem_shared>> -> memref<520x128xf32, #tpu.memory_space<vmem_shared>>
        %dma_start3A_24 = arith.constant 9480 : i32
        %dma_start3A_25 = arith.constant 0 : i32
        %dma_start3A_26 = tpu.memref_slice %arg6[%dma_start3A_24, %dma_start3A_25] : memref<10000x128xf32, #tpu.memory_space<hbm>> -> memref<520x128xf32, #tpu.memory_space<hbm>>
        tpu.enqueue_dma source(%dma_start3A_26 : memref<520x128xf32, #tpu.memory_space<hbm>>) target(%dma_start3A_23 : memref<520x128xf32, #tpu.memory_space<vmem_shared>>) target_semaphore(%run_scoped3A : memref<!tpu.dma_semaphore, #tpu.memory_space<semaphore_mem>>)
        %dma_wait3A = arith.constant 9480 : i32
        %dma_wait3A_27 = arith.constant 0 : i32
        %dma_wait3A_28 = tpu.memref_slice %arg8[%dma_wait3A, %dma_wait3A_27] : memref<10000x128xf32, #tpu.memory_space<vmem_shared>> -> memref<520x128xf32, #tpu.memory_space<vmem_shared>>
        %dma_wait3A_29 = arith.constant 9480 : i32
        %dma_wait3A_30 = arith.constant 0 : i32
        %dma_wait3A_31 = tpu.memref_slice %arg6[%dma_wait3A_29, %dma_wait3A_30] : memref<10000x128xf32, #tpu.memory_space<hbm>> -> memref<520x128xf32, #tpu.memory_space<hbm>>
        tpu.wait_dma2 semaphore(%run_scoped3A : memref<!tpu.dma_semaphore, #tpu.memory_space<semaphore_mem>>) src(%dma_wait3A_31 : memref<520x128xf32, #tpu.memory_space<hbm>>) dst(%dma_wait3A_28 : memref<520x128xf32, #tpu.memory_space<vmem_shared>>)
        tpu.yield
      }) : () -> ()
    } else {
    }
    %barrier3A = arith.constant 0 : index
    tpu.barrier barrier_id(%barrier3A)
    %scan3A = arith.constant 0 : i32
    %scan3A_7 = arith.constant 5 : i32
    %scan3A_8 = arith.addi %scan3A, %scan3A_7 : i32
    %scan3A_9 = arith.constant 1 : i32
    scf.for %scan3A_22 = %scan3A to %scan3A_8 step %scan3A_9  : i32 {
      %mul3A_23 = arith.constant 1 : i32
      %mul3A_24 = arith.muli %scan3A_22, %mul3A_23 : i32
      %add3A_25 = arith.constant 0 : i32
      %add3A_26 = arith.addi %add3A_25, %mul3A_24 : i32
      "tpu.region"() ({
        %run_scoped3A = tpu.sem_alloc : memref<!tpu.dma_semaphore, #tpu.memory_space<semaphore_mem>>
        %dma_start3A = arith.constant 0 : i32
        %dma_start3A_32 = arith.constant 0 : i32
        %dma_start3A_33 = tpu.memref_slice %arg3[%add3A, %add3A_26, %dma_start3A, %dma_start3A_32] : memref<32x5x25x80xi32, #tpu.memory_space<hbm>> -> memref<1x1x25x80xi32, #tpu.memory_space<hbm>>
        %dma_start3A_34 = tpu.memref_squeeze %dma_start3A_33 : memref<1x1x25x80xi32, #tpu.memory_space<hbm>> -> memref<25x80xi32, #tpu.memory_space<hbm>>
        %dma_start3A_35 = arith.constant 0 : i32
        %dma_start3A_36 = arith.constant 0 : i32
        %dma_start3A_37 = tpu.memref_slice %arg3[%add3A, %add3A_26, %dma_start3A_35, %dma_start3A_36] : memref<32x5x25x80xi32, #tpu.memory_space<hbm>> -> memref<1x1x25x80xi32, #tpu.memory_space<hbm>>
        %dma_start3A_38 = tpu.memref_squeeze %dma_start3A_37 : memref<1x1x25x80xi32, #tpu.memory_space<hbm>> -> memref<25x80xi32, #tpu.memory_space<hbm>>
        tpu.enqueue_dma source(%dma_start3A_38 : memref<25x80xi32, #tpu.memory_space<hbm>>) target(%arg9 : memref<25x80xi32, #tpu.memory_space<vmem>>) target_semaphore(%run_scoped3A : memref<!tpu.dma_semaphore, #tpu.memory_space<semaphore_mem>>)
        %dma_wait3A = arith.constant 0 : i32
        %dma_wait3A_39 = arith.constant 0 : i32
        %dma_wait3A_40 = tpu.memref_slice %arg3[%add3A, %add3A_26, %dma_wait3A, %dma_wait3A_39] : memref<32x5x25x80xi32, #tpu.memory_space<hbm>> -> memref<1x1x25x80xi32, #tpu.memory_space<hbm>>
        %dma_wait3A_41 = tpu.memref_squeeze %dma_wait3A_40 : memref<1x1x25x80xi32, #tpu.memory_space<hbm>> -> memref<25x80xi32, #tpu.memory_space<hbm>>
        %dma_wait3A_42 = arith.constant 0 : i32
        %dma_wait3A_43 = arith.constant 0 : i32
        %dma_wait3A_44 = tpu.memref_slice %arg3[%add3A, %add3A_26, %dma_wait3A_42, %dma_wait3A_43] : memref<32x5x25x80xi32, #tpu.memory_space<hbm>> -> memref<1x1x25x80xi32, #tpu.memory_space<hbm>>
        %dma_wait3A_45 = tpu.memref_squeeze %dma_wait3A_44 : memref<1x1x25x80xi32, #tpu.memory_space<hbm>> -> memref<25x80xi32, #tpu.memory_space<hbm>>
        tpu.wait_dma2 semaphore(%run_scoped3A : memref<!tpu.dma_semaphore, #tpu.memory_space<semaphore_mem>>) src(%dma_wait3A_45 : memref<25x80xi32, #tpu.memory_space<hbm>>) dst(%arg9 : memref<25x80xi32, #tpu.memory_space<vmem>>)
        tpu.yield
      }) : () -> ()
      "tpu.region"() ({
        %run_scoped3A = tpu.sem_alloc : memref<!tpu.dma_semaphore, #tpu.memory_space<semaphore_mem>>
        %dma_start3A = arith.constant 0 : i32
        %dma_start3A_32 = arith.constant 0 : i32
        %dma_start3A_33 = tpu.memref_slice %arg4[%add3A, %add3A_26, %dma_start3A, %dma_start3A_32] : memref<32x5x25x80xi32, #tpu.memory_space<hbm>> -> memref<1x1x25x80xi32, #tpu.memory_space<hbm>>
        %dma_start3A_34 = tpu.memref_squeeze %dma_start3A_33 : memref<1x1x25x80xi32, #tpu.memory_space<hbm>> -> memref<25x80xi32, #tpu.memory_space<hbm>>
        %dma_start3A_35 = arith.constant 0 : i32
        %dma_start3A_36 = arith.constant 0 : i32
        %dma_start3A_37 = tpu.memref_slice %arg4[%add3A, %add3A_26, %dma_start3A_35, %dma_start3A_36] : memref<32x5x25x80xi32, #tpu.memory_space<hbm>> -> memref<1x1x25x80xi32, #tpu.memory_space<hbm>>
        %dma_start3A_38 = tpu.memref_squeeze %dma_start3A_37 : memref<1x1x25x80xi32, #tpu.memory_space<hbm>> -> memref<25x80xi32, #tpu.memory_space<hbm>>
        tpu.enqueue_dma source(%dma_start3A_38 : memref<25x80xi32, #tpu.memory_space<hbm>>) target(%arg10 : memref<25x80xi32, #tpu.memory_space<vmem>>) target_semaphore(%run_scoped3A : memref<!tpu.dma_semaphore, #tpu.memory_space<semaphore_mem>>)
        %dma_wait3A = arith.constant 0 : i32
        %dma_wait3A_39 = arith.constant 0 : i32
        %dma_wait3A_40 = tpu.memref_slice %arg4[%add3A, %add3A_26, %dma_wait3A, %dma_wait3A_39] : memref<32x5x25x80xi32, #tpu.memory_space<hbm>> -> memref<1x1x25x80xi32, #tpu.memory_space<hbm>>
        %dma_wait3A_41 = tpu.memref_squeeze %dma_wait3A_40 : memref<1x1x25x80xi32, #tpu.memory_space<hbm>> -> memref<25x80xi32, #tpu.memory_space<hbm>>
        %dma_wait3A_42 = arith.constant 0 : i32
        %dma_wait3A_43 = arith.constant 0 : i32
        %dma_wait3A_44 = tpu.memref_slice %arg4[%add3A, %add3A_26, %dma_wait3A_42, %dma_wait3A_43] : memref<32x5x25x80xi32, #tpu.memory_space<hbm>> -> memref<1x1x25x80xi32, #tpu.memory_space<hbm>>
        %dma_wait3A_45 = tpu.memref_squeeze %dma_wait3A_44 : memref<1x1x25x80xi32, #tpu.memory_space<hbm>> -> memref<25x80xi32, #tpu.memory_space<hbm>>
        tpu.wait_dma2 semaphore(%run_scoped3A : memref<!tpu.dma_semaphore, #tpu.memory_space<semaphore_mem>>) src(%dma_wait3A_45 : memref<25x80xi32, #tpu.memory_space<hbm>>) dst(%arg10 : memref<25x80xi32, #tpu.memory_space<vmem>>)
        tpu.yield
      }) : () -> ()
      "tpu.region"() ({
        %run_scoped3A = tpu.sem_alloc : memref<!tpu.dma_semaphore, #tpu.memory_space<semaphore_mem>>
        %dma_start3A = arith.constant 0 : i32
        %dma_start3A_32 = arith.constant 0 : i32
        %dma_start3A_33 = tpu.memref_slice %arg5[%add3A, %add3A_26, %dma_start3A, %dma_start3A_32] : memref<32x5x25x80xf32, #tpu.memory_space<hbm>> -> memref<1x1x25x80xf32, #tpu.memory_space<hbm>>
        %dma_start3A_34 = tpu.memref_squeeze %dma_start3A_33 : memref<1x1x25x80xf32, #tpu.memory_space<hbm>> -> memref<25x80xf32, #tpu.memory_space<hbm>>
        %dma_start3A_35 = arith.constant 0 : i32
        %dma_start3A_36 = arith.constant 0 : i32
        %dma_start3A_37 = tpu.memref_slice %arg5[%add3A, %add3A_26, %dma_start3A_35, %dma_start3A_36] : memref<32x5x25x80xf32, #tpu.memory_space<hbm>> -> memref<1x1x25x80xf32, #tpu.memory_space<hbm>>
        %dma_start3A_38 = tpu.memref_squeeze %dma_start3A_37 : memref<1x1x25x80xf32, #tpu.memory_space<hbm>> -> memref<25x80xf32, #tpu.memory_space<hbm>>
        tpu.enqueue_dma source(%dma_start3A_38 : memref<25x80xf32, #tpu.memory_space<hbm>>) target(%arg11 : memref<25x80xf32, #tpu.memory_space<vmem>>) target_semaphore(%run_scoped3A : memref<!tpu.dma_semaphore, #tpu.memory_space<semaphore_mem>>)
        %dma_wait3A = arith.constant 0 : i32
        %dma_wait3A_39 = arith.constant 0 : i32
        %dma_wait3A_40 = tpu.memref_slice %arg5[%add3A, %add3A_26, %dma_wait3A, %dma_wait3A_39] : memref<32x5x25x80xf32, #tpu.memory_space<hbm>> -> memref<1x1x25x80xf32, #tpu.memory_space<hbm>>
        %dma_wait3A_41 = tpu.memref_squeeze %dma_wait3A_40 : memref<1x1x25x80xf32, #tpu.memory_space<hbm>> -> memref<25x80xf32, #tpu.memory_space<hbm>>
        %dma_wait3A_42 = arith.constant 0 : i32
        %dma_wait3A_43 = arith.constant 0 : i32
        %dma_wait3A_44 = tpu.memref_slice %arg5[%add3A, %add3A_26, %dma_wait3A_42, %dma_wait3A_43] : memref<32x5x25x80xf32, #tpu.memory_space<hbm>> -> memref<1x1x25x80xf32, #tpu.memory_space<hbm>>
        %dma_wait3A_45 = tpu.memref_squeeze %dma_wait3A_44 : memref<1x1x25x80xf32, #tpu.memory_space<hbm>> -> memref<25x80xf32, #tpu.memory_space<hbm>>
        tpu.wait_dma2 semaphore(%run_scoped3A : memref<!tpu.dma_semaphore, #tpu.memory_space<semaphore_mem>>) src(%dma_wait3A_45 : memref<25x80xf32, #tpu.memory_space<hbm>>) dst(%arg11 : memref<25x80xf32, #tpu.memory_space<vmem>>)
        tpu.yield
      }) : () -> ()
      %scan3A_27 = arith.constant 0 : i32
      %scan3A_28 = arith.constant 25 : i32
      %scan3A_29 = arith.addi %scan3A_27, %scan3A_28 : i32
      %scan3A_30 = arith.constant 1 : i32
      scf.for %scan3A_32 = %scan3A_27 to %scan3A_29 step %scan3A_30  : i32 {
        %mul3A_33 = arith.constant 1 : i32
        %mul3A_34 = arith.muli %scan3A_32, %mul3A_33 : i32
        %add3A_35 = arith.constant 0 : i32
        %add3A_36 = arith.addi %add3A_35, %mul3A_34 : i32
        %dma_start3A = arith.constant 0 : i32
        %dma_start3A_37 = tpu.memref_slice %arg9[%add3A_36, %dma_start3A] : memref<25x80xi32, #tpu.memory_space<vmem>> -> memref<1x80xi32, #tpu.memory_space<vmem>>
        %dma_start3A_38 = tpu.memref_squeeze %dma_start3A_37 : memref<1x80xi32, #tpu.memory_space<vmem>> -> memref<80xi32, #tpu.memory_space<vmem>>
        %dma_start3A_39 = arith.constant 0 : i32
        %dma_start3A_40 = arith.constant 0 : i32
        %dma_start3A_41 = tpu.memref_slice %arg2[%dma_start3A_39, %dma_start3A_40] : memref<10000x128xf32, #tpu.memory_space<hbm>> -> memref<10000x128xf32, #tpu.memory_space<hbm>>
        tpu.enqueue_indirect_dma source(%dma_start3A_41 : memref<10000x128xf32, #tpu.memory_space<hbm>>) target(%arg12 : memref<80x128xf32, #tpu.memory_space<vmem>>) offsets(%dma_start3A_38 : memref<80xi32, #tpu.memory_space<vmem>>) semaphore(%arg13 : memref<!tpu.dma_semaphore, #tpu.memory_space<semaphore_mem>>)
        %dma_wait3A = arith.constant 0 : i32
        %dma_wait3A_42 = tpu.memref_slice %arg9[%add3A_36, %dma_wait3A] : memref<25x80xi32, #tpu.memory_space<vmem>> -> memref<1x80xi32, #tpu.memory_space<vmem>>
        %dma_wait3A_43 = tpu.memref_squeeze %dma_wait3A_42 : memref<1x80xi32, #tpu.memory_space<vmem>> -> memref<80xi32, #tpu.memory_space<vmem>>
        %dma_wait3A_44 = arith.constant 0 : i32
        %dma_wait3A_45 = arith.constant 0 : i32
        %dma_wait3A_46 = tpu.memref_slice %arg2[%dma_wait3A_44, %dma_wait3A_45] : memref<10000x128xf32, #tpu.memory_space<hbm>> -> memref<10000x128xf32, #tpu.memory_space<hbm>>
        tpu.wait_indirect_dma semaphore(%arg13 : memref<!tpu.dma_semaphore, #tpu.memory_space<semaphore_mem>>) src(%dma_wait3A_46 : memref<10000x128xf32, #tpu.memory_space<hbm>>) dst(%arg12 : memref<80x128xf32, #tpu.memory_space<vmem>>)
        %scan3A_47 = arith.constant 0 : i32
        %scan3A_48 = arith.constant 5 : i32
        %scan3A_49 = arith.addi %scan3A_47, %scan3A_48 : i32
        %scan3A_50 = arith.constant 1 : i32
        scf.for %scan3A_52 = %scan3A_47 to %scan3A_49 step %scan3A_50  : i32 {
          %mul3A_53 = arith.constant 1 : i32
          %mul3A_54 = arith.muli %scan3A_52, %mul3A_53 : i32
          %add3A_55 = arith.constant 0 : i32
          %add3A_56 = arith.addi %add3A_55, %mul3A_54 : i32
          %mul3A_57 = arith.constant 16 : i32
          %mul3A_58 = arith.muli %add3A_56, %mul3A_57 : i32
          %get3A = arith.index_cast %add3A_36 : i32 to index
          %get3A_59 = arith.index_cast %mul3A_58 : i32 to index
          %get3A_60 = tpu.vector_load %arg11[%get3A, %get3A_59] {strides = array<i32>} : memref<25x80xf32, #tpu.memory_space<vmem>>, vector<16xf32>,
          %slice3A = vector.extract_strided_slice %get3A_60 {offsets = [0], sizes = [1], strides = [1]} : vector<16xf32> to vector<1xf32>
          %squeeze3A = vector.extract %slice3A[0] : f32 from vector<1xf32>
          %mul3A_61 = arith.constant 16 : i32
          %mul3A_62 = arith.muli %add3A_56, %mul3A_61 : i32
          %add3A_63 = arith.constant 0 : i32
          %add3A_64 = arith.addi %mul3A_62, %add3A_63 : i32
          %get3A_65 = arith.index_cast %add3A_64 : i32 to index
          %get3A_66 = arith.constant 0 : index
          %get3A_67 = tpu.vector_load %arg12[%get3A_65, %get3A_66] {strides = array<i32>} : memref<80x128xf32, #tpu.memory_space<vmem>>, vector<16xf32>,
          %mul3A_68 = vector.broadcast %squeeze3A : f32 to vector<16xf32>
          %mul3A_69 = arith.mulf %get3A_67, %mul3A_68 : vector<16xf32>
          %swap3A = arith.index_cast %add3A_64 : i32 to index
          %swap3A_70 = arith.constant 0 : index
          %swap3A_71 = tpu.vector_load %arg12[%swap3A, %swap3A_70] {strides = array<i32>} : memref<80x128xf32, #tpu.memory_space<vmem>>, vector<16xf32>,
          tpu.vector_store %arg12[%swap3A, %swap3A_70], %mul3A_69 {strides = array<i32>} : memref<80x128xf32, #tpu.memory_space<vmem>>, vector<16xf32>,
          %get3A_72 = arith.index_cast %add3A_64 : i32 to index
          %get3A_73 = arith.constant 16 : index
          %get3A_74 = tpu.vector_load %arg12[%get3A_72, %get3A_73] {strides = array<i32>} : memref<80x128xf32, #tpu.memory_space<vmem>>, vector<16xf32>,
          %mul3A_75 = vector.broadcast %squeeze3A : f32 to vector<16xf32>
          %mul3A_76 = arith.mulf %get3A_74, %mul3A_75 : vector<16xf32>
          %swap3A_77 = arith.index_cast %add3A_64 : i32 to index
          %swap3A_78 = arith.constant 16 : index
          %swap3A_79 = tpu.vector_load %arg12[%swap3A_77, %swap3A_78] {strides = array<i32>} : memref<80x128xf32, #tpu.memory_space<vmem>>, vector<16xf32>,
          tpu.vector_store %arg12[%swap3A_77, %swap3A_78], %mul3A_76 {strides = array<i32>} : memref<80x128xf32, #tpu.memory_space<vmem>>, vector<16xf32>,
          %get3A_80 = arith.index_cast %add3A_64 : i32 to index
          %get3A_81 = arith.constant 32 : index
          %get3A_82 = tpu.vector_load %arg12[%get3A_80, %get3A_81] {strides = array<i32>} : memref<80x128xf32, #tpu.memory_space<vmem>>, vector<16xf32>,
          %mul3A_83 = vector.broadcast %squeeze3A : f32 to vector<16xf32>
          %mul3A_84 = arith.mulf %get3A_82, %mul3A_83 : vector<16xf32>
          %swap3A_85 = arith.index_cast %add3A_64 : i32 to index
          %swap3A_86 = arith.constant 32 : index
          %swap3A_87 = tpu.vector_load %arg12[%swap3A_85, %swap3A_86] {strides = array<i32>} : memref<80x128xf32, #tpu.memory_space<vmem>>, vector<16xf32>,
          tpu.vector_store %arg12[%swap3A_85, %swap3A_86], %mul3A_84 {strides = array<i32>} : memref<80x128xf32, #tpu.memory_space<vmem>>, vector<16xf32>,
          %get3A_88 = arith.index_cast %add3A_64 : i32 to index
          %get3A_89 = arith.constant 48 : index
          %get3A_90 = tpu.vector_load %arg12[%get3A_88, %get3A_89] {strides = array<i32>} : memref<80x128xf32, #tpu.memory_space<vmem>>, vector<16xf32>,
          %mul3A_91 = vector.broadcast %squeeze3A : f32 to vector<16xf32>
          %mul3A_92 = arith.mulf %get3A_90, %mul3A_91 : vector<16xf32>
          %swap3A_93 = arith.index_cast %add3A_64 : i32 to index
          %swap3A_94 = arith.constant 48 : index
          %swap3A_95 = tpu.vector_load %arg12[%swap3A_93, %swap3A_94] {strides = array<i32>} : memref<80x128xf32, #tpu.memory_space<vmem>>, vector<16xf32>,
          tpu.vector_store %arg12[%swap3A_93, %swap3A_94], %mul3A_92 {strides = array<i32>} : memref<80x128xf32, #tpu.memory_space<vmem>>, vector<16xf32>,
          %get3A_96 = arith.index_cast %add3A_64 : i32 to index
          %get3A_97 = arith.constant 64 : index
          %get3A_98 = tpu.vector_load %arg12[%get3A_96, %get3A_97] {strides = array<i32>} : memref<80x128xf32, #tpu.memory_space<vmem>>, vector<16xf32>,
          %mul3A_99 = vector.broadcast %squeeze3A : f32 to vector<16xf32>
          %mul3A_100 = arith.mulf %get3A_98, %mul3A_99 : vector<16xf32>
          %swap3A_101 = arith.index_cast %add3A_64 : i32 to index
          %swap3A_102 = arith.constant 64 : index
          %swap3A_103 = tpu.vector_load %arg12[%swap3A_101, %swap3A_102] {strides = array<i32>} : memref<80x128xf32, #tpu.memory_space<vmem>>, vector<16xf32>,
          tpu.vector_store %arg12[%swap3A_101, %swap3A_102], %mul3A_100 {strides = array<i32>} : memref<80x128xf32, #tpu.memory_space<vmem>>, vector<16xf32>,
          %get3A_104 = arith.index_cast %add3A_64 : i32 to index
          %get3A_105 = arith.constant 80 : index
          %get3A_106 = tpu.vector_load %arg12[%get3A_104, %get3A_105] {strides = array<i32>} : memref<80x128xf32, #tpu.memory_space<vmem>>, vector<16xf32>,
          %mul3A_107 = vector.broadcast %squeeze3A : f32 to vector<16xf32>
          %mul3A_108 = arith.mulf %get3A_106, %mul3A_107 : vector<16xf32>
          %swap3A_109 = arith.index_cast %add3A_64 : i32 to index
          %swap3A_110 = arith.constant 80 : index
          %swap3A_111 = tpu.vector_load %arg12[%swap3A_109, %swap3A_110] {strides = array<i32>} : memref<80x128xf32, #tpu.memory_space<vmem>>, vector<16xf32>,
          tpu.vector_store %arg12[%swap3A_109, %swap3A_110], %mul3A_108 {strides = array<i32>} : memref<80x128xf32, #tpu.memory_space<vmem>>, vector<16xf32>,
          %get3A_112 = arith.index_cast %add3A_64 : i32 to index
          %get3A_113 = arith.constant 96 : index
          %get3A_114 = tpu.vector_load %arg12[%get3A_112, %get3A_113] {strides = array<i32>} : memref<80x128xf32, #tpu.memory_space<vmem>>, vector<16xf32>,
          %mul3A_115 = vector.broadcast %squeeze3A : f32 to vector<16xf32>
          %mul3A_116 = arith.mulf %get3A_114, %mul3A_115 : vector<16xf32>
          %swap3A_117 = arith.index_cast %add3A_64 : i32 to index
          %swap3A_118 = arith.constant 96 : index
          %swap3A_119 = tpu.vector_load %arg12[%swap3A_117, %swap3A_118] {strides = array<i32>} : memref<80x128xf32, #tpu.memory_space<vmem>>, vector<16xf32>,
          tpu.vector_store %arg12[%swap3A_117, %swap3A_118], %mul3A_116 {strides = array<i32>} : memref<80x128xf32, #tpu.memory_space<vmem>>, vector<16xf32>,
          %get3A_120 = arith.index_cast %add3A_64 : i32 to index
          %get3A_121 = arith.constant 112 : index
          %get3A_122 = tpu.vector_load %arg12[%get3A_120, %get3A_121] {strides = array<i32>} : memref<80x128xf32, #tpu.memory_space<vmem>>, vector<16xf32>,
          %mul3A_123 = vector.broadcast %squeeze3A : f32 to vector<16xf32>
          %mul3A_124 = arith.mulf %get3A_122, %mul3A_123 : vector<16xf32>
          %swap3A_125 = arith.index_cast %add3A_64 : i32 to index
          %swap3A_126 = arith.constant 112 : index
          %swap3A_127 = tpu.vector_load %arg12[%swap3A_125, %swap3A_126] {strides = array<i32>} : memref<80x128xf32, #tpu.memory_space<vmem>>, vector<16xf32>,
          tpu.vector_store %arg12[%swap3A_125, %swap3A_126], %mul3A_124 {strides = array<i32>} : memref<80x128xf32, #tpu.memory_space<vmem>>, vector<16xf32>,
          %slice3A_128 = vector.extract_strided_slice %get3A_60 {offsets = [1], sizes = [1], strides = [1]} : vector<16xf32> to vector<1xf32>
          %squeeze3A_129 = vector.extract %slice3A_128[0] : f32 from vector<1xf32>
          %mul3A_130 = arith.constant 16 : i32
          %mul3A_131 = arith.muli %add3A_56, %mul3A_130 : i32
          %add3A_132 = arith.constant 1 : i32
          %add3A_133 = arith.addi %mul3A_131, %add3A_132 : i32
          %get3A_134 = arith.index_cast %add3A_133 : i32 to index
          %get3A_135 = arith.constant 0 : index
          %get3A_136 = tpu.vector_load %arg12[%get3A_134, %get3A_135] {strides = array<i32>} : memref<80x128xf32, #tpu.memory_space<vmem>>, vector<16xf32>,
          %mul3A_137 = vector.broadcast %squeeze3A_129 : f32 to vector<16xf32>
          %mul3A_138 = arith.mulf %get3A_136, %mul3A_137 : vector<16xf32>
          %swap3A_139 = arith.index_cast %add3A_133 : i32 to index
          %swap3A_140 = arith.constant 0 : index
          %swap3A_141 = tpu.vector_load %arg12[%swap3A_139, %swap3A_140] {strides = array<i32>} : memref<80x128xf32, #tpu.memory_space<vmem>>, vector<16xf32>,
          tpu.vector_store %arg12[%swap3A_139, %swap3A_140], %mul3A_138 {strides = array<i32>} : memref<80x128xf32, #tpu.memory_space<vmem>>, vector<16xf32>,
          %get3A_142 = arith.index_cast %add3A_133 : i32 to index
          %get3A_143 = arith.constant 16 : index
          %get3A_144 = tpu.vector_load %arg12[%get3A_142, %get3A_143] {strides = array<i32>} : memref<80x128xf32, #tpu.memory_space<vmem>>, vector<16xf32>,
          %mul3A_145 = vector.broadcast %squeeze3A_129 : f32 to vector<16xf32>
          %mul3A_146 = arith.mulf %get3A_144, %mul3A_145 : vector<16xf32>
          %swap3A_147 = arith.index_cast %add3A_133 : i32 to index
          %swap3A_148 = arith.constant 16 : index
          %swap3A_149 = tpu.vector_load %arg12[%swap3A_147, %swap3A_148] {strides = array<i32>} : memref<80x128xf32, #tpu.memory_space<vmem>>, vector<16xf32>,
          tpu.vector_store %arg12[%swap3A_147, %swap3A_148], %mul3A_146 {strides = array<i32>} : memref<80x128xf32, #tpu.memory_space<vmem>>, vector<16xf32>,
          %get3A_150 = arith.index_cast %add3A_133 : i32 to index
          %get3A_151 = arith.constant 32 : index
          %get3A_152 = tpu.vector_load %arg12[%get3A_150, %get3A_151] {strides = array<i32>} : memref<80x128xf32, #tpu.memory_space<vmem>>, vector<16xf32>,
          %mul3A_153 = vector.broadcast %squeeze3A_129 : f32 to vector<16xf32>
          %mul3A_154 = arith.mulf %get3A_152, %mul3A_153 : vector<16xf32>
          %swap3A_155 = arith.index_cast %add3A_133 : i32 to index
          %swap3A_156 = arith.constant 32 : index
          %swap3A_157 = tpu.vector_load %arg12[%swap3A_155, %swap3A_156] {strides = array<i32>} : memref<80x128xf32, #tpu.memory_space<vmem>>, vector<16xf32>,
          tpu.vector_store %arg12[%swap3A_155, %swap3A_156], %mul3A_154 {strides = array<i32>} : memref<80x128xf32, #tpu.memory_space<vmem>>, vector<16xf32>,
          %get3A_158 = arith.index_cast %add3A_133 : i32 to index
          %get3A_159 = arith.constant 48 : index
          %get3A_160 = tpu.vector_load %arg12[%get3A_158, %get3A_159] {strides = array<i32>} : memref<80x128xf32, #tpu.memory_space<vmem>>, vector<16xf32>,
          %mul3A_161 = vector.broadcast %squeeze3A_129 : f32 to vector<16xf32>
          %mul3A_162 = arith.mulf %get3A_160, %mul3A_161 : vector<16xf32>
          %swap3A_163 = arith.index_cast %add3A_133 : i32 to index
          %swap3A_164 = arith.constant 48 : index
          %swap3A_165 = tpu.vector_load %arg12[%swap3A_163, %swap3A_164] {strides = array<i32>} : memref<80x128xf32, #tpu.memory_space<vmem>>, vector<16xf32>,
          tpu.vector_store %arg12[%swap3A_163, %swap3A_164], %mul3A_162 {strides = array<i32>} : memref<80x128xf32, #tpu.memory_space<vmem>>, vector<16xf32>,
          %get3A_166 = arith.index_cast %add3A_133 : i32 to index
          %get3A_167 = arith.constant 64 : index
          %get3A_168 = tpu.vector_load %arg12[%get3A_166, %get3A_167] {strides = array<i32>} : memref<80x128xf32, #tpu.memory_space<vmem>>, vector<16xf32>,
          %mul3A_169 = vector.broadcast %squeeze3A_129 : f32 to vector<16xf32>
          %mul3A_170 = arith.mulf %get3A_168, %mul3A_169 : vector<16xf32>
          %swap3A_171 = arith.index_cast %add3A_133 : i32 to index
          %swap3A_172 = arith.constant 64 : index
          %swap3A_173 = tpu.vector_load %arg12[%swap3A_171, %swap3A_172] {strides = array<i32>} : memref<80x128xf32, #tpu.memory_space<vmem>>, vector<16xf32>,
          tpu.vector_store %arg12[%swap3A_171, %swap3A_172], %mul3A_170 {strides = array<i32>} : memref<80x128xf32, #tpu.memory_space<vmem>>, vector<16xf32>,
          %get3A_174 = arith.index_cast %add3A_133 : i32 to index
          %get3A_175 = arith.constant 80 : index
          %get3A_176 = tpu.vector_load %arg12[%get3A_174, %get3A_175] {strides = array<i32>} : memref<80x128xf32, #tpu.memory_space<vmem>>, vector<16xf32>,
          %mul3A_177 = vector.broadcast %squeeze3A_129 : f32 to vector<16xf32>
          %mul3A_178 = arith.mulf %get3A_176, %mul3A_177 : vector<16xf32>
          %swap3A_179 = arith.index_cast %add3A_133 : i32 to index
          %swap3A_180 = arith.constant 80 : index
          %swap3A_181 = tpu.vector_load %arg12[%swap3A_179, %swap3A_180] {strides = array<i32>} : memref<80x128xf32, #tpu.memory_space<vmem>>, vector<16xf32>,
          tpu.vector_store %arg12[%swap3A_179, %swap3A_180], %mul3A_178 {strides = array<i32>} : memref<80x128xf32, #tpu.memory_space<vmem>>, vector<16xf32>,
          %get3A_182 = arith.index_cast %add3A_133 : i32 to index
          %get3A_183 = arith.constant 96 : index
          %get3A_184 = tpu.vector_load %arg12[%get3A_182, %get3A_183] {strides = array<i32>} : memref<80x128xf32, #tpu.memory_space<vmem>>, vector<16xf32>,
          %mul3A_185 = vector.broadcast %squeeze3A_129 : f32 to vector<16xf32>
          %mul3A_186 = arith.mulf %get3A_184, %mul3A_185 : vector<16xf32>
          %swap3A_187 = arith.index_cast %add3A_133 : i32 to index
          %swap3A_188 = arith.constant 96 : index
          %swap3A_189 = tpu.vector_load %arg12[%swap3A_187, %swap3A_188] {strides = array<i32>} : memref<80x128xf32, #tpu.memory_space<vmem>>, vector<16xf32>,
          tpu.vector_store %arg12[%swap3A_187, %swap3A_188], %mul3A_186 {strides = array<i32>} : memref<80x128xf32, #tpu.memory_space<vmem>>, vector<16xf32>,
          %get3A_190 = arith.index_cast %add3A_133 : i32 to index
          %get3A_191 = arith.constant 112 : index
          %get3A_192 = tpu.vector_load %arg12[%get3A_190, %get3A_191] {strides = array<i32>} : memref<80x128xf32, #tpu.memory_space<vmem>>, vector<16xf32>,
          %mul3A_193 = vector.broadcast %squeeze3A_129 : f32 to vector<16xf32>
          %mul3A_194 = arith.mulf %get3A_192, %mul3A_193 : vector<16xf32>
          %swap3A_195 = arith.index_cast %add3A_133 : i32 to index
          %swap3A_196 = arith.constant 112 : index
          %swap3A_197 = tpu.vector_load %arg12[%swap3A_195, %swap3A_196] {strides = array<i32>} : memref<80x128xf32, #tpu.memory_space<vmem>>, vector<16xf32>,
          tpu.vector_store %arg12[%swap3A_195, %swap3A_196], %mul3A_194 {strides = array<i32>} : memref<80x128xf32, #tpu.memory_space<vmem>>, vector<16xf32>,
          %slice3A_198 = vector.extract_strided_slice %get3A_60 {offsets = [2], sizes = [1], strides = [1]} : vector<16xf32> to vector<1xf32>
          %squeeze3A_199 = vector.extract %slice3A_198[0] : f32 from vector<1xf32>
          %mul3A_200 = arith.constant 16 : i32
          %mul3A_201 = arith.muli %add3A_56, %mul3A_200 : i32
          %add3A_202 = arith.constant 2 : i32
          %add3A_203 = arith.addi %mul3A_201, %add3A_202 : i32
          %get3A_204 = arith.index_cast %add3A_203 : i32 to index
          %get3A_205 = arith.constant 0 : index
          %get3A_206 = tpu.vector_load %arg12[%get3A_204, %get3A_205] {strides = array<i32>} : memref<80x128xf32, #tpu.memory_space<vmem>>, vector<16xf32>,
          %mul3A_207 = vector.broadcast %squeeze3A_199 : f32 to vector<16xf32>
          %mul3A_208 = arith.mulf %get3A_206, %mul3A_207 : vector<16xf32>
          %swap3A_209 = arith.index_cast %add3A_203 : i32 to index
          %swap3A_210 = arith.constant 0 : index
          %swap3A_211 = tpu.vector_load %arg12[%swap3A_209, %swap3A_210] {strides = array<i32>} : memref<80x128xf32, #tpu.memory_space<vmem>>, vector<16xf32>,
          tpu.vector_store %arg12[%swap3A_209, %swap3A_210], %mul3A_208 {strides = array<i32>} : memref<80x128xf32, #tpu.memory_space<vmem>>, vector<16xf32>,
          %get3A_212 = arith.index_cast %add3A_203 : i32 to index
          %get3A_213 = arith.constant 16 : index
          %get3A_214 = tpu.vector_load %arg12[%get3A_212, %get3A_213] {strides = array<i32>} : memref<80x128xf32, #tpu.memory_space<vmem>>, vector<16xf32>,
          %mul3A_215 = vector.broadcast %squeeze3A_199 : f32 to vector<16xf32>
          %mul3A_216 = arith.mulf %get3A_214, %mul3A_215 : vector<16xf32>
          %swap3A_217 = arith.index_cast %add3A_203 : i32 to index
          %swap3A_218 = arith.constant 16 : index
          %swap3A_219 = tpu.vector_load %arg12[%swap3A_217, %swap3A_218] {strides = array<i32>} : memref<80x128xf32, #tpu.memory_space<vmem>>, vector<16xf32>,
          tpu.vector_store %arg12[%swap3A_217, %swap3A_218], %mul3A_216 {strides = array<i32>} : memref<80x128xf32, #tpu.memory_space<vmem>>, vector<16xf32>,
          %get3A_220 = arith.index_cast %add3A_203 : i32 to index
          %get3A_221 = arith.constant 32 : index
          %get3A_222 = tpu.vector_load %arg12[%get3A_220, %get3A_221] {strides = array<i32>} : memref<80x128xf32, #tpu.memory_space<vmem>>, vector<16xf32>,
          %mul3A_223 = vector.broadcast %squeeze3A_199 : f32 to vector<16xf32>
          %mul3A_224 = arith.mulf %get3A_222, %mul3A_223 : vector<16xf32>
          %swap3A_225 = arith.index_cast %add3A_203 : i32 to index
          %swap3A_226 = arith.constant 32 : index
          %swap3A_227 = tpu.vector_load %arg12[%swap3A_225, %swap3A_226] {strides = array<i32>} : memref<80x128xf32, #tpu.memory_space<vmem>>, vector<16xf32>,
          tpu.vector_store %arg12[%swap3A_225, %swap3A_226], %mul3A_224 {strides = array<i32>} : memref<80x128xf32, #tpu.memory_space<vmem>>, vector<16xf32>,
          %get3A_228 = arith.index_cast %add3A_203 : i32 to index
          %get3A_229 = arith.constant 48 : index
          %get3A_230 = tpu.vector_load %arg12[%get3A_228, %get3A_229] {strides = array<i32>} : memref<80x128xf32, #tpu.memory_space<vmem>>, vector<16xf32>,
          %mul3A_231 = vector.broadcast %squeeze3A_199 : f32 to vector<16xf32>
          %mul3A_232 = arith.mulf %get3A_230, %mul3A_231 : vector<16xf32>
          %swap3A_233 = arith.index_cast %add3A_203 : i32 to index
          %swap3A_234 = arith.constant 48 : index
          %swap3A_235 = tpu.vector_load %arg12[%swap3A_233, %swap3A_234] {strides = array<i32>} : memref<80x128xf32, #tpu.memory_space<vmem>>, vector<16xf32>,
          tpu.vector_store %arg12[%swap3A_233, %swap3A_234], %mul3A_232 {strides = array<i32>} : memref<80x128xf32, #tpu.memory_space<vmem>>, vector<16xf32>,
          %get3A_236 = arith.index_cast %add3A_203 : i32 to index
          %get3A_237 = arith.constant 64 : index
          %get3A_238 = tpu.vector_load %arg12[%get3A_236, %get3A_237] {strides = array<i32>} : memref<80x128xf32, #tpu.memory_space<vmem>>, vector<16xf32>,
          %mul3A_239 = vector.broadcast %squeeze3A_199 : f32 to vector<16xf32>
          %mul3A_240 = arith.mulf %get3A_238, %mul3A_239 : vector<16xf32>
          %swap3A_241 = arith.index_cast %add3A_203 : i32 to index
          %swap3A_242 = arith.constant 64 : index
          %swap3A_243 = tpu.vector_load %arg12[%swap3A_241, %swap3A_242] {strides = array<i32>} : memref<80x128xf32, #tpu.memory_space<vmem>>, vector<16xf32>,
          tpu.vector_store %arg12[%swap3A_241, %swap3A_242], %mul3A_240 {strides = array<i32>} : memref<80x128xf32, #tpu.memory_space<vmem>>, vector<16xf32>,
          %get3A_244 = arith.index_cast %add3A_203 : i32 to index
          %get3A_245 = arith.constant 80 : index
          %get3A_246 = tpu.vector_load %arg12[%get3A_244, %get3A_245] {strides = array<i32>} : memref<80x128xf32, #tpu.memory_space<vmem>>, vector<16xf32>,
          %mul3A_247 = vector.broadcast %squeeze3A_199 : f32 to vector<16xf32>
          %mul3A_248 = arith.mulf %get3A_246, %mul3A_247 : vector<16xf32>
          %swap3A_249 = arith.index_cast %add3A_203 : i32 to index
          %swap3A_250 = arith.constant 80 : index
          %swap3A_251 = tpu.vector_load %arg12[%swap3A_249, %swap3A_250] {strides = array<i32>} : memref<80x128xf32, #tpu.memory_space<vmem>>, vector<16xf32>,
          tpu.vector_store %arg12[%swap3A_249, %swap3A_250], %mul3A_248 {strides = array<i32>} : memref<80x128xf32, #tpu.memory_space<vmem>>, vector<16xf32>,
          %get3A_252 = arith.index_cast %add3A_203 : i32 to index
          %get3A_253 = arith.constant 96 : index
          %get3A_254 = tpu.vector_load %arg12[%get3A_252, %get3A_253] {strides = array<i32>} : memref<80x128xf32, #tpu.memory_space<vmem>>, vector<16xf32>,
          %mul3A_255 = vector.broadcast %squeeze3A_199 : f32 to vector<16xf32>
          %mul3A_256 = arith.mulf %get3A_254, %mul3A_255 : vector<16xf32>
          %swap3A_257 = arith.index_cast %add3A_203 : i32 to index
          %swap3A_258 = arith.constant 96 : index
          %swap3A_259 = tpu.vector_load %arg12[%swap3A_257, %swap3A_258] {strides = array<i32>} : memref<80x128xf32, #tpu.memory_space<vmem>>, vector<16xf32>,
          tpu.vector_store %arg12[%swap3A_257, %swap3A_258], %mul3A_256 {strides = array<i32>} : memref<80x128xf32, #tpu.memory_space<vmem>>, vector<16xf32>,
          %get3A_260 = arith.index_cast %add3A_203 : i32 to index
          %get3A_261 = arith.constant 112 : index
          %get3A_262 = tpu.vector_load %arg12[%get3A_260, %get3A_261] {strides = array<i32>} : memref<80x128xf32, #tpu.memory_space<vmem>>, vector<16xf32>,
          %mul3A_263 = vector.broadcast %squeeze3A_199 : f32 to vector<16xf32>
          %mul3A_264 = arith.mulf %get3A_262, %mul3A_263 : vector<16xf32>
          %swap3A_265 = arith.index_cast %add3A_203 : i32 to index
          %swap3A_266 = arith.constant 112 : index
          %swap3A_267 = tpu.vector_load %arg12[%swap3A_265, %swap3A_266] {strides = array<i32>} : memref<80x128xf32, #tpu.memory_space<vmem>>, vector<16xf32>,
          tpu.vector_store %arg12[%swap3A_265, %swap3A_266], %mul3A_264 {strides = array<i32>} : memref<80x128xf32, #tpu.memory_space<vmem>>, vector<16xf32>,
          %slice3A_268 = vector.extract_strided_slice %get3A_60 {offsets = [3], sizes = [1], strides = [1]} : vector<16xf32> to vector<1xf32>
          %squeeze3A_269 = vector.extract %slice3A_268[0] : f32 from vector<1xf32>
          %mul3A_270 = arith.constant 16 : i32
          %mul3A_271 = arith.muli %add3A_56, %mul3A_270 : i32
          %add3A_272 = arith.constant 3 : i32
          %add3A_273 = arith.addi %mul3A_271, %add3A_272 : i32
          %get3A_274 = arith.index_cast %add3A_273 : i32 to index
          %get3A_275 = arith.constant 0 : index
          %get3A_276 = tpu.vector_load %arg12[%get3A_274, %get3A_275] {strides = array<i32>} : memref<80x128xf32, #tpu.memory_space<vmem>>, vector<16xf32>,
          %mul3A_277 = vector.broadcast %squeeze3A_269 : f32 to vector<16xf32>
          %mul3A_278 = arith.mulf %get3A_276, %mul3A_277 : vector<16xf32>
          %swap3A_279 = arith.index_cast %add3A_273 : i32 to index
          %swap3A_280 = arith.constant 0 : index
          %swap3A_281 = tpu.vector_load %arg12[%swap3A_279, %swap3A_280] {strides = array<i32>} : memref<80x128xf32, #tpu.memory_space<vmem>>, vector<16xf32>,
          tpu.vector_store %arg12[%swap3A_279, %swap3A_280], %mul3A_278 {strides = array<i32>} : memref<80x128xf32, #tpu.memory_space<vmem>>, vector<16xf32>,
          %get3A_282 = arith.index_cast %add3A_273 : i32 to index
          %get3A_283 = arith.constant 16 : index
          %get3A_284 = tpu.vector_load %arg12[%get3A_282, %get3A_283] {strides = array<i32>} : memref<80x128xf32, #tpu.memory_space<vmem>>, vector<16xf32>,
          %mul3A_285 = vector.broadcast %squeeze3A_269 : f32 to vector<16xf32>
          %mul3A_286 = arith.mulf %get3A_284, %mul3A_285 : vector<16xf32>
          %swap3A_287 = arith.index_cast %add3A_273 : i32 to index
          %swap3A_288 = arith.constant 16 : index
          %swap3A_289 = tpu.vector_load %arg12[%swap3A_287, %swap3A_288] {strides = array<i32>} : memref<80x128xf32, #tpu.memory_space<vmem>>, vector<16xf32>,
          tpu.vector_store %arg12[%swap3A_287, %swap3A_288], %mul3A_286 {strides = array<i32>} : memref<80x128xf32, #tpu.memory_space<vmem>>, vector<16xf32>,
          %get3A_290 = arith.index_cast %add3A_273 : i32 to index
          %get3A_291 = arith.constant 32 : index
          %get3A_292 = tpu.vector_load %arg12[%get3A_290, %get3A_291] {strides = array<i32>} : memref<80x128xf32, #tpu.memory_space<vmem>>, vector<16xf32>,
          %mul3A_293 = vector.broadcast %squeeze3A_269 : f32 to vector<16xf32>
          %mul3A_294 = arith.mulf %get3A_292, %mul3A_293 : vector<16xf32>
          %swap3A_295 = arith.index_cast %add3A_273 : i32 to index
          %swap3A_296 = arith.constant 32 : index
          %swap3A_297 = tpu.vector_load %arg12[%swap3A_295, %swap3A_296] {strides = array<i32>} : memref<80x128xf32, #tpu.memory_space<vmem>>, vector<16xf32>,
          tpu.vector_store %arg12[%swap3A_295, %swap3A_296], %mul3A_294 {strides = array<i32>} : memref<80x128xf32, #tpu.memory_space<vmem>>, vector<16xf32>,
          %get3A_298 = arith.index_cast %add3A_273 : i32 to index
          %get3A_299 = arith.constant 48 : index
          %get3A_300 = tpu.vector_load %arg12[%get3A_298, %get3A_299] {strides = array<i32>} : memref<80x128xf32, #tpu.memory_space<vmem>>, vector<16xf32>,
          %mul3A_301 = vector.broadcast %squeeze3A_269 : f32 to vector<16xf32>
          %mul3A_302 = arith.mulf %get3A_300, %mul3A_301 : vector<16xf32>
          %swap3A_303 = arith.index_cast %add3A_273 : i32 to index
          %swap3A_304 = arith.constant 48 : index
          %swap3A_305 = tpu.vector_load %arg12[%swap3A_303, %swap3A_304] {strides = array<i32>} : memref<80x128xf32, #tpu.memory_space<vmem>>, vector<16xf32>,
          tpu.vector_store %arg12[%swap3A_303, %swap3A_304], %mul3A_302 {strides = array<i32>} : memref<80x128xf32, #tpu.memory_space<vmem>>, vector<16xf32>,
          %get3A_306 = arith.index_cast %add3A_273 : i32 to index
          %get3A_307 = arith.constant 64 : index
          %get3A_308 = tpu.vector_load %arg12[%get3A_306, %get3A_307] {strides = array<i32>} : memref<80x128xf32, #tpu.memory_space<vmem>>, vector<16xf32>,
          %mul3A_309 = vector.broadcast %squeeze3A_269 : f32 to vector<16xf32>
          %mul3A_310 = arith.mulf %get3A_308, %mul3A_309 : vector<16xf32>
          %swap3A_311 = arith.index_cast %add3A_273 : i32 to index
          %swap3A_312 = arith.constant 64 : index
          %swap3A_313 = tpu.vector_load %arg12[%swap3A_311, %swap3A_312] {strides = array<i32>} : memref<80x128xf32, #tpu.memory_space<vmem>>, vector<16xf32>,
          tpu.vector_store %arg12[%swap3A_311, %swap3A_312], %mul3A_310 {strides = array<i32>} : memref<80x128xf32, #tpu.memory_space<vmem>>, vector<16xf32>,
          %get3A_314 = arith.index_cast %add3A_273 : i32 to index
          %get3A_315 = arith.constant 80 : index
          %get3A_316 = tpu.vector_load %arg12[%get3A_314, %get3A_315] {strides = array<i32>} : memref<80x128xf32, #tpu.memory_space<vmem>>, vector<16xf32>,
          %mul3A_317 = vector.broadcast %squeeze3A_269 : f32 to vector<16xf32>
          %mul3A_318 = arith.mulf %get3A_316, %mul3A_317 : vector<16xf32>
          %swap3A_319 = arith.index_cast %add3A_273 : i32 to index
          %swap3A_320 = arith.constant 80 : index
          %swap3A_321 = tpu.vector_load %arg12[%swap3A_319, %swap3A_320] {strides = array<i32>} : memref<80x128xf32, #tpu.memory_space<vmem>>, vector<16xf32>,
          tpu.vector_store %arg12[%swap3A_319, %swap3A_320], %mul3A_318 {strides = array<i32>} : memref<80x128xf32, #tpu.memory_space<vmem>>, vector<16xf32>,
          %get3A_322 = arith.index_cast %add3A_273 : i32 to index
          %get3A_323 = arith.constant 96 : index
          %get3A_324 = tpu.vector_load %arg12[%get3A_322, %get3A_323] {strides = array<i32>} : memref<80x128xf32, #tpu.memory_space<vmem>>, vector<16xf32>,
          %mul3A_325 = vector.broadcast %squeeze3A_269 : f32 to vector<16xf32>
          %mul3A_326 = arith.mulf %get3A_324, %mul3A_325 : vector<16xf32>
          %swap3A_327 = arith.index_cast %add3A_273 : i32 to index
          %swap3A_328 = arith.constant 96 : index
          %swap3A_329 = tpu.vector_load %arg12[%swap3A_327, %swap3A_328] {strides = array<i32>} : memref<80x128xf32, #tpu.memory_space<vmem>>, vector<16xf32>,
          tpu.vector_store %arg12[%swap3A_327, %swap3A_328], %mul3A_326 {strides = array<i32>} : memref<80x128xf32, #tpu.memory_space<vmem>>, vector<16xf32>,
          %get3A_330 = arith.index_cast %add3A_273 : i32 to index
          %get3A_331 = arith.constant 112 : index
          %get3A_332 = tpu.vector_load %arg12[%get3A_330, %get3A_331] {strides = array<i32>} : memref<80x128xf32, #tpu.memory_space<vmem>>, vector<16xf32>,
          %mul3A_333 = vector.broadcast %squeeze3A_269 : f32 to vector<16xf32>
          %mul3A_334 = arith.mulf %get3A_332, %mul3A_333 : vector<16xf32>
          %swap3A_335 = arith.index_cast %add3A_273 : i32 to index
          %swap3A_336 = arith.constant 112 : index
          %swap3A_337 = tpu.vector_load %arg12[%swap3A_335, %swap3A_336] {strides = array<i32>} : memref<80x128xf32, #tpu.memory_space<vmem>>, vector<16xf32>,
          tpu.vector_store %arg12[%swap3A_335, %swap3A_336], %mul3A_334 {strides = array<i32>} : memref<80x128xf32, #tpu.memory_space<vmem>>, vector<16xf32>,
          %slice3A_338 = vector.extract_strided_slice %get3A_60 {offsets = [4], sizes = [1], strides = [1]} : vector<16xf32> to vector<1xf32>
          %squeeze3A_339 = vector.extract %slice3A_338[0] : f32 from vector<1xf32>
          %mul3A_340 = arith.constant 16 : i32
          %mul3A_341 = arith.muli %add3A_56, %mul3A_340 : i32
          %add3A_342 = arith.constant 4 : i32
          %add3A_343 = arith.addi %mul3A_341, %add3A_342 : i32
          %get3A_344 = arith.index_cast %add3A_343 : i32 to index
          %get3A_345 = arith.constant 0 : index
          %get3A_346 = tpu.vector_load %arg12[%get3A_344, %get3A_345] {strides = array<i32>} : memref<80x128xf32, #tpu.memory_space<vmem>>, vector<16xf32>,
          %mul3A_347 = vector.broadcast %squeeze3A_339 : f32 to vector<16xf32>
          %mul3A_348 = arith.mulf %get3A_346, %mul3A_347 : vector<16xf32>
          %swap3A_349 = arith.index_cast %add3A_343 : i32 to index
          %swap3A_350 = arith.constant 0 : index
          %swap3A_351 = tpu.vector_load %arg12[%swap3A_349, %swap3A_350] {strides = array<i32>} : memref<80x128xf32, #tpu.memory_space<vmem>>, vector<16xf32>,
          tpu.vector_store %arg12[%swap3A_349, %swap3A_350], %mul3A_348 {strides = array<i32>} : memref<80x128xf32, #tpu.memory_space<vmem>>, vector<16xf32>,
          %get3A_352 = arith.index_cast %add3A_343 : i32 to index
          %get3A_353 = arith.constant 16 : index
          %get3A_354 = tpu.vector_load %arg12[%get3A_352, %get3A_353] {strides = array<i32>} : memref<80x128xf32, #tpu.memory_space<vmem>>, vector<16xf32>,
          %mul3A_355 = vector.broadcast %squeeze3A_339 : f32 to vector<16xf32>
          %mul3A_356 = arith.mulf %get3A_354, %mul3A_355 : vector<16xf32>
          %swap3A_357 = arith.index_cast %add3A_343 : i32 to index
          %swap3A_358 = arith.constant 16 : index
          %swap3A_359 = tpu.vector_load %arg12[%swap3A_357, %swap3A_358] {strides = array<i32>} : memref<80x128xf32, #tpu.memory_space<vmem>>, vector<16xf32>,
          tpu.vector_store %arg12[%swap3A_357, %swap3A_358], %mul3A_356 {strides = array<i32>} : memref<80x128xf32, #tpu.memory_space<vmem>>, vector<16xf32>,
          %get3A_360 = arith.index_cast %add3A_343 : i32 to index
          %get3A_361 = arith.constant 32 : index
          %get3A_362 = tpu.vector_load %arg12[%get3A_360, %get3A_361] {strides = array<i32>} : memref<80x128xf32, #tpu.memory_space<vmem>>, vector<16xf32>,
          %mul3A_363 = vector.broadcast %squeeze3A_339 : f32 to vector<16xf32>
          %mul3A_364 = arith.mulf %get3A_362, %mul3A_363 : vector<16xf32>
          %swap3A_365 = arith.index_cast %add3A_343 : i32 to index
          %swap3A_366 = arith.constant 32 : index
          %swap3A_367 = tpu.vector_load %arg12[%swap3A_365, %swap3A_366] {strides = array<i32>} : memref<80x128xf32, #tpu.memory_space<vmem>>, vector<16xf32>,
          tpu.vector_store %arg12[%swap3A_365, %swap3A_366], %mul3A_364 {strides = array<i32>} : memref<80x128xf32, #tpu.memory_space<vmem>>, vector<16xf32>,
          %get3A_368 = arith.index_cast %add3A_343 : i32 to index
          %get3A_369 = arith.constant 48 : index
          %get3A_370 = tpu.vector_load %arg12[%get3A_368, %get3A_369] {strides = array<i32>} : memref<80x128xf32, #tpu.memory_space<vmem>>, vector<16xf32>,
          %mul3A_371 = vector.broadcast %squeeze3A_339 : f32 to vector<16xf32>
          %mul3A_372 = arith.mulf %get3A_370, %mul3A_371 : vector<16xf32>
          %swap3A_373 = arith.index_cast %add3A_343 : i32 to index
          %swap3A_374 = arith.constant 48 : index
          %swap3A_375 = tpu.vector_load %arg12[%swap3A_373, %swap3A_374] {strides = array<i32>} : memref<80x128xf32, #tpu.memory_space<vmem>>, vector<16xf32>,
          tpu.vector_store %arg12[%swap3A_373, %swap3A_374], %mul3A_372 {strides = array<i32>} : memref<80x128xf32, #tpu.memory_space<vmem>>, vector<16xf32>,
          %get3A_376 = arith.index_cast %add3A_343 : i32 to index
          %get3A_377 = arith.constant 64 : index
          %get3A_378 = tpu.vector_load %arg12[%get3A_376, %get3A_377] {strides = array<i32>} : memref<80x128xf32, #tpu.memory_space<vmem>>, vector<16xf32>,
          %mul3A_379 = vector.broadcast %squeeze3A_339 : f32 to vector<16xf32>
          %mul3A_380 = arith.mulf %get3A_378, %mul3A_379 : vector<16xf32>
          %swap3A_381 = arith.index_cast %add3A_343 : i32 to index
          %swap3A_382 = arith.constant 64 : index
          %swap3A_383 = tpu.vector_load %arg12[%swap3A_381, %swap3A_382] {strides = array<i32>} : memref<80x128xf32, #tpu.memory_space<vmem>>, vector<16xf32>,
          tpu.vector_store %arg12[%swap3A_381, %swap3A_382], %mul3A_380 {strides = array<i32>} : memref<80x128xf32, #tpu.memory_space<vmem>>, vector<16xf32>,
          %get3A_384 = arith.index_cast %add3A_343 : i32 to index
          %get3A_385 = arith.constant 80 : index
          %get3A_386 = tpu.vector_load %arg12[%get3A_384, %get3A_385] {strides = array<i32>} : memref<80x128xf32, #tpu.memory_space<vmem>>, vector<16xf32>,
          %mul3A_387 = vector.broadcast %squeeze3A_339 : f32 to vector<16xf32>
          %mul3A_388 = arith.mulf %get3A_386, %mul3A_387 : vector<16xf32>
          %swap3A_389 = arith.index_cast %add3A_343 : i32 to index
          %swap3A_390 = arith.constant 80 : index
          %swap3A_391 = tpu.vector_load %arg12[%swap3A_389, %swap3A_390] {strides = array<i32>} : memref<80x128xf32, #tpu.memory_space<vmem>>, vector<16xf32>,
          tpu.vector_store %arg12[%swap3A_389, %swap3A_390], %mul3A_388 {strides = array<i32>} : memref<80x128xf32, #tpu.memory_space<vmem>>, vector<16xf32>,
          %get3A_392 = arith.index_cast %add3A_343 : i32 to index
          %get3A_393 = arith.constant 96 : index
          %get3A_394 = tpu.vector_load %arg12[%get3A_392, %get3A_393] {strides = array<i32>} : memref<80x128xf32, #tpu.memory_space<vmem>>, vector<16xf32>,
          %mul3A_395 = vector.broadcast %squeeze3A_339 : f32 to vector<16xf32>
          %mul3A_396 = arith.mulf %get3A_394, %mul3A_395 : vector<16xf32>
          %swap3A_397 = arith.index_cast %add3A_343 : i32 to index
          %swap3A_398 = arith.constant 96 : index
          %swap3A_399 = tpu.vector_load %arg12[%swap3A_397, %swap3A_398] {strides = array<i32>} : memref<80x128xf32, #tpu.memory_space<vmem>>, vector<16xf32>,
          tpu.vector_store %arg12[%swap3A_397, %swap3A_398], %mul3A_396 {strides = array<i32>} : memref<80x128xf32, #tpu.memory_space<vmem>>, vector<16xf32>,
          %get3A_400 = arith.index_cast %add3A_343 : i32 to index
          %get3A_401 = arith.constant 112 : index
          %get3A_402 = tpu.vector_load %arg12[%get3A_400, %get3A_401] {strides = array<i32>} : memref<80x128xf32, #tpu.memory_space<vmem>>, vector<16xf32>,
          %mul3A_403 = vector.broadcast %squeeze3A_339 : f32 to vector<16xf32>
          %mul3A_404 = arith.mulf %get3A_402, %mul3A_403 : vector<16xf32>
          %swap3A_405 = arith.index_cast %add3A_343 : i32 to index
          %swap3A_406 = arith.constant 112 : index
          %swap3A_407 = tpu.vector_load %arg12[%swap3A_405, %swap3A_406] {strides = array<i32>} : memref<80x128xf32, #tpu.memory_space<vmem>>, vector<16xf32>,
          tpu.vector_store %arg12[%swap3A_405, %swap3A_406], %mul3A_404 {strides = array<i32>} : memref<80x128xf32, #tpu.memory_space<vmem>>, vector<16xf32>,
          %slice3A_408 = vector.extract_strided_slice %get3A_60 {offsets = [5], sizes = [1], strides = [1]} : vector<16xf32> to vector<1xf32>
          %squeeze3A_409 = vector.extract %slice3A_408[0] : f32 from vector<1xf32>
          %mul3A_410 = arith.constant 16 : i32
          %mul3A_411 = arith.muli %add3A_56, %mul3A_410 : i32
          %add3A_412 = arith.constant 5 : i32
          %add3A_413 = arith.addi %mul3A_411, %add3A_412 : i32
          %get3A_414 = arith.index_cast %add3A_413 : i32 to index
          %get3A_415 = arith.constant 0 : index
          %get3A_416 = tpu.vector_load %arg12[%get3A_414, %get3A_415] {strides = array<i32>} : memref<80x128xf32, #tpu.memory_space<vmem>>, vector<16xf32>,
          %mul3A_417 = vector.broadcast %squeeze3A_409 : f32 to vector<16xf32>
          %mul3A_418 = arith.mulf %get3A_416, %mul3A_417 : vector<16xf32>
          %swap3A_419 = arith.index_cast %add3A_413 : i32 to index
          %swap3A_420 = arith.constant 0 : index
          %swap3A_421 = tpu.vector_load %arg12[%swap3A_419, %swap3A_420] {strides = array<i32>} : memref<80x128xf32, #tpu.memory_space<vmem>>, vector<16xf32>,
          tpu.vector_store %arg12[%swap3A_419, %swap3A_420], %mul3A_418 {strides = array<i32>} : memref<80x128xf32, #tpu.memory_space<vmem>>, vector<16xf32>,
          %get3A_422 = arith.index_cast %add3A_413 : i32 to index
          %get3A_423 = arith.constant 16 : index
          %get3A_424 = tpu.vector_load %arg12[%get3A_422, %get3A_423] {strides = array<i32>} : memref<80x128xf32, #tpu.memory_space<vmem>>, vector<16xf32>,
          %mul3A_425 = vector.broadcast %squeeze3A_409 : f32 to vector<16xf32>
          %mul3A_426 = arith.mulf %get3A_424, %mul3A_425 : vector<16xf32>
          %swap3A_427 = arith.index_cast %add3A_413 : i32 to index
          %swap3A_428 = arith.constant 16 : index
          %swap3A_429 = tpu.vector_load %arg12[%swap3A_427, %swap3A_428] {strides = array<i32>} : memref<80x128xf32, #tpu.memory_space<vmem>>, vector<16xf32>,
          tpu.vector_store %arg12[%swap3A_427, %swap3A_428], %mul3A_426 {strides = array<i32>} : memref<80x128xf32, #tpu.memory_space<vmem>>, vector<16xf32>,
          %get3A_430 = arith.index_cast %add3A_413 : i32 to index
          %get3A_431 = arith.constant 32 : index
          %get3A_432 = tpu.vector_load %arg12[%get3A_430, %get3A_431] {strides = array<i32>} : memref<80x128xf32, #tpu.memory_space<vmem>>, vector<16xf32>,
          %mul3A_433 = vector.broadcast %squeeze3A_409 : f32 to vector<16xf32>
          %mul3A_434 = arith.mulf %get3A_432, %mul3A_433 : vector<16xf32>
          %swap3A_435 = arith.index_cast %add3A_413 : i32 to index
          %swap3A_436 = arith.constant 32 : index
          %swap3A_437 = tpu.vector_load %arg12[%swap3A_435, %swap3A_436] {strides = array<i32>} : memref<80x128xf32, #tpu.memory_space<vmem>>, vector<16xf32>,
          tpu.vector_store %arg12[%swap3A_435, %swap3A_436], %mul3A_434 {strides = array<i32>} : memref<80x128xf32, #tpu.memory_space<vmem>>, vector<16xf32>,
          %get3A_438 = arith.index_cast %add3A_413 : i32 to index
          %get3A_439 = arith.constant 48 : index
          %get3A_440 = tpu.vector_load %arg12[%get3A_438, %get3A_439] {strides = array<i32>} : memref<80x128xf32, #tpu.memory_space<vmem>>, vector<16xf32>,
          %mul3A_441 = vector.broadcast %squeeze3A_409 : f32 to vector<16xf32>
          %mul3A_442 = arith.mulf %get3A_440, %mul3A_441 : vector<16xf32>
          %swap3A_443 = arith.index_cast %add3A_413 : i32 to index
          %swap3A_444 = arith.constant 48 : index
          %swap3A_445 = tpu.vector_load %arg12[%swap3A_443, %swap3A_444] {strides = array<i32>} : memref<80x128xf32, #tpu.memory_space<vmem>>, vector<16xf32>,
          tpu.vector_store %arg12[%swap3A_443, %swap3A_444], %mul3A_442 {strides = array<i32>} : memref<80x128xf32, #tpu.memory_space<vmem>>, vector<16xf32>,
          %get3A_446 = arith.index_cast %add3A_413 : i32 to index
          %get3A_447 = arith.constant 64 : index
          %get3A_448 = tpu.vector_load %arg12[%get3A_446, %get3A_447] {strides = array<i32>} : memref<80x128xf32, #tpu.memory_space<vmem>>, vector<16xf32>,
          %mul3A_449 = vector.broadcast %squeeze3A_409 : f32 to vector<16xf32>
          %mul3A_450 = arith.mulf %get3A_448, %mul3A_449 : vector<16xf32>
          %swap3A_451 = arith.index_cast %add3A_413 : i32 to index
          %swap3A_452 = arith.constant 64 : index
          %swap3A_453 = tpu.vector_load %arg12[%swap3A_451, %swap3A_452] {strides = array<i32>} : memref<80x128xf32, #tpu.memory_space<vmem>>, vector<16xf32>,
          tpu.vector_store %arg12[%swap3A_451, %swap3A_452], %mul3A_450 {strides = array<i32>} : memref<80x128xf32, #tpu.memory_space<vmem>>, vector<16xf32>,
          %get3A_454 = arith.index_cast %add3A_413 : i32 to index
          %get3A_455 = arith.constant 80 : index
          %get3A_456 = tpu.vector_load %arg12[%get3A_454, %get3A_455] {strides = array<i32>} : memref<80x128xf32, #tpu.memory_space<vmem>>, vector<16xf32>,
          %mul3A_457 = vector.broadcast %squeeze3A_409 : f32 to vector<16xf32>
          %mul3A_458 = arith.mulf %get3A_456, %mul3A_457 : vector<16xf32>
          %swap3A_459 = arith.index_cast %add3A_413 : i32 to index
          %swap3A_460 = arith.constant 80 : index
          %swap3A_461 = tpu.vector_load %arg12[%swap3A_459, %swap3A_460] {strides = array<i32>} : memref<80x128xf32, #tpu.memory_space<vmem>>, vector<16xf32>,
          tpu.vector_store %arg12[%swap3A_459, %swap3A_460], %mul3A_458 {strides = array<i32>} : memref<80x128xf32, #tpu.memory_space<vmem>>, vector<16xf32>,
          %get3A_462 = arith.index_cast %add3A_413 : i32 to index
          %get3A_463 = arith.constant 96 : index
          %get3A_464 = tpu.vector_load %arg12[%get3A_462, %get3A_463] {strides = array<i32>} : memref<80x128xf32, #tpu.memory_space<vmem>>, vector<16xf32>,
          %mul3A_465 = vector.broadcast %squeeze3A_409 : f32 to vector<16xf32>
          %mul3A_466 = arith.mulf %get3A_464, %mul3A_465 : vector<16xf32>
          %swap3A_467 = arith.index_cast %add3A_413 : i32 to index
          %swap3A_468 = arith.constant 96 : index
          %swap3A_469 = tpu.vector_load %arg12[%swap3A_467, %swap3A_468] {strides = array<i32>} : memref<80x128xf32, #tpu.memory_space<vmem>>, vector<16xf32>,
          tpu.vector_store %arg12[%swap3A_467, %swap3A_468], %mul3A_466 {strides = array<i32>} : memref<80x128xf32, #tpu.memory_space<vmem>>, vector<16xf32>,
          %get3A_470 = arith.index_cast %add3A_413 : i32 to index
          %get3A_471 = arith.constant 112 : index
          %get3A_472 = tpu.vector_load %arg12[%get3A_470, %get3A_471] {strides = array<i32>} : memref<80x128xf32, #tpu.memory_space<vmem>>, vector<16xf32>,
          %mul3A_473 = vector.broadcast %squeeze3A_409 : f32 to vector<16xf32>
          %mul3A_474 = arith.mulf %get3A_472, %mul3A_473 : vector<16xf32>
          %swap3A_475 = arith.index_cast %add3A_413 : i32 to index
          %swap3A_476 = arith.constant 112 : index
          %swap3A_477 = tpu.vector_load %arg12[%swap3A_475, %swap3A_476] {strides = array<i32>} : memref<80x128xf32, #tpu.memory_space<vmem>>, vector<16xf32>,
          tpu.vector_store %arg12[%swap3A_475, %swap3A_476], %mul3A_474 {strides = array<i32>} : memref<80x128xf32, #tpu.memory_space<vmem>>, vector<16xf32>,
          %slice3A_478 = vector.extract_strided_slice %get3A_60 {offsets = [6], sizes = [1], strides = [1]} : vector<16xf32> to vector<1xf32>
          %squeeze3A_479 = vector.extract %slice3A_478[0] : f32 from vector<1xf32>
          %mul3A_480 = arith.constant 16 : i32
          %mul3A_481 = arith.muli %add3A_56, %mul3A_480 : i32
          %add3A_482 = arith.constant 6 : i32
          %add3A_483 = arith.addi %mul3A_481, %add3A_482 : i32
          %get3A_484 = arith.index_cast %add3A_483 : i32 to index
          %get3A_485 = arith.constant 0 : index
          %get3A_486 = tpu.vector_load %arg12[%get3A_484, %get3A_485] {strides = array<i32>} : memref<80x128xf32, #tpu.memory_space<vmem>>, vector<16xf32>,
          %mul3A_487 = vector.broadcast %squeeze3A_479 : f32 to vector<16xf32>
          %mul3A_488 = arith.mulf %get3A_486, %mul3A_487 : vector<16xf32>
          %swap3A_489 = arith.index_cast %add3A_483 : i32 to index
          %swap3A_490 = arith.constant 0 : index
          %swap3A_491 = tpu.vector_load %arg12[%swap3A_489, %swap3A_490] {strides = array<i32>} : memref<80x128xf32, #tpu.memory_space<vmem>>, vector<16xf32>,
          tpu.vector_store %arg12[%swap3A_489, %swap3A_490], %mul3A_488 {strides = array<i32>} : memref<80x128xf32, #tpu.memory_space<vmem>>, vector<16xf32>,
          %get3A_492 = arith.index_cast %add3A_483 : i32 to index
          %get3A_493 = arith.constant 16 : index
          %get3A_494 = tpu.vector_load %arg12[%get3A_492, %get3A_493] {strides = array<i32>} : memref<80x128xf32, #tpu.memory_space<vmem>>, vector<16xf32>,
          %mul3A_495 = vector.broadcast %squeeze3A_479 : f32 to vector<16xf32>
          %mul3A_496 = arith.mulf %get3A_494, %mul3A_495 : vector<16xf32>
          %swap3A_497 = arith.index_cast %add3A_483 : i32 to index
          %swap3A_498 = arith.constant 16 : index
          %swap3A_499 = tpu.vector_load %arg12[%swap3A_497, %swap3A_498] {strides = array<i32>} : memref<80x128xf32, #tpu.memory_space<vmem>>, vector<16xf32>,
          tpu.vector_store %arg12[%swap3A_497, %swap3A_498], %mul3A_496 {strides = array<i32>} : memref<80x128xf32, #tpu.memory_space<vmem>>, vector<16xf32>,
          %get3A_500 = arith.index_cast %add3A_483 : i32 to index
          %get3A_501 = arith.constant 32 : index
          %get3A_502 = tpu.vector_load %arg12[%get3A_500, %get3A_501] {strides = array<i32>} : memref<80x128xf32, #tpu.memory_space<vmem>>, vector<16xf32>,
          %mul3A_503 = vector.broadcast %squeeze3A_479 : f32 to vector<16xf32>
          %mul3A_504 = arith.mulf %get3A_502, %mul3A_503 : vector<16xf32>
          %swap3A_505 = arith.index_cast %add3A_483 : i32 to index
          %swap3A_506 = arith.constant 32 : index
          %swap3A_507 = tpu.vector_load %arg12[%swap3A_505, %swap3A_506] {strides = array<i32>} : memref<80x128xf32, #tpu.memory_space<vmem>>, vector<16xf32>,
          tpu.vector_store %arg12[%swap3A_505, %swap3A_506], %mul3A_504 {strides = array<i32>} : memref<80x128xf32, #tpu.memory_space<vmem>>, vector<16xf32>,
          %get3A_508 = arith.index_cast %add3A_483 : i32 to index
          %get3A_509 = arith.constant 48 : index
          %get3A_510 = tpu.vector_load %arg12[%get3A_508, %get3A_509] {strides = array<i32>} : memref<80x128xf32, #tpu.memory_space<vmem>>, vector<16xf32>,
          %mul3A_511 = vector.broadcast %squeeze3A_479 : f32 to vector<16xf32>
          %mul3A_512 = arith.mulf %get3A_510, %mul3A_511 : vector<16xf32>
          %swap3A_513 = arith.index_cast %add3A_483 : i32 to index
          %swap3A_514 = arith.constant 48 : index
          %swap3A_515 = tpu.vector_load %arg12[%swap3A_513, %swap3A_514] {strides = array<i32>} : memref<80x128xf32, #tpu.memory_space<vmem>>, vector<16xf32>,
          tpu.vector_store %arg12[%swap3A_513, %swap3A_514], %mul3A_512 {strides = array<i32>} : memref<80x128xf32, #tpu.memory_space<vmem>>, vector<16xf32>,
          %get3A_516 = arith.index_cast %add3A_483 : i32 to index
          %get3A_517 = arith.constant 64 : index
          %get3A_518 = tpu.vector_load %arg12[%get3A_516, %get3A_517] {strides = array<i32>} : memref<80x128xf32, #tpu.memory_space<vmem>>, vector<16xf32>,
          %mul3A_519 = vector.broadcast %squeeze3A_479 : f32 to vector<16xf32>
          %mul3A_520 = arith.mulf %get3A_518, %mul3A_519 : vector<16xf32>
          %swap3A_521 = arith.index_cast %add3A_483 : i32 to index
          %swap3A_522 = arith.constant 64 : index
          %swap3A_523 = tpu.vector_load %arg12[%swap3A_521, %swap3A_522] {strides = array<i32>} : memref<80x128xf32, #tpu.memory_space<vmem>>, vector<16xf32>,
          tpu.vector_store %arg12[%swap3A_521, %swap3A_522], %mul3A_520 {strides = array<i32>} : memref<80x128xf32, #tpu.memory_space<vmem>>, vector<16xf32>,
          %get3A_524 = arith.index_cast %add3A_483 : i32 to index
          %get3A_525 = arith.constant 80 : index
          %get3A_526 = tpu.vector_load %arg12[%get3A_524, %get3A_525] {strides = array<i32>} : memref<80x128xf32, #tpu.memory_space<vmem>>, vector<16xf32>,
          %mul3A_527 = vector.broadcast %squeeze3A_479 : f32 to vector<16xf32>
          %mul3A_528 = arith.mulf %get3A_526, %mul3A_527 : vector<16xf32>
          %swap3A_529 = arith.index_cast %add3A_483 : i32 to index
          %swap3A_530 = arith.constant 80 : index
          %swap3A_531 = tpu.vector_load %arg12[%swap3A_529, %swap3A_530] {strides = array<i32>} : memref<80x128xf32, #tpu.memory_space<vmem>>, vector<16xf32>,
          tpu.vector_store %arg12[%swap3A_529, %swap3A_530], %mul3A_528 {strides = array<i32>} : memref<80x128xf32, #tpu.memory_space<vmem>>, vector<16xf32>,
          %get3A_532 = arith.index_cast %add3A_483 : i32 to index
          %get3A_533 = arith.constant 96 : index
          %get3A_534 = tpu.vector_load %arg12[%get3A_532, %get3A_533] {strides = array<i32>} : memref<80x128xf32, #tpu.memory_space<vmem>>, vector<16xf32>,
          %mul3A_535 = vector.broadcast %squeeze3A_479 : f32 to vector<16xf32>
          %mul3A_536 = arith.mulf %get3A_534, %mul3A_535 : vector<16xf32>
          %swap3A_537 = arith.index_cast %add3A_483 : i32 to index
          %swap3A_538 = arith.constant 96 : index
          %swap3A_539 = tpu.vector_load %arg12[%swap3A_537, %swap3A_538] {strides = array<i32>} : memref<80x128xf32, #tpu.memory_space<vmem>>, vector<16xf32>,
          tpu.vector_store %arg12[%swap3A_537, %swap3A_538], %mul3A_536 {strides = array<i32>} : memref<80x128xf32, #tpu.memory_space<vmem>>, vector<16xf32>,
          %get3A_540 = arith.index_cast %add3A_483 : i32 to index
          %get3A_541 = arith.constant 112 : index
          %get3A_542 = tpu.vector_load %arg12[%get3A_540, %get3A_541] {strides = array<i32>} : memref<80x128xf32, #tpu.memory_space<vmem>>, vector<16xf32>,
          %mul3A_543 = vector.broadcast %squeeze3A_479 : f32 to vector<16xf32>
          %mul3A_544 = arith.mulf %get3A_542, %mul3A_543 : vector<16xf32>
          %swap3A_545 = arith.index_cast %add3A_483 : i32 to index
          %swap3A_546 = arith.constant 112 : index
          %swap3A_547 = tpu.vector_load %arg12[%swap3A_545, %swap3A_546] {strides = array<i32>} : memref<80x128xf32, #tpu.memory_space<vmem>>, vector<16xf32>,
          tpu.vector_store %arg12[%swap3A_545, %swap3A_546], %mul3A_544 {strides = array<i32>} : memref<80x128xf32, #tpu.memory_space<vmem>>, vector<16xf32>,
          %slice3A_548 = vector.extract_strided_slice %get3A_60 {offsets = [7], sizes = [1], strides = [1]} : vector<16xf32> to vector<1xf32>
          %squeeze3A_549 = vector.extract %slice3A_548[0] : f32 from vector<1xf32>
          %mul3A_550 = arith.constant 16 : i32
          %mul3A_551 = arith.muli %add3A_56, %mul3A_550 : i32
          %add3A_552 = arith.constant 7 : i32
          %add3A_553 = arith.addi %mul3A_551, %add3A_552 : i32
          %get3A_554 = arith.index_cast %add3A_553 : i32 to index
          %get3A_555 = arith.constant 0 : index
          %get3A_556 = tpu.vector_load %arg12[%get3A_554, %get3A_555] {strides = array<i32>} : memref<80x128xf32, #tpu.memory_space<vmem>>, vector<16xf32>,
          %mul3A_557 = vector.broadcast %squeeze3A_549 : f32 to vector<16xf32>
          %mul3A_558 = arith.mulf %get3A_556, %mul3A_557 : vector<16xf32>
          %swap3A_559 = arith.index_cast %add3A_553 : i32 to index
          %swap3A_560 = arith.constant 0 : index
          %swap3A_561 = tpu.vector_load %arg12[%swap3A_559, %swap3A_560] {strides = array<i32>} : memref<80x128xf32, #tpu.memory_space<vmem>>, vector<16xf32>,
          tpu.vector_store %arg12[%swap3A_559, %swap3A_560], %mul3A_558 {strides = array<i32>} : memref<80x128xf32, #tpu.memory_space<vmem>>, vector<16xf32>,
          %get3A_562 = arith.index_cast %add3A_553 : i32 to index
          %get3A_563 = arith.constant 16 : index
          %get3A_564 = tpu.vector_load %arg12[%get3A_562, %get3A_563] {strides = array<i32>} : memref<80x128xf32, #tpu.memory_space<vmem>>, vector<16xf32>,
          %mul3A_565 = vector.broadcast %squeeze3A_549 : f32 to vector<16xf32>
          %mul3A_566 = arith.mulf %get3A_564, %mul3A_565 : vector<16xf32>
          %swap3A_567 = arith.index_cast %add3A_553 : i32 to index
          %swap3A_568 = arith.constant 16 : index
          %swap3A_569 = tpu.vector_load %arg12[%swap3A_567, %swap3A_568] {strides = array<i32>} : memref<80x128xf32, #tpu.memory_space<vmem>>, vector<16xf32>,
          tpu.vector_store %arg12[%swap3A_567, %swap3A_568], %mul3A_566 {strides = array<i32>} : memref<80x128xf32, #tpu.memory_space<vmem>>, vector<16xf32>,
          %get3A_570 = arith.index_cast %add3A_553 : i32 to index
          %get3A_571 = arith.constant 32 : index
          %get3A_572 = tpu.vector_load %arg12[%get3A_570, %get3A_571] {strides = array<i32>} : memref<80x128xf32, #tpu.memory_space<vmem>>, vector<16xf32>,
          %mul3A_573 = vector.broadcast %squeeze3A_549 : f32 to vector<16xf32>
          %mul3A_574 = arith.mulf %get3A_572, %mul3A_573 : vector<16xf32>
          %swap3A_575 = arith.index_cast %add3A_553 : i32 to index
          %swap3A_576 = arith.constant 32 : index
          %swap3A_577 = tpu.vector_load %arg12[%swap3A_575, %swap3A_576] {strides = array<i32>} : memref<80x128xf32, #tpu.memory_space<vmem>>, vector<16xf32>,
          tpu.vector_store %arg12[%swap3A_575, %swap3A_576], %mul3A_574 {strides = array<i32>} : memref<80x128xf32, #tpu.memory_space<vmem>>, vector<16xf32>,
          %get3A_578 = arith.index_cast %add3A_553 : i32 to index
          %get3A_579 = arith.constant 48 : index
          %get3A_580 = tpu.vector_load %arg12[%get3A_578, %get3A_579] {strides = array<i32>} : memref<80x128xf32, #tpu.memory_space<vmem>>, vector<16xf32>,
          %mul3A_581 = vector.broadcast %squeeze3A_549 : f32 to vector<16xf32>
          %mul3A_582 = arith.mulf %get3A_580, %mul3A_581 : vector<16xf32>
          %swap3A_583 = arith.index_cast %add3A_553 : i32 to index
          %swap3A_584 = arith.constant 48 : index
          %swap3A_585 = tpu.vector_load %arg12[%swap3A_583, %swap3A_584] {strides = array<i32>} : memref<80x128xf32, #tpu.memory_space<vmem>>, vector<16xf32>,
          tpu.vector_store %arg12[%swap3A_583, %swap3A_584], %mul3A_582 {strides = array<i32>} : memref<80x128xf32, #tpu.memory_space<vmem>>, vector<16xf32>,
          %get3A_586 = arith.index_cast %add3A_553 : i32 to index
          %get3A_587 = arith.constant 64 : index
          %get3A_588 = tpu.vector_load %arg12[%get3A_586, %get3A_587] {strides = array<i32>} : memref<80x128xf32, #tpu.memory_space<vmem>>, vector<16xf32>,
          %mul3A_589 = vector.broadcast %squeeze3A_549 : f32 to vector<16xf32>
          %mul3A_590 = arith.mulf %get3A_588, %mul3A_589 : vector<16xf32>
          %swap3A_591 = arith.index_cast %add3A_553 : i32 to index
          %swap3A_592 = arith.constant 64 : index
          %swap3A_593 = tpu.vector_load %arg12[%swap3A_591, %swap3A_592] {strides = array<i32>} : memref<80x128xf32, #tpu.memory_space<vmem>>, vector<16xf32>,
          tpu.vector_store %arg12[%swap3A_591, %swap3A_592], %mul3A_590 {strides = array<i32>} : memref<80x128xf32, #tpu.memory_space<vmem>>, vector<16xf32>,
          %get3A_594 = arith.index_cast %add3A_553 : i32 to index
          %get3A_595 = arith.constant 80 : index
          %get3A_596 = tpu.vector_load %arg12[%get3A_594, %get3A_595] {strides = array<i32>} : memref<80x128xf32, #tpu.memory_space<vmem>>, vector<16xf32>,
          %mul3A_597 = vector.broadcast %squeeze3A_549 : f32 to vector<16xf32>
          %mul3A_598 = arith.mulf %get3A_596, %mul3A_597 : vector<16xf32>
          %swap3A_599 = arith.index_cast %add3A_553 : i32 to index
          %swap3A_600 = arith.constant 80 : index
          %swap3A_601 = tpu.vector_load %arg12[%swap3A_599, %swap3A_600] {strides = array<i32>} : memref<80x128xf32, #tpu.memory_space<vmem>>, vector<16xf32>,
          tpu.vector_store %arg12[%swap3A_599, %swap3A_600], %mul3A_598 {strides = array<i32>} : memref<80x128xf32, #tpu.memory_space<vmem>>, vector<16xf32>,
          %get3A_602 = arith.index_cast %add3A_553 : i32 to index
          %get3A_603 = arith.constant 96 : index
          %get3A_604 = tpu.vector_load %arg12[%get3A_602, %get3A_603] {strides = array<i32>} : memref<80x128xf32, #tpu.memory_space<vmem>>, vector<16xf32>,
          %mul3A_605 = vector.broadcast %squeeze3A_549 : f32 to vector<16xf32>
          %mul3A_606 = arith.mulf %get3A_604, %mul3A_605 : vector<16xf32>
          %swap3A_607 = arith.index_cast %add3A_553 : i32 to index
          %swap3A_608 = arith.constant 96 : index
          %swap3A_609 = tpu.vector_load %arg12[%swap3A_607, %swap3A_608] {strides = array<i32>} : memref<80x128xf32, #tpu.memory_space<vmem>>, vector<16xf32>,
          tpu.vector_store %arg12[%swap3A_607, %swap3A_608], %mul3A_606 {strides = array<i32>} : memref<80x128xf32, #tpu.memory_space<vmem>>, vector<16xf32>,
          %get3A_610 = arith.index_cast %add3A_553 : i32 to index
          %get3A_611 = arith.constant 112 : index
          %get3A_612 = tpu.vector_load %arg12[%get3A_610, %get3A_611] {strides = array<i32>} : memref<80x128xf32, #tpu.memory_space<vmem>>, vector<16xf32>,
          %mul3A_613 = vector.broadcast %squeeze3A_549 : f32 to vector<16xf32>
          %mul3A_614 = arith.mulf %get3A_612, %mul3A_613 : vector<16xf32>
          %swap3A_615 = arith.index_cast %add3A_553 : i32 to index
          %swap3A_616 = arith.constant 112 : index
          %swap3A_617 = tpu.vector_load %arg12[%swap3A_615, %swap3A_616] {strides = array<i32>} : memref<80x128xf32, #tpu.memory_space<vmem>>, vector<16xf32>,
          tpu.vector_store %arg12[%swap3A_615, %swap3A_616], %mul3A_614 {strides = array<i32>} : memref<80x128xf32, #tpu.memory_space<vmem>>, vector<16xf32>,
          %slice3A_618 = vector.extract_strided_slice %get3A_60 {offsets = [8], sizes = [1], strides = [1]} : vector<16xf32> to vector<1xf32>
          %squeeze3A_619 = vector.extract %slice3A_618[0] : f32 from vector<1xf32>
          %mul3A_620 = arith.constant 16 : i32
          %mul3A_621 = arith.muli %add3A_56, %mul3A_620 : i32
          %add3A_622 = arith.constant 8 : i32
          %add3A_623 = arith.addi %mul3A_621, %add3A_622 : i32
          %get3A_624 = arith.index_cast %add3A_623 : i32 to index
          %get3A_625 = arith.constant 0 : index
          %get3A_626 = tpu.vector_load %arg12[%get3A_624, %get3A_625] {strides = array<i32>} : memref<80x128xf32, #tpu.memory_space<vmem>>, vector<16xf32>,
          %mul3A_627 = vector.broadcast %squeeze3A_619 : f32 to vector<16xf32>
          %mul3A_628 = arith.mulf %get3A_626, %mul3A_627 : vector<16xf32>
          %swap3A_629 = arith.index_cast %add3A_623 : i32 to index
          %swap3A_630 = arith.constant 0 : index
          %swap3A_631 = tpu.vector_load %arg12[%swap3A_629, %swap3A_630] {strides = array<i32>} : memref<80x128xf32, #tpu.memory_space<vmem>>, vector<16xf32>,
          tpu.vector_store %arg12[%swap3A_629, %swap3A_630], %mul3A_628 {strides = array<i32>} : memref<80x128xf32, #tpu.memory_space<vmem>>, vector<16xf32>,
          %get3A_632 = arith.index_cast %add3A_623 : i32 to index
          %get3A_633 = arith.constant 16 : index
          %get3A_634 = tpu.vector_load %arg12[%get3A_632, %get3A_633] {strides = array<i32>} : memref<80x128xf32, #tpu.memory_space<vmem>>, vector<16xf32>,
          %mul3A_635 = vector.broadcast %squeeze3A_619 : f32 to vector<16xf32>
          %mul3A_636 = arith.mulf %get3A_634, %mul3A_635 : vector<16xf32>
          %swap3A_637 = arith.index_cast %add3A_623 : i32 to index
          %swap3A_638 = arith.constant 16 : index
          %swap3A_639 = tpu.vector_load %arg12[%swap3A_637, %swap3A_638] {strides = array<i32>} : memref<80x128xf32, #tpu.memory_space<vmem>>, vector<16xf32>,
          tpu.vector_store %arg12[%swap3A_637, %swap3A_638], %mul3A_636 {strides = array<i32>} : memref<80x128xf32, #tpu.memory_space<vmem>>, vector<16xf32>,
          %get3A_640 = arith.index_cast %add3A_623 : i32 to index
          %get3A_641 = arith.constant 32 : index
          %get3A_642 = tpu.vector_load %arg12[%get3A_640, %get3A_641] {strides = array<i32>} : memref<80x128xf32, #tpu.memory_space<vmem>>, vector<16xf32>,
          %mul3A_643 = vector.broadcast %squeeze3A_619 : f32 to vector<16xf32>
          %mul3A_644 = arith.mulf %get3A_642, %mul3A_643 : vector<16xf32>
          %swap3A_645 = arith.index_cast %add3A_623 : i32 to index
          %swap3A_646 = arith.constant 32 : index
          %swap3A_647 = tpu.vector_load %arg12[%swap3A_645, %swap3A_646] {strides = array<i32>} : memref<80x128xf32, #tpu.memory_space<vmem>>, vector<16xf32>,
          tpu.vector_store %arg12[%swap3A_645, %swap3A_646], %mul3A_644 {strides = array<i32>} : memref<80x128xf32, #tpu.memory_space<vmem>>, vector<16xf32>,
          %get3A_648 = arith.index_cast %add3A_623 : i32 to index
          %get3A_649 = arith.constant 48 : index
          %get3A_650 = tpu.vector_load %arg12[%get3A_648, %get3A_649] {strides = array<i32>} : memref<80x128xf32, #tpu.memory_space<vmem>>, vector<16xf32>,
          %mul3A_651 = vector.broadcast %squeeze3A_619 : f32 to vector<16xf32>
          %mul3A_652 = arith.mulf %get3A_650, %mul3A_651 : vector<16xf32>
          %swap3A_653 = arith.index_cast %add3A_623 : i32 to index
          %swap3A_654 = arith.constant 48 : index
          %swap3A_655 = tpu.vector_load %arg12[%swap3A_653, %swap3A_654] {strides = array<i32>} : memref<80x128xf32, #tpu.memory_space<vmem>>, vector<16xf32>,
          tpu.vector_store %arg12[%swap3A_653, %swap3A_654], %mul3A_652 {strides = array<i32>} : memref<80x128xf32, #tpu.memory_space<vmem>>, vector<16xf32>,
          %get3A_656 = arith.index_cast %add3A_623 : i32 to index
          %get3A_657 = arith.constant 64 : index
          %get3A_658 = tpu.vector_load %arg12[%get3A_656, %get3A_657] {strides = array<i32>} : memref<80x128xf32, #tpu.memory_space<vmem>>, vector<16xf32>,
          %mul3A_659 = vector.broadcast %squeeze3A_619 : f32 to vector<16xf32>
          %mul3A_660 = arith.mulf %get3A_658, %mul3A_659 : vector<16xf32>
          %swap3A_661 = arith.index_cast %add3A_623 : i32 to index
          %swap3A_662 = arith.constant 64 : index
          %swap3A_663 = tpu.vector_load %arg12[%swap3A_661, %swap3A_662] {strides = array<i32>} : memref<80x128xf32, #tpu.memory_space<vmem>>, vector<16xf32>,
          tpu.vector_store %arg12[%swap3A_661, %swap3A_662], %mul3A_660 {strides = array<i32>} : memref<80x128xf32, #tpu.memory_space<vmem>>, vector<16xf32>,
          %get3A_664 = arith.index_cast %add3A_623 : i32 to index
          %get3A_665 = arith.constant 80 : index
          %get3A_666 = tpu.vector_load %arg12[%get3A_664, %get3A_665] {strides = array<i32>} : memref<80x128xf32, #tpu.memory_space<vmem>>, vector<16xf32>,
          %mul3A_667 = vector.broadcast %squeeze3A_619 : f32 to vector<16xf32>
          %mul3A_668 = arith.mulf %get3A_666, %mul3A_667 : vector<16xf32>
          %swap3A_669 = arith.index_cast %add3A_623 : i32 to index
          %swap3A_670 = arith.constant 80 : index
          %swap3A_671 = tpu.vector_load %arg12[%swap3A_669, %swap3A_670] {strides = array<i32>} : memref<80x128xf32, #tpu.memory_space<vmem>>, vector<16xf32>,
          tpu.vector_store %arg12[%swap3A_669, %swap3A_670], %mul3A_668 {strides = array<i32>} : memref<80x128xf32, #tpu.memory_space<vmem>>, vector<16xf32>,
          %get3A_672 = arith.index_cast %add3A_623 : i32 to index
          %get3A_673 = arith.constant 96 : index
          %get3A_674 = tpu.vector_load %arg12[%get3A_672, %get3A_673] {strides = array<i32>} : memref<80x128xf32, #tpu.memory_space<vmem>>, vector<16xf32>,
          %mul3A_675 = vector.broadcast %squeeze3A_619 : f32 to vector<16xf32>
          %mul3A_676 = arith.mulf %get3A_674, %mul3A_675 : vector<16xf32>
          %swap3A_677 = arith.index_cast %add3A_623 : i32 to index
          %swap3A_678 = arith.constant 96 : index
          %swap3A_679 = tpu.vector_load %arg12[%swap3A_677, %swap3A_678] {strides = array<i32>} : memref<80x128xf32, #tpu.memory_space<vmem>>, vector<16xf32>,
          tpu.vector_store %arg12[%swap3A_677, %swap3A_678], %mul3A_676 {strides = array<i32>} : memref<80x128xf32, #tpu.memory_space<vmem>>, vector<16xf32>,
          %get3A_680 = arith.index_cast %add3A_623 : i32 to index
          %get3A_681 = arith.constant 112 : index
          %get3A_682 = tpu.vector_load %arg12[%get3A_680, %get3A_681] {strides = array<i32>} : memref<80x128xf32, #tpu.memory_space<vmem>>, vector<16xf32>,
          %mul3A_683 = vector.broadcast %squeeze3A_619 : f32 to vector<16xf32>
          %mul3A_684 = arith.mulf %get3A_682, %mul3A_683 : vector<16xf32>
          %swap3A_685 = arith.index_cast %add3A_623 : i32 to index
          %swap3A_686 = arith.constant 112 : index
          %swap3A_687 = tpu.vector_load %arg12[%swap3A_685, %swap3A_686] {strides = array<i32>} : memref<80x128xf32, #tpu.memory_space<vmem>>, vector<16xf32>,
          tpu.vector_store %arg12[%swap3A_685, %swap3A_686], %mul3A_684 {strides = array<i32>} : memref<80x128xf32, #tpu.memory_space<vmem>>, vector<16xf32>,
          %slice3A_688 = vector.extract_strided_slice %get3A_60 {offsets = [9], sizes = [1], strides = [1]} : vector<16xf32> to vector<1xf32>
          %squeeze3A_689 = vector.extract %slice3A_688[0] : f32 from vector<1xf32>
          %mul3A_690 = arith.constant 16 : i32
          %mul3A_691 = arith.muli %add3A_56, %mul3A_690 : i32
          %add3A_692 = arith.constant 9 : i32
          %add3A_693 = arith.addi %mul3A_691, %add3A_692 : i32
          %get3A_694 = arith.index_cast %add3A_693 : i32 to index
          %get3A_695 = arith.constant 0 : index
          %get3A_696 = tpu.vector_load %arg12[%get3A_694, %get3A_695] {strides = array<i32>} : memref<80x128xf32, #tpu.memory_space<vmem>>, vector<16xf32>,
          %mul3A_697 = vector.broadcast %squeeze3A_689 : f32 to vector<16xf32>
          %mul3A_698 = arith.mulf %get3A_696, %mul3A_697 : vector<16xf32>
          %swap3A_699 = arith.index_cast %add3A_693 : i32 to index
          %swap3A_700 = arith.constant 0 : index
          %swap3A_701 = tpu.vector_load %arg12[%swap3A_699, %swap3A_700] {strides = array<i32>} : memref<80x128xf32, #tpu.memory_space<vmem>>, vector<16xf32>,
          tpu.vector_store %arg12[%swap3A_699, %swap3A_700], %mul3A_698 {strides = array<i32>} : memref<80x128xf32, #tpu.memory_space<vmem>>, vector<16xf32>,
          %get3A_702 = arith.index_cast %add3A_693 : i32 to index
          %get3A_703 = arith.constant 16 : index
          %get3A_704 = tpu.vector_load %arg12[%get3A_702, %get3A_703] {strides = array<i32>} : memref<80x128xf32, #tpu.memory_space<vmem>>, vector<16xf32>,
          %mul3A_705 = vector.broadcast %squeeze3A_689 : f32 to vector<16xf32>
          %mul3A_706 = arith.mulf %get3A_704, %mul3A_705 : vector<16xf32>
          %swap3A_707 = arith.index_cast %add3A_693 : i32 to index
          %swap3A_708 = arith.constant 16 : index
          %swap3A_709 = tpu.vector_load %arg12[%swap3A_707, %swap3A_708] {strides = array<i32>} : memref<80x128xf32, #tpu.memory_space<vmem>>, vector<16xf32>,
          tpu.vector_store %arg12[%swap3A_707, %swap3A_708], %mul3A_706 {strides = array<i32>} : memref<80x128xf32, #tpu.memory_space<vmem>>, vector<16xf32>,
          %get3A_710 = arith.index_cast %add3A_693 : i32 to index
          %get3A_711 = arith.constant 32 : index
          %get3A_712 = tpu.vector_load %arg12[%get3A_710, %get3A_711] {strides = array<i32>} : memref<80x128xf32, #tpu.memory_space<vmem>>, vector<16xf32>,
          %mul3A_713 = vector.broadcast %squeeze3A_689 : f32 to vector<16xf32>
          %mul3A_714 = arith.mulf %get3A_712, %mul3A_713 : vector<16xf32>
          %swap3A_715 = arith.index_cast %add3A_693 : i32 to index
          %swap3A_716 = arith.constant 32 : index
          %swap3A_717 = tpu.vector_load %arg12[%swap3A_715, %swap3A_716] {strides = array<i32>} : memref<80x128xf32, #tpu.memory_space<vmem>>, vector<16xf32>,
          tpu.vector_store %arg12[%swap3A_715, %swap3A_716], %mul3A_714 {strides = array<i32>} : memref<80x128xf32, #tpu.memory_space<vmem>>, vector<16xf32>,
          %get3A_718 = arith.index_cast %add3A_693 : i32 to index
          %get3A_719 = arith.constant 48 : index
          %get3A_720 = tpu.vector_load %arg12[%get3A_718, %get3A_719] {strides = array<i32>} : memref<80x128xf32, #tpu.memory_space<vmem>>, vector<16xf32>,
          %mul3A_721 = vector.broadcast %squeeze3A_689 : f32 to vector<16xf32>
          %mul3A_722 = arith.mulf %get3A_720, %mul3A_721 : vector<16xf32>
          %swap3A_723 = arith.index_cast %add3A_693 : i32 to index
          %swap3A_724 = arith.constant 48 : index
          %swap3A_725 = tpu.vector_load %arg12[%swap3A_723, %swap3A_724] {strides = array<i32>} : memref<80x128xf32, #tpu.memory_space<vmem>>, vector<16xf32>,
          tpu.vector_store %arg12[%swap3A_723, %swap3A_724], %mul3A_722 {strides = array<i32>} : memref<80x128xf32, #tpu.memory_space<vmem>>, vector<16xf32>,
          %get3A_726 = arith.index_cast %add3A_693 : i32 to index
          %get3A_727 = arith.constant 64 : index
          %get3A_728 = tpu.vector_load %arg12[%get3A_726, %get3A_727] {strides = array<i32>} : memref<80x128xf32, #tpu.memory_space<vmem>>, vector<16xf32>,
          %mul3A_729 = vector.broadcast %squeeze3A_689 : f32 to vector<16xf32>
          %mul3A_730 = arith.mulf %get3A_728, %mul3A_729 : vector<16xf32>
          %swap3A_731 = arith.index_cast %add3A_693 : i32 to index
          %swap3A_732 = arith.constant 64 : index
          %swap3A_733 = tpu.vector_load %arg12[%swap3A_731, %swap3A_732] {strides = array<i32>} : memref<80x128xf32, #tpu.memory_space<vmem>>, vector<16xf32>,
          tpu.vector_store %arg12[%swap3A_731, %swap3A_732], %mul3A_730 {strides = array<i32>} : memref<80x128xf32, #tpu.memory_space<vmem>>, vector<16xf32>,
          %get3A_734 = arith.index_cast %add3A_693 : i32 to index
          %get3A_735 = arith.constant 80 : index
          %get3A_736 = tpu.vector_load %arg12[%get3A_734, %get3A_735] {strides = array<i32>} : memref<80x128xf32, #tpu.memory_space<vmem>>, vector<16xf32>,
          %mul3A_737 = vector.broadcast %squeeze3A_689 : f32 to vector<16xf32>
          %mul3A_738 = arith.mulf %get3A_736, %mul3A_737 : vector<16xf32>
          %swap3A_739 = arith.index_cast %add3A_693 : i32 to index
          %swap3A_740 = arith.constant 80 : index
          %swap3A_741 = tpu.vector_load %arg12[%swap3A_739, %swap3A_740] {strides = array<i32>} : memref<80x128xf32, #tpu.memory_space<vmem>>, vector<16xf32>,
          tpu.vector_store %arg12[%swap3A_739, %swap3A_740], %mul3A_738 {strides = array<i32>} : memref<80x128xf32, #tpu.memory_space<vmem>>, vector<16xf32>,
          %get3A_742 = arith.index_cast %add3A_693 : i32 to index
          %get3A_743 = arith.constant 96 : index
          %get3A_744 = tpu.vector_load %arg12[%get3A_742, %get3A_743] {strides = array<i32>} : memref<80x128xf32, #tpu.memory_space<vmem>>, vector<16xf32>,
          %mul3A_745 = vector.broadcast %squeeze3A_689 : f32 to vector<16xf32>
          %mul3A_746 = arith.mulf %get3A_744, %mul3A_745 : vector<16xf32>
          %swap3A_747 = arith.index_cast %add3A_693 : i32 to index
          %swap3A_748 = arith.constant 96 : index
          %swap3A_749 = tpu.vector_load %arg12[%swap3A_747, %swap3A_748] {strides = array<i32>} : memref<80x128xf32, #tpu.memory_space<vmem>>, vector<16xf32>,
          tpu.vector_store %arg12[%swap3A_747, %swap3A_748], %mul3A_746 {strides = array<i32>} : memref<80x128xf32, #tpu.memory_space<vmem>>, vector<16xf32>,
          %get3A_750 = arith.index_cast %add3A_693 : i32 to index
          %get3A_751 = arith.constant 112 : index
          %get3A_752 = tpu.vector_load %arg12[%get3A_750, %get3A_751] {strides = array<i32>} : memref<80x128xf32, #tpu.memory_space<vmem>>, vector<16xf32>,
          %mul3A_753 = vector.broadcast %squeeze3A_689 : f32 to vector<16xf32>
          %mul3A_754 = arith.mulf %get3A_752, %mul3A_753 : vector<16xf32>
          %swap3A_755 = arith.index_cast %add3A_693 : i32 to index
          %swap3A_756 = arith.constant 112 : index
          %swap3A_757 = tpu.vector_load %arg12[%swap3A_755, %swap3A_756] {strides = array<i32>} : memref<80x128xf32, #tpu.memory_space<vmem>>, vector<16xf32>,
          tpu.vector_store %arg12[%swap3A_755, %swap3A_756], %mul3A_754 {strides = array<i32>} : memref<80x128xf32, #tpu.memory_space<vmem>>, vector<16xf32>,
          %slice3A_758 = vector.extract_strided_slice %get3A_60 {offsets = [10], sizes = [1], strides = [1]} : vector<16xf32> to vector<1xf32>
          %squeeze3A_759 = vector.extract %slice3A_758[0] : f32 from vector<1xf32>
          %mul3A_760 = arith.constant 16 : i32
          %mul3A_761 = arith.muli %add3A_56, %mul3A_760 : i32
          %add3A_762 = arith.constant 10 : i32
          %add3A_763 = arith.addi %mul3A_761, %add3A_762 : i32
          %get3A_764 = arith.index_cast %add3A_763 : i32 to index
          %get3A_765 = arith.constant 0 : index
          %get3A_766 = tpu.vector_load %arg12[%get3A_764, %get3A_765] {strides = array<i32>} : memref<80x128xf32, #tpu.memory_space<vmem>>, vector<16xf32>,
          %mul3A_767 = vector.broadcast %squeeze3A_759 : f32 to vector<16xf32>
          %mul3A_768 = arith.mulf %get3A_766, %mul3A_767 : vector<16xf32>
          %swap3A_769 = arith.index_cast %add3A_763 : i32 to index
          %swap3A_770 = arith.constant 0 : index
          %swap3A_771 = tpu.vector_load %arg12[%swap3A_769, %swap3A_770] {strides = array<i32>} : memref<80x128xf32, #tpu.memory_space<vmem>>, vector<16xf32>,
          tpu.vector_store %arg12[%swap3A_769, %swap3A_770], %mul3A_768 {strides = array<i32>} : memref<80x128xf32, #tpu.memory_space<vmem>>, vector<16xf32>,
          %get3A_772 = arith.index_cast %add3A_763 : i32 to index
          %get3A_773 = arith.constant 16 : index
          %get3A_774 = tpu.vector_load %arg12[%get3A_772, %get3A_773] {strides = array<i32>} : memref<80x128xf32, #tpu.memory_space<vmem>>, vector<16xf32>,
          %mul3A_775 = vector.broadcast %squeeze3A_759 : f32 to vector<16xf32>
          %mul3A_776 = arith.mulf %get3A_774, %mul3A_775 : vector<16xf32>
          %swap3A_777 = arith.index_cast %add3A_763 : i32 to index
          %swap3A_778 = arith.constant 16 : index
          %swap3A_779 = tpu.vector_load %arg12[%swap3A_777, %swap3A_778] {strides = array<i32>} : memref<80x128xf32, #tpu.memory_space<vmem>>, vector<16xf32>,
          tpu.vector_store %arg12[%swap3A_777, %swap3A_778], %mul3A_776 {strides = array<i32>} : memref<80x128xf32, #tpu.memory_space<vmem>>, vector<16xf32>,
          %get3A_780 = arith.index_cast %add3A_763 : i32 to index
          %get3A_781 = arith.constant 32 : index
          %get3A_782 = tpu.vector_load %arg12[%get3A_780, %get3A_781] {strides = array<i32>} : memref<80x128xf32, #tpu.memory_space<vmem>>, vector<16xf32>,
          %mul3A_783 = vector.broadcast %squeeze3A_759 : f32 to vector<16xf32>
          %mul3A_784 = arith.mulf %get3A_782, %mul3A_783 : vector<16xf32>
          %swap3A_785 = arith.index_cast %add3A_763 : i32 to index
          %swap3A_786 = arith.constant 32 : index
          %swap3A_787 = tpu.vector_load %arg12[%swap3A_785, %swap3A_786] {strides = array<i32>} : memref<80x128xf32, #tpu.memory_space<vmem>>, vector<16xf32>,
          tpu.vector_store %arg12[%swap3A_785, %swap3A_786], %mul3A_784 {strides = array<i32>} : memref<80x128xf32, #tpu.memory_space<vmem>>, vector<16xf32>,
          %get3A_788 = arith.index_cast %add3A_763 : i32 to index
          %get3A_789 = arith.constant 48 : index
          %get3A_790 = tpu.vector_load %arg12[%get3A_788, %get3A_789] {strides = array<i32>} : memref<80x128xf32, #tpu.memory_space<vmem>>, vector<16xf32>,
          %mul3A_791 = vector.broadcast %squeeze3A_759 : f32 to vector<16xf32>
          %mul3A_792 = arith.mulf %get3A_790, %mul3A_791 : vector<16xf32>
          %swap3A_793 = arith.index_cast %add3A_763 : i32 to index
          %swap3A_794 = arith.constant 48 : index
          %swap3A_795 = tpu.vector_load %arg12[%swap3A_793, %swap3A_794] {strides = array<i32>} : memref<80x128xf32, #tpu.memory_space<vmem>>, vector<16xf32>,
          tpu.vector_store %arg12[%swap3A_793, %swap3A_794], %mul3A_792 {strides = array<i32>} : memref<80x128xf32, #tpu.memory_space<vmem>>, vector<16xf32>,
          %get3A_796 = arith.index_cast %add3A_763 : i32 to index
          %get3A_797 = arith.constant 64 : index
          %get3A_798 = tpu.vector_load %arg12[%get3A_796, %get3A_797] {strides = array<i32>} : memref<80x128xf32, #tpu.memory_space<vmem>>, vector<16xf32>,
          %mul3A_799 = vector.broadcast %squeeze3A_759 : f32 to vector<16xf32>
          %mul3A_800 = arith.mulf %get3A_798, %mul3A_799 : vector<16xf32>
          %swap3A_801 = arith.index_cast %add3A_763 : i32 to index
          %swap3A_802 = arith.constant 64 : index
          %swap3A_803 = tpu.vector_load %arg12[%swap3A_801, %swap3A_802] {strides = array<i32>} : memref<80x128xf32, #tpu.memory_space<vmem>>, vector<16xf32>,
          tpu.vector_store %arg12[%swap3A_801, %swap3A_802], %mul3A_800 {strides = array<i32>} : memref<80x128xf32, #tpu.memory_space<vmem>>, vector<16xf32>,
          %get3A_804 = arith.index_cast %add3A_763 : i32 to index
          %get3A_805 = arith.constant 80 : index
          %get3A_806 = tpu.vector_load %arg12[%get3A_804, %get3A_805] {strides = array<i32>} : memref<80x128xf32, #tpu.memory_space<vmem>>, vector<16xf32>,
          %mul3A_807 = vector.broadcast %squeeze3A_759 : f32 to vector<16xf32>
          %mul3A_808 = arith.mulf %get3A_806, %mul3A_807 : vector<16xf32>
          %swap3A_809 = arith.index_cast %add3A_763 : i32 to index
          %swap3A_810 = arith.constant 80 : index
          %swap3A_811 = tpu.vector_load %arg12[%swap3A_809, %swap3A_810] {strides = array<i32>} : memref<80x128xf32, #tpu.memory_space<vmem>>, vector<16xf32>,
          tpu.vector_store %arg12[%swap3A_809, %swap3A_810], %mul3A_808 {strides = array<i32>} : memref<80x128xf32, #tpu.memory_space<vmem>>, vector<16xf32>,
          %get3A_812 = arith.index_cast %add3A_763 : i32 to index
          %get3A_813 = arith.constant 96 : index
          %get3A_814 = tpu.vector_load %arg12[%get3A_812, %get3A_813] {strides = array<i32>} : memref<80x128xf32, #tpu.memory_space<vmem>>, vector<16xf32>,
          %mul3A_815 = vector.broadcast %squeeze3A_759 : f32 to vector<16xf32>
          %mul3A_816 = arith.mulf %get3A_814, %mul3A_815 : vector<16xf32>
          %swap3A_817 = arith.index_cast %add3A_763 : i32 to index
          %swap3A_818 = arith.constant 96 : index
          %swap3A_819 = tpu.vector_load %arg12[%swap3A_817, %swap3A_818] {strides = array<i32>} : memref<80x128xf32, #tpu.memory_space<vmem>>, vector<16xf32>,
          tpu.vector_store %arg12[%swap3A_817, %swap3A_818], %mul3A_816 {strides = array<i32>} : memref<80x128xf32, #tpu.memory_space<vmem>>, vector<16xf32>,
          %get3A_820 = arith.index_cast %add3A_763 : i32 to index
          %get3A_821 = arith.constant 112 : index
          %get3A_822 = tpu.vector_load %arg12[%get3A_820, %get3A_821] {strides = array<i32>} : memref<80x128xf32, #tpu.memory_space<vmem>>, vector<16xf32>,
          %mul3A_823 = vector.broadcast %squeeze3A_759 : f32 to vector<16xf32>
          %mul3A_824 = arith.mulf %get3A_822, %mul3A_823 : vector<16xf32>
          %swap3A_825 = arith.index_cast %add3A_763 : i32 to index
          %swap3A_826 = arith.constant 112 : index
          %swap3A_827 = tpu.vector_load %arg12[%swap3A_825, %swap3A_826] {strides = array<i32>} : memref<80x128xf32, #tpu.memory_space<vmem>>, vector<16xf32>,
          tpu.vector_store %arg12[%swap3A_825, %swap3A_826], %mul3A_824 {strides = array<i32>} : memref<80x128xf32, #tpu.memory_space<vmem>>, vector<16xf32>,
          %slice3A_828 = vector.extract_strided_slice %get3A_60 {offsets = [11], sizes = [1], strides = [1]} : vector<16xf32> to vector<1xf32>
          %squeeze3A_829 = vector.extract %slice3A_828[0] : f32 from vector<1xf32>
          %mul3A_830 = arith.constant 16 : i32
          %mul3A_831 = arith.muli %add3A_56, %mul3A_830 : i32
          %add3A_832 = arith.constant 11 : i32
          %add3A_833 = arith.addi %mul3A_831, %add3A_832 : i32
          %get3A_834 = arith.index_cast %add3A_833 : i32 to index
          %get3A_835 = arith.constant 0 : index
          %get3A_836 = tpu.vector_load %arg12[%get3A_834, %get3A_835] {strides = array<i32>} : memref<80x128xf32, #tpu.memory_space<vmem>>, vector<16xf32>,
          %mul3A_837 = vector.broadcast %squeeze3A_829 : f32 to vector<16xf32>
          %mul3A_838 = arith.mulf %get3A_836, %mul3A_837 : vector<16xf32>
          %swap3A_839 = arith.index_cast %add3A_833 : i32 to index
          %swap3A_840 = arith.constant 0 : index
          %swap3A_841 = tpu.vector_load %arg12[%swap3A_839, %swap3A_840] {strides = array<i32>} : memref<80x128xf32, #tpu.memory_space<vmem>>, vector<16xf32>,
          tpu.vector_store %arg12[%swap3A_839, %swap3A_840], %mul3A_838 {strides = array<i32>} : memref<80x128xf32, #tpu.memory_space<vmem>>, vector<16xf32>,
          %get3A_842 = arith.index_cast %add3A_833 : i32 to index
          %get3A_843 = arith.constant 16 : index
          %get3A_844 = tpu.vector_load %arg12[%get3A_842, %get3A_843] {strides = array<i32>} : memref<80x128xf32, #tpu.memory_space<vmem>>, vector<16xf32>,
          %mul3A_845 = vector.broadcast %squeeze3A_829 : f32 to vector<16xf32>
          %mul3A_846 = arith.mulf %get3A_844, %mul3A_845 : vector<16xf32>
          %swap3A_847 = arith.index_cast %add3A_833 : i32 to index
          %swap3A_848 = arith.constant 16 : index
          %swap3A_849 = tpu.vector_load %arg12[%swap3A_847, %swap3A_848] {strides = array<i32>} : memref<80x128xf32, #tpu.memory_space<vmem>>, vector<16xf32>,
          tpu.vector_store %arg12[%swap3A_847, %swap3A_848], %mul3A_846 {strides = array<i32>} : memref<80x128xf32, #tpu.memory_space<vmem>>, vector<16xf32>,
          %get3A_850 = arith.index_cast %add3A_833 : i32 to index
          %get3A_851 = arith.constant 32 : index
          %get3A_852 = tpu.vector_load %arg12[%get3A_850, %get3A_851] {strides = array<i32>} : memref<80x128xf32, #tpu.memory_space<vmem>>, vector<16xf32>,
          %mul3A_853 = vector.broadcast %squeeze3A_829 : f32 to vector<16xf32>
          %mul3A_854 = arith.mulf %get3A_852, %mul3A_853 : vector<16xf32>
          %swap3A_855 = arith.index_cast %add3A_833 : i32 to index
          %swap3A_856 = arith.constant 32 : index
          %swap3A_857 = tpu.vector_load %arg12[%swap3A_855, %swap3A_856] {strides = array<i32>} : memref<80x128xf32, #tpu.memory_space<vmem>>, vector<16xf32>,
          tpu.vector_store %arg12[%swap3A_855, %swap3A_856], %mul3A_854 {strides = array<i32>} : memref<80x128xf32, #tpu.memory_space<vmem>>, vector<16xf32>,
          %get3A_858 = arith.index_cast %add3A_833 : i32 to index
          %get3A_859 = arith.constant 48 : index
          %get3A_860 = tpu.vector_load %arg12[%get3A_858, %get3A_859] {strides = array<i32>} : memref<80x128xf32, #tpu.memory_space<vmem>>, vector<16xf32>,
          %mul3A_861 = vector.broadcast %squeeze3A_829 : f32 to vector<16xf32>
          %mul3A_862 = arith.mulf %get3A_860, %mul3A_861 : vector<16xf32>
          %swap3A_863 = arith.index_cast %add3A_833 : i32 to index
          %swap3A_864 = arith.constant 48 : index
          %swap3A_865 = tpu.vector_load %arg12[%swap3A_863, %swap3A_864] {strides = array<i32>} : memref<80x128xf32, #tpu.memory_space<vmem>>, vector<16xf32>,
          tpu.vector_store %arg12[%swap3A_863, %swap3A_864], %mul3A_862 {strides = array<i32>} : memref<80x128xf32, #tpu.memory_space<vmem>>, vector<16xf32>,
          %get3A_866 = arith.index_cast %add3A_833 : i32 to index
          %get3A_867 = arith.constant 64 : index
          %get3A_868 = tpu.vector_load %arg12[%get3A_866, %get3A_867] {strides = array<i32>} : memref<80x128xf32, #tpu.memory_space<vmem>>, vector<16xf32>,
          %mul3A_869 = vector.broadcast %squeeze3A_829 : f32 to vector<16xf32>
          %mul3A_870 = arith.mulf %get3A_868, %mul3A_869 : vector<16xf32>
          %swap3A_871 = arith.index_cast %add3A_833 : i32 to index
          %swap3A_872 = arith.constant 64 : index
          %swap3A_873 = tpu.vector_load %arg12[%swap3A_871, %swap3A_872] {strides = array<i32>} : memref<80x128xf32, #tpu.memory_space<vmem>>, vector<16xf32>,
          tpu.vector_store %arg12[%swap3A_871, %swap3A_872], %mul3A_870 {strides = array<i32>} : memref<80x128xf32, #tpu.memory_space<vmem>>, vector<16xf32>,
          %get3A_874 = arith.index_cast %add3A_833 : i32 to index
          %get3A_875 = arith.constant 80 : index
          %get3A_876 = tpu.vector_load %arg12[%get3A_874, %get3A_875] {strides = array<i32>} : memref<80x128xf32, #tpu.memory_space<vmem>>, vector<16xf32>,
          %mul3A_877 = vector.broadcast %squeeze3A_829 : f32 to vector<16xf32>
          %mul3A_878 = arith.mulf %get3A_876, %mul3A_877 : vector<16xf32>
          %swap3A_879 = arith.index_cast %add3A_833 : i32 to index
          %swap3A_880 = arith.constant 80 : index
          %swap3A_881 = tpu.vector_load %arg12[%swap3A_879, %swap3A_880] {strides = array<i32>} : memref<80x128xf32, #tpu.memory_space<vmem>>, vector<16xf32>,
          tpu.vector_store %arg12[%swap3A_879, %swap3A_880], %mul3A_878 {strides = array<i32>} : memref<80x128xf32, #tpu.memory_space<vmem>>, vector<16xf32>,
          %get3A_882 = arith.index_cast %add3A_833 : i32 to index
          %get3A_883 = arith.constant 96 : index
          %get3A_884 = tpu.vector_load %arg12[%get3A_882, %get3A_883] {strides = array<i32>} : memref<80x128xf32, #tpu.memory_space<vmem>>, vector<16xf32>,
          %mul3A_885 = vector.broadcast %squeeze3A_829 : f32 to vector<16xf32>
          %mul3A_886 = arith.mulf %get3A_884, %mul3A_885 : vector<16xf32>
          %swap3A_887 = arith.index_cast %add3A_833 : i32 to index
          %swap3A_888 = arith.constant 96 : index
          %swap3A_889 = tpu.vector_load %arg12[%swap3A_887, %swap3A_888] {strides = array<i32>} : memref<80x128xf32, #tpu.memory_space<vmem>>, vector<16xf32>,
          tpu.vector_store %arg12[%swap3A_887, %swap3A_888], %mul3A_886 {strides = array<i32>} : memref<80x128xf32, #tpu.memory_space<vmem>>, vector<16xf32>,
          %get3A_890 = arith.index_cast %add3A_833 : i32 to index
          %get3A_891 = arith.constant 112 : index
          %get3A_892 = tpu.vector_load %arg12[%get3A_890, %get3A_891] {strides = array<i32>} : memref<80x128xf32, #tpu.memory_space<vmem>>, vector<16xf32>,
          %mul3A_893 = vector.broadcast %squeeze3A_829 : f32 to vector<16xf32>
          %mul3A_894 = arith.mulf %get3A_892, %mul3A_893 : vector<16xf32>
          %swap3A_895 = arith.index_cast %add3A_833 : i32 to index
          %swap3A_896 = arith.constant 112 : index
          %swap3A_897 = tpu.vector_load %arg12[%swap3A_895, %swap3A_896] {strides = array<i32>} : memref<80x128xf32, #tpu.memory_space<vmem>>, vector<16xf32>,
          tpu.vector_store %arg12[%swap3A_895, %swap3A_896], %mul3A_894 {strides = array<i32>} : memref<80x128xf32, #tpu.memory_space<vmem>>, vector<16xf32>,
          %slice3A_898 = vector.extract_strided_slice %get3A_60 {offsets = [12], sizes = [1], strides = [1]} : vector<16xf32> to vector<1xf32>
          %squeeze3A_899 = vector.extract %slice3A_898[0] : f32 from vector<1xf32>
          %mul3A_900 = arith.constant 16 : i32
          %mul3A_901 = arith.muli %add3A_56, %mul3A_900 : i32
          %add3A_902 = arith.constant 12 : i32
          %add3A_903 = arith.addi %mul3A_901, %add3A_902 : i32
          %get3A_904 = arith.index_cast %add3A_903 : i32 to index
          %get3A_905 = arith.constant 0 : index
          %get3A_906 = tpu.vector_load %arg12[%get3A_904, %get3A_905] {strides = array<i32>} : memref<80x128xf32, #tpu.memory_space<vmem>>, vector<16xf32>,
          %mul3A_907 = vector.broadcast %squeeze3A_899 : f32 to vector<16xf32>
          %mul3A_908 = arith.mulf %get3A_906, %mul3A_907 : vector<16xf32>
          %swap3A_909 = arith.index_cast %add3A_903 : i32 to index
          %swap3A_910 = arith.constant 0 : index
          %swap3A_911 = tpu.vector_load %arg12[%swap3A_909, %swap3A_910] {strides = array<i32>} : memref<80x128xf32, #tpu.memory_space<vmem>>, vector<16xf32>,
          tpu.vector_store %arg12[%swap3A_909, %swap3A_910], %mul3A_908 {strides = array<i32>} : memref<80x128xf32, #tpu.memory_space<vmem>>, vector<16xf32>,
          %get3A_912 = arith.index_cast %add3A_903 : i32 to index
          %get3A_913 = arith.constant 16 : index
          %get3A_914 = tpu.vector_load %arg12[%get3A_912, %get3A_913] {strides = array<i32>} : memref<80x128xf32, #tpu.memory_space<vmem>>, vector<16xf32>,
          %mul3A_915 = vector.broadcast %squeeze3A_899 : f32 to vector<16xf32>
          %mul3A_916 = arith.mulf %get3A_914, %mul3A_915 : vector<16xf32>
          %swap3A_917 = arith.index_cast %add3A_903 : i32 to index
          %swap3A_918 = arith.constant 16 : index
          %swap3A_919 = tpu.vector_load %arg12[%swap3A_917, %swap3A_918] {strides = array<i32>} : memref<80x128xf32, #tpu.memory_space<vmem>>, vector<16xf32>,
          tpu.vector_store %arg12[%swap3A_917, %swap3A_918], %mul3A_916 {strides = array<i32>} : memref<80x128xf32, #tpu.memory_space<vmem>>, vector<16xf32>,
          %get3A_920 = arith.index_cast %add3A_903 : i32 to index
          %get3A_921 = arith.constant 32 : index
          %get3A_922 = tpu.vector_load %arg12[%get3A_920, %get3A_921] {strides = array<i32>} : memref<80x128xf32, #tpu.memory_space<vmem>>, vector<16xf32>,
          %mul3A_923 = vector.broadcast %squeeze3A_899 : f32 to vector<16xf32>
          %mul3A_924 = arith.mulf %get3A_922, %mul3A_923 : vector<16xf32>
          %swap3A_925 = arith.index_cast %add3A_903 : i32 to index
          %swap3A_926 = arith.constant 32 : index
          %swap3A_927 = tpu.vector_load %arg12[%swap3A_925, %swap3A_926] {strides = array<i32>} : memref<80x128xf32, #tpu.memory_space<vmem>>, vector<16xf32>,
          tpu.vector_store %arg12[%swap3A_925, %swap3A_926], %mul3A_924 {strides = array<i32>} : memref<80x128xf32, #tpu.memory_space<vmem>>, vector<16xf32>,
          %get3A_928 = arith.index_cast %add3A_903 : i32 to index
          %get3A_929 = arith.constant 48 : index
          %get3A_930 = tpu.vector_load %arg12[%get3A_928, %get3A_929] {strides = array<i32>} : memref<80x128xf32, #tpu.memory_space<vmem>>, vector<16xf32>,
          %mul3A_931 = vector.broadcast %squeeze3A_899 : f32 to vector<16xf32>
          %mul3A_932 = arith.mulf %get3A_930, %mul3A_931 : vector<16xf32>
          %swap3A_933 = arith.index_cast %add3A_903 : i32 to index
          %swap3A_934 = arith.constant 48 : index
          %swap3A_935 = tpu.vector_load %arg12[%swap3A_933, %swap3A_934] {strides = array<i32>} : memref<80x128xf32, #tpu.memory_space<vmem>>, vector<16xf32>,
          tpu.vector_store %arg12[%swap3A_933, %swap3A_934], %mul3A_932 {strides = array<i32>} : memref<80x128xf32, #tpu.memory_space<vmem>>, vector<16xf32>,
          %get3A_936 = arith.index_cast %add3A_903 : i32 to index
          %get3A_937 = arith.constant 64 : index
          %get3A_938 = tpu.vector_load %arg12[%get3A_936, %get3A_937] {strides = array<i32>} : memref<80x128xf32, #tpu.memory_space<vmem>>, vector<16xf32>,
          %mul3A_939 = vector.broadcast %squeeze3A_899 : f32 to vector<16xf32>
          %mul3A_940 = arith.mulf %get3A_938, %mul3A_939 : vector<16xf32>
          %swap3A_941 = arith.index_cast %add3A_903 : i32 to index
          %swap3A_942 = arith.constant 64 : index
          %swap3A_943 = tpu.vector_load %arg12[%swap3A_941, %swap3A_942] {strides = array<i32>} : memref<80x128xf32, #tpu.memory_space<vmem>>, vector<16xf32>,
          tpu.vector_store %arg12[%swap3A_941, %swap3A_942], %mul3A_940 {strides = array<i32>} : memref<80x128xf32, #tpu.memory_space<vmem>>, vector<16xf32>,
          %get3A_944 = arith.index_cast %add3A_903 : i32 to index
          %get3A_945 = arith.constant 80 : index
          %get3A_946 = tpu.vector_load %arg12[%get3A_944, %get3A_945] {strides = array<i32>} : memref<80x128xf32, #tpu.memory_space<vmem>>, vector<16xf32>,
          %mul3A_947 = vector.broadcast %squeeze3A_899 : f32 to vector<16xf32>
          %mul3A_948 = arith.mulf %get3A_946, %mul3A_947 : vector<16xf32>
          %swap3A_949 = arith.index_cast %add3A_903 : i32 to index
          %swap3A_950 = arith.constant 80 : index
          %swap3A_951 = tpu.vector_load %arg12[%swap3A_949, %swap3A_950] {strides = array<i32>} : memref<80x128xf32, #tpu.memory_space<vmem>>, vector<16xf32>,
          tpu.vector_store %arg12[%swap3A_949, %swap3A_950], %mul3A_948 {strides = array<i32>} : memref<80x128xf32, #tpu.memory_space<vmem>>, vector<16xf32>,
          %get3A_952 = arith.index_cast %add3A_903 : i32 to index
          %get3A_953 = arith.constant 96 : index
          %get3A_954 = tpu.vector_load %arg12[%get3A_952, %get3A_953] {strides = array<i32>} : memref<80x128xf32, #tpu.memory_space<vmem>>, vector<16xf32>,
          %mul3A_955 = vector.broadcast %squeeze3A_899 : f32 to vector<16xf32>
          %mul3A_956 = arith.mulf %get3A_954, %mul3A_955 : vector<16xf32>
          %swap3A_957 = arith.index_cast %add3A_903 : i32 to index
          %swap3A_958 = arith.constant 96 : index
          %swap3A_959 = tpu.vector_load %arg12[%swap3A_957, %swap3A_958] {strides = array<i32>} : memref<80x128xf32, #tpu.memory_space<vmem>>, vector<16xf32>,
          tpu.vector_store %arg12[%swap3A_957, %swap3A_958], %mul3A_956 {strides = array<i32>} : memref<80x128xf32, #tpu.memory_space<vmem>>, vector<16xf32>,
          %get3A_960 = arith.index_cast %add3A_903 : i32 to index
          %get3A_961 = arith.constant 112 : index
          %get3A_962 = tpu.vector_load %arg12[%get3A_960, %get3A_961] {strides = array<i32>} : memref<80x128xf32, #tpu.memory_space<vmem>>, vector<16xf32>,
          %mul3A_963 = vector.broadcast %squeeze3A_899 : f32 to vector<16xf32>
          %mul3A_964 = arith.mulf %get3A_962, %mul3A_963 : vector<16xf32>
          %swap3A_965 = arith.index_cast %add3A_903 : i32 to index
          %swap3A_966 = arith.constant 112 : index
          %swap3A_967 = tpu.vector_load %arg12[%swap3A_965, %swap3A_966] {strides = array<i32>} : memref<80x128xf32, #tpu.memory_space<vmem>>, vector<16xf32>,
          tpu.vector_store %arg12[%swap3A_965, %swap3A_966], %mul3A_964 {strides = array<i32>} : memref<80x128xf32, #tpu.memory_space<vmem>>, vector<16xf32>,
          %slice3A_968 = vector.extract_strided_slice %get3A_60 {offsets = [13], sizes = [1], strides = [1]} : vector<16xf32> to vector<1xf32>
          %squeeze3A_969 = vector.extract %slice3A_968[0] : f32 from vector<1xf32>
          %mul3A_970 = arith.constant 16 : i32
          %mul3A_971 = arith.muli %add3A_56, %mul3A_970 : i32
          %add3A_972 = arith.constant 13 : i32
          %add3A_973 = arith.addi %mul3A_971, %add3A_972 : i32
          %get3A_974 = arith.index_cast %add3A_973 : i32 to index
          %get3A_975 = arith.constant 0 : index
          %get3A_976 = tpu.vector_load %arg12[%get3A_974, %get3A_975] {strides = array<i32>} : memref<80x128xf32, #tpu.memory_space<vmem>>, vector<16xf32>,
          %mul3A_977 = vector.broadcast %squeeze3A_969 : f32 to vector<16xf32>
          %mul3A_978 = arith.mulf %get3A_976, %mul3A_977 : vector<16xf32>
          %swap3A_979 = arith.index_cast %add3A_973 : i32 to index
          %swap3A_980 = arith.constant 0 : index
          %swap3A_981 = tpu.vector_load %arg12[%swap3A_979, %swap3A_980] {strides = array<i32>} : memref<80x128xf32, #tpu.memory_space<vmem>>, vector<16xf32>,
          tpu.vector_store %arg12[%swap3A_979, %swap3A_980], %mul3A_978 {strides = array<i32>} : memref<80x128xf32, #tpu.memory_space<vmem>>, vector<16xf32>,
          %get3A_982 = arith.index_cast %add3A_973 : i32 to index
          %get3A_983 = arith.constant 16 : index
          %get3A_984 = tpu.vector_load %arg12[%get3A_982, %get3A_983] {strides = array<i32>} : memref<80x128xf32, #tpu.memory_space<vmem>>, vector<16xf32>,
          %mul3A_985 = vector.broadcast %squeeze3A_969 : f32 to vector<16xf32>
          %mul3A_986 = arith.mulf %get3A_984, %mul3A_985 : vector<16xf32>
          %swap3A_987 = arith.index_cast %add3A_973 : i32 to index
          %swap3A_988 = arith.constant 16 : index
          %swap3A_989 = tpu.vector_load %arg12[%swap3A_987, %swap3A_988] {strides = array<i32>} : memref<80x128xf32, #tpu.memory_space<vmem>>, vector<16xf32>,
          tpu.vector_store %arg12[%swap3A_987, %swap3A_988], %mul3A_986 {strides = array<i32>} : memref<80x128xf32, #tpu.memory_space<vmem>>, vector<16xf32>,
          %get3A_990 = arith.index_cast %add3A_973 : i32 to index
          %get3A_991 = arith.constant 32 : index
          %get3A_992 = tpu.vector_load %arg12[%get3A_990, %get3A_991] {strides = array<i32>} : memref<80x128xf32, #tpu.memory_space<vmem>>, vector<16xf32>,
          %mul3A_993 = vector.broadcast %squeeze3A_969 : f32 to vector<16xf32>
          %mul3A_994 = arith.mulf %get3A_992, %mul3A_993 : vector<16xf32>
          %swap3A_995 = arith.index_cast %add3A_973 : i32 to index
          %swap3A_996 = arith.constant 32 : index
          %swap3A_997 = tpu.vector_load %arg12[%swap3A_995, %swap3A_996] {strides = array<i32>} : memref<80x128xf32, #tpu.memory_space<vmem>>, vector<16xf32>,
          tpu.vector_store %arg12[%swap3A_995, %swap3A_996], %mul3A_994 {strides = array<i32>} : memref<80x128xf32, #tpu.memory_space<vmem>>, vector<16xf32>,
          %get3A_998 = arith.index_cast %add3A_973 : i32 to index
          %get3A_999 = arith.constant 48 : index
          %get3A_1000 = tpu.vector_load %arg12[%get3A_998, %get3A_999] {strides = array<i32>} : memref<80x128xf32, #tpu.memory_space<vmem>>, vector<16xf32>,
          %mul3A_1001 = vector.broadcast %squeeze3A_969 : f32 to vector<16xf32>
          %mul3A_1002 = arith.mulf %get3A_1000, %mul3A_1001 : vector<16xf32>
          %swap3A_1003 = arith.index_cast %add3A_973 : i32 to index
          %swap3A_1004 = arith.constant 48 : index
          %swap3A_1005 = tpu.vector_load %arg12[%swap3A_1003, %swap3A_1004] {strides = array<i32>} : memref<80x128xf32, #tpu.memory_space<vmem>>, vector<16xf32>,
          tpu.vector_store %arg12[%swap3A_1003, %swap3A_1004], %mul3A_1002 {strides = array<i32>} : memref<80x128xf32, #tpu.memory_space<vmem>>, vector<16xf32>,
          %get3A_1006 = arith.index_cast %add3A_973 : i32 to index
          %get3A_1007 = arith.constant 64 : index
          %get3A_1008 = tpu.vector_load %arg12[%get3A_1006, %get3A_1007] {strides = array<i32>} : memref<80x128xf32, #tpu.memory_space<vmem>>, vector<16xf32>,
          %mul3A_1009 = vector.broadcast %squeeze3A_969 : f32 to vector<16xf32>
          %mul3A_1010 = arith.mulf %get3A_1008, %mul3A_1009 : vector<16xf32>
          %swap3A_1011 = arith.index_cast %add3A_973 : i32 to index
          %swap3A_1012 = arith.constant 64 : index
          %swap3A_1013 = tpu.vector_load %arg12[%swap3A_1011, %swap3A_1012] {strides = array<i32>} : memref<80x128xf32, #tpu.memory_space<vmem>>, vector<16xf32>,
          tpu.vector_store %arg12[%swap3A_1011, %swap3A_1012], %mul3A_1010 {strides = array<i32>} : memref<80x128xf32, #tpu.memory_space<vmem>>, vector<16xf32>,
          %get3A_1014 = arith.index_cast %add3A_973 : i32 to index
          %get3A_1015 = arith.constant 80 : index
          %get3A_1016 = tpu.vector_load %arg12[%get3A_1014, %get3A_1015] {strides = array<i32>} : memref<80x128xf32, #tpu.memory_space<vmem>>, vector<16xf32>,
          %mul3A_1017 = vector.broadcast %squeeze3A_969 : f32 to vector<16xf32>
          %mul3A_1018 = arith.mulf %get3A_1016, %mul3A_1017 : vector<16xf32>
          %swap3A_1019 = arith.index_cast %add3A_973 : i32 to index
          %swap3A_1020 = arith.constant 80 : index
          %swap3A_1021 = tpu.vector_load %arg12[%swap3A_1019, %swap3A_1020] {strides = array<i32>} : memref<80x128xf32, #tpu.memory_space<vmem>>, vector<16xf32>,
          tpu.vector_store %arg12[%swap3A_1019, %swap3A_1020], %mul3A_1018 {strides = array<i32>} : memref<80x128xf32, #tpu.memory_space<vmem>>, vector<16xf32>,
          %get3A_1022 = arith.index_cast %add3A_973 : i32 to index
          %get3A_1023 = arith.constant 96 : index
          %get3A_1024 = tpu.vector_load %arg12[%get3A_1022, %get3A_1023] {strides = array<i32>} : memref<80x128xf32, #tpu.memory_space<vmem>>, vector<16xf32>,
          %mul3A_1025 = vector.broadcast %squeeze3A_969 : f32 to vector<16xf32>
          %mul3A_1026 = arith.mulf %get3A_1024, %mul3A_1025 : vector<16xf32>
          %swap3A_1027 = arith.index_cast %add3A_973 : i32 to index
          %swap3A_1028 = arith.constant 96 : index
          %swap3A_1029 = tpu.vector_load %arg12[%swap3A_1027, %swap3A_1028] {strides = array<i32>} : memref<80x128xf32, #tpu.memory_space<vmem>>, vector<16xf32>,
          tpu.vector_store %arg12[%swap3A_1027, %swap3A_1028], %mul3A_1026 {strides = array<i32>} : memref<80x128xf32, #tpu.memory_space<vmem>>, vector<16xf32>,
          %get3A_1030 = arith.index_cast %add3A_973 : i32 to index
          %get3A_1031 = arith.constant 112 : index
          %get3A_1032 = tpu.vector_load %arg12[%get3A_1030, %get3A_1031] {strides = array<i32>} : memref<80x128xf32, #tpu.memory_space<vmem>>, vector<16xf32>,
          %mul3A_1033 = vector.broadcast %squeeze3A_969 : f32 to vector<16xf32>
          %mul3A_1034 = arith.mulf %get3A_1032, %mul3A_1033 : vector<16xf32>
          %swap3A_1035 = arith.index_cast %add3A_973 : i32 to index
          %swap3A_1036 = arith.constant 112 : index
          %swap3A_1037 = tpu.vector_load %arg12[%swap3A_1035, %swap3A_1036] {strides = array<i32>} : memref<80x128xf32, #tpu.memory_space<vmem>>, vector<16xf32>,
          tpu.vector_store %arg12[%swap3A_1035, %swap3A_1036], %mul3A_1034 {strides = array<i32>} : memref<80x128xf32, #tpu.memory_space<vmem>>, vector<16xf32>,
          %slice3A_1038 = vector.extract_strided_slice %get3A_60 {offsets = [14], sizes = [1], strides = [1]} : vector<16xf32> to vector<1xf32>
          %squeeze3A_1039 = vector.extract %slice3A_1038[0] : f32 from vector<1xf32>
          %mul3A_1040 = arith.constant 16 : i32
          %mul3A_1041 = arith.muli %add3A_56, %mul3A_1040 : i32
          %add3A_1042 = arith.constant 14 : i32
          %add3A_1043 = arith.addi %mul3A_1041, %add3A_1042 : i32
          %get3A_1044 = arith.index_cast %add3A_1043 : i32 to index
          %get3A_1045 = arith.constant 0 : index
          %get3A_1046 = tpu.vector_load %arg12[%get3A_1044, %get3A_1045] {strides = array<i32>} : memref<80x128xf32, #tpu.memory_space<vmem>>, vector<16xf32>,
          %mul3A_1047 = vector.broadcast %squeeze3A_1039 : f32 to vector<16xf32>
          %mul3A_1048 = arith.mulf %get3A_1046, %mul3A_1047 : vector<16xf32>
          %swap3A_1049 = arith.index_cast %add3A_1043 : i32 to index
          %swap3A_1050 = arith.constant 0 : index
          %swap3A_1051 = tpu.vector_load %arg12[%swap3A_1049, %swap3A_1050] {strides = array<i32>} : memref<80x128xf32, #tpu.memory_space<vmem>>, vector<16xf32>,
          tpu.vector_store %arg12[%swap3A_1049, %swap3A_1050], %mul3A_1048 {strides = array<i32>} : memref<80x128xf32, #tpu.memory_space<vmem>>, vector<16xf32>,
          %get3A_1052 = arith.index_cast %add3A_1043 : i32 to index
          %get3A_1053 = arith.constant 16 : index
          %get3A_1054 = tpu.vector_load %arg12[%get3A_1052, %get3A_1053] {strides = array<i32>} : memref<80x128xf32, #tpu.memory_space<vmem>>, vector<16xf32>,
          %mul3A_1055 = vector.broadcast %squeeze3A_1039 : f32 to vector<16xf32>
          %mul3A_1056 = arith.mulf %get3A_1054, %mul3A_1055 : vector<16xf32>
          %swap3A_1057 = arith.index_cast %add3A_1043 : i32 to index
          %swap3A_1058 = arith.constant 16 : index
          %swap3A_1059 = tpu.vector_load %arg12[%swap3A_1057, %swap3A_1058] {strides = array<i32>} : memref<80x128xf32, #tpu.memory_space<vmem>>, vector<16xf32>,
          tpu.vector_store %arg12[%swap3A_1057, %swap3A_1058], %mul3A_1056 {strides = array<i32>} : memref<80x128xf32, #tpu.memory_space<vmem>>, vector<16xf32>,
          %get3A_1060 = arith.index_cast %add3A_1043 : i32 to index
          %get3A_1061 = arith.constant 32 : index
          %get3A_1062 = tpu.vector_load %arg12[%get3A_1060, %get3A_1061] {strides = array<i32>} : memref<80x128xf32, #tpu.memory_space<vmem>>, vector<16xf32>,
          %mul3A_1063 = vector.broadcast %squeeze3A_1039 : f32 to vector<16xf32>
          %mul3A_1064 = arith.mulf %get3A_1062, %mul3A_1063 : vector<16xf32>
          %swap3A_1065 = arith.index_cast %add3A_1043 : i32 to index
          %swap3A_1066 = arith.constant 32 : index
          %swap3A_1067 = tpu.vector_load %arg12[%swap3A_1065, %swap3A_1066] {strides = array<i32>} : memref<80x128xf32, #tpu.memory_space<vmem>>, vector<16xf32>,
          tpu.vector_store %arg12[%swap3A_1065, %swap3A_1066], %mul3A_1064 {strides = array<i32>} : memref<80x128xf32, #tpu.memory_space<vmem>>, vector<16xf32>,
          %get3A_1068 = arith.index_cast %add3A_1043 : i32 to index
          %get3A_1069 = arith.constant 48 : index
          %get3A_1070 = tpu.vector_load %arg12[%get3A_1068, %get3A_1069] {strides = array<i32>} : memref<80x128xf32, #tpu.memory_space<vmem>>, vector<16xf32>,
          %mul3A_1071 = vector.broadcast %squeeze3A_1039 : f32 to vector<16xf32>
          %mul3A_1072 = arith.mulf %get3A_1070, %mul3A_1071 : vector<16xf32>
          %swap3A_1073 = arith.index_cast %add3A_1043 : i32 to index
          %swap3A_1074 = arith.constant 48 : index
          %swap3A_1075 = tpu.vector_load %arg12[%swap3A_1073, %swap3A_1074] {strides = array<i32>} : memref<80x128xf32, #tpu.memory_space<vmem>>, vector<16xf32>,
          tpu.vector_store %arg12[%swap3A_1073, %swap3A_1074], %mul3A_1072 {strides = array<i32>} : memref<80x128xf32, #tpu.memory_space<vmem>>, vector<16xf32>,
          %get3A_1076 = arith.index_cast %add3A_1043 : i32 to index
          %get3A_1077 = arith.constant 64 : index
          %get3A_1078 = tpu.vector_load %arg12[%get3A_1076, %get3A_1077] {strides = array<i32>} : memref<80x128xf32, #tpu.memory_space<vmem>>, vector<16xf32>,
          %mul3A_1079 = vector.broadcast %squeeze3A_1039 : f32 to vector<16xf32>
          %mul3A_1080 = arith.mulf %get3A_1078, %mul3A_1079 : vector<16xf32>
          %swap3A_1081 = arith.index_cast %add3A_1043 : i32 to index
          %swap3A_1082 = arith.constant 64 : index
          %swap3A_1083 = tpu.vector_load %arg12[%swap3A_1081, %swap3A_1082] {strides = array<i32>} : memref<80x128xf32, #tpu.memory_space<vmem>>, vector<16xf32>,
          tpu.vector_store %arg12[%swap3A_1081, %swap3A_1082], %mul3A_1080 {strides = array<i32>} : memref<80x128xf32, #tpu.memory_space<vmem>>, vector<16xf32>,
          %get3A_1084 = arith.index_cast %add3A_1043 : i32 to index
          %get3A_1085 = arith.constant 80 : index
          %get3A_1086 = tpu.vector_load %arg12[%get3A_1084, %get3A_1085] {strides = array<i32>} : memref<80x128xf32, #tpu.memory_space<vmem>>, vector<16xf32>,
          %mul3A_1087 = vector.broadcast %squeeze3A_1039 : f32 to vector<16xf32>
          %mul3A_1088 = arith.mulf %get3A_1086, %mul3A_1087 : vector<16xf32>
          %swap3A_1089 = arith.index_cast %add3A_1043 : i32 to index
          %swap3A_1090 = arith.constant 80 : index
          %swap3A_1091 = tpu.vector_load %arg12[%swap3A_1089, %swap3A_1090] {strides = array<i32>} : memref<80x128xf32, #tpu.memory_space<vmem>>, vector<16xf32>,
          tpu.vector_store %arg12[%swap3A_1089, %swap3A_1090], %mul3A_1088 {strides = array<i32>} : memref<80x128xf32, #tpu.memory_space<vmem>>, vector<16xf32>,
          %get3A_1092 = arith.index_cast %add3A_1043 : i32 to index
          %get3A_1093 = arith.constant 96 : index
          %get3A_1094 = tpu.vector_load %arg12[%get3A_1092, %get3A_1093] {strides = array<i32>} : memref<80x128xf32, #tpu.memory_space<vmem>>, vector<16xf32>,
          %mul3A_1095 = vector.broadcast %squeeze3A_1039 : f32 to vector<16xf32>
          %mul3A_1096 = arith.mulf %get3A_1094, %mul3A_1095 : vector<16xf32>
          %swap3A_1097 = arith.index_cast %add3A_1043 : i32 to index
          %swap3A_1098 = arith.constant 96 : index
          %swap3A_1099 = tpu.vector_load %arg12[%swap3A_1097, %swap3A_1098] {strides = array<i32>} : memref<80x128xf32, #tpu.memory_space<vmem>>, vector<16xf32>,
          tpu.vector_store %arg12[%swap3A_1097, %swap3A_1098], %mul3A_1096 {strides = array<i32>} : memref<80x128xf32, #tpu.memory_space<vmem>>, vector<16xf32>,
          %get3A_1100 = arith.index_cast %add3A_1043 : i32 to index
          %get3A_1101 = arith.constant 112 : index
          %get3A_1102 = tpu.vector_load %arg12[%get3A_1100, %get3A_1101] {strides = array<i32>} : memref<80x128xf32, #tpu.memory_space<vmem>>, vector<16xf32>,
          %mul3A_1103 = vector.broadcast %squeeze3A_1039 : f32 to vector<16xf32>
          %mul3A_1104 = arith.mulf %get3A_1102, %mul3A_1103 : vector<16xf32>
          %swap3A_1105 = arith.index_cast %add3A_1043 : i32 to index
          %swap3A_1106 = arith.constant 112 : index
          %swap3A_1107 = tpu.vector_load %arg12[%swap3A_1105, %swap3A_1106] {strides = array<i32>} : memref<80x128xf32, #tpu.memory_space<vmem>>, vector<16xf32>,
          tpu.vector_store %arg12[%swap3A_1105, %swap3A_1106], %mul3A_1104 {strides = array<i32>} : memref<80x128xf32, #tpu.memory_space<vmem>>, vector<16xf32>,
          %slice3A_1108 = vector.extract_strided_slice %get3A_60 {offsets = [15], sizes = [1], strides = [1]} : vector<16xf32> to vector<1xf32>
          %squeeze3A_1109 = vector.extract %slice3A_1108[0] : f32 from vector<1xf32>
          %mul3A_1110 = arith.constant 16 : i32
          %mul3A_1111 = arith.muli %add3A_56, %mul3A_1110 : i32
          %add3A_1112 = arith.constant 15 : i32
          %add3A_1113 = arith.addi %mul3A_1111, %add3A_1112 : i32
          %get3A_1114 = arith.index_cast %add3A_1113 : i32 to index
          %get3A_1115 = arith.constant 0 : index
          %get3A_1116 = tpu.vector_load %arg12[%get3A_1114, %get3A_1115] {strides = array<i32>} : memref<80x128xf32, #tpu.memory_space<vmem>>, vector<16xf32>,
          %mul3A_1117 = vector.broadcast %squeeze3A_1109 : f32 to vector<16xf32>
          %mul3A_1118 = arith.mulf %get3A_1116, %mul3A_1117 : vector<16xf32>
          %swap3A_1119 = arith.index_cast %add3A_1113 : i32 to index
          %swap3A_1120 = arith.constant 0 : index
          %swap3A_1121 = tpu.vector_load %arg12[%swap3A_1119, %swap3A_1120] {strides = array<i32>} : memref<80x128xf32, #tpu.memory_space<vmem>>, vector<16xf32>,
          tpu.vector_store %arg12[%swap3A_1119, %swap3A_1120], %mul3A_1118 {strides = array<i32>} : memref<80x128xf32, #tpu.memory_space<vmem>>, vector<16xf32>,
          %get3A_1122 = arith.index_cast %add3A_1113 : i32 to index
          %get3A_1123 = arith.constant 16 : index
          %get3A_1124 = tpu.vector_load %arg12[%get3A_1122, %get3A_1123] {strides = array<i32>} : memref<80x128xf32, #tpu.memory_space<vmem>>, vector<16xf32>,
          %mul3A_1125 = vector.broadcast %squeeze3A_1109 : f32 to vector<16xf32>
          %mul3A_1126 = arith.mulf %get3A_1124, %mul3A_1125 : vector<16xf32>
          %swap3A_1127 = arith.index_cast %add3A_1113 : i32 to index
          %swap3A_1128 = arith.constant 16 : index
          %swap3A_1129 = tpu.vector_load %arg12[%swap3A_1127, %swap3A_1128] {strides = array<i32>} : memref<80x128xf32, #tpu.memory_space<vmem>>, vector<16xf32>,
          tpu.vector_store %arg12[%swap3A_1127, %swap3A_1128], %mul3A_1126 {strides = array<i32>} : memref<80x128xf32, #tpu.memory_space<vmem>>, vector<16xf32>,
          %get3A_1130 = arith.index_cast %add3A_1113 : i32 to index
          %get3A_1131 = arith.constant 32 : index
          %get3A_1132 = tpu.vector_load %arg12[%get3A_1130, %get3A_1131] {strides = array<i32>} : memref<80x128xf32, #tpu.memory_space<vmem>>, vector<16xf32>,
          %mul3A_1133 = vector.broadcast %squeeze3A_1109 : f32 to vector<16xf32>
          %mul3A_1134 = arith.mulf %get3A_1132, %mul3A_1133 : vector<16xf32>
          %swap3A_1135 = arith.index_cast %add3A_1113 : i32 to index
          %swap3A_1136 = arith.constant 32 : index
          %swap3A_1137 = tpu.vector_load %arg12[%swap3A_1135, %swap3A_1136] {strides = array<i32>} : memref<80x128xf32, #tpu.memory_space<vmem>>, vector<16xf32>,
          tpu.vector_store %arg12[%swap3A_1135, %swap3A_1136], %mul3A_1134 {strides = array<i32>} : memref<80x128xf32, #tpu.memory_space<vmem>>, vector<16xf32>,
          %get3A_1138 = arith.index_cast %add3A_1113 : i32 to index
          %get3A_1139 = arith.constant 48 : index
          %get3A_1140 = tpu.vector_load %arg12[%get3A_1138, %get3A_1139] {strides = array<i32>} : memref<80x128xf32, #tpu.memory_space<vmem>>, vector<16xf32>,
          %mul3A_1141 = vector.broadcast %squeeze3A_1109 : f32 to vector<16xf32>
          %mul3A_1142 = arith.mulf %get3A_1140, %mul3A_1141 : vector<16xf32>
          %swap3A_1143 = arith.index_cast %add3A_1113 : i32 to index
          %swap3A_1144 = arith.constant 48 : index
          %swap3A_1145 = tpu.vector_load %arg12[%swap3A_1143, %swap3A_1144] {strides = array<i32>} : memref<80x128xf32, #tpu.memory_space<vmem>>, vector<16xf32>,
          tpu.vector_store %arg12[%swap3A_1143, %swap3A_1144], %mul3A_1142 {strides = array<i32>} : memref<80x128xf32, #tpu.memory_space<vmem>>, vector<16xf32>,
          %get3A_1146 = arith.index_cast %add3A_1113 : i32 to index
          %get3A_1147 = arith.constant 64 : index
          %get3A_1148 = tpu.vector_load %arg12[%get3A_1146, %get3A_1147] {strides = array<i32>} : memref<80x128xf32, #tpu.memory_space<vmem>>, vector<16xf32>,
          %mul3A_1149 = vector.broadcast %squeeze3A_1109 : f32 to vector<16xf32>
          %mul3A_1150 = arith.mulf %get3A_1148, %mul3A_1149 : vector<16xf32>
          %swap3A_1151 = arith.index_cast %add3A_1113 : i32 to index
          %swap3A_1152 = arith.constant 64 : index
          %swap3A_1153 = tpu.vector_load %arg12[%swap3A_1151, %swap3A_1152] {strides = array<i32>} : memref<80x128xf32, #tpu.memory_space<vmem>>, vector<16xf32>,
          tpu.vector_store %arg12[%swap3A_1151, %swap3A_1152], %mul3A_1150 {strides = array<i32>} : memref<80x128xf32, #tpu.memory_space<vmem>>, vector<16xf32>,
          %get3A_1154 = arith.index_cast %add3A_1113 : i32 to index
          %get3A_1155 = arith.constant 80 : index
          %get3A_1156 = tpu.vector_load %arg12[%get3A_1154, %get3A_1155] {strides = array<i32>} : memref<80x128xf32, #tpu.memory_space<vmem>>, vector<16xf32>,
          %mul3A_1157 = vector.broadcast %squeeze3A_1109 : f32 to vector<16xf32>
          %mul3A_1158 = arith.mulf %get3A_1156, %mul3A_1157 : vector<16xf32>
          %swap3A_1159 = arith.index_cast %add3A_1113 : i32 to index
          %swap3A_1160 = arith.constant 80 : index
          %swap3A_1161 = tpu.vector_load %arg12[%swap3A_1159, %swap3A_1160] {strides = array<i32>} : memref<80x128xf32, #tpu.memory_space<vmem>>, vector<16xf32>,
          tpu.vector_store %arg12[%swap3A_1159, %swap3A_1160], %mul3A_1158 {strides = array<i32>} : memref<80x128xf32, #tpu.memory_space<vmem>>, vector<16xf32>,
          %get3A_1162 = arith.index_cast %add3A_1113 : i32 to index
          %get3A_1163 = arith.constant 96 : index
          %get3A_1164 = tpu.vector_load %arg12[%get3A_1162, %get3A_1163] {strides = array<i32>} : memref<80x128xf32, #tpu.memory_space<vmem>>, vector<16xf32>,
          %mul3A_1165 = vector.broadcast %squeeze3A_1109 : f32 to vector<16xf32>
          %mul3A_1166 = arith.mulf %get3A_1164, %mul3A_1165 : vector<16xf32>
          %swap3A_1167 = arith.index_cast %add3A_1113 : i32 to index
          %swap3A_1168 = arith.constant 96 : index
          %swap3A_1169 = tpu.vector_load %arg12[%swap3A_1167, %swap3A_1168] {strides = array<i32>} : memref<80x128xf32, #tpu.memory_space<vmem>>, vector<16xf32>,
          tpu.vector_store %arg12[%swap3A_1167, %swap3A_1168], %mul3A_1166 {strides = array<i32>} : memref<80x128xf32, #tpu.memory_space<vmem>>, vector<16xf32>,
          %get3A_1170 = arith.index_cast %add3A_1113 : i32 to index
          %get3A_1171 = arith.constant 112 : index
          %get3A_1172 = tpu.vector_load %arg12[%get3A_1170, %get3A_1171] {strides = array<i32>} : memref<80x128xf32, #tpu.memory_space<vmem>>, vector<16xf32>,
          %mul3A_1173 = vector.broadcast %squeeze3A_1109 : f32 to vector<16xf32>
          %mul3A_1174 = arith.mulf %get3A_1172, %mul3A_1173 : vector<16xf32>
          %swap3A_1175 = arith.index_cast %add3A_1113 : i32 to index
          %swap3A_1176 = arith.constant 112 : index
          %swap3A_1177 = tpu.vector_load %arg12[%swap3A_1175, %swap3A_1176] {strides = array<i32>} : memref<80x128xf32, #tpu.memory_space<vmem>>, vector<16xf32>,
          tpu.vector_store %arg12[%swap3A_1175, %swap3A_1176], %mul3A_1174 {strides = array<i32>} : memref<80x128xf32, #tpu.memory_space<vmem>>, vector<16xf32>,
        }
        %scan3A_51 = arith.constant 5 : i32
        "tpu.region"() ({
          %run_scoped3A = tpu.sem_alloc : memref<!tpu.dma_semaphore, #tpu.memory_space<semaphore_mem>>
          %dma_start3A_52 = arith.constant 0 : i32
          %dma_start3A_53 = tpu.memref_slice %arg10[%add3A_36, %dma_start3A_52] : memref<25x80xi32, #tpu.memory_space<vmem>> -> memref<1x80xi32, #tpu.memory_space<vmem>>
          %dma_start3A_54 = tpu.memref_squeeze %dma_start3A_53 : memref<1x80xi32, #tpu.memory_space<vmem>> -> memref<80xi32, #tpu.memory_space<vmem>>
          %dma_start3A_55 = arith.constant 0 : i32
          %dma_start3A_56 = arith.constant 0 : i32
          %dma_start3A_57 = tpu.memref_slice %arg8[%dma_start3A_55, %dma_start3A_56] : memref<10000x128xf32, #tpu.memory_space<vmem_shared>> -> memref<10000x128xf32, #tpu.memory_space<vmem_shared>>
          tpu.enqueue_indirect_dma source(%arg12 : memref<80x128xf32, #tpu.memory_space<vmem>>) target(%dma_start3A_57 : memref<10000x128xf32, #tpu.memory_space<vmem_shared>>) offsets(%dma_start3A_54 : memref<80xi32, #tpu.memory_space<vmem>>) semaphore(%run_scoped3A : memref<!tpu.dma_semaphore, #tpu.memory_space<semaphore_mem>>) {add = true}
          %dma_wait3A_58 = arith.constant 0 : i32
          %dma_wait3A_59 = tpu.memref_slice %arg10[%add3A_36, %dma_wait3A_58] : memref<25x80xi32, #tpu.memory_space<vmem>> -> memref<1x80xi32, #tpu.memory_space<vmem>>
          %dma_wait3A_60 = tpu.memref_squeeze %dma_wait3A_59 : memref<1x80xi32, #tpu.memory_space<vmem>> -> memref<80xi32, #tpu.memory_space<vmem>>
          %dma_wait3A_61 = arith.constant 0 : i32
          %dma_wait3A_62 = arith.constant 0 : i32
          %dma_wait3A_63 = tpu.memref_slice %arg8[%dma_wait3A_61, %dma_wait3A_62] : memref<10000x128xf32, #tpu.memory_space<vmem_shared>> -> memref<10000x128xf32, #tpu.memory_space<vmem_shared>>
          tpu.wait_indirect_dma semaphore(%run_scoped3A : memref<!tpu.dma_semaphore, #tpu.memory_space<semaphore_mem>>) src(%arg12 : memref<80x128xf32, #tpu.memory_space<vmem>>) dst(%dma_wait3A_63 : memref<10000x128xf32, #tpu.memory_space<vmem_shared>>)
          tpu.yield
        }) : () -> ()
      }
      %scan3A_31 = arith.constant 25 : i32
    }
    %scan3A_10 = arith.constant 5 : i32
    %barrier3A_11 = arith.constant 0 : index
    tpu.barrier barrier_id(%barrier3A_11)
    %lt3A_12 = arith.constant 15 : i32
    %lt3A_13 = arith.cmpi slt, %arg1, %lt3A_12 : i32
    %convert_element_type3A_14 = arith.extui %lt3A_13 : i1 to i32
    %cond3A_15 = arith.constant 0 : i32
    %cond3A_16 = arith.cmpi ne, %convert_element_type3A_14, %cond3A_15 : i32
    scf.if %cond3A_16 {
      %mul3A_22 = arith.constant 632 : i32
      %mul3A_23 = arith.muli %arg1, %mul3A_22 : i32
      %mul3A_24 = arith.constant 632 : i32
      %mul3A_25 = arith.muli %arg1, %mul3A_24 : i32
      "tpu.region"() ({
        %run_scoped3A = tpu.sem_alloc : memref<!tpu.dma_semaphore, #tpu.memory_space<semaphore_mem>>
        %dma_start3A = arith.constant 0 : i32
        %dma_start3A_26 = tpu.memref_slice %arg7[%arg0, %mul3A_25, %dma_start3A] : memref<2x10000x128xf32, #tpu.memory_space<hbm>> -> memref<1x632x128xf32, #tpu.memory_space<hbm>>
        %dma_start3A_27 = tpu.memref_squeeze %dma_start3A_26 : memref<1x632x128xf32, #tpu.memory_space<hbm>> -> memref<632x128xf32, #tpu.memory_space<hbm>>
        %dma_start3A_28 = arith.constant 0 : i32
        %dma_start3A_29 = tpu.memref_slice %arg8[%mul3A_23, %dma_start3A_28] : memref<10000x128xf32, #tpu.memory_space<vmem_shared>> -> memref<632x128xf32, #tpu.memory_space<vmem_shared>>
        tpu.enqueue_dma source(%dma_start3A_29 : memref<632x128xf32, #tpu.memory_space<vmem_shared>>) target(%dma_start3A_27 : memref<632x128xf32, #tpu.memory_space<hbm>>) target_semaphore(%run_scoped3A : memref<!tpu.dma_semaphore, #tpu.memory_space<semaphore_mem>>)
        %dma_wait3A = arith.constant 0 : i32
        %dma_wait3A_30 = tpu.memref_slice %arg7[%arg0, %mul3A_25, %dma_wait3A] : memref<2x10000x128xf32, #tpu.memory_space<hbm>> -> memref<1x632x128xf32, #tpu.memory_space<hbm>>
        %dma_wait3A_31 = tpu.memref_squeeze %dma_wait3A_30 : memref<1x632x128xf32, #tpu.memory_space<hbm>> -> memref<632x128xf32, #tpu.memory_space<hbm>>
        %dma_wait3A_32 = arith.constant 0 : i32
        %dma_wait3A_33 = tpu.memref_slice %arg8[%mul3A_23, %dma_wait3A_32] : memref<10000x128xf32, #tpu.memory_space<vmem_shared>> -> memref<632x128xf32, #tpu.memory_space<vmem_shared>>
        tpu.wait_dma2 semaphore(%run_scoped3A : memref<!tpu.dma_semaphore, #tpu.memory_space<semaphore_mem>>) src(%dma_wait3A_33 : memref<632x128xf32, #tpu.memory_space<vmem_shared>>) dst(%dma_wait3A_31 : memref<632x128xf32, #tpu.memory_space<hbm>>)
        tpu.yield
      }) : () -> ()
    } else {
    }
    %eq3A_17 = arith.constant 15 : i32
    %eq3A_18 = arith.cmpi eq, %arg1, %eq3A_17 : i32
    %convert_element_type3A_19 = arith.extui %eq3A_18 : i1 to i32
    %cond3A_20 = arith.constant 0 : i32
    %cond3A_21 = arith.cmpi ne, %convert_element_type3A_19, %cond3A_20 : i32
    scf.if %cond3A_21 {
      "tpu.region"() ({
        %run_scoped3A = tpu.sem_alloc : memref<!tpu.dma_semaphore, #tpu.memory_space<semaphore_mem>>
        %dma_start3A = arith.constant 9480 : i32
        %dma_start3A_22 = arith.constant 0 : i32
        %dma_start3A_23 = tpu.memref_slice %arg7[%arg0, %dma_start3A, %dma_start3A_22] : memref<2x10000x128xf32, #tpu.memory_space<hbm>> -> memref<1x520x128xf32, #tpu.memory_space<hbm>>
        %dma_start3A_24 = tpu.memref_squeeze %dma_start3A_23 : memref<1x520x128xf32, #tpu.memory_space<hbm>> -> memref<520x128xf32, #tpu.memory_space<hbm>>
        %dma_start3A_25 = arith.constant 9480 : i32
        %dma_start3A_26 = arith.constant 0 : i32
        %dma_start3A_27 = tpu.memref_slice %arg8[%dma_start3A_25, %dma_start3A_26] : memref<10000x128xf32, #tpu.memory_space<vmem_shared>> -> memref<520x128xf32, #tpu.memory_space<vmem_shared>>
        tpu.enqueue_dma source(%dma_start3A_27 : memref<520x128xf32, #tpu.memory_space<vmem_shared>>) target(%dma_start3A_24 : memref<520x128xf32, #tpu.memory_space<hbm>>) target_semaphore(%run_scoped3A : memref<!tpu.dma_semaphore, #tpu.memory_space<semaphore_mem>>)
        %dma_wait3A = arith.constant 9480 : i32
        %dma_wait3A_28 = arith.constant 0 : i32
        %dma_wait3A_29 = tpu.memref_slice %arg7[%arg0, %dma_wait3A, %dma_wait3A_28] : memref<2x10000x128xf32, #tpu.memory_space<hbm>> -> memref<1x520x128xf32, #tpu.memory_space<hbm>>
        %dma_wait3A_30 = tpu.memref_squeeze %dma_wait3A_29 : memref<1x520x128xf32, #tpu.memory_space<hbm>> -> memref<520x128xf32, #tpu.memory_space<hbm>>
        %dma_wait3A_31 = arith.constant 9480 : i32
        %dma_wait3A_32 = arith.constant 0 : i32
        %dma_wait3A_33 = tpu.memref_slice %arg8[%dma_wait3A_31, %dma_wait3A_32] : memref<10000x128xf32, #tpu.memory_space<vmem_shared>> -> memref<520x128xf32, #tpu.memory_space<vmem_shared>>
        tpu.wait_dma2 semaphore(%run_scoped3A : memref<!tpu.dma_semaphore, #tpu.memory_space<semaphore_mem>>) src(%dma_wait3A_33 : memref<520x128xf32, #tpu.memory_space<vmem_shared>>) dst(%dma_wait3A_30 : memref<520x128xf32, #tpu.memory_space<hbm>>)
        tpu.yield
      }) : () -> ()
    } else {
    }
    return
  }
}

#map = affine_map<(d0, d1) -> (0)>
#map1 = affine_map<(d0, d1) -> (0, 0)>
module attributes {stable_mosaic.version = 14 : i64} {
  func.func @_sc_degree(%arg0: i32, %arg1: i32, %arg2: memref<320000xi32, #tpu.memory_space<hbm>>, %arg3: memref<320000xf32, #tpu.memory_space<hbm>>, %arg4: memref<32x10000xf32, #tpu.memory_space<hbm>>, %arg5: memref<10000xf32, #tpu.memory_space<vmem>>, %arg6: memref<2000xi32, #tpu.memory_space<vmem>>, %arg7: memref<2000xf32, #tpu.memory_space<vmem>>) attributes {dimension_semantics = [#tpu.dimension_semantics<core_parallel>, #tpu.dimension_semantics<subcore_parallel>], iteration_bounds = array<i64: 2, 16>, scalar_prefetch = 0 : i64, scratch_operands = 3 : i64, tpu.core_type = #tpu.core_type<sc_vector_subcore>, window_params = [{transform_indices = #map}, {transform_indices = #map}, {transform_indices = #map1}]} {
    %mul3A = arith.constant 16 : i32
    %mul3A_0 = arith.muli %arg0, %mul3A : i32
    %add3A = arith.addi %mul3A_0, %arg1 : i32
    %scan3A = arith.constant 0 : i32
    %scan3A_1 = arith.constant 625 : i32
    %scan3A_2 = arith.addi %scan3A, %scan3A_1 : i32
    %scan3A_3 = arith.constant 1 : i32
    scf.for %scan3A_10 = %scan3A to %scan3A_2 step %scan3A_3  : i32 {
      %mul3A_11 = arith.constant 1 : i32
      %mul3A_12 = arith.muli %scan3A_10, %mul3A_11 : i32
      %add3A_13 = arith.constant 0 : i32
      %add3A_14 = arith.addi %add3A_13, %mul3A_12 : i32
      %broadcast_in_dim3A = arith.constant 0.000000e+00 : f32
      %broadcast_in_dim3A_15 = vector.broadcast %broadcast_in_dim3A : f32 to vector<16xf32>
      %mul3A_16 = arith.constant 16 : i32
      %mul3A_17 = arith.muli %add3A_14, %mul3A_16 : i32
      %swap3A = arith.index_cast %mul3A_17 : i32 to index
      %swap3A_18 = tpu.vector_load %arg5[%swap3A] {strides = array<i32>} : memref<10000xf32, #tpu.memory_space<vmem>>, vector<16xf32>,
      tpu.vector_store %arg5[%swap3A], %broadcast_in_dim3A_15 {strides = array<i32>} : memref<10000xf32, #tpu.memory_space<vmem>>, vector<16xf32>,
    }
    %scan3A_4 = arith.constant 625 : i32
    %scan3A_5 = arith.constant 0 : i32
    %scan3A_6 = arith.constant 5 : i32
    %scan3A_7 = arith.addi %scan3A_5, %scan3A_6 : i32
    %scan3A_8 = arith.constant 1 : i32
    scf.for %scan3A_10 = %scan3A_5 to %scan3A_7 step %scan3A_8  : i32 {
      %mul3A_11 = arith.constant 1 : i32
      %mul3A_12 = arith.muli %scan3A_10, %mul3A_11 : i32
      %add3A_13 = arith.constant 0 : i32
      %add3A_14 = arith.addi %add3A_13, %mul3A_12 : i32
      %mul3A_15 = arith.constant 10000 : i32
      %mul3A_16 = arith.muli %add3A, %mul3A_15 : i32
      %mul3A_17 = arith.constant 2000 : i32
      %mul3A_18 = arith.muli %add3A_14, %mul3A_17 : i32
      %add3A_19 = arith.addi %mul3A_16, %mul3A_18 : i32
      "tpu.region"() ({
        %run_scoped3A = tpu.sem_alloc : memref<!tpu.dma_semaphore, #tpu.memory_space<semaphore_mem>>
        %dma_start3A = tpu.memref_slice %arg2[%add3A_19] : memref<320000xi32, #tpu.memory_space<hbm>> -> memref<2000xi32, #tpu.memory_space<hbm>>
        %dma_start3A_25 = tpu.memref_slice %arg2[%add3A_19] : memref<320000xi32, #tpu.memory_space<hbm>> -> memref<2000xi32, #tpu.memory_space<hbm>>
        tpu.enqueue_dma source(%dma_start3A_25 : memref<2000xi32, #tpu.memory_space<hbm>>) target(%arg6 : memref<2000xi32, #tpu.memory_space<vmem>>) target_semaphore(%run_scoped3A : memref<!tpu.dma_semaphore, #tpu.memory_space<semaphore_mem>>)
        %dma_wait3A = tpu.memref_slice %arg2[%add3A_19] : memref<320000xi32, #tpu.memory_space<hbm>> -> memref<2000xi32, #tpu.memory_space<hbm>>
        %dma_wait3A_26 = tpu.memref_slice %arg2[%add3A_19] : memref<320000xi32, #tpu.memory_space<hbm>> -> memref<2000xi32, #tpu.memory_space<hbm>>
        tpu.wait_dma2 semaphore(%run_scoped3A : memref<!tpu.dma_semaphore, #tpu.memory_space<semaphore_mem>>) src(%dma_wait3A_26 : memref<2000xi32, #tpu.memory_space<hbm>>) dst(%arg6 : memref<2000xi32, #tpu.memory_space<vmem>>)
        tpu.yield
      }) : () -> ()
      "tpu.region"() ({
        %run_scoped3A = tpu.sem_alloc : memref<!tpu.dma_semaphore, #tpu.memory_space<semaphore_mem>>
        %dma_start3A = tpu.memref_slice %arg3[%add3A_19] : memref<320000xf32, #tpu.memory_space<hbm>> -> memref<2000xf32, #tpu.memory_space<hbm>>
        %dma_start3A_25 = tpu.memref_slice %arg3[%add3A_19] : memref<320000xf32, #tpu.memory_space<hbm>> -> memref<2000xf32, #tpu.memory_space<hbm>>
        tpu.enqueue_dma source(%dma_start3A_25 : memref<2000xf32, #tpu.memory_space<hbm>>) target(%arg7 : memref<2000xf32, #tpu.memory_space<vmem>>) target_semaphore(%run_scoped3A : memref<!tpu.dma_semaphore, #tpu.memory_space<semaphore_mem>>)
        %dma_wait3A = tpu.memref_slice %arg3[%add3A_19] : memref<320000xf32, #tpu.memory_space<hbm>> -> memref<2000xf32, #tpu.memory_space<hbm>>
        %dma_wait3A_26 = tpu.memref_slice %arg3[%add3A_19] : memref<320000xf32, #tpu.memory_space<hbm>> -> memref<2000xf32, #tpu.memory_space<hbm>>
        tpu.wait_dma2 semaphore(%run_scoped3A : memref<!tpu.dma_semaphore, #tpu.memory_space<semaphore_mem>>) src(%dma_wait3A_26 : memref<2000xf32, #tpu.memory_space<hbm>>) dst(%arg7 : memref<2000xf32, #tpu.memory_space<vmem>>)
        tpu.yield
      }) : () -> ()
      %scan3A_20 = arith.constant 0 : i32
      %scan3A_21 = arith.constant 125 : i32
      %scan3A_22 = arith.addi %scan3A_20, %scan3A_21 : i32
      %scan3A_23 = arith.constant 1 : i32
      scf.for %scan3A_25 = %scan3A_20 to %scan3A_22 step %scan3A_23  : i32 {
        %mul3A_26 = arith.constant 1 : i32
        %mul3A_27 = arith.muli %scan3A_25, %mul3A_26 : i32
        %add3A_28 = arith.constant 0 : i32
        %add3A_29 = arith.addi %add3A_28, %mul3A_27 : i32
        %mul3A_30 = arith.constant 16 : i32
        %mul3A_31 = arith.muli %add3A_29, %mul3A_30 : i32
        %get3A = arith.index_cast %mul3A_31 : i32 to index
        %get3A_32 = tpu.vector_load %arg6[%get3A] {strides = array<i32>} : memref<2000xi32, #tpu.memory_space<vmem>>, vector<16xi32>,
        %mul3A_33 = arith.constant 16 : i32
        %mul3A_34 = arith.muli %add3A_29, %mul3A_33 : i32
        %get3A_35 = arith.index_cast %mul3A_34 : i32 to index
        %get3A_36 = tpu.vector_load %arg7[%get3A_35] {strides = array<i32>} : memref<2000xf32, #tpu.memory_space<vmem>>, vector<16xf32>,
        tpu.vector_store_idx %arg5[%get3A_32], %get3A_36 {add = true} : memref<10000xf32, #tpu.memory_space<vmem>>[vector<16xi32>], vector<16xf32>,
      }
      %scan3A_24 = arith.constant 125 : i32
    }
    %scan3A_9 = arith.constant 5 : i32
    "tpu.region"() ({
      %run_scoped3A = tpu.sem_alloc : memref<!tpu.dma_semaphore, #tpu.memory_space<semaphore_mem>>
      %dma_start3A = arith.constant 0 : i32
      %dma_start3A_10 = tpu.memref_slice %arg4[%add3A, %dma_start3A] : memref<32x10000xf32, #tpu.memory_space<hbm>> -> memref<1x10000xf32, #tpu.memory_space<hbm>>
      %dma_start3A_11 = tpu.memref_squeeze %dma_start3A_10 : memref<1x10000xf32, #tpu.memory_space<hbm>> -> memref<10000xf32, #tpu.memory_space<hbm>>
      %dma_start3A_12 = arith.constant 0 : i32
      %dma_start3A_13 = tpu.memref_slice %arg4[%add3A, %dma_start3A_12] : memref<32x10000xf32, #tpu.memory_space<hbm>> -> memref<1x10000xf32, #tpu.memory_space<hbm>>
      %dma_start3A_14 = tpu.memref_squeeze %dma_start3A_13 : memref<1x10000xf32, #tpu.memory_space<hbm>> -> memref<10000xf32, #tpu.memory_space<hbm>>
      tpu.enqueue_dma source(%arg5 : memref<10000xf32, #tpu.memory_space<vmem>>) target(%dma_start3A_14 : memref<10000xf32, #tpu.memory_space<hbm>>) target_semaphore(%run_scoped3A : memref<!tpu.dma_semaphore, #tpu.memory_space<semaphore_mem>>)
      %dma_wait3A = arith.constant 0 : i32
      %dma_wait3A_15 = tpu.memref_slice %arg4[%add3A, %dma_wait3A] : memref<32x10000xf32, #tpu.memory_space<hbm>> -> memref<1x10000xf32, #tpu.memory_space<hbm>>
      %dma_wait3A_16 = tpu.memref_squeeze %dma_wait3A_15 : memref<1x10000xf32, #tpu.memory_space<hbm>> -> memref<10000xf32, #tpu.memory_space<hbm>>
      %dma_wait3A_17 = arith.constant 0 : i32
      %dma_wait3A_18 = tpu.memref_slice %arg4[%add3A, %dma_wait3A_17] : memref<32x10000xf32, #tpu.memory_space<hbm>> -> memref<1x10000xf32, #tpu.memory_space<hbm>>
      %dma_wait3A_19 = tpu.memref_squeeze %dma_wait3A_18 : memref<1x10000xf32, #tpu.memory_space<hbm>> -> memref<10000xf32, #tpu.memory_space<hbm>>
      tpu.wait_dma2 semaphore(%run_scoped3A : memref<!tpu.dma_semaphore, #tpu.memory_space<semaphore_mem>>) src(%arg5 : memref<10000xf32, #tpu.memory_space<vmem>>) dst(%dma_wait3A_19 : memref<10000xf32, #tpu.memory_space<hbm>>)
      tpu.yield
    }) : () -> ()
    return
  }
}

#map = affine_map<(d0, d1) -> (0, 0)>
#map1 = affine_map<(d0, d1) -> (0, 0, 0, 0)>
#map2 = affine_map<(d0, d1) -> (0, 0, 0)>
module attributes {stable_mosaic.version = 14 : i64} {
  func.func @_sc_aggregate(%arg0: i32, %arg1: i32, %arg2: memref<10000x128xf32, #tpu.memory_space<hbm>>, %arg3: memref<32x5x25x80xi32, #tpu.memory_space<hbm>>, %arg4: memref<32x5x25x80xi32, #tpu.memory_space<hbm>>, %arg5: memref<32x5x25x80xf32, #tpu.memory_space<hbm>>, %arg6: memref<10000x128xf32, #tpu.memory_space<hbm>>, %arg7: memref<2x10000x128xf32, #tpu.memory_space<hbm>>, %arg8: memref<10000x128xf32, #tpu.memory_space<vmem_shared>>, %arg9: memref<25x80xi32, #tpu.memory_space<vmem>>, %arg10: memref<25x80xi32, #tpu.memory_space<vmem>>, %arg11: memref<25x80xf32, #tpu.memory_space<vmem>>, %arg12: memref<80x128xf32, #tpu.memory_space<vmem>>, %arg13: memref<!tpu.dma_semaphore, #tpu.memory_space<semaphore_mem>>) attributes {dimension_semantics = [#tpu.dimension_semantics<core_parallel>, #tpu.dimension_semantics<subcore_parallel>], iteration_bounds = array<i64: 2, 16>, scalar_prefetch = 0 : i64, scratch_operands = 6 : i64, tpu.core_type = #tpu.core_type<sc_vector_subcore>, window_params = [{transform_indices = #map}, {transform_indices = #map1}, {transform_indices = #map1}, {transform_indices = #map1}, {transform_indices = #map}, {transform_indices = #map2}]} {
    %mul3A = arith.constant 16 : i32
    %mul3A_0 = arith.muli %arg0, %mul3A : i32
    %add3A = arith.addi %mul3A_0, %arg1 : i32
    %lt3A = arith.constant 15 : i32
    %lt3A_1 = arith.cmpi slt, %arg1, %lt3A : i32
    %convert_element_type3A = arith.extui %lt3A_1 : i1 to i32
    %cond3A = arith.constant 0 : i32
    %cond3A_2 = arith.cmpi ne, %convert_element_type3A, %cond3A : i32
    scf.if %cond3A_2 {
      %mul3A_22 = arith.constant 632 : i32
      %mul3A_23 = arith.muli %arg1, %mul3A_22 : i32
      %mul3A_24 = arith.constant 632 : i32
      %mul3A_25 = arith.muli %arg1, %mul3A_24 : i32
      "tpu.region"() ({
        %run_scoped3A = tpu.sem_alloc : memref<!tpu.dma_semaphore, #tpu.memory_space<semaphore_mem>>
        %dma_start3A = arith.constant 0 : i32
        %dma_start3A_26 = tpu.memref_slice %arg8[%mul3A_25, %dma_start3A] : memref<10000x128xf32, #tpu.memory_space<vmem_shared>> -> memref<632x128xf32, #tpu.memory_space<vmem_shared>>
        %dma_start3A_27 = arith.constant 0 : i32
        %dma_start3A_28 = tpu.memref_slice %arg6[%mul3A_23, %dma_start3A_27] : memref<10000x128xf32, #tpu.memory_space<hbm>> -> memref<632x128xf32, #tpu.memory_space<hbm>>
        tpu.enqueue_dma source(%dma_start3A_28 : memref<632x128xf32, #tpu.memory_space<hbm>>) target(%dma_start3A_26 : memref<632x128xf32, #tpu.memory_space<vmem_shared>>) target_semaphore(%run_scoped3A : memref<!tpu.dma_semaphore, #tpu.memory_space<semaphore_mem>>)
        %dma_wait3A = arith.constant 0 : i32
        %dma_wait3A_29 = tpu.memref_slice %arg8[%mul3A_25, %dma_wait3A] : memref<10000x128xf32, #tpu.memory_space<vmem_shared>> -> memref<632x128xf32, #tpu.memory_space<vmem_shared>>
        %dma_wait3A_30 = arith.constant 0 : i32
        %dma_wait3A_31 = tpu.memref_slice %arg6[%mul3A_23, %dma_wait3A_30] : memref<10000x128xf32, #tpu.memory_space<hbm>> -> memref<632x128xf32, #tpu.memory_space<hbm>>
        tpu.wait_dma2 semaphore(%run_scoped3A : memref<!tpu.dma_semaphore, #tpu.memory_space<semaphore_mem>>) src(%dma_wait3A_31 : memref<632x128xf32, #tpu.memory_space<hbm>>) dst(%dma_wait3A_29 : memref<632x128xf32, #tpu.memory_space<vmem_shared>>)
        tpu.yield
      }) : () -> ()
    } else {
    }
    %eq3A = arith.constant 15 : i32
    %eq3A_3 = arith.cmpi eq, %arg1, %eq3A : i32
    %convert_element_type3A_4 = arith.extui %eq3A_3 : i1 to i32
    %cond3A_5 = arith.constant 0 : i32
    %cond3A_6 = arith.cmpi ne, %convert_element_type3A_4, %cond3A_5 : i32
    scf.if %cond3A_6 {
      "tpu.region"() ({
        %run_scoped3A = tpu.sem_alloc : memref<!tpu.dma_semaphore, #tpu.memory_space<semaphore_mem>>
        %dma_start3A = arith.constant 9480 : i32
        %dma_start3A_22 = arith.constant 0 : i32
        %dma_start3A_23 = tpu.memref_slice %arg8[%dma_start3A, %dma_start3A_22] : memref<10000x128xf32, #tpu.memory_space<vmem_shared>> -> memref<520x128xf32, #tpu.memory_space<vmem_shared>>
        %dma_start3A_24 = arith.constant 9480 : i32
        %dma_start3A_25 = arith.constant 0 : i32
        %dma_start3A_26 = tpu.memref_slice %arg6[%dma_start3A_24, %dma_start3A_25] : memref<10000x128xf32, #tpu.memory_space<hbm>> -> memref<520x128xf32, #tpu.memory_space<hbm>>
        tpu.enqueue_dma source(%dma_start3A_26 : memref<520x128xf32, #tpu.memory_space<hbm>>) target(%dma_start3A_23 : memref<520x128xf32, #tpu.memory_space<vmem_shared>>) target_semaphore(%run_scoped3A : memref<!tpu.dma_semaphore, #tpu.memory_space<semaphore_mem>>)
        %dma_wait3A = arith.constant 9480 : i32
        %dma_wait3A_27 = arith.constant 0 : i32
        %dma_wait3A_28 = tpu.memref_slice %arg8[%dma_wait3A, %dma_wait3A_27] : memref<10000x128xf32, #tpu.memory_space<vmem_shared>> -> memref<520x128xf32, #tpu.memory_space<vmem_shared>>
        %dma_wait3A_29 = arith.constant 9480 : i32
        %dma_wait3A_30 = arith.constant 0 : i32
        %dma_wait3A_31 = tpu.memref_slice %arg6[%dma_wait3A_29, %dma_wait3A_30] : memref<10000x128xf32, #tpu.memory_space<hbm>> -> memref<520x128xf32, #tpu.memory_space<hbm>>
        tpu.wait_dma2 semaphore(%run_scoped3A : memref<!tpu.dma_semaphore, #tpu.memory_space<semaphore_mem>>) src(%dma_wait3A_31 : memref<520x128xf32, #tpu.memory_space<hbm>>) dst(%dma_wait3A_28 : memref<520x128xf32, #tpu.memory_space<vmem_shared>>)
        tpu.yield
      }) : () -> ()
    } else {
    }
    %barrier3A = arith.constant 0 : index
    tpu.barrier barrier_id(%barrier3A)
    %scan3A = arith.constant 0 : i32
    %scan3A_7 = arith.constant 5 : i32
    %scan3A_8 = arith.addi %scan3A, %scan3A_7 : i32
    %scan3A_9 = arith.constant 1 : i32
    scf.for %scan3A_22 = %scan3A to %scan3A_8 step %scan3A_9  : i32 {
      %mul3A_23 = arith.constant 1 : i32
      %mul3A_24 = arith.muli %scan3A_22, %mul3A_23 : i32
      %add3A_25 = arith.constant 0 : i32
      %add3A_26 = arith.addi %add3A_25, %mul3A_24 : i32
      "tpu.region"() ({
        %run_scoped3A = tpu.sem_alloc : memref<!tpu.dma_semaphore, #tpu.memory_space<semaphore_mem>>
        %dma_start3A = arith.constant 0 : i32
        %dma_start3A_32 = arith.constant 0 : i32
        %dma_start3A_33 = tpu.memref_slice %arg3[%add3A, %add3A_26, %dma_start3A, %dma_start3A_32] : memref<32x5x25x80xi32, #tpu.memory_space<hbm>> -> memref<1x1x25x80xi32, #tpu.memory_space<hbm>>
        %dma_start3A_34 = tpu.memref_squeeze %dma_start3A_33 : memref<1x1x25x80xi32, #tpu.memory_space<hbm>> -> memref<25x80xi32, #tpu.memory_space<hbm>>
        %dma_start3A_35 = arith.constant 0 : i32
        %dma_start3A_36 = arith.constant 0 : i32
        %dma_start3A_37 = tpu.memref_slice %arg3[%add3A, %add3A_26, %dma_start3A_35, %dma_start3A_36] : memref<32x5x25x80xi32, #tpu.memory_space<hbm>> -> memref<1x1x25x80xi32, #tpu.memory_space<hbm>>
        %dma_start3A_38 = tpu.memref_squeeze %dma_start3A_37 : memref<1x1x25x80xi32, #tpu.memory_space<hbm>> -> memref<25x80xi32, #tpu.memory_space<hbm>>
        tpu.enqueue_dma source(%dma_start3A_38 : memref<25x80xi32, #tpu.memory_space<hbm>>) target(%arg9 : memref<25x80xi32, #tpu.memory_space<vmem>>) target_semaphore(%run_scoped3A : memref<!tpu.dma_semaphore, #tpu.memory_space<semaphore_mem>>)
        %dma_wait3A = arith.constant 0 : i32
        %dma_wait3A_39 = arith.constant 0 : i32
        %dma_wait3A_40 = tpu.memref_slice %arg3[%add3A, %add3A_26, %dma_wait3A, %dma_wait3A_39] : memref<32x5x25x80xi32, #tpu.memory_space<hbm>> -> memref<1x1x25x80xi32, #tpu.memory_space<hbm>>
        %dma_wait3A_41 = tpu.memref_squeeze %dma_wait3A_40 : memref<1x1x25x80xi32, #tpu.memory_space<hbm>> -> memref<25x80xi32, #tpu.memory_space<hbm>>
        %dma_wait3A_42 = arith.constant 0 : i32
        %dma_wait3A_43 = arith.constant 0 : i32
        %dma_wait3A_44 = tpu.memref_slice %arg3[%add3A, %add3A_26, %dma_wait3A_42, %dma_wait3A_43] : memref<32x5x25x80xi32, #tpu.memory_space<hbm>> -> memref<1x1x25x80xi32, #tpu.memory_space<hbm>>
        %dma_wait3A_45 = tpu.memref_squeeze %dma_wait3A_44 : memref<1x1x25x80xi32, #tpu.memory_space<hbm>> -> memref<25x80xi32, #tpu.memory_space<hbm>>
        tpu.wait_dma2 semaphore(%run_scoped3A : memref<!tpu.dma_semaphore, #tpu.memory_space<semaphore_mem>>) src(%dma_wait3A_45 : memref<25x80xi32, #tpu.memory_space<hbm>>) dst(%arg9 : memref<25x80xi32, #tpu.memory_space<vmem>>)
        tpu.yield
      }) : () -> ()
      "tpu.region"() ({
        %run_scoped3A = tpu.sem_alloc : memref<!tpu.dma_semaphore, #tpu.memory_space<semaphore_mem>>
        %dma_start3A = arith.constant 0 : i32
        %dma_start3A_32 = arith.constant 0 : i32
        %dma_start3A_33 = tpu.memref_slice %arg4[%add3A, %add3A_26, %dma_start3A, %dma_start3A_32] : memref<32x5x25x80xi32, #tpu.memory_space<hbm>> -> memref<1x1x25x80xi32, #tpu.memory_space<hbm>>
        %dma_start3A_34 = tpu.memref_squeeze %dma_start3A_33 : memref<1x1x25x80xi32, #tpu.memory_space<hbm>> -> memref<25x80xi32, #tpu.memory_space<hbm>>
        %dma_start3A_35 = arith.constant 0 : i32
        %dma_start3A_36 = arith.constant 0 : i32
        %dma_start3A_37 = tpu.memref_slice %arg4[%add3A, %add3A_26, %dma_start3A_35, %dma_start3A_36] : memref<32x5x25x80xi32, #tpu.memory_space<hbm>> -> memref<1x1x25x80xi32, #tpu.memory_space<hbm>>
        %dma_start3A_38 = tpu.memref_squeeze %dma_start3A_37 : memref<1x1x25x80xi32, #tpu.memory_space<hbm>> -> memref<25x80xi32, #tpu.memory_space<hbm>>
        tpu.enqueue_dma source(%dma_start3A_38 : memref<25x80xi32, #tpu.memory_space<hbm>>) target(%arg10 : memref<25x80xi32, #tpu.memory_space<vmem>>) target_semaphore(%run_scoped3A : memref<!tpu.dma_semaphore, #tpu.memory_space<semaphore_mem>>)
        %dma_wait3A = arith.constant 0 : i32
        %dma_wait3A_39 = arith.constant 0 : i32
        %dma_wait3A_40 = tpu.memref_slice %arg4[%add3A, %add3A_26, %dma_wait3A, %dma_wait3A_39] : memref<32x5x25x80xi32, #tpu.memory_space<hbm>> -> memref<1x1x25x80xi32, #tpu.memory_space<hbm>>
        %dma_wait3A_41 = tpu.memref_squeeze %dma_wait3A_40 : memref<1x1x25x80xi32, #tpu.memory_space<hbm>> -> memref<25x80xi32, #tpu.memory_space<hbm>>
        %dma_wait3A_42 = arith.constant 0 : i32
        %dma_wait3A_43 = arith.constant 0 : i32
        %dma_wait3A_44 = tpu.memref_slice %arg4[%add3A, %add3A_26, %dma_wait3A_42, %dma_wait3A_43] : memref<32x5x25x80xi32, #tpu.memory_space<hbm>> -> memref<1x1x25x80xi32, #tpu.memory_space<hbm>>
        %dma_wait3A_45 = tpu.memref_squeeze %dma_wait3A_44 : memref<1x1x25x80xi32, #tpu.memory_space<hbm>> -> memref<25x80xi32, #tpu.memory_space<hbm>>
        tpu.wait_dma2 semaphore(%run_scoped3A : memref<!tpu.dma_semaphore, #tpu.memory_space<semaphore_mem>>) src(%dma_wait3A_45 : memref<25x80xi32, #tpu.memory_space<hbm>>) dst(%arg10 : memref<25x80xi32, #tpu.memory_space<vmem>>)
        tpu.yield
      }) : () -> ()
      "tpu.region"() ({
        %run_scoped3A = tpu.sem_alloc : memref<!tpu.dma_semaphore, #tpu.memory_space<semaphore_mem>>
        %dma_start3A = arith.constant 0 : i32
        %dma_start3A_32 = arith.constant 0 : i32
        %dma_start3A_33 = tpu.memref_slice %arg5[%add3A, %add3A_26, %dma_start3A, %dma_start3A_32] : memref<32x5x25x80xf32, #tpu.memory_space<hbm>> -> memref<1x1x25x80xf32, #tpu.memory_space<hbm>>
        %dma_start3A_34 = tpu.memref_squeeze %dma_start3A_33 : memref<1x1x25x80xf32, #tpu.memory_space<hbm>> -> memref<25x80xf32, #tpu.memory_space<hbm>>
        %dma_start3A_35 = arith.constant 0 : i32
        %dma_start3A_36 = arith.constant 0 : i32
        %dma_start3A_37 = tpu.memref_slice %arg5[%add3A, %add3A_26, %dma_start3A_35, %dma_start3A_36] : memref<32x5x25x80xf32, #tpu.memory_space<hbm>> -> memref<1x1x25x80xf32, #tpu.memory_space<hbm>>
        %dma_start3A_38 = tpu.memref_squeeze %dma_start3A_37 : memref<1x1x25x80xf32, #tpu.memory_space<hbm>> -> memref<25x80xf32, #tpu.memory_space<hbm>>
        tpu.enqueue_dma source(%dma_start3A_38 : memref<25x80xf32, #tpu.memory_space<hbm>>) target(%arg11 : memref<25x80xf32, #tpu.memory_space<vmem>>) target_semaphore(%run_scoped3A : memref<!tpu.dma_semaphore, #tpu.memory_space<semaphore_mem>>)
        %dma_wait3A = arith.constant 0 : i32
        %dma_wait3A_39 = arith.constant 0 : i32
        %dma_wait3A_40 = tpu.memref_slice %arg5[%add3A, %add3A_26, %dma_wait3A, %dma_wait3A_39] : memref<32x5x25x80xf32, #tpu.memory_space<hbm>> -> memref<1x1x25x80xf32, #tpu.memory_space<hbm>>
        %dma_wait3A_41 = tpu.memref_squeeze %dma_wait3A_40 : memref<1x1x25x80xf32, #tpu.memory_space<hbm>> -> memref<25x80xf32, #tpu.memory_space<hbm>>
        %dma_wait3A_42 = arith.constant 0 : i32
        %dma_wait3A_43 = arith.constant 0 : i32
        %dma_wait3A_44 = tpu.memref_slice %arg5[%add3A, %add3A_26, %dma_wait3A_42, %dma_wait3A_43] : memref<32x5x25x80xf32, #tpu.memory_space<hbm>> -> memref<1x1x25x80xf32, #tpu.memory_space<hbm>>
        %dma_wait3A_45 = tpu.memref_squeeze %dma_wait3A_44 : memref<1x1x25x80xf32, #tpu.memory_space<hbm>> -> memref<25x80xf32, #tpu.memory_space<hbm>>
        tpu.wait_dma2 semaphore(%run_scoped3A : memref<!tpu.dma_semaphore, #tpu.memory_space<semaphore_mem>>) src(%dma_wait3A_45 : memref<25x80xf32, #tpu.memory_space<hbm>>) dst(%arg11 : memref<25x80xf32, #tpu.memory_space<vmem>>)
        tpu.yield
      }) : () -> ()
      %scan3A_27 = arith.constant 0 : i32
      %scan3A_28 = arith.constant 25 : i32
      %scan3A_29 = arith.addi %scan3A_27, %scan3A_28 : i32
      %scan3A_30 = arith.constant 1 : i32
      scf.for %scan3A_32 = %scan3A_27 to %scan3A_29 step %scan3A_30  : i32 {
        %mul3A_33 = arith.constant 1 : i32
        %mul3A_34 = arith.muli %scan3A_32, %mul3A_33 : i32
        %add3A_35 = arith.constant 0 : i32
        %add3A_36 = arith.addi %add3A_35, %mul3A_34 : i32
        %dma_start3A = arith.constant 0 : i32
        %dma_start3A_37 = tpu.memref_slice %arg9[%add3A_36, %dma_start3A] : memref<25x80xi32, #tpu.memory_space<vmem>> -> memref<1x80xi32, #tpu.memory_space<vmem>>
        %dma_start3A_38 = tpu.memref_squeeze %dma_start3A_37 : memref<1x80xi32, #tpu.memory_space<vmem>> -> memref<80xi32, #tpu.memory_space<vmem>>
        %dma_start3A_39 = arith.constant 0 : i32
        %dma_start3A_40 = arith.constant 0 : i32
        %dma_start3A_41 = tpu.memref_slice %arg2[%dma_start3A_39, %dma_start3A_40] : memref<10000x128xf32, #tpu.memory_space<hbm>> -> memref<10000x128xf32, #tpu.memory_space<hbm>>
        tpu.enqueue_indirect_dma source(%dma_start3A_41 : memref<10000x128xf32, #tpu.memory_space<hbm>>) target(%arg12 : memref<80x128xf32, #tpu.memory_space<vmem>>) offsets(%dma_start3A_38 : memref<80xi32, #tpu.memory_space<vmem>>) semaphore(%arg13 : memref<!tpu.dma_semaphore, #tpu.memory_space<semaphore_mem>>)
        %dma_wait3A = arith.constant 0 : i32
        %dma_wait3A_42 = tpu.memref_slice %arg9[%add3A_36, %dma_wait3A] : memref<25x80xi32, #tpu.memory_space<vmem>> -> memref<1x80xi32, #tpu.memory_space<vmem>>
        %dma_wait3A_43 = tpu.memref_squeeze %dma_wait3A_42 : memref<1x80xi32, #tpu.memory_space<vmem>> -> memref<80xi32, #tpu.memory_space<vmem>>
        %dma_wait3A_44 = arith.constant 0 : i32
        %dma_wait3A_45 = arith.constant 0 : i32
        %dma_wait3A_46 = tpu.memref_slice %arg2[%dma_wait3A_44, %dma_wait3A_45] : memref<10000x128xf32, #tpu.memory_space<hbm>> -> memref<10000x128xf32, #tpu.memory_space<hbm>>
        tpu.wait_indirect_dma semaphore(%arg13 : memref<!tpu.dma_semaphore, #tpu.memory_space<semaphore_mem>>) src(%dma_wait3A_46 : memref<10000x128xf32, #tpu.memory_space<hbm>>) dst(%arg12 : memref<80x128xf32, #tpu.memory_space<vmem>>)
        %scan3A_47 = arith.constant 0 : i32
        %scan3A_48 = arith.constant 5 : i32
        %scan3A_49 = arith.addi %scan3A_47, %scan3A_48 : i32
        %scan3A_50 = arith.constant 1 : i32
        scf.for %scan3A_52 = %scan3A_47 to %scan3A_49 step %scan3A_50  : i32 {
          %mul3A_53 = arith.constant 1 : i32
          %mul3A_54 = arith.muli %scan3A_52, %mul3A_53 : i32
          %add3A_55 = arith.constant 0 : i32
          %add3A_56 = arith.addi %add3A_55, %mul3A_54 : i32
          %mul3A_57 = arith.constant 16 : i32
          %mul3A_58 = arith.muli %add3A_56, %mul3A_57 : i32
          %get3A = arith.index_cast %add3A_36 : i32 to index
          %get3A_59 = arith.index_cast %mul3A_58 : i32 to index
          %get3A_60 = tpu.vector_load %arg11[%get3A, %get3A_59] {strides = array<i32>} : memref<25x80xf32, #tpu.memory_space<vmem>>, vector<16xf32>,
          %slice3A = vector.extract_strided_slice %get3A_60 {offsets = [0], sizes = [1], strides = [1]} : vector<16xf32> to vector<1xf32>
          %squeeze3A = vector.extract %slice3A[0] : f32 from vector<1xf32>
          %mul3A_61 = arith.constant 16 : i32
          %mul3A_62 = arith.muli %add3A_56, %mul3A_61 : i32
          %add3A_63 = arith.constant 0 : i32
          %add3A_64 = arith.addi %mul3A_62, %add3A_63 : i32
          %get3A_65 = arith.index_cast %add3A_64 : i32 to index
          %get3A_66 = arith.constant 0 : index
          %get3A_67 = tpu.vector_load %arg12[%get3A_65, %get3A_66] {strides = array<i32>} : memref<80x128xf32, #tpu.memory_space<vmem>>, vector<16xf32>,
          %mul3A_68 = vector.broadcast %squeeze3A : f32 to vector<16xf32>
          %mul3A_69 = arith.mulf %get3A_67, %mul3A_68 : vector<16xf32>
          %swap3A = arith.index_cast %add3A_64 : i32 to index
          %swap3A_70 = arith.constant 0 : index
          %swap3A_71 = tpu.vector_load %arg12[%swap3A, %swap3A_70] {strides = array<i32>} : memref<80x128xf32, #tpu.memory_space<vmem>>, vector<16xf32>,
          tpu.vector_store %arg12[%swap3A, %swap3A_70], %mul3A_69 {strides = array<i32>} : memref<80x128xf32, #tpu.memory_space<vmem>>, vector<16xf32>,
          %get3A_72 = arith.index_cast %add3A_64 : i32 to index
          %get3A_73 = arith.constant 16 : index
          %get3A_74 = tpu.vector_load %arg12[%get3A_72, %get3A_73] {strides = array<i32>} : memref<80x128xf32, #tpu.memory_space<vmem>>, vector<16xf32>,
          %mul3A_75 = vector.broadcast %squeeze3A : f32 to vector<16xf32>
          %mul3A_76 = arith.mulf %get3A_74, %mul3A_75 : vector<16xf32>
          %swap3A_77 = arith.index_cast %add3A_64 : i32 to index
          %swap3A_78 = arith.constant 16 : index
          %swap3A_79 = tpu.vector_load %arg12[%swap3A_77, %swap3A_78] {strides = array<i32>} : memref<80x128xf32, #tpu.memory_space<vmem>>, vector<16xf32>,
          tpu.vector_store %arg12[%swap3A_77, %swap3A_78], %mul3A_76 {strides = array<i32>} : memref<80x128xf32, #tpu.memory_space<vmem>>, vector<16xf32>,
          %get3A_80 = arith.index_cast %add3A_64 : i32 to index
          %get3A_81 = arith.constant 32 : index
          %get3A_82 = tpu.vector_load %arg12[%get3A_80, %get3A_81] {strides = array<i32>} : memref<80x128xf32, #tpu.memory_space<vmem>>, vector<16xf32>,
          %mul3A_83 = vector.broadcast %squeeze3A : f32 to vector<16xf32>
          %mul3A_84 = arith.mulf %get3A_82, %mul3A_83 : vector<16xf32>
          %swap3A_85 = arith.index_cast %add3A_64 : i32 to index
          %swap3A_86 = arith.constant 32 : index
          %swap3A_87 = tpu.vector_load %arg12[%swap3A_85, %swap3A_86] {strides = array<i32>} : memref<80x128xf32, #tpu.memory_space<vmem>>, vector<16xf32>,
          tpu.vector_store %arg12[%swap3A_85, %swap3A_86], %mul3A_84 {strides = array<i32>} : memref<80x128xf32, #tpu.memory_space<vmem>>, vector<16xf32>,
          %get3A_88 = arith.index_cast %add3A_64 : i32 to index
          %get3A_89 = arith.constant 48 : index
          %get3A_90 = tpu.vector_load %arg12[%get3A_88, %get3A_89] {strides = array<i32>} : memref<80x128xf32, #tpu.memory_space<vmem>>, vector<16xf32>,
          %mul3A_91 = vector.broadcast %squeeze3A : f32 to vector<16xf32>
          %mul3A_92 = arith.mulf %get3A_90, %mul3A_91 : vector<16xf32>
          %swap3A_93 = arith.index_cast %add3A_64 : i32 to index
          %swap3A_94 = arith.constant 48 : index
          %swap3A_95 = tpu.vector_load %arg12[%swap3A_93, %swap3A_94] {strides = array<i32>} : memref<80x128xf32, #tpu.memory_space<vmem>>, vector<16xf32>,
          tpu.vector_store %arg12[%swap3A_93, %swap3A_94], %mul3A_92 {strides = array<i32>} : memref<80x128xf32, #tpu.memory_space<vmem>>, vector<16xf32>,
          %get3A_96 = arith.index_cast %add3A_64 : i32 to index
          %get3A_97 = arith.constant 64 : index
          %get3A_98 = tpu.vector_load %arg12[%get3A_96, %get3A_97] {strides = array<i32>} : memref<80x128xf32, #tpu.memory_space<vmem>>, vector<16xf32>,
          %mul3A_99 = vector.broadcast %squeeze3A : f32 to vector<16xf32>
          %mul3A_100 = arith.mulf %get3A_98, %mul3A_99 : vector<16xf32>
          %swap3A_101 = arith.index_cast %add3A_64 : i32 to index
          %swap3A_102 = arith.constant 64 : index
          %swap3A_103 = tpu.vector_load %arg12[%swap3A_101, %swap3A_102] {strides = array<i32>} : memref<80x128xf32, #tpu.memory_space<vmem>>, vector<16xf32>,
          tpu.vector_store %arg12[%swap3A_101, %swap3A_102], %mul3A_100 {strides = array<i32>} : memref<80x128xf32, #tpu.memory_space<vmem>>, vector<16xf32>,
          %get3A_104 = arith.index_cast %add3A_64 : i32 to index
          %get3A_105 = arith.constant 80 : index
          %get3A_106 = tpu.vector_load %arg12[%get3A_104, %get3A_105] {strides = array<i32>} : memref<80x128xf32, #tpu.memory_space<vmem>>, vector<16xf32>,
          %mul3A_107 = vector.broadcast %squeeze3A : f32 to vector<16xf32>
          %mul3A_108 = arith.mulf %get3A_106, %mul3A_107 : vector<16xf32>
          %swap3A_109 = arith.index_cast %add3A_64 : i32 to index
          %swap3A_110 = arith.constant 80 : index
          %swap3A_111 = tpu.vector_load %arg12[%swap3A_109, %swap3A_110] {strides = array<i32>} : memref<80x128xf32, #tpu.memory_space<vmem>>, vector<16xf32>,
          tpu.vector_store %arg12[%swap3A_109, %swap3A_110], %mul3A_108 {strides = array<i32>} : memref<80x128xf32, #tpu.memory_space<vmem>>, vector<16xf32>,
          %get3A_112 = arith.index_cast %add3A_64 : i32 to index
          %get3A_113 = arith.constant 96 : index
          %get3A_114 = tpu.vector_load %arg12[%get3A_112, %get3A_113] {strides = array<i32>} : memref<80x128xf32, #tpu.memory_space<vmem>>, vector<16xf32>,
          %mul3A_115 = vector.broadcast %squeeze3A : f32 to vector<16xf32>
          %mul3A_116 = arith.mulf %get3A_114, %mul3A_115 : vector<16xf32>
          %swap3A_117 = arith.index_cast %add3A_64 : i32 to index
          %swap3A_118 = arith.constant 96 : index
          %swap3A_119 = tpu.vector_load %arg12[%swap3A_117, %swap3A_118] {strides = array<i32>} : memref<80x128xf32, #tpu.memory_space<vmem>>, vector<16xf32>,
          tpu.vector_store %arg12[%swap3A_117, %swap3A_118], %mul3A_116 {strides = array<i32>} : memref<80x128xf32, #tpu.memory_space<vmem>>, vector<16xf32>,
          %get3A_120 = arith.index_cast %add3A_64 : i32 to index
          %get3A_121 = arith.constant 112 : index
          %get3A_122 = tpu.vector_load %arg12[%get3A_120, %get3A_121] {strides = array<i32>} : memref<80x128xf32, #tpu.memory_space<vmem>>, vector<16xf32>,
          %mul3A_123 = vector.broadcast %squeeze3A : f32 to vector<16xf32>
          %mul3A_124 = arith.mulf %get3A_122, %mul3A_123 : vector<16xf32>
          %swap3A_125 = arith.index_cast %add3A_64 : i32 to index
          %swap3A_126 = arith.constant 112 : index
          %swap3A_127 = tpu.vector_load %arg12[%swap3A_125, %swap3A_126] {strides = array<i32>} : memref<80x128xf32, #tpu.memory_space<vmem>>, vector<16xf32>,
          tpu.vector_store %arg12[%swap3A_125, %swap3A_126], %mul3A_124 {strides = array<i32>} : memref<80x128xf32, #tpu.memory_space<vmem>>, vector<16xf32>,
          %slice3A_128 = vector.extract_strided_slice %get3A_60 {offsets = [1], sizes = [1], strides = [1]} : vector<16xf32> to vector<1xf32>
          %squeeze3A_129 = vector.extract %slice3A_128[0] : f32 from vector<1xf32>
          %mul3A_130 = arith.constant 16 : i32
          %mul3A_131 = arith.muli %add3A_56, %mul3A_130 : i32
          %add3A_132 = arith.constant 1 : i32
          %add3A_133 = arith.addi %mul3A_131, %add3A_132 : i32
          %get3A_134 = arith.index_cast %add3A_133 : i32 to index
          %get3A_135 = arith.constant 0 : index
          %get3A_136 = tpu.vector_load %arg12[%get3A_134, %get3A_135] {strides = array<i32>} : memref<80x128xf32, #tpu.memory_space<vmem>>, vector<16xf32>,
          %mul3A_137 = vector.broadcast %squeeze3A_129 : f32 to vector<16xf32>
          %mul3A_138 = arith.mulf %get3A_136, %mul3A_137 : vector<16xf32>
          %swap3A_139 = arith.index_cast %add3A_133 : i32 to index
          %swap3A_140 = arith.constant 0 : index
          %swap3A_141 = tpu.vector_load %arg12[%swap3A_139, %swap3A_140] {strides = array<i32>} : memref<80x128xf32, #tpu.memory_space<vmem>>, vector<16xf32>,
          tpu.vector_store %arg12[%swap3A_139, %swap3A_140], %mul3A_138 {strides = array<i32>} : memref<80x128xf32, #tpu.memory_space<vmem>>, vector<16xf32>,
          %get3A_142 = arith.index_cast %add3A_133 : i32 to index
          %get3A_143 = arith.constant 16 : index
          %get3A_144 = tpu.vector_load %arg12[%get3A_142, %get3A_143] {strides = array<i32>} : memref<80x128xf32, #tpu.memory_space<vmem>>, vector<16xf32>,
          %mul3A_145 = vector.broadcast %squeeze3A_129 : f32 to vector<16xf32>
          %mul3A_146 = arith.mulf %get3A_144, %mul3A_145 : vector<16xf32>
          %swap3A_147 = arith.index_cast %add3A_133 : i32 to index
          %swap3A_148 = arith.constant 16 : index
          %swap3A_149 = tpu.vector_load %arg12[%swap3A_147, %swap3A_148] {strides = array<i32>} : memref<80x128xf32, #tpu.memory_space<vmem>>, vector<16xf32>,
          tpu.vector_store %arg12[%swap3A_147, %swap3A_148], %mul3A_146 {strides = array<i32>} : memref<80x128xf32, #tpu.memory_space<vmem>>, vector<16xf32>,
          %get3A_150 = arith.index_cast %add3A_133 : i32 to index
          %get3A_151 = arith.constant 32 : index
          %get3A_152 = tpu.vector_load %arg12[%get3A_150, %get3A_151] {strides = array<i32>} : memref<80x128xf32, #tpu.memory_space<vmem>>, vector<16xf32>,
          %mul3A_153 = vector.broadcast %squeeze3A_129 : f32 to vector<16xf32>
          %mul3A_154 = arith.mulf %get3A_152, %mul3A_153 : vector<16xf32>
          %swap3A_155 = arith.index_cast %add3A_133 : i32 to index
          %swap3A_156 = arith.constant 32 : index
          %swap3A_157 = tpu.vector_load %arg12[%swap3A_155, %swap3A_156] {strides = array<i32>} : memref<80x128xf32, #tpu.memory_space<vmem>>, vector<16xf32>,
          tpu.vector_store %arg12[%swap3A_155, %swap3A_156], %mul3A_154 {strides = array<i32>} : memref<80x128xf32, #tpu.memory_space<vmem>>, vector<16xf32>,
          %get3A_158 = arith.index_cast %add3A_133 : i32 to index
          %get3A_159 = arith.constant 48 : index
          %get3A_160 = tpu.vector_load %arg12[%get3A_158, %get3A_159] {strides = array<i32>} : memref<80x128xf32, #tpu.memory_space<vmem>>, vector<16xf32>,
          %mul3A_161 = vector.broadcast %squeeze3A_129 : f32 to vector<16xf32>
          %mul3A_162 = arith.mulf %get3A_160, %mul3A_161 : vector<16xf32>
          %swap3A_163 = arith.index_cast %add3A_133 : i32 to index
          %swap3A_164 = arith.constant 48 : index
          %swap3A_165 = tpu.vector_load %arg12[%swap3A_163, %swap3A_164] {strides = array<i32>} : memref<80x128xf32, #tpu.memory_space<vmem>>, vector<16xf32>,
          tpu.vector_store %arg12[%swap3A_163, %swap3A_164], %mul3A_162 {strides = array<i32>} : memref<80x128xf32, #tpu.memory_space<vmem>>, vector<16xf32>,
          %get3A_166 = arith.index_cast %add3A_133 : i32 to index
          %get3A_167 = arith.constant 64 : index
          %get3A_168 = tpu.vector_load %arg12[%get3A_166, %get3A_167] {strides = array<i32>} : memref<80x128xf32, #tpu.memory_space<vmem>>, vector<16xf32>,
          %mul3A_169 = vector.broadcast %squeeze3A_129 : f32 to vector<16xf32>
          %mul3A_170 = arith.mulf %get3A_168, %mul3A_169 : vector<16xf32>
          %swap3A_171 = arith.index_cast %add3A_133 : i32 to index
          %swap3A_172 = arith.constant 64 : index
          %swap3A_173 = tpu.vector_load %arg12[%swap3A_171, %swap3A_172] {strides = array<i32>} : memref<80x128xf32, #tpu.memory_space<vmem>>, vector<16xf32>,
          tpu.vector_store %arg12[%swap3A_171, %swap3A_172], %mul3A_170 {strides = array<i32>} : memref<80x128xf32, #tpu.memory_space<vmem>>, vector<16xf32>,
          %get3A_174 = arith.index_cast %add3A_133 : i32 to index
          %get3A_175 = arith.constant 80 : index
          %get3A_176 = tpu.vector_load %arg12[%get3A_174, %get3A_175] {strides = array<i32>} : memref<80x128xf32, #tpu.memory_space<vmem>>, vector<16xf32>,
          %mul3A_177 = vector.broadcast %squeeze3A_129 : f32 to vector<16xf32>
          %mul3A_178 = arith.mulf %get3A_176, %mul3A_177 : vector<16xf32>
          %swap3A_179 = arith.index_cast %add3A_133 : i32 to index
          %swap3A_180 = arith.constant 80 : index
          %swap3A_181 = tpu.vector_load %arg12[%swap3A_179, %swap3A_180] {strides = array<i32>} : memref<80x128xf32, #tpu.memory_space<vmem>>, vector<16xf32>,
          tpu.vector_store %arg12[%swap3A_179, %swap3A_180], %mul3A_178 {strides = array<i32>} : memref<80x128xf32, #tpu.memory_space<vmem>>, vector<16xf32>,
          %get3A_182 = arith.index_cast %add3A_133 : i32 to index
          %get3A_183 = arith.constant 96 : index
          %get3A_184 = tpu.vector_load %arg12[%get3A_182, %get3A_183] {strides = array<i32>} : memref<80x128xf32, #tpu.memory_space<vmem>>, vector<16xf32>,
          %mul3A_185 = vector.broadcast %squeeze3A_129 : f32 to vector<16xf32>
          %mul3A_186 = arith.mulf %get3A_184, %mul3A_185 : vector<16xf32>
          %swap3A_187 = arith.index_cast %add3A_133 : i32 to index
          %swap3A_188 = arith.constant 96 : index
          %swap3A_189 = tpu.vector_load %arg12[%swap3A_187, %swap3A_188] {strides = array<i32>} : memref<80x128xf32, #tpu.memory_space<vmem>>, vector<16xf32>,
          tpu.vector_store %arg12[%swap3A_187, %swap3A_188], %mul3A_186 {strides = array<i32>} : memref<80x128xf32, #tpu.memory_space<vmem>>, vector<16xf32>,
          %get3A_190 = arith.index_cast %add3A_133 : i32 to index
          %get3A_191 = arith.constant 112 : index
          %get3A_192 = tpu.vector_load %arg12[%get3A_190, %get3A_191] {strides = array<i32>} : memref<80x128xf32, #tpu.memory_space<vmem>>, vector<16xf32>,
          %mul3A_193 = vector.broadcast %squeeze3A_129 : f32 to vector<16xf32>
          %mul3A_194 = arith.mulf %get3A_192, %mul3A_193 : vector<16xf32>
          %swap3A_195 = arith.index_cast %add3A_133 : i32 to index
          %swap3A_196 = arith.constant 112 : index
          %swap3A_197 = tpu.vector_load %arg12[%swap3A_195, %swap3A_196] {strides = array<i32>} : memref<80x128xf32, #tpu.memory_space<vmem>>, vector<16xf32>,
          tpu.vector_store %arg12[%swap3A_195, %swap3A_196], %mul3A_194 {strides = array<i32>} : memref<80x128xf32, #tpu.memory_space<vmem>>, vector<16xf32>,
          %slice3A_198 = vector.extract_strided_slice %get3A_60 {offsets = [2], sizes = [1], strides = [1]} : vector<16xf32> to vector<1xf32>
          %squeeze3A_199 = vector.extract %slice3A_198[0] : f32 from vector<1xf32>
          %mul3A_200 = arith.constant 16 : i32
          %mul3A_201 = arith.muli %add3A_56, %mul3A_200 : i32
          %add3A_202 = arith.constant 2 : i32
          %add3A_203 = arith.addi %mul3A_201, %add3A_202 : i32
          %get3A_204 = arith.index_cast %add3A_203 : i32 to index
          %get3A_205 = arith.constant 0 : index
          %get3A_206 = tpu.vector_load %arg12[%get3A_204, %get3A_205] {strides = array<i32>} : memref<80x128xf32, #tpu.memory_space<vmem>>, vector<16xf32>,
          %mul3A_207 = vector.broadcast %squeeze3A_199 : f32 to vector<16xf32>
          %mul3A_208 = arith.mulf %get3A_206, %mul3A_207 : vector<16xf32>
          %swap3A_209 = arith.index_cast %add3A_203 : i32 to index
          %swap3A_210 = arith.constant 0 : index
          %swap3A_211 = tpu.vector_load %arg12[%swap3A_209, %swap3A_210] {strides = array<i32>} : memref<80x128xf32, #tpu.memory_space<vmem>>, vector<16xf32>,
          tpu.vector_store %arg12[%swap3A_209, %swap3A_210], %mul3A_208 {strides = array<i32>} : memref<80x128xf32, #tpu.memory_space<vmem>>, vector<16xf32>,
          %get3A_212 = arith.index_cast %add3A_203 : i32 to index
          %get3A_213 = arith.constant 16 : index
          %get3A_214 = tpu.vector_load %arg12[%get3A_212, %get3A_213] {strides = array<i32>} : memref<80x128xf32, #tpu.memory_space<vmem>>, vector<16xf32>,
          %mul3A_215 = vector.broadcast %squeeze3A_199 : f32 to vector<16xf32>
          %mul3A_216 = arith.mulf %get3A_214, %mul3A_215 : vector<16xf32>
          %swap3A_217 = arith.index_cast %add3A_203 : i32 to index
          %swap3A_218 = arith.constant 16 : index
          %swap3A_219 = tpu.vector_load %arg12[%swap3A_217, %swap3A_218] {strides = array<i32>} : memref<80x128xf32, #tpu.memory_space<vmem>>, vector<16xf32>,
          tpu.vector_store %arg12[%swap3A_217, %swap3A_218], %mul3A_216 {strides = array<i32>} : memref<80x128xf32, #tpu.memory_space<vmem>>, vector<16xf32>,
          %get3A_220 = arith.index_cast %add3A_203 : i32 to index
          %get3A_221 = arith.constant 32 : index
          %get3A_222 = tpu.vector_load %arg12[%get3A_220, %get3A_221] {strides = array<i32>} : memref<80x128xf32, #tpu.memory_space<vmem>>, vector<16xf32>,
          %mul3A_223 = vector.broadcast %squeeze3A_199 : f32 to vector<16xf32>
          %mul3A_224 = arith.mulf %get3A_222, %mul3A_223 : vector<16xf32>
          %swap3A_225 = arith.index_cast %add3A_203 : i32 to index
          %swap3A_226 = arith.constant 32 : index
          %swap3A_227 = tpu.vector_load %arg12[%swap3A_225, %swap3A_226] {strides = array<i32>} : memref<80x128xf32, #tpu.memory_space<vmem>>, vector<16xf32>,
          tpu.vector_store %arg12[%swap3A_225, %swap3A_226], %mul3A_224 {strides = array<i32>} : memref<80x128xf32, #tpu.memory_space<vmem>>, vector<16xf32>,
          %get3A_228 = arith.index_cast %add3A_203 : i32 to index
          %get3A_229 = arith.constant 48 : index
          %get3A_230 = tpu.vector_load %arg12[%get3A_228, %get3A_229] {strides = array<i32>} : memref<80x128xf32, #tpu.memory_space<vmem>>, vector<16xf32>,
          %mul3A_231 = vector.broadcast %squeeze3A_199 : f32 to vector<16xf32>
          %mul3A_232 = arith.mulf %get3A_230, %mul3A_231 : vector<16xf32>
          %swap3A_233 = arith.index_cast %add3A_203 : i32 to index
          %swap3A_234 = arith.constant 48 : index
          %swap3A_235 = tpu.vector_load %arg12[%swap3A_233, %swap3A_234] {strides = array<i32>} : memref<80x128xf32, #tpu.memory_space<vmem>>, vector<16xf32>,
          tpu.vector_store %arg12[%swap3A_233, %swap3A_234], %mul3A_232 {strides = array<i32>} : memref<80x128xf32, #tpu.memory_space<vmem>>, vector<16xf32>,
          %get3A_236 = arith.index_cast %add3A_203 : i32 to index
          %get3A_237 = arith.constant 64 : index
          %get3A_238 = tpu.vector_load %arg12[%get3A_236, %get3A_237] {strides = array<i32>} : memref<80x128xf32, #tpu.memory_space<vmem>>, vector<16xf32>,
          %mul3A_239 = vector.broadcast %squeeze3A_199 : f32 to vector<16xf32>
          %mul3A_240 = arith.mulf %get3A_238, %mul3A_239 : vector<16xf32>
          %swap3A_241 = arith.index_cast %add3A_203 : i32 to index
          %swap3A_242 = arith.constant 64 : index
          %swap3A_243 = tpu.vector_load %arg12[%swap3A_241, %swap3A_242] {strides = array<i32>} : memref<80x128xf32, #tpu.memory_space<vmem>>, vector<16xf32>,
          tpu.vector_store %arg12[%swap3A_241, %swap3A_242], %mul3A_240 {strides = array<i32>} : memref<80x128xf32, #tpu.memory_space<vmem>>, vector<16xf32>,
          %get3A_244 = arith.index_cast %add3A_203 : i32 to index
          %get3A_245 = arith.constant 80 : index
          %get3A_246 = tpu.vector_load %arg12[%get3A_244, %get3A_245] {strides = array<i32>} : memref<80x128xf32, #tpu.memory_space<vmem>>, vector<16xf32>,
          %mul3A_247 = vector.broadcast %squeeze3A_199 : f32 to vector<16xf32>
          %mul3A_248 = arith.mulf %get3A_246, %mul3A_247 : vector<16xf32>
          %swap3A_249 = arith.index_cast %add3A_203 : i32 to index
          %swap3A_250 = arith.constant 80 : index
          %swap3A_251 = tpu.vector_load %arg12[%swap3A_249, %swap3A_250] {strides = array<i32>} : memref<80x128xf32, #tpu.memory_space<vmem>>, vector<16xf32>,
          tpu.vector_store %arg12[%swap3A_249, %swap3A_250], %mul3A_248 {strides = array<i32>} : memref<80x128xf32, #tpu.memory_space<vmem>>, vector<16xf32>,
          %get3A_252 = arith.index_cast %add3A_203 : i32 to index
          %get3A_253 = arith.constant 96 : index
          %get3A_254 = tpu.vector_load %arg12[%get3A_252, %get3A_253] {strides = array<i32>} : memref<80x128xf32, #tpu.memory_space<vmem>>, vector<16xf32>,
          %mul3A_255 = vector.broadcast %squeeze3A_199 : f32 to vector<16xf32>
          %mul3A_256 = arith.mulf %get3A_254, %mul3A_255 : vector<16xf32>
          %swap3A_257 = arith.index_cast %add3A_203 : i32 to index
          %swap3A_258 = arith.constant 96 : index
          %swap3A_259 = tpu.vector_load %arg12[%swap3A_257, %swap3A_258] {strides = array<i32>} : memref<80x128xf32, #tpu.memory_space<vmem>>, vector<16xf32>,
          tpu.vector_store %arg12[%swap3A_257, %swap3A_258], %mul3A_256 {strides = array<i32>} : memref<80x128xf32, #tpu.memory_space<vmem>>, vector<16xf32>,
          %get3A_260 = arith.index_cast %add3A_203 : i32 to index
          %get3A_261 = arith.constant 112 : index
          %get3A_262 = tpu.vector_load %arg12[%get3A_260, %get3A_261] {strides = array<i32>} : memref<80x128xf32, #tpu.memory_space<vmem>>, vector<16xf32>,
          %mul3A_263 = vector.broadcast %squeeze3A_199 : f32 to vector<16xf32>
          %mul3A_264 = arith.mulf %get3A_262, %mul3A_263 : vector<16xf32>
          %swap3A_265 = arith.index_cast %add3A_203 : i32 to index
          %swap3A_266 = arith.constant 112 : index
          %swap3A_267 = tpu.vector_load %arg12[%swap3A_265, %swap3A_266] {strides = array<i32>} : memref<80x128xf32, #tpu.memory_space<vmem>>, vector<16xf32>,
          tpu.vector_store %arg12[%swap3A_265, %swap3A_266], %mul3A_264 {strides = array<i32>} : memref<80x128xf32, #tpu.memory_space<vmem>>, vector<16xf32>,
          %slice3A_268 = vector.extract_strided_slice %get3A_60 {offsets = [3], sizes = [1], strides = [1]} : vector<16xf32> to vector<1xf32>
          %squeeze3A_269 = vector.extract %slice3A_268[0] : f32 from vector<1xf32>
          %mul3A_270 = arith.constant 16 : i32
          %mul3A_271 = arith.muli %add3A_56, %mul3A_270 : i32
          %add3A_272 = arith.constant 3 : i32
          %add3A_273 = arith.addi %mul3A_271, %add3A_272 : i32
          %get3A_274 = arith.index_cast %add3A_273 : i32 to index
          %get3A_275 = arith.constant 0 : index
          %get3A_276 = tpu.vector_load %arg12[%get3A_274, %get3A_275] {strides = array<i32>} : memref<80x128xf32, #tpu.memory_space<vmem>>, vector<16xf32>,
          %mul3A_277 = vector.broadcast %squeeze3A_269 : f32 to vector<16xf32>
          %mul3A_278 = arith.mulf %get3A_276, %mul3A_277 : vector<16xf32>
          %swap3A_279 = arith.index_cast %add3A_273 : i32 to index
          %swap3A_280 = arith.constant 0 : index
          %swap3A_281 = tpu.vector_load %arg12[%swap3A_279, %swap3A_280] {strides = array<i32>} : memref<80x128xf32, #tpu.memory_space<vmem>>, vector<16xf32>,
          tpu.vector_store %arg12[%swap3A_279, %swap3A_280], %mul3A_278 {strides = array<i32>} : memref<80x128xf32, #tpu.memory_space<vmem>>, vector<16xf32>,
          %get3A_282 = arith.index_cast %add3A_273 : i32 to index
          %get3A_283 = arith.constant 16 : index
          %get3A_284 = tpu.vector_load %arg12[%get3A_282, %get3A_283] {strides = array<i32>} : memref<80x128xf32, #tpu.memory_space<vmem>>, vector<16xf32>,
          %mul3A_285 = vector.broadcast %squeeze3A_269 : f32 to vector<16xf32>
          %mul3A_286 = arith.mulf %get3A_284, %mul3A_285 : vector<16xf32>
          %swap3A_287 = arith.index_cast %add3A_273 : i32 to index
          %swap3A_288 = arith.constant 16 : index
          %swap3A_289 = tpu.vector_load %arg12[%swap3A_287, %swap3A_288] {strides = array<i32>} : memref<80x128xf32, #tpu.memory_space<vmem>>, vector<16xf32>,
          tpu.vector_store %arg12[%swap3A_287, %swap3A_288], %mul3A_286 {strides = array<i32>} : memref<80x128xf32, #tpu.memory_space<vmem>>, vector<16xf32>,
          %get3A_290 = arith.index_cast %add3A_273 : i32 to index
          %get3A_291 = arith.constant 32 : index
          %get3A_292 = tpu.vector_load %arg12[%get3A_290, %get3A_291] {strides = array<i32>} : memref<80x128xf32, #tpu.memory_space<vmem>>, vector<16xf32>,
          %mul3A_293 = vector.broadcast %squeeze3A_269 : f32 to vector<16xf32>
          %mul3A_294 = arith.mulf %get3A_292, %mul3A_293 : vector<16xf32>
          %swap3A_295 = arith.index_cast %add3A_273 : i32 to index
          %swap3A_296 = arith.constant 32 : index
          %swap3A_297 = tpu.vector_load %arg12[%swap3A_295, %swap3A_296] {strides = array<i32>} : memref<80x128xf32, #tpu.memory_space<vmem>>, vector<16xf32>,
          tpu.vector_store %arg12[%swap3A_295, %swap3A_296], %mul3A_294 {strides = array<i32>} : memref<80x128xf32, #tpu.memory_space<vmem>>, vector<16xf32>,
          %get3A_298 = arith.index_cast %add3A_273 : i32 to index
          %get3A_299 = arith.constant 48 : index
          %get3A_300 = tpu.vector_load %arg12[%get3A_298, %get3A_299] {strides = array<i32>} : memref<80x128xf32, #tpu.memory_space<vmem>>, vector<16xf32>,
          %mul3A_301 = vector.broadcast %squeeze3A_269 : f32 to vector<16xf32>
          %mul3A_302 = arith.mulf %get3A_300, %mul3A_301 : vector<16xf32>
          %swap3A_303 = arith.index_cast %add3A_273 : i32 to index
          %swap3A_304 = arith.constant 48 : index
          %swap3A_305 = tpu.vector_load %arg12[%swap3A_303, %swap3A_304] {strides = array<i32>} : memref<80x128xf32, #tpu.memory_space<vmem>>, vector<16xf32>,
          tpu.vector_store %arg12[%swap3A_303, %swap3A_304], %mul3A_302 {strides = array<i32>} : memref<80x128xf32, #tpu.memory_space<vmem>>, vector<16xf32>,
          %get3A_306 = arith.index_cast %add3A_273 : i32 to index
          %get3A_307 = arith.constant 64 : index
          %get3A_308 = tpu.vector_load %arg12[%get3A_306, %get3A_307] {strides = array<i32>} : memref<80x128xf32, #tpu.memory_space<vmem>>, vector<16xf32>,
          %mul3A_309 = vector.broadcast %squeeze3A_269 : f32 to vector<16xf32>
          %mul3A_310 = arith.mulf %get3A_308, %mul3A_309 : vector<16xf32>
          %swap3A_311 = arith.index_cast %add3A_273 : i32 to index
          %swap3A_312 = arith.constant 64 : index
          %swap3A_313 = tpu.vector_load %arg12[%swap3A_311, %swap3A_312] {strides = array<i32>} : memref<80x128xf32, #tpu.memory_space<vmem>>, vector<16xf32>,
          tpu.vector_store %arg12[%swap3A_311, %swap3A_312], %mul3A_310 {strides = array<i32>} : memref<80x128xf32, #tpu.memory_space<vmem>>, vector<16xf32>,
          %get3A_314 = arith.index_cast %add3A_273 : i32 to index
          %get3A_315 = arith.constant 80 : index
          %get3A_316 = tpu.vector_load %arg12[%get3A_314, %get3A_315] {strides = array<i32>} : memref<80x128xf32, #tpu.memory_space<vmem>>, vector<16xf32>,
          %mul3A_317 = vector.broadcast %squeeze3A_269 : f32 to vector<16xf32>
          %mul3A_318 = arith.mulf %get3A_316, %mul3A_317 : vector<16xf32>
          %swap3A_319 = arith.index_cast %add3A_273 : i32 to index
          %swap3A_320 = arith.constant 80 : index
          %swap3A_321 = tpu.vector_load %arg12[%swap3A_319, %swap3A_320] {strides = array<i32>} : memref<80x128xf32, #tpu.memory_space<vmem>>, vector<16xf32>,
          tpu.vector_store %arg12[%swap3A_319, %swap3A_320], %mul3A_318 {strides = array<i32>} : memref<80x128xf32, #tpu.memory_space<vmem>>, vector<16xf32>,
          %get3A_322 = arith.index_cast %add3A_273 : i32 to index
          %get3A_323 = arith.constant 96 : index
          %get3A_324 = tpu.vector_load %arg12[%get3A_322, %get3A_323] {strides = array<i32>} : memref<80x128xf32, #tpu.memory_space<vmem>>, vector<16xf32>,
          %mul3A_325 = vector.broadcast %squeeze3A_269 : f32 to vector<16xf32>
          %mul3A_326 = arith.mulf %get3A_324, %mul3A_325 : vector<16xf32>
          %swap3A_327 = arith.index_cast %add3A_273 : i32 to index
          %swap3A_328 = arith.constant 96 : index
          %swap3A_329 = tpu.vector_load %arg12[%swap3A_327, %swap3A_328] {strides = array<i32>} : memref<80x128xf32, #tpu.memory_space<vmem>>, vector<16xf32>,
          tpu.vector_store %arg12[%swap3A_327, %swap3A_328], %mul3A_326 {strides = array<i32>} : memref<80x128xf32, #tpu.memory_space<vmem>>, vector<16xf32>,
          %get3A_330 = arith.index_cast %add3A_273 : i32 to index
          %get3A_331 = arith.constant 112 : index
          %get3A_332 = tpu.vector_load %arg12[%get3A_330, %get3A_331] {strides = array<i32>} : memref<80x128xf32, #tpu.memory_space<vmem>>, vector<16xf32>,
          %mul3A_333 = vector.broadcast %squeeze3A_269 : f32 to vector<16xf32>
          %mul3A_334 = arith.mulf %get3A_332, %mul3A_333 : vector<16xf32>
          %swap3A_335 = arith.index_cast %add3A_273 : i32 to index
          %swap3A_336 = arith.constant 112 : index
          %swap3A_337 = tpu.vector_load %arg12[%swap3A_335, %swap3A_336] {strides = array<i32>} : memref<80x128xf32, #tpu.memory_space<vmem>>, vector<16xf32>,
          tpu.vector_store %arg12[%swap3A_335, %swap3A_336], %mul3A_334 {strides = array<i32>} : memref<80x128xf32, #tpu.memory_space<vmem>>, vector<16xf32>,
          %slice3A_338 = vector.extract_strided_slice %get3A_60 {offsets = [4], sizes = [1], strides = [1]} : vector<16xf32> to vector<1xf32>
          %squeeze3A_339 = vector.extract %slice3A_338[0] : f32 from vector<1xf32>
          %mul3A_340 = arith.constant 16 : i32
          %mul3A_341 = arith.muli %add3A_56, %mul3A_340 : i32
          %add3A_342 = arith.constant 4 : i32
          %add3A_343 = arith.addi %mul3A_341, %add3A_342 : i32
          %get3A_344 = arith.index_cast %add3A_343 : i32 to index
          %get3A_345 = arith.constant 0 : index
          %get3A_346 = tpu.vector_load %arg12[%get3A_344, %get3A_345] {strides = array<i32>} : memref<80x128xf32, #tpu.memory_space<vmem>>, vector<16xf32>,
          %mul3A_347 = vector.broadcast %squeeze3A_339 : f32 to vector<16xf32>
          %mul3A_348 = arith.mulf %get3A_346, %mul3A_347 : vector<16xf32>
          %swap3A_349 = arith.index_cast %add3A_343 : i32 to index
          %swap3A_350 = arith.constant 0 : index
          %swap3A_351 = tpu.vector_load %arg12[%swap3A_349, %swap3A_350] {strides = array<i32>} : memref<80x128xf32, #tpu.memory_space<vmem>>, vector<16xf32>,
          tpu.vector_store %arg12[%swap3A_349, %swap3A_350], %mul3A_348 {strides = array<i32>} : memref<80x128xf32, #tpu.memory_space<vmem>>, vector<16xf32>,
          %get3A_352 = arith.index_cast %add3A_343 : i32 to index
          %get3A_353 = arith.constant 16 : index
          %get3A_354 = tpu.vector_load %arg12[%get3A_352, %get3A_353] {strides = array<i32>} : memref<80x128xf32, #tpu.memory_space<vmem>>, vector<16xf32>,
          %mul3A_355 = vector.broadcast %squeeze3A_339 : f32 to vector<16xf32>
          %mul3A_356 = arith.mulf %get3A_354, %mul3A_355 : vector<16xf32>
          %swap3A_357 = arith.index_cast %add3A_343 : i32 to index
          %swap3A_358 = arith.constant 16 : index
          %swap3A_359 = tpu.vector_load %arg12[%swap3A_357, %swap3A_358] {strides = array<i32>} : memref<80x128xf32, #tpu.memory_space<vmem>>, vector<16xf32>,
          tpu.vector_store %arg12[%swap3A_357, %swap3A_358], %mul3A_356 {strides = array<i32>} : memref<80x128xf32, #tpu.memory_space<vmem>>, vector<16xf32>,
          %get3A_360 = arith.index_cast %add3A_343 : i32 to index
          %get3A_361 = arith.constant 32 : index
          %get3A_362 = tpu.vector_load %arg12[%get3A_360, %get3A_361] {strides = array<i32>} : memref<80x128xf32, #tpu.memory_space<vmem>>, vector<16xf32>,
          %mul3A_363 = vector.broadcast %squeeze3A_339 : f32 to vector<16xf32>
          %mul3A_364 = arith.mulf %get3A_362, %mul3A_363 : vector<16xf32>
          %swap3A_365 = arith.index_cast %add3A_343 : i32 to index
          %swap3A_366 = arith.constant 32 : index
          %swap3A_367 = tpu.vector_load %arg12[%swap3A_365, %swap3A_366] {strides = array<i32>} : memref<80x128xf32, #tpu.memory_space<vmem>>, vector<16xf32>,
          tpu.vector_store %arg12[%swap3A_365, %swap3A_366], %mul3A_364 {strides = array<i32>} : memref<80x128xf32, #tpu.memory_space<vmem>>, vector<16xf32>,
          %get3A_368 = arith.index_cast %add3A_343 : i32 to index
          %get3A_369 = arith.constant 48 : index
          %get3A_370 = tpu.vector_load %arg12[%get3A_368, %get3A_369] {strides = array<i32>} : memref<80x128xf32, #tpu.memory_space<vmem>>, vector<16xf32>,
          %mul3A_371 = vector.broadcast %squeeze3A_339 : f32 to vector<16xf32>
          %mul3A_372 = arith.mulf %get3A_370, %mul3A_371 : vector<16xf32>
          %swap3A_373 = arith.index_cast %add3A_343 : i32 to index
          %swap3A_374 = arith.constant 48 : index
          %swap3A_375 = tpu.vector_load %arg12[%swap3A_373, %swap3A_374] {strides = array<i32>} : memref<80x128xf32, #tpu.memory_space<vmem>>, vector<16xf32>,
          tpu.vector_store %arg12[%swap3A_373, %swap3A_374], %mul3A_372 {strides = array<i32>} : memref<80x128xf32, #tpu.memory_space<vmem>>, vector<16xf32>,
          %get3A_376 = arith.index_cast %add3A_343 : i32 to index
          %get3A_377 = arith.constant 64 : index
          %get3A_378 = tpu.vector_load %arg12[%get3A_376, %get3A_377] {strides = array<i32>} : memref<80x128xf32, #tpu.memory_space<vmem>>, vector<16xf32>,
          %mul3A_379 = vector.broadcast %squeeze3A_339 : f32 to vector<16xf32>
          %mul3A_380 = arith.mulf %get3A_378, %mul3A_379 : vector<16xf32>
          %swap3A_381 = arith.index_cast %add3A_343 : i32 to index
          %swap3A_382 = arith.constant 64 : index
          %swap3A_383 = tpu.vector_load %arg12[%swap3A_381, %swap3A_382] {strides = array<i32>} : memref<80x128xf32, #tpu.memory_space<vmem>>, vector<16xf32>,
          tpu.vector_store %arg12[%swap3A_381, %swap3A_382], %mul3A_380 {strides = array<i32>} : memref<80x128xf32, #tpu.memory_space<vmem>>, vector<16xf32>,
          %get3A_384 = arith.index_cast %add3A_343 : i32 to index
          %get3A_385 = arith.constant 80 : index
          %get3A_386 = tpu.vector_load %arg12[%get3A_384, %get3A_385] {strides = array<i32>} : memref<80x128xf32, #tpu.memory_space<vmem>>, vector<16xf32>,
          %mul3A_387 = vector.broadcast %squeeze3A_339 : f32 to vector<16xf32>
          %mul3A_388 = arith.mulf %get3A_386, %mul3A_387 : vector<16xf32>
          %swap3A_389 = arith.index_cast %add3A_343 : i32 to index
          %swap3A_390 = arith.constant 80 : index
          %swap3A_391 = tpu.vector_load %arg12[%swap3A_389, %swap3A_390] {strides = array<i32>} : memref<80x128xf32, #tpu.memory_space<vmem>>, vector<16xf32>,
          tpu.vector_store %arg12[%swap3A_389, %swap3A_390], %mul3A_388 {strides = array<i32>} : memref<80x128xf32, #tpu.memory_space<vmem>>, vector<16xf32>,
          %get3A_392 = arith.index_cast %add3A_343 : i32 to index
          %get3A_393 = arith.constant 96 : index
          %get3A_394 = tpu.vector_load %arg12[%get3A_392, %get3A_393] {strides = array<i32>} : memref<80x128xf32, #tpu.memory_space<vmem>>, vector<16xf32>,
          %mul3A_395 = vector.broadcast %squeeze3A_339 : f32 to vector<16xf32>
          %mul3A_396 = arith.mulf %get3A_394, %mul3A_395 : vector<16xf32>
          %swap3A_397 = arith.index_cast %add3A_343 : i32 to index
          %swap3A_398 = arith.constant 96 : index
          %swap3A_399 = tpu.vector_load %arg12[%swap3A_397, %swap3A_398] {strides = array<i32>} : memref<80x128xf32, #tpu.memory_space<vmem>>, vector<16xf32>,
          tpu.vector_store %arg12[%swap3A_397, %swap3A_398], %mul3A_396 {strides = array<i32>} : memref<80x128xf32, #tpu.memory_space<vmem>>, vector<16xf32>,
          %get3A_400 = arith.index_cast %add3A_343 : i32 to index
          %get3A_401 = arith.constant 112 : index
          %get3A_402 = tpu.vector_load %arg12[%get3A_400, %get3A_401] {strides = array<i32>} : memref<80x128xf32, #tpu.memory_space<vmem>>, vector<16xf32>,
          %mul3A_403 = vector.broadcast %squeeze3A_339 : f32 to vector<16xf32>
          %mul3A_404 = arith.mulf %get3A_402, %mul3A_403 : vector<16xf32>
          %swap3A_405 = arith.index_cast %add3A_343 : i32 to index
          %swap3A_406 = arith.constant 112 : index
          %swap3A_407 = tpu.vector_load %arg12[%swap3A_405, %swap3A_406] {strides = array<i32>} : memref<80x128xf32, #tpu.memory_space<vmem>>, vector<16xf32>,
          tpu.vector_store %arg12[%swap3A_405, %swap3A_406], %mul3A_404 {strides = array<i32>} : memref<80x128xf32, #tpu.memory_space<vmem>>, vector<16xf32>,
          %slice3A_408 = vector.extract_strided_slice %get3A_60 {offsets = [5], sizes = [1], strides = [1]} : vector<16xf32> to vector<1xf32>
          %squeeze3A_409 = vector.extract %slice3A_408[0] : f32 from vector<1xf32>
          %mul3A_410 = arith.constant 16 : i32
          %mul3A_411 = arith.muli %add3A_56, %mul3A_410 : i32
          %add3A_412 = arith.constant 5 : i32
          %add3A_413 = arith.addi %mul3A_411, %add3A_412 : i32
          %get3A_414 = arith.index_cast %add3A_413 : i32 to index
          %get3A_415 = arith.constant 0 : index
          %get3A_416 = tpu.vector_load %arg12[%get3A_414, %get3A_415] {strides = array<i32>} : memref<80x128xf32, #tpu.memory_space<vmem>>, vector<16xf32>,
          %mul3A_417 = vector.broadcast %squeeze3A_409 : f32 to vector<16xf32>
          %mul3A_418 = arith.mulf %get3A_416, %mul3A_417 : vector<16xf32>
          %swap3A_419 = arith.index_cast %add3A_413 : i32 to index
          %swap3A_420 = arith.constant 0 : index
          %swap3A_421 = tpu.vector_load %arg12[%swap3A_419, %swap3A_420] {strides = array<i32>} : memref<80x128xf32, #tpu.memory_space<vmem>>, vector<16xf32>,
          tpu.vector_store %arg12[%swap3A_419, %swap3A_420], %mul3A_418 {strides = array<i32>} : memref<80x128xf32, #tpu.memory_space<vmem>>, vector<16xf32>,
          %get3A_422 = arith.index_cast %add3A_413 : i32 to index
          %get3A_423 = arith.constant 16 : index
          %get3A_424 = tpu.vector_load %arg12[%get3A_422, %get3A_423] {strides = array<i32>} : memref<80x128xf32, #tpu.memory_space<vmem>>, vector<16xf32>,
          %mul3A_425 = vector.broadcast %squeeze3A_409 : f32 to vector<16xf32>
          %mul3A_426 = arith.mulf %get3A_424, %mul3A_425 : vector<16xf32>
          %swap3A_427 = arith.index_cast %add3A_413 : i32 to index
          %swap3A_428 = arith.constant 16 : index
          %swap3A_429 = tpu.vector_load %arg12[%swap3A_427, %swap3A_428] {strides = array<i32>} : memref<80x128xf32, #tpu.memory_space<vmem>>, vector<16xf32>,
          tpu.vector_store %arg12[%swap3A_427, %swap3A_428], %mul3A_426 {strides = array<i32>} : memref<80x128xf32, #tpu.memory_space<vmem>>, vector<16xf32>,
          %get3A_430 = arith.index_cast %add3A_413 : i32 to index
          %get3A_431 = arith.constant 32 : index
          %get3A_432 = tpu.vector_load %arg12[%get3A_430, %get3A_431] {strides = array<i32>} : memref<80x128xf32, #tpu.memory_space<vmem>>, vector<16xf32>,
          %mul3A_433 = vector.broadcast %squeeze3A_409 : f32 to vector<16xf32>
          %mul3A_434 = arith.mulf %get3A_432, %mul3A_433 : vector<16xf32>
          %swap3A_435 = arith.index_cast %add3A_413 : i32 to index
          %swap3A_436 = arith.constant 32 : index
          %swap3A_437 = tpu.vector_load %arg12[%swap3A_435, %swap3A_436] {strides = array<i32>} : memref<80x128xf32, #tpu.memory_space<vmem>>, vector<16xf32>,
          tpu.vector_store %arg12[%swap3A_435, %swap3A_436], %mul3A_434 {strides = array<i32>} : memref<80x128xf32, #tpu.memory_space<vmem>>, vector<16xf32>,
          %get3A_438 = arith.index_cast %add3A_413 : i32 to index
          %get3A_439 = arith.constant 48 : index
          %get3A_440 = tpu.vector_load %arg12[%get3A_438, %get3A_439] {strides = array<i32>} : memref<80x128xf32, #tpu.memory_space<vmem>>, vector<16xf32>,
          %mul3A_441 = vector.broadcast %squeeze3A_409 : f32 to vector<16xf32>
          %mul3A_442 = arith.mulf %get3A_440, %mul3A_441 : vector<16xf32>
          %swap3A_443 = arith.index_cast %add3A_413 : i32 to index
          %swap3A_444 = arith.constant 48 : index
          %swap3A_445 = tpu.vector_load %arg12[%swap3A_443, %swap3A_444] {strides = array<i32>} : memref<80x128xf32, #tpu.memory_space<vmem>>, vector<16xf32>,
          tpu.vector_store %arg12[%swap3A_443, %swap3A_444], %mul3A_442 {strides = array<i32>} : memref<80x128xf32, #tpu.memory_space<vmem>>, vector<16xf32>,
          %get3A_446 = arith.index_cast %add3A_413 : i32 to index
          %get3A_447 = arith.constant 64 : index
          %get3A_448 = tpu.vector_load %arg12[%get3A_446, %get3A_447] {strides = array<i32>} : memref<80x128xf32, #tpu.memory_space<vmem>>, vector<16xf32>,
          %mul3A_449 = vector.broadcast %squeeze3A_409 : f32 to vector<16xf32>
          %mul3A_450 = arith.mulf %get3A_448, %mul3A_449 : vector<16xf32>
          %swap3A_451 = arith.index_cast %add3A_413 : i32 to index
          %swap3A_452 = arith.constant 64 : index
          %swap3A_453 = tpu.vector_load %arg12[%swap3A_451, %swap3A_452] {strides = array<i32>} : memref<80x128xf32, #tpu.memory_space<vmem>>, vector<16xf32>,
          tpu.vector_store %arg12[%swap3A_451, %swap3A_452], %mul3A_450 {strides = array<i32>} : memref<80x128xf32, #tpu.memory_space<vmem>>, vector<16xf32>,
          %get3A_454 = arith.index_cast %add3A_413 : i32 to index
          %get3A_455 = arith.constant 80 : index
          %get3A_456 = tpu.vector_load %arg12[%get3A_454, %get3A_455] {strides = array<i32>} : memref<80x128xf32, #tpu.memory_space<vmem>>, vector<16xf32>,
          %mul3A_457 = vector.broadcast %squeeze3A_409 : f32 to vector<16xf32>
          %mul3A_458 = arith.mulf %get3A_456, %mul3A_457 : vector<16xf32>
          %swap3A_459 = arith.index_cast %add3A_413 : i32 to index
          %swap3A_460 = arith.constant 80 : index
          %swap3A_461 = tpu.vector_load %arg12[%swap3A_459, %swap3A_460] {strides = array<i32>} : memref<80x128xf32, #tpu.memory_space<vmem>>, vector<16xf32>,
          tpu.vector_store %arg12[%swap3A_459, %swap3A_460], %mul3A_458 {strides = array<i32>} : memref<80x128xf32, #tpu.memory_space<vmem>>, vector<16xf32>,
          %get3A_462 = arith.index_cast %add3A_413 : i32 to index
          %get3A_463 = arith.constant 96 : index
          %get3A_464 = tpu.vector_load %arg12[%get3A_462, %get3A_463] {strides = array<i32>} : memref<80x128xf32, #tpu.memory_space<vmem>>, vector<16xf32>,
          %mul3A_465 = vector.broadcast %squeeze3A_409 : f32 to vector<16xf32>
          %mul3A_466 = arith.mulf %get3A_464, %mul3A_465 : vector<16xf32>
          %swap3A_467 = arith.index_cast %add3A_413 : i32 to index
          %swap3A_468 = arith.constant 96 : index
          %swap3A_469 = tpu.vector_load %arg12[%swap3A_467, %swap3A_468] {strides = array<i32>} : memref<80x128xf32, #tpu.memory_space<vmem>>, vector<16xf32>,
          tpu.vector_store %arg12[%swap3A_467, %swap3A_468], %mul3A_466 {strides = array<i32>} : memref<80x128xf32, #tpu.memory_space<vmem>>, vector<16xf32>,
          %get3A_470 = arith.index_cast %add3A_413 : i32 to index
          %get3A_471 = arith.constant 112 : index
          %get3A_472 = tpu.vector_load %arg12[%get3A_470, %get3A_471] {strides = array<i32>} : memref<80x128xf32, #tpu.memory_space<vmem>>, vector<16xf32>,
          %mul3A_473 = vector.broadcast %squeeze3A_409 : f32 to vector<16xf32>
          %mul3A_474 = arith.mulf %get3A_472, %mul3A_473 : vector<16xf32>
          %swap3A_475 = arith.index_cast %add3A_413 : i32 to index
          %swap3A_476 = arith.constant 112 : index
          %swap3A_477 = tpu.vector_load %arg12[%swap3A_475, %swap3A_476] {strides = array<i32>} : memref<80x128xf32, #tpu.memory_space<vmem>>, vector<16xf32>,
          tpu.vector_store %arg12[%swap3A_475, %swap3A_476], %mul3A_474 {strides = array<i32>} : memref<80x128xf32, #tpu.memory_space<vmem>>, vector<16xf32>,
          %slice3A_478 = vector.extract_strided_slice %get3A_60 {offsets = [6], sizes = [1], strides = [1]} : vector<16xf32> to vector<1xf32>
          %squeeze3A_479 = vector.extract %slice3A_478[0] : f32 from vector<1xf32>
          %mul3A_480 = arith.constant 16 : i32
          %mul3A_481 = arith.muli %add3A_56, %mul3A_480 : i32
          %add3A_482 = arith.constant 6 : i32
          %add3A_483 = arith.addi %mul3A_481, %add3A_482 : i32
          %get3A_484 = arith.index_cast %add3A_483 : i32 to index
          %get3A_485 = arith.constant 0 : index
          %get3A_486 = tpu.vector_load %arg12[%get3A_484, %get3A_485] {strides = array<i32>} : memref<80x128xf32, #tpu.memory_space<vmem>>, vector<16xf32>,
          %mul3A_487 = vector.broadcast %squeeze3A_479 : f32 to vector<16xf32>
          %mul3A_488 = arith.mulf %get3A_486, %mul3A_487 : vector<16xf32>
          %swap3A_489 = arith.index_cast %add3A_483 : i32 to index
          %swap3A_490 = arith.constant 0 : index
          %swap3A_491 = tpu.vector_load %arg12[%swap3A_489, %swap3A_490] {strides = array<i32>} : memref<80x128xf32, #tpu.memory_space<vmem>>, vector<16xf32>,
          tpu.vector_store %arg12[%swap3A_489, %swap3A_490], %mul3A_488 {strides = array<i32>} : memref<80x128xf32, #tpu.memory_space<vmem>>, vector<16xf32>,
          %get3A_492 = arith.index_cast %add3A_483 : i32 to index
          %get3A_493 = arith.constant 16 : index
          %get3A_494 = tpu.vector_load %arg12[%get3A_492, %get3A_493] {strides = array<i32>} : memref<80x128xf32, #tpu.memory_space<vmem>>, vector<16xf32>,
          %mul3A_495 = vector.broadcast %squeeze3A_479 : f32 to vector<16xf32>
          %mul3A_496 = arith.mulf %get3A_494, %mul3A_495 : vector<16xf32>
          %swap3A_497 = arith.index_cast %add3A_483 : i32 to index
          %swap3A_498 = arith.constant 16 : index
          %swap3A_499 = tpu.vector_load %arg12[%swap3A_497, %swap3A_498] {strides = array<i32>} : memref<80x128xf32, #tpu.memory_space<vmem>>, vector<16xf32>,
          tpu.vector_store %arg12[%swap3A_497, %swap3A_498], %mul3A_496 {strides = array<i32>} : memref<80x128xf32, #tpu.memory_space<vmem>>, vector<16xf32>,
          %get3A_500 = arith.index_cast %add3A_483 : i32 to index
          %get3A_501 = arith.constant 32 : index
          %get3A_502 = tpu.vector_load %arg12[%get3A_500, %get3A_501] {strides = array<i32>} : memref<80x128xf32, #tpu.memory_space<vmem>>, vector<16xf32>,
          %mul3A_503 = vector.broadcast %squeeze3A_479 : f32 to vector<16xf32>
          %mul3A_504 = arith.mulf %get3A_502, %mul3A_503 : vector<16xf32>
          %swap3A_505 = arith.index_cast %add3A_483 : i32 to index
          %swap3A_506 = arith.constant 32 : index
          %swap3A_507 = tpu.vector_load %arg12[%swap3A_505, %swap3A_506] {strides = array<i32>} : memref<80x128xf32, #tpu.memory_space<vmem>>, vector<16xf32>,
          tpu.vector_store %arg12[%swap3A_505, %swap3A_506], %mul3A_504 {strides = array<i32>} : memref<80x128xf32, #tpu.memory_space<vmem>>, vector<16xf32>,
          %get3A_508 = arith.index_cast %add3A_483 : i32 to index
          %get3A_509 = arith.constant 48 : index
          %get3A_510 = tpu.vector_load %arg12[%get3A_508, %get3A_509] {strides = array<i32>} : memref<80x128xf32, #tpu.memory_space<vmem>>, vector<16xf32>,
          %mul3A_511 = vector.broadcast %squeeze3A_479 : f32 to vector<16xf32>
          %mul3A_512 = arith.mulf %get3A_510, %mul3A_511 : vector<16xf32>
          %swap3A_513 = arith.index_cast %add3A_483 : i32 to index
          %swap3A_514 = arith.constant 48 : index
          %swap3A_515 = tpu.vector_load %arg12[%swap3A_513, %swap3A_514] {strides = array<i32>} : memref<80x128xf32, #tpu.memory_space<vmem>>, vector<16xf32>,
          tpu.vector_store %arg12[%swap3A_513, %swap3A_514], %mul3A_512 {strides = array<i32>} : memref<80x128xf32, #tpu.memory_space<vmem>>, vector<16xf32>,
          %get3A_516 = arith.index_cast %add3A_483 : i32 to index
          %get3A_517 = arith.constant 64 : index
          %get3A_518 = tpu.vector_load %arg12[%get3A_516, %get3A_517] {strides = array<i32>} : memref<80x128xf32, #tpu.memory_space<vmem>>, vector<16xf32>,
          %mul3A_519 = vector.broadcast %squeeze3A_479 : f32 to vector<16xf32>
          %mul3A_520 = arith.mulf %get3A_518, %mul3A_519 : vector<16xf32>
          %swap3A_521 = arith.index_cast %add3A_483 : i32 to index
          %swap3A_522 = arith.constant 64 : index
          %swap3A_523 = tpu.vector_load %arg12[%swap3A_521, %swap3A_522] {strides = array<i32>} : memref<80x128xf32, #tpu.memory_space<vmem>>, vector<16xf32>,
          tpu.vector_store %arg12[%swap3A_521, %swap3A_522], %mul3A_520 {strides = array<i32>} : memref<80x128xf32, #tpu.memory_space<vmem>>, vector<16xf32>,
          %get3A_524 = arith.index_cast %add3A_483 : i32 to index
          %get3A_525 = arith.constant 80 : index
          %get3A_526 = tpu.vector_load %arg12[%get3A_524, %get3A_525] {strides = array<i32>} : memref<80x128xf32, #tpu.memory_space<vmem>>, vector<16xf32>,
          %mul3A_527 = vector.broadcast %squeeze3A_479 : f32 to vector<16xf32>
          %mul3A_528 = arith.mulf %get3A_526, %mul3A_527 : vector<16xf32>
          %swap3A_529 = arith.index_cast %add3A_483 : i32 to index
          %swap3A_530 = arith.constant 80 : index
          %swap3A_531 = tpu.vector_load %arg12[%swap3A_529, %swap3A_530] {strides = array<i32>} : memref<80x128xf32, #tpu.memory_space<vmem>>, vector<16xf32>,
          tpu.vector_store %arg12[%swap3A_529, %swap3A_530], %mul3A_528 {strides = array<i32>} : memref<80x128xf32, #tpu.memory_space<vmem>>, vector<16xf32>,
          %get3A_532 = arith.index_cast %add3A_483 : i32 to index
          %get3A_533 = arith.constant 96 : index
          %get3A_534 = tpu.vector_load %arg12[%get3A_532, %get3A_533] {strides = array<i32>} : memref<80x128xf32, #tpu.memory_space<vmem>>, vector<16xf32>,
          %mul3A_535 = vector.broadcast %squeeze3A_479 : f32 to vector<16xf32>
          %mul3A_536 = arith.mulf %get3A_534, %mul3A_535 : vector<16xf32>
          %swap3A_537 = arith.index_cast %add3A_483 : i32 to index
          %swap3A_538 = arith.constant 96 : index
          %swap3A_539 = tpu.vector_load %arg12[%swap3A_537, %swap3A_538] {strides = array<i32>} : memref<80x128xf32, #tpu.memory_space<vmem>>, vector<16xf32>,
          tpu.vector_store %arg12[%swap3A_537, %swap3A_538], %mul3A_536 {strides = array<i32>} : memref<80x128xf32, #tpu.memory_space<vmem>>, vector<16xf32>,
          %get3A_540 = arith.index_cast %add3A_483 : i32 to index
          %get3A_541 = arith.constant 112 : index
          %get3A_542 = tpu.vector_load %arg12[%get3A_540, %get3A_541] {strides = array<i32>} : memref<80x128xf32, #tpu.memory_space<vmem>>, vector<16xf32>,
          %mul3A_543 = vector.broadcast %squeeze3A_479 : f32 to vector<16xf32>
          %mul3A_544 = arith.mulf %get3A_542, %mul3A_543 : vector<16xf32>
          %swap3A_545 = arith.index_cast %add3A_483 : i32 to index
          %swap3A_546 = arith.constant 112 : index
          %swap3A_547 = tpu.vector_load %arg12[%swap3A_545, %swap3A_546] {strides = array<i32>} : memref<80x128xf32, #tpu.memory_space<vmem>>, vector<16xf32>,
          tpu.vector_store %arg12[%swap3A_545, %swap3A_546], %mul3A_544 {strides = array<i32>} : memref<80x128xf32, #tpu.memory_space<vmem>>, vector<16xf32>,
          %slice3A_548 = vector.extract_strided_slice %get3A_60 {offsets = [7], sizes = [1], strides = [1]} : vector<16xf32> to vector<1xf32>
          %squeeze3A_549 = vector.extract %slice3A_548[0] : f32 from vector<1xf32>
          %mul3A_550 = arith.constant 16 : i32
          %mul3A_551 = arith.muli %add3A_56, %mul3A_550 : i32
          %add3A_552 = arith.constant 7 : i32
          %add3A_553 = arith.addi %mul3A_551, %add3A_552 : i32
          %get3A_554 = arith.index_cast %add3A_553 : i32 to index
          %get3A_555 = arith.constant 0 : index
          %get3A_556 = tpu.vector_load %arg12[%get3A_554, %get3A_555] {strides = array<i32>} : memref<80x128xf32, #tpu.memory_space<vmem>>, vector<16xf32>,
          %mul3A_557 = vector.broadcast %squeeze3A_549 : f32 to vector<16xf32>
          %mul3A_558 = arith.mulf %get3A_556, %mul3A_557 : vector<16xf32>
          %swap3A_559 = arith.index_cast %add3A_553 : i32 to index
          %swap3A_560 = arith.constant 0 : index
          %swap3A_561 = tpu.vector_load %arg12[%swap3A_559, %swap3A_560] {strides = array<i32>} : memref<80x128xf32, #tpu.memory_space<vmem>>, vector<16xf32>,
          tpu.vector_store %arg12[%swap3A_559, %swap3A_560], %mul3A_558 {strides = array<i32>} : memref<80x128xf32, #tpu.memory_space<vmem>>, vector<16xf32>,
          %get3A_562 = arith.index_cast %add3A_553 : i32 to index
          %get3A_563 = arith.constant 16 : index
          %get3A_564 = tpu.vector_load %arg12[%get3A_562, %get3A_563] {strides = array<i32>} : memref<80x128xf32, #tpu.memory_space<vmem>>, vector<16xf32>,
          %mul3A_565 = vector.broadcast %squeeze3A_549 : f32 to vector<16xf32>
          %mul3A_566 = arith.mulf %get3A_564, %mul3A_565 : vector<16xf32>
          %swap3A_567 = arith.index_cast %add3A_553 : i32 to index
          %swap3A_568 = arith.constant 16 : index
          %swap3A_569 = tpu.vector_load %arg12[%swap3A_567, %swap3A_568] {strides = array<i32>} : memref<80x128xf32, #tpu.memory_space<vmem>>, vector<16xf32>,
          tpu.vector_store %arg12[%swap3A_567, %swap3A_568], %mul3A_566 {strides = array<i32>} : memref<80x128xf32, #tpu.memory_space<vmem>>, vector<16xf32>,
          %get3A_570 = arith.index_cast %add3A_553 : i32 to index
          %get3A_571 = arith.constant 32 : index
          %get3A_572 = tpu.vector_load %arg12[%get3A_570, %get3A_571] {strides = array<i32>} : memref<80x128xf32, #tpu.memory_space<vmem>>, vector<16xf32>,
          %mul3A_573 = vector.broadcast %squeeze3A_549 : f32 to vector<16xf32>
          %mul3A_574 = arith.mulf %get3A_572, %mul3A_573 : vector<16xf32>
          %swap3A_575 = arith.index_cast %add3A_553 : i32 to index
          %swap3A_576 = arith.constant 32 : index
          %swap3A_577 = tpu.vector_load %arg12[%swap3A_575, %swap3A_576] {strides = array<i32>} : memref<80x128xf32, #tpu.memory_space<vmem>>, vector<16xf32>,
          tpu.vector_store %arg12[%swap3A_575, %swap3A_576], %mul3A_574 {strides = array<i32>} : memref<80x128xf32, #tpu.memory_space<vmem>>, vector<16xf32>,
          %get3A_578 = arith.index_cast %add3A_553 : i32 to index
          %get3A_579 = arith.constant 48 : index
          %get3A_580 = tpu.vector_load %arg12[%get3A_578, %get3A_579] {strides = array<i32>} : memref<80x128xf32, #tpu.memory_space<vmem>>, vector<16xf32>,
          %mul3A_581 = vector.broadcast %squeeze3A_549 : f32 to vector<16xf32>
          %mul3A_582 = arith.mulf %get3A_580, %mul3A_581 : vector<16xf32>
          %swap3A_583 = arith.index_cast %add3A_553 : i32 to index
          %swap3A_584 = arith.constant 48 : index
          %swap3A_585 = tpu.vector_load %arg12[%swap3A_583, %swap3A_584] {strides = array<i32>} : memref<80x128xf32, #tpu.memory_space<vmem>>, vector<16xf32>,
          tpu.vector_store %arg12[%swap3A_583, %swap3A_584], %mul3A_582 {strides = array<i32>} : memref<80x128xf32, #tpu.memory_space<vmem>>, vector<16xf32>,
          %get3A_586 = arith.index_cast %add3A_553 : i32 to index
          %get3A_587 = arith.constant 64 : index
          %get3A_588 = tpu.vector_load %arg12[%get3A_586, %get3A_587] {strides = array<i32>} : memref<80x128xf32, #tpu.memory_space<vmem>>, vector<16xf32>,
          %mul3A_589 = vector.broadcast %squeeze3A_549 : f32 to vector<16xf32>
          %mul3A_590 = arith.mulf %get3A_588, %mul3A_589 : vector<16xf32>
          %swap3A_591 = arith.index_cast %add3A_553 : i32 to index
          %swap3A_592 = arith.constant 64 : index
          %swap3A_593 = tpu.vector_load %arg12[%swap3A_591, %swap3A_592] {strides = array<i32>} : memref<80x128xf32, #tpu.memory_space<vmem>>, vector<16xf32>,
          tpu.vector_store %arg12[%swap3A_591, %swap3A_592], %mul3A_590 {strides = array<i32>} : memref<80x128xf32, #tpu.memory_space<vmem>>, vector<16xf32>,
          %get3A_594 = arith.index_cast %add3A_553 : i32 to index
          %get3A_595 = arith.constant 80 : index
          %get3A_596 = tpu.vector_load %arg12[%get3A_594, %get3A_595] {strides = array<i32>} : memref<80x128xf32, #tpu.memory_space<vmem>>, vector<16xf32>,
          %mul3A_597 = vector.broadcast %squeeze3A_549 : f32 to vector<16xf32>
          %mul3A_598 = arith.mulf %get3A_596, %mul3A_597 : vector<16xf32>
          %swap3A_599 = arith.index_cast %add3A_553 : i32 to index
          %swap3A_600 = arith.constant 80 : index
          %swap3A_601 = tpu.vector_load %arg12[%swap3A_599, %swap3A_600] {strides = array<i32>} : memref<80x128xf32, #tpu.memory_space<vmem>>, vector<16xf32>,
          tpu.vector_store %arg12[%swap3A_599, %swap3A_600], %mul3A_598 {strides = array<i32>} : memref<80x128xf32, #tpu.memory_space<vmem>>, vector<16xf32>,
          %get3A_602 = arith.index_cast %add3A_553 : i32 to index
          %get3A_603 = arith.constant 96 : index
          %get3A_604 = tpu.vector_load %arg12[%get3A_602, %get3A_603] {strides = array<i32>} : memref<80x128xf32, #tpu.memory_space<vmem>>, vector<16xf32>,
          %mul3A_605 = vector.broadcast %squeeze3A_549 : f32 to vector<16xf32>
          %mul3A_606 = arith.mulf %get3A_604, %mul3A_605 : vector<16xf32>
          %swap3A_607 = arith.index_cast %add3A_553 : i32 to index
          %swap3A_608 = arith.constant 96 : index
          %swap3A_609 = tpu.vector_load %arg12[%swap3A_607, %swap3A_608] {strides = array<i32>} : memref<80x128xf32, #tpu.memory_space<vmem>>, vector<16xf32>,
          tpu.vector_store %arg12[%swap3A_607, %swap3A_608], %mul3A_606 {strides = array<i32>} : memref<80x128xf32, #tpu.memory_space<vmem>>, vector<16xf32>,
          %get3A_610 = arith.index_cast %add3A_553 : i32 to index
          %get3A_611 = arith.constant 112 : index
          %get3A_612 = tpu.vector_load %arg12[%get3A_610, %get3A_611] {strides = array<i32>} : memref<80x128xf32, #tpu.memory_space<vmem>>, vector<16xf32>,
          %mul3A_613 = vector.broadcast %squeeze3A_549 : f32 to vector<16xf32>
          %mul3A_614 = arith.mulf %get3A_612, %mul3A_613 : vector<16xf32>
          %swap3A_615 = arith.index_cast %add3A_553 : i32 to index
          %swap3A_616 = arith.constant 112 : index
          %swap3A_617 = tpu.vector_load %arg12[%swap3A_615, %swap3A_616] {strides = array<i32>} : memref<80x128xf32, #tpu.memory_space<vmem>>, vector<16xf32>,
          tpu.vector_store %arg12[%swap3A_615, %swap3A_616], %mul3A_614 {strides = array<i32>} : memref<80x128xf32, #tpu.memory_space<vmem>>, vector<16xf32>,
          %slice3A_618 = vector.extract_strided_slice %get3A_60 {offsets = [8], sizes = [1], strides = [1]} : vector<16xf32> to vector<1xf32>
          %squeeze3A_619 = vector.extract %slice3A_618[0] : f32 from vector<1xf32>
          %mul3A_620 = arith.constant 16 : i32
          %mul3A_621 = arith.muli %add3A_56, %mul3A_620 : i32
          %add3A_622 = arith.constant 8 : i32
          %add3A_623 = arith.addi %mul3A_621, %add3A_622 : i32
          %get3A_624 = arith.index_cast %add3A_623 : i32 to index
          %get3A_625 = arith.constant 0 : index
          %get3A_626 = tpu.vector_load %arg12[%get3A_624, %get3A_625] {strides = array<i32>} : memref<80x128xf32, #tpu.memory_space<vmem>>, vector<16xf32>,
          %mul3A_627 = vector.broadcast %squeeze3A_619 : f32 to vector<16xf32>
          %mul3A_628 = arith.mulf %get3A_626, %mul3A_627 : vector<16xf32>
          %swap3A_629 = arith.index_cast %add3A_623 : i32 to index
          %swap3A_630 = arith.constant 0 : index
          %swap3A_631 = tpu.vector_load %arg12[%swap3A_629, %swap3A_630] {strides = array<i32>} : memref<80x128xf32, #tpu.memory_space<vmem>>, vector<16xf32>,
          tpu.vector_store %arg12[%swap3A_629, %swap3A_630], %mul3A_628 {strides = array<i32>} : memref<80x128xf32, #tpu.memory_space<vmem>>, vector<16xf32>,
          %get3A_632 = arith.index_cast %add3A_623 : i32 to index
          %get3A_633 = arith.constant 16 : index
          %get3A_634 = tpu.vector_load %arg12[%get3A_632, %get3A_633] {strides = array<i32>} : memref<80x128xf32, #tpu.memory_space<vmem>>, vector<16xf32>,
          %mul3A_635 = vector.broadcast %squeeze3A_619 : f32 to vector<16xf32>
          %mul3A_636 = arith.mulf %get3A_634, %mul3A_635 : vector<16xf32>
          %swap3A_637 = arith.index_cast %add3A_623 : i32 to index
          %swap3A_638 = arith.constant 16 : index
          %swap3A_639 = tpu.vector_load %arg12[%swap3A_637, %swap3A_638] {strides = array<i32>} : memref<80x128xf32, #tpu.memory_space<vmem>>, vector<16xf32>,
          tpu.vector_store %arg12[%swap3A_637, %swap3A_638], %mul3A_636 {strides = array<i32>} : memref<80x128xf32, #tpu.memory_space<vmem>>, vector<16xf32>,
          %get3A_640 = arith.index_cast %add3A_623 : i32 to index
          %get3A_641 = arith.constant 32 : index
          %get3A_642 = tpu.vector_load %arg12[%get3A_640, %get3A_641] {strides = array<i32>} : memref<80x128xf32, #tpu.memory_space<vmem>>, vector<16xf32>,
          %mul3A_643 = vector.broadcast %squeeze3A_619 : f32 to vector<16xf32>
          %mul3A_644 = arith.mulf %get3A_642, %mul3A_643 : vector<16xf32>
          %swap3A_645 = arith.index_cast %add3A_623 : i32 to index
          %swap3A_646 = arith.constant 32 : index
          %swap3A_647 = tpu.vector_load %arg12[%swap3A_645, %swap3A_646] {strides = array<i32>} : memref<80x128xf32, #tpu.memory_space<vmem>>, vector<16xf32>,
          tpu.vector_store %arg12[%swap3A_645, %swap3A_646], %mul3A_644 {strides = array<i32>} : memref<80x128xf32, #tpu.memory_space<vmem>>, vector<16xf32>,
          %get3A_648 = arith.index_cast %add3A_623 : i32 to index
          %get3A_649 = arith.constant 48 : index
          %get3A_650 = tpu.vector_load %arg12[%get3A_648, %get3A_649] {strides = array<i32>} : memref<80x128xf32, #tpu.memory_space<vmem>>, vector<16xf32>,
          %mul3A_651 = vector.broadcast %squeeze3A_619 : f32 to vector<16xf32>
          %mul3A_652 = arith.mulf %get3A_650, %mul3A_651 : vector<16xf32>
          %swap3A_653 = arith.index_cast %add3A_623 : i32 to index
          %swap3A_654 = arith.constant 48 : index
          %swap3A_655 = tpu.vector_load %arg12[%swap3A_653, %swap3A_654] {strides = array<i32>} : memref<80x128xf32, #tpu.memory_space<vmem>>, vector<16xf32>,
          tpu.vector_store %arg12[%swap3A_653, %swap3A_654], %mul3A_652 {strides = array<i32>} : memref<80x128xf32, #tpu.memory_space<vmem>>, vector<16xf32>,
          %get3A_656 = arith.index_cast %add3A_623 : i32 to index
          %get3A_657 = arith.constant 64 : index
          %get3A_658 = tpu.vector_load %arg12[%get3A_656, %get3A_657] {strides = array<i32>} : memref<80x128xf32, #tpu.memory_space<vmem>>, vector<16xf32>,
          %mul3A_659 = vector.broadcast %squeeze3A_619 : f32 to vector<16xf32>
          %mul3A_660 = arith.mulf %get3A_658, %mul3A_659 : vector<16xf32>
          %swap3A_661 = arith.index_cast %add3A_623 : i32 to index
          %swap3A_662 = arith.constant 64 : index
          %swap3A_663 = tpu.vector_load %arg12[%swap3A_661, %swap3A_662] {strides = array<i32>} : memref<80x128xf32, #tpu.memory_space<vmem>>, vector<16xf32>,
          tpu.vector_store %arg12[%swap3A_661, %swap3A_662], %mul3A_660 {strides = array<i32>} : memref<80x128xf32, #tpu.memory_space<vmem>>, vector<16xf32>,
          %get3A_664 = arith.index_cast %add3A_623 : i32 to index
          %get3A_665 = arith.constant 80 : index
          %get3A_666 = tpu.vector_load %arg12[%get3A_664, %get3A_665] {strides = array<i32>} : memref<80x128xf32, #tpu.memory_space<vmem>>, vector<16xf32>,
          %mul3A_667 = vector.broadcast %squeeze3A_619 : f32 to vector<16xf32>
          %mul3A_668 = arith.mulf %get3A_666, %mul3A_667 : vector<16xf32>
          %swap3A_669 = arith.index_cast %add3A_623 : i32 to index
          %swap3A_670 = arith.constant 80 : index
          %swap3A_671 = tpu.vector_load %arg12[%swap3A_669, %swap3A_670] {strides = array<i32>} : memref<80x128xf32, #tpu.memory_space<vmem>>, vector<16xf32>,
          tpu.vector_store %arg12[%swap3A_669, %swap3A_670], %mul3A_668 {strides = array<i32>} : memref<80x128xf32, #tpu.memory_space<vmem>>, vector<16xf32>,
          %get3A_672 = arith.index_cast %add3A_623 : i32 to index
          %get3A_673 = arith.constant 96 : index
          %get3A_674 = tpu.vector_load %arg12[%get3A_672, %get3A_673] {strides = array<i32>} : memref<80x128xf32, #tpu.memory_space<vmem>>, vector<16xf32>,
          %mul3A_675 = vector.broadcast %squeeze3A_619 : f32 to vector<16xf32>
          %mul3A_676 = arith.mulf %get3A_674, %mul3A_675 : vector<16xf32>
          %swap3A_677 = arith.index_cast %add3A_623 : i32 to index
          %swap3A_678 = arith.constant 96 : index
          %swap3A_679 = tpu.vector_load %arg12[%swap3A_677, %swap3A_678] {strides = array<i32>} : memref<80x128xf32, #tpu.memory_space<vmem>>, vector<16xf32>,
          tpu.vector_store %arg12[%swap3A_677, %swap3A_678], %mul3A_676 {strides = array<i32>} : memref<80x128xf32, #tpu.memory_space<vmem>>, vector<16xf32>,
          %get3A_680 = arith.index_cast %add3A_623 : i32 to index
          %get3A_681 = arith.constant 112 : index
          %get3A_682 = tpu.vector_load %arg12[%get3A_680, %get3A_681] {strides = array<i32>} : memref<80x128xf32, #tpu.memory_space<vmem>>, vector<16xf32>,
          %mul3A_683 = vector.broadcast %squeeze3A_619 : f32 to vector<16xf32>
          %mul3A_684 = arith.mulf %get3A_682, %mul3A_683 : vector<16xf32>
          %swap3A_685 = arith.index_cast %add3A_623 : i32 to index
          %swap3A_686 = arith.constant 112 : index
          %swap3A_687 = tpu.vector_load %arg12[%swap3A_685, %swap3A_686] {strides = array<i32>} : memref<80x128xf32, #tpu.memory_space<vmem>>, vector<16xf32>,
          tpu.vector_store %arg12[%swap3A_685, %swap3A_686], %mul3A_684 {strides = array<i32>} : memref<80x128xf32, #tpu.memory_space<vmem>>, vector<16xf32>,
          %slice3A_688 = vector.extract_strided_slice %get3A_60 {offsets = [9], sizes = [1], strides = [1]} : vector<16xf32> to vector<1xf32>
          %squeeze3A_689 = vector.extract %slice3A_688[0] : f32 from vector<1xf32>
          %mul3A_690 = arith.constant 16 : i32
          %mul3A_691 = arith.muli %add3A_56, %mul3A_690 : i32
          %add3A_692 = arith.constant 9 : i32
          %add3A_693 = arith.addi %mul3A_691, %add3A_692 : i32
          %get3A_694 = arith.index_cast %add3A_693 : i32 to index
          %get3A_695 = arith.constant 0 : index
          %get3A_696 = tpu.vector_load %arg12[%get3A_694, %get3A_695] {strides = array<i32>} : memref<80x128xf32, #tpu.memory_space<vmem>>, vector<16xf32>,
          %mul3A_697 = vector.broadcast %squeeze3A_689 : f32 to vector<16xf32>
          %mul3A_698 = arith.mulf %get3A_696, %mul3A_697 : vector<16xf32>
          %swap3A_699 = arith.index_cast %add3A_693 : i32 to index
          %swap3A_700 = arith.constant 0 : index
          %swap3A_701 = tpu.vector_load %arg12[%swap3A_699, %swap3A_700] {strides = array<i32>} : memref<80x128xf32, #tpu.memory_space<vmem>>, vector<16xf32>,
          tpu.vector_store %arg12[%swap3A_699, %swap3A_700], %mul3A_698 {strides = array<i32>} : memref<80x128xf32, #tpu.memory_space<vmem>>, vector<16xf32>,
          %get3A_702 = arith.index_cast %add3A_693 : i32 to index
          %get3A_703 = arith.constant 16 : index
          %get3A_704 = tpu.vector_load %arg12[%get3A_702, %get3A_703] {strides = array<i32>} : memref<80x128xf32, #tpu.memory_space<vmem>>, vector<16xf32>,
          %mul3A_705 = vector.broadcast %squeeze3A_689 : f32 to vector<16xf32>
          %mul3A_706 = arith.mulf %get3A_704, %mul3A_705 : vector<16xf32>
          %swap3A_707 = arith.index_cast %add3A_693 : i32 to index
          %swap3A_708 = arith.constant 16 : index
          %swap3A_709 = tpu.vector_load %arg12[%swap3A_707, %swap3A_708] {strides = array<i32>} : memref<80x128xf32, #tpu.memory_space<vmem>>, vector<16xf32>,
          tpu.vector_store %arg12[%swap3A_707, %swap3A_708], %mul3A_706 {strides = array<i32>} : memref<80x128xf32, #tpu.memory_space<vmem>>, vector<16xf32>,
          %get3A_710 = arith.index_cast %add3A_693 : i32 to index
          %get3A_711 = arith.constant 32 : index
          %get3A_712 = tpu.vector_load %arg12[%get3A_710, %get3A_711] {strides = array<i32>} : memref<80x128xf32, #tpu.memory_space<vmem>>, vector<16xf32>,
          %mul3A_713 = vector.broadcast %squeeze3A_689 : f32 to vector<16xf32>
          %mul3A_714 = arith.mulf %get3A_712, %mul3A_713 : vector<16xf32>
          %swap3A_715 = arith.index_cast %add3A_693 : i32 to index
          %swap3A_716 = arith.constant 32 : index
          %swap3A_717 = tpu.vector_load %arg12[%swap3A_715, %swap3A_716] {strides = array<i32>} : memref<80x128xf32, #tpu.memory_space<vmem>>, vector<16xf32>,
          tpu.vector_store %arg12[%swap3A_715, %swap3A_716], %mul3A_714 {strides = array<i32>} : memref<80x128xf32, #tpu.memory_space<vmem>>, vector<16xf32>,
          %get3A_718 = arith.index_cast %add3A_693 : i32 to index
          %get3A_719 = arith.constant 48 : index
          %get3A_720 = tpu.vector_load %arg12[%get3A_718, %get3A_719] {strides = array<i32>} : memref<80x128xf32, #tpu.memory_space<vmem>>, vector<16xf32>,
          %mul3A_721 = vector.broadcast %squeeze3A_689 : f32 to vector<16xf32>
          %mul3A_722 = arith.mulf %get3A_720, %mul3A_721 : vector<16xf32>
          %swap3A_723 = arith.index_cast %add3A_693 : i32 to index
          %swap3A_724 = arith.constant 48 : index
          %swap3A_725 = tpu.vector_load %arg12[%swap3A_723, %swap3A_724] {strides = array<i32>} : memref<80x128xf32, #tpu.memory_space<vmem>>, vector<16xf32>,
          tpu.vector_store %arg12[%swap3A_723, %swap3A_724], %mul3A_722 {strides = array<i32>} : memref<80x128xf32, #tpu.memory_space<vmem>>, vector<16xf32>,
          %get3A_726 = arith.index_cast %add3A_693 : i32 to index
          %get3A_727 = arith.constant 64 : index
          %get3A_728 = tpu.vector_load %arg12[%get3A_726, %get3A_727] {strides = array<i32>} : memref<80x128xf32, #tpu.memory_space<vmem>>, vector<16xf32>,
          %mul3A_729 = vector.broadcast %squeeze3A_689 : f32 to vector<16xf32>
          %mul3A_730 = arith.mulf %get3A_728, %mul3A_729 : vector<16xf32>
          %swap3A_731 = arith.index_cast %add3A_693 : i32 to index
          %swap3A_732 = arith.constant 64 : index
          %swap3A_733 = tpu.vector_load %arg12[%swap3A_731, %swap3A_732] {strides = array<i32>} : memref<80x128xf32, #tpu.memory_space<vmem>>, vector<16xf32>,
          tpu.vector_store %arg12[%swap3A_731, %swap3A_732], %mul3A_730 {strides = array<i32>} : memref<80x128xf32, #tpu.memory_space<vmem>>, vector<16xf32>,
          %get3A_734 = arith.index_cast %add3A_693 : i32 to index
          %get3A_735 = arith.constant 80 : index
          %get3A_736 = tpu.vector_load %arg12[%get3A_734, %get3A_735] {strides = array<i32>} : memref<80x128xf32, #tpu.memory_space<vmem>>, vector<16xf32>,
          %mul3A_737 = vector.broadcast %squeeze3A_689 : f32 to vector<16xf32>
          %mul3A_738 = arith.mulf %get3A_736, %mul3A_737 : vector<16xf32>
          %swap3A_739 = arith.index_cast %add3A_693 : i32 to index
          %swap3A_740 = arith.constant 80 : index
          %swap3A_741 = tpu.vector_load %arg12[%swap3A_739, %swap3A_740] {strides = array<i32>} : memref<80x128xf32, #tpu.memory_space<vmem>>, vector<16xf32>,
          tpu.vector_store %arg12[%swap3A_739, %swap3A_740], %mul3A_738 {strides = array<i32>} : memref<80x128xf32, #tpu.memory_space<vmem>>, vector<16xf32>,
          %get3A_742 = arith.index_cast %add3A_693 : i32 to index
          %get3A_743 = arith.constant 96 : index
          %get3A_744 = tpu.vector_load %arg12[%get3A_742, %get3A_743] {strides = array<i32>} : memref<80x128xf32, #tpu.memory_space<vmem>>, vector<16xf32>,
          %mul3A_745 = vector.broadcast %squeeze3A_689 : f32 to vector<16xf32>
          %mul3A_746 = arith.mulf %get3A_744, %mul3A_745 : vector<16xf32>
          %swap3A_747 = arith.index_cast %add3A_693 : i32 to index
          %swap3A_748 = arith.constant 96 : index
          %swap3A_749 = tpu.vector_load %arg12[%swap3A_747, %swap3A_748] {strides = array<i32>} : memref<80x128xf32, #tpu.memory_space<vmem>>, vector<16xf32>,
          tpu.vector_store %arg12[%swap3A_747, %swap3A_748], %mul3A_746 {strides = array<i32>} : memref<80x128xf32, #tpu.memory_space<vmem>>, vector<16xf32>,
          %get3A_750 = arith.index_cast %add3A_693 : i32 to index
          %get3A_751 = arith.constant 112 : index
          %get3A_752 = tpu.vector_load %arg12[%get3A_750, %get3A_751] {strides = array<i32>} : memref<80x128xf32, #tpu.memory_space<vmem>>, vector<16xf32>,
          %mul3A_753 = vector.broadcast %squeeze3A_689 : f32 to vector<16xf32>
          %mul3A_754 = arith.mulf %get3A_752, %mul3A_753 : vector<16xf32>
          %swap3A_755 = arith.index_cast %add3A_693 : i32 to index
          %swap3A_756 = arith.constant 112 : index
          %swap3A_757 = tpu.vector_load %arg12[%swap3A_755, %swap3A_756] {strides = array<i32>} : memref<80x128xf32, #tpu.memory_space<vmem>>, vector<16xf32>,
          tpu.vector_store %arg12[%swap3A_755, %swap3A_756], %mul3A_754 {strides = array<i32>} : memref<80x128xf32, #tpu.memory_space<vmem>>, vector<16xf32>,
          %slice3A_758 = vector.extract_strided_slice %get3A_60 {offsets = [10], sizes = [1], strides = [1]} : vector<16xf32> to vector<1xf32>
          %squeeze3A_759 = vector.extract %slice3A_758[0] : f32 from vector<1xf32>
          %mul3A_760 = arith.constant 16 : i32
          %mul3A_761 = arith.muli %add3A_56, %mul3A_760 : i32
          %add3A_762 = arith.constant 10 : i32
          %add3A_763 = arith.addi %mul3A_761, %add3A_762 : i32
          %get3A_764 = arith.index_cast %add3A_763 : i32 to index
          %get3A_765 = arith.constant 0 : index
          %get3A_766 = tpu.vector_load %arg12[%get3A_764, %get3A_765] {strides = array<i32>} : memref<80x128xf32, #tpu.memory_space<vmem>>, vector<16xf32>,
          %mul3A_767 = vector.broadcast %squeeze3A_759 : f32 to vector<16xf32>
          %mul3A_768 = arith.mulf %get3A_766, %mul3A_767 : vector<16xf32>
          %swap3A_769 = arith.index_cast %add3A_763 : i32 to index
          %swap3A_770 = arith.constant 0 : index
          %swap3A_771 = tpu.vector_load %arg12[%swap3A_769, %swap3A_770] {strides = array<i32>} : memref<80x128xf32, #tpu.memory_space<vmem>>, vector<16xf32>,
          tpu.vector_store %arg12[%swap3A_769, %swap3A_770], %mul3A_768 {strides = array<i32>} : memref<80x128xf32, #tpu.memory_space<vmem>>, vector<16xf32>,
          %get3A_772 = arith.index_cast %add3A_763 : i32 to index
          %get3A_773 = arith.constant 16 : index
          %get3A_774 = tpu.vector_load %arg12[%get3A_772, %get3A_773] {strides = array<i32>} : memref<80x128xf32, #tpu.memory_space<vmem>>, vector<16xf32>,
          %mul3A_775 = vector.broadcast %squeeze3A_759 : f32 to vector<16xf32>
          %mul3A_776 = arith.mulf %get3A_774, %mul3A_775 : vector<16xf32>
          %swap3A_777 = arith.index_cast %add3A_763 : i32 to index
          %swap3A_778 = arith.constant 16 : index
          %swap3A_779 = tpu.vector_load %arg12[%swap3A_777, %swap3A_778] {strides = array<i32>} : memref<80x128xf32, #tpu.memory_space<vmem>>, vector<16xf32>,
          tpu.vector_store %arg12[%swap3A_777, %swap3A_778], %mul3A_776 {strides = array<i32>} : memref<80x128xf32, #tpu.memory_space<vmem>>, vector<16xf32>,
          %get3A_780 = arith.index_cast %add3A_763 : i32 to index
          %get3A_781 = arith.constant 32 : index
          %get3A_782 = tpu.vector_load %arg12[%get3A_780, %get3A_781] {strides = array<i32>} : memref<80x128xf32, #tpu.memory_space<vmem>>, vector<16xf32>,
          %mul3A_783 = vector.broadcast %squeeze3A_759 : f32 to vector<16xf32>
          %mul3A_784 = arith.mulf %get3A_782, %mul3A_783 : vector<16xf32>
          %swap3A_785 = arith.index_cast %add3A_763 : i32 to index
          %swap3A_786 = arith.constant 32 : index
          %swap3A_787 = tpu.vector_load %arg12[%swap3A_785, %swap3A_786] {strides = array<i32>} : memref<80x128xf32, #tpu.memory_space<vmem>>, vector<16xf32>,
          tpu.vector_store %arg12[%swap3A_785, %swap3A_786], %mul3A_784 {strides = array<i32>} : memref<80x128xf32, #tpu.memory_space<vmem>>, vector<16xf32>,
          %get3A_788 = arith.index_cast %add3A_763 : i32 to index
          %get3A_789 = arith.constant 48 : index
          %get3A_790 = tpu.vector_load %arg12[%get3A_788, %get3A_789] {strides = array<i32>} : memref<80x128xf32, #tpu.memory_space<vmem>>, vector<16xf32>,
          %mul3A_791 = vector.broadcast %squeeze3A_759 : f32 to vector<16xf32>
          %mul3A_792 = arith.mulf %get3A_790, %mul3A_791 : vector<16xf32>
          %swap3A_793 = arith.index_cast %add3A_763 : i32 to index
          %swap3A_794 = arith.constant 48 : index
          %swap3A_795 = tpu.vector_load %arg12[%swap3A_793, %swap3A_794] {strides = array<i32>} : memref<80x128xf32, #tpu.memory_space<vmem>>, vector<16xf32>,
          tpu.vector_store %arg12[%swap3A_793, %swap3A_794], %mul3A_792 {strides = array<i32>} : memref<80x128xf32, #tpu.memory_space<vmem>>, vector<16xf32>,
          %get3A_796 = arith.index_cast %add3A_763 : i32 to index
          %get3A_797 = arith.constant 64 : index
          %get3A_798 = tpu.vector_load %arg12[%get3A_796, %get3A_797] {strides = array<i32>} : memref<80x128xf32, #tpu.memory_space<vmem>>, vector<16xf32>,
          %mul3A_799 = vector.broadcast %squeeze3A_759 : f32 to vector<16xf32>
          %mul3A_800 = arith.mulf %get3A_798, %mul3A_799 : vector<16xf32>
          %swap3A_801 = arith.index_cast %add3A_763 : i32 to index
          %swap3A_802 = arith.constant 64 : index
          %swap3A_803 = tpu.vector_load %arg12[%swap3A_801, %swap3A_802] {strides = array<i32>} : memref<80x128xf32, #tpu.memory_space<vmem>>, vector<16xf32>,
          tpu.vector_store %arg12[%swap3A_801, %swap3A_802], %mul3A_800 {strides = array<i32>} : memref<80x128xf32, #tpu.memory_space<vmem>>, vector<16xf32>,
          %get3A_804 = arith.index_cast %add3A_763 : i32 to index
          %get3A_805 = arith.constant 80 : index
          %get3A_806 = tpu.vector_load %arg12[%get3A_804, %get3A_805] {strides = array<i32>} : memref<80x128xf32, #tpu.memory_space<vmem>>, vector<16xf32>,
          %mul3A_807 = vector.broadcast %squeeze3A_759 : f32 to vector<16xf32>
          %mul3A_808 = arith.mulf %get3A_806, %mul3A_807 : vector<16xf32>
          %swap3A_809 = arith.index_cast %add3A_763 : i32 to index
          %swap3A_810 = arith.constant 80 : index
          %swap3A_811 = tpu.vector_load %arg12[%swap3A_809, %swap3A_810] {strides = array<i32>} : memref<80x128xf32, #tpu.memory_space<vmem>>, vector<16xf32>,
          tpu.vector_store %arg12[%swap3A_809, %swap3A_810], %mul3A_808 {strides = array<i32>} : memref<80x128xf32, #tpu.memory_space<vmem>>, vector<16xf32>,
          %get3A_812 = arith.index_cast %add3A_763 : i32 to index
          %get3A_813 = arith.constant 96 : index
          %get3A_814 = tpu.vector_load %arg12[%get3A_812, %get3A_813] {strides = array<i32>} : memref<80x128xf32, #tpu.memory_space<vmem>>, vector<16xf32>,
          %mul3A_815 = vector.broadcast %squeeze3A_759 : f32 to vector<16xf32>
          %mul3A_816 = arith.mulf %get3A_814, %mul3A_815 : vector<16xf32>
          %swap3A_817 = arith.index_cast %add3A_763 : i32 to index
          %swap3A_818 = arith.constant 96 : index
          %swap3A_819 = tpu.vector_load %arg12[%swap3A_817, %swap3A_818] {strides = array<i32>} : memref<80x128xf32, #tpu.memory_space<vmem>>, vector<16xf32>,
          tpu.vector_store %arg12[%swap3A_817, %swap3A_818], %mul3A_816 {strides = array<i32>} : memref<80x128xf32, #tpu.memory_space<vmem>>, vector<16xf32>,
          %get3A_820 = arith.index_cast %add3A_763 : i32 to index
          %get3A_821 = arith.constant 112 : index
          %get3A_822 = tpu.vector_load %arg12[%get3A_820, %get3A_821] {strides = array<i32>} : memref<80x128xf32, #tpu.memory_space<vmem>>, vector<16xf32>,
          %mul3A_823 = vector.broadcast %squeeze3A_759 : f32 to vector<16xf32>
          %mul3A_824 = arith.mulf %get3A_822, %mul3A_823 : vector<16xf32>
          %swap3A_825 = arith.index_cast %add3A_763 : i32 to index
          %swap3A_826 = arith.constant 112 : index
          %swap3A_827 = tpu.vector_load %arg12[%swap3A_825, %swap3A_826] {strides = array<i32>} : memref<80x128xf32, #tpu.memory_space<vmem>>, vector<16xf32>,
          tpu.vector_store %arg12[%swap3A_825, %swap3A_826], %mul3A_824 {strides = array<i32>} : memref<80x128xf32, #tpu.memory_space<vmem>>, vector<16xf32>,
          %slice3A_828 = vector.extract_strided_slice %get3A_60 {offsets = [11], sizes = [1], strides = [1]} : vector<16xf32> to vector<1xf32>
          %squeeze3A_829 = vector.extract %slice3A_828[0] : f32 from vector<1xf32>
          %mul3A_830 = arith.constant 16 : i32
          %mul3A_831 = arith.muli %add3A_56, %mul3A_830 : i32
          %add3A_832 = arith.constant 11 : i32
          %add3A_833 = arith.addi %mul3A_831, %add3A_832 : i32
          %get3A_834 = arith.index_cast %add3A_833 : i32 to index
          %get3A_835 = arith.constant 0 : index
          %get3A_836 = tpu.vector_load %arg12[%get3A_834, %get3A_835] {strides = array<i32>} : memref<80x128xf32, #tpu.memory_space<vmem>>, vector<16xf32>,
          %mul3A_837 = vector.broadcast %squeeze3A_829 : f32 to vector<16xf32>
          %mul3A_838 = arith.mulf %get3A_836, %mul3A_837 : vector<16xf32>
          %swap3A_839 = arith.index_cast %add3A_833 : i32 to index
          %swap3A_840 = arith.constant 0 : index
          %swap3A_841 = tpu.vector_load %arg12[%swap3A_839, %swap3A_840] {strides = array<i32>} : memref<80x128xf32, #tpu.memory_space<vmem>>, vector<16xf32>,
          tpu.vector_store %arg12[%swap3A_839, %swap3A_840], %mul3A_838 {strides = array<i32>} : memref<80x128xf32, #tpu.memory_space<vmem>>, vector<16xf32>,
          %get3A_842 = arith.index_cast %add3A_833 : i32 to index
          %get3A_843 = arith.constant 16 : index
          %get3A_844 = tpu.vector_load %arg12[%get3A_842, %get3A_843] {strides = array<i32>} : memref<80x128xf32, #tpu.memory_space<vmem>>, vector<16xf32>,
          %mul3A_845 = vector.broadcast %squeeze3A_829 : f32 to vector<16xf32>
          %mul3A_846 = arith.mulf %get3A_844, %mul3A_845 : vector<16xf32>
          %swap3A_847 = arith.index_cast %add3A_833 : i32 to index
          %swap3A_848 = arith.constant 16 : index
          %swap3A_849 = tpu.vector_load %arg12[%swap3A_847, %swap3A_848] {strides = array<i32>} : memref<80x128xf32, #tpu.memory_space<vmem>>, vector<16xf32>,
          tpu.vector_store %arg12[%swap3A_847, %swap3A_848], %mul3A_846 {strides = array<i32>} : memref<80x128xf32, #tpu.memory_space<vmem>>, vector<16xf32>,
          %get3A_850 = arith.index_cast %add3A_833 : i32 to index
          %get3A_851 = arith.constant 32 : index
          %get3A_852 = tpu.vector_load %arg12[%get3A_850, %get3A_851] {strides = array<i32>} : memref<80x128xf32, #tpu.memory_space<vmem>>, vector<16xf32>,
          %mul3A_853 = vector.broadcast %squeeze3A_829 : f32 to vector<16xf32>
          %mul3A_854 = arith.mulf %get3A_852, %mul3A_853 : vector<16xf32>
          %swap3A_855 = arith.index_cast %add3A_833 : i32 to index
          %swap3A_856 = arith.constant 32 : index
          %swap3A_857 = tpu.vector_load %arg12[%swap3A_855, %swap3A_856] {strides = array<i32>} : memref<80x128xf32, #tpu.memory_space<vmem>>, vector<16xf32>,
          tpu.vector_store %arg12[%swap3A_855, %swap3A_856], %mul3A_854 {strides = array<i32>} : memref<80x128xf32, #tpu.memory_space<vmem>>, vector<16xf32>,
          %get3A_858 = arith.index_cast %add3A_833 : i32 to index
          %get3A_859 = arith.constant 48 : index
          %get3A_860 = tpu.vector_load %arg12[%get3A_858, %get3A_859] {strides = array<i32>} : memref<80x128xf32, #tpu.memory_space<vmem>>, vector<16xf32>,
          %mul3A_861 = vector.broadcast %squeeze3A_829 : f32 to vector<16xf32>
          %mul3A_862 = arith.mulf %get3A_860, %mul3A_861 : vector<16xf32>
          %swap3A_863 = arith.index_cast %add3A_833 : i32 to index
          %swap3A_864 = arith.constant 48 : index
          %swap3A_865 = tpu.vector_load %arg12[%swap3A_863, %swap3A_864] {strides = array<i32>} : memref<80x128xf32, #tpu.memory_space<vmem>>, vector<16xf32>,
          tpu.vector_store %arg12[%swap3A_863, %swap3A_864], %mul3A_862 {strides = array<i32>} : memref<80x128xf32, #tpu.memory_space<vmem>>, vector<16xf32>,
          %get3A_866 = arith.index_cast %add3A_833 : i32 to index
          %get3A_867 = arith.constant 64 : index
          %get3A_868 = tpu.vector_load %arg12[%get3A_866, %get3A_867] {strides = array<i32>} : memref<80x128xf32, #tpu.memory_space<vmem>>, vector<16xf32>,
          %mul3A_869 = vector.broadcast %squeeze3A_829 : f32 to vector<16xf32>
          %mul3A_870 = arith.mulf %get3A_868, %mul3A_869 : vector<16xf32>
          %swap3A_871 = arith.index_cast %add3A_833 : i32 to index
          %swap3A_872 = arith.constant 64 : index
          %swap3A_873 = tpu.vector_load %arg12[%swap3A_871, %swap3A_872] {strides = array<i32>} : memref<80x128xf32, #tpu.memory_space<vmem>>, vector<16xf32>,
          tpu.vector_store %arg12[%swap3A_871, %swap3A_872], %mul3A_870 {strides = array<i32>} : memref<80x128xf32, #tpu.memory_space<vmem>>, vector<16xf32>,
          %get3A_874 = arith.index_cast %add3A_833 : i32 to index
          %get3A_875 = arith.constant 80 : index
          %get3A_876 = tpu.vector_load %arg12[%get3A_874, %get3A_875] {strides = array<i32>} : memref<80x128xf32, #tpu.memory_space<vmem>>, vector<16xf32>,
          %mul3A_877 = vector.broadcast %squeeze3A_829 : f32 to vector<16xf32>
          %mul3A_878 = arith.mulf %get3A_876, %mul3A_877 : vector<16xf32>
          %swap3A_879 = arith.index_cast %add3A_833 : i32 to index
          %swap3A_880 = arith.constant 80 : index
          %swap3A_881 = tpu.vector_load %arg12[%swap3A_879, %swap3A_880] {strides = array<i32>} : memref<80x128xf32, #tpu.memory_space<vmem>>, vector<16xf32>,
          tpu.vector_store %arg12[%swap3A_879, %swap3A_880], %mul3A_878 {strides = array<i32>} : memref<80x128xf32, #tpu.memory_space<vmem>>, vector<16xf32>,
          %get3A_882 = arith.index_cast %add3A_833 : i32 to index
          %get3A_883 = arith.constant 96 : index
          %get3A_884 = tpu.vector_load %arg12[%get3A_882, %get3A_883] {strides = array<i32>} : memref<80x128xf32, #tpu.memory_space<vmem>>, vector<16xf32>,
          %mul3A_885 = vector.broadcast %squeeze3A_829 : f32 to vector<16xf32>
          %mul3A_886 = arith.mulf %get3A_884, %mul3A_885 : vector<16xf32>
          %swap3A_887 = arith.index_cast %add3A_833 : i32 to index
          %swap3A_888 = arith.constant 96 : index
          %swap3A_889 = tpu.vector_load %arg12[%swap3A_887, %swap3A_888] {strides = array<i32>} : memref<80x128xf32, #tpu.memory_space<vmem>>, vector<16xf32>,
          tpu.vector_store %arg12[%swap3A_887, %swap3A_888], %mul3A_886 {strides = array<i32>} : memref<80x128xf32, #tpu.memory_space<vmem>>, vector<16xf32>,
          %get3A_890 = arith.index_cast %add3A_833 : i32 to index
          %get3A_891 = arith.constant 112 : index
          %get3A_892 = tpu.vector_load %arg12[%get3A_890, %get3A_891] {strides = array<i32>} : memref<80x128xf32, #tpu.memory_space<vmem>>, vector<16xf32>,
          %mul3A_893 = vector.broadcast %squeeze3A_829 : f32 to vector<16xf32>
          %mul3A_894 = arith.mulf %get3A_892, %mul3A_893 : vector<16xf32>
          %swap3A_895 = arith.index_cast %add3A_833 : i32 to index
          %swap3A_896 = arith.constant 112 : index
          %swap3A_897 = tpu.vector_load %arg12[%swap3A_895, %swap3A_896] {strides = array<i32>} : memref<80x128xf32, #tpu.memory_space<vmem>>, vector<16xf32>,
          tpu.vector_store %arg12[%swap3A_895, %swap3A_896], %mul3A_894 {strides = array<i32>} : memref<80x128xf32, #tpu.memory_space<vmem>>, vector<16xf32>,
          %slice3A_898 = vector.extract_strided_slice %get3A_60 {offsets = [12], sizes = [1], strides = [1]} : vector<16xf32> to vector<1xf32>
          %squeeze3A_899 = vector.extract %slice3A_898[0] : f32 from vector<1xf32>
          %mul3A_900 = arith.constant 16 : i32
          %mul3A_901 = arith.muli %add3A_56, %mul3A_900 : i32
          %add3A_902 = arith.constant 12 : i32
          %add3A_903 = arith.addi %mul3A_901, %add3A_902 : i32
          %get3A_904 = arith.index_cast %add3A_903 : i32 to index
          %get3A_905 = arith.constant 0 : index
          %get3A_906 = tpu.vector_load %arg12[%get3A_904, %get3A_905] {strides = array<i32>} : memref<80x128xf32, #tpu.memory_space<vmem>>, vector<16xf32>,
          %mul3A_907 = vector.broadcast %squeeze3A_899 : f32 to vector<16xf32>
          %mul3A_908 = arith.mulf %get3A_906, %mul3A_907 : vector<16xf32>
          %swap3A_909 = arith.index_cast %add3A_903 : i32 to index
          %swap3A_910 = arith.constant 0 : index
          %swap3A_911 = tpu.vector_load %arg12[%swap3A_909, %swap3A_910] {strides = array<i32>} : memref<80x128xf32, #tpu.memory_space<vmem>>, vector<16xf32>,
          tpu.vector_store %arg12[%swap3A_909, %swap3A_910], %mul3A_908 {strides = array<i32>} : memref<80x128xf32, #tpu.memory_space<vmem>>, vector<16xf32>,
          %get3A_912 = arith.index_cast %add3A_903 : i32 to index
          %get3A_913 = arith.constant 16 : index
          %get3A_914 = tpu.vector_load %arg12[%get3A_912, %get3A_913] {strides = array<i32>} : memref<80x128xf32, #tpu.memory_space<vmem>>, vector<16xf32>,
          %mul3A_915 = vector.broadcast %squeeze3A_899 : f32 to vector<16xf32>
          %mul3A_916 = arith.mulf %get3A_914, %mul3A_915 : vector<16xf32>
          %swap3A_917 = arith.index_cast %add3A_903 : i32 to index
          %swap3A_918 = arith.constant 16 : index
          %swap3A_919 = tpu.vector_load %arg12[%swap3A_917, %swap3A_918] {strides = array<i32>} : memref<80x128xf32, #tpu.memory_space<vmem>>, vector<16xf32>,
          tpu.vector_store %arg12[%swap3A_917, %swap3A_918], %mul3A_916 {strides = array<i32>} : memref<80x128xf32, #tpu.memory_space<vmem>>, vector<16xf32>,
          %get3A_920 = arith.index_cast %add3A_903 : i32 to index
          %get3A_921 = arith.constant 32 : index
          %get3A_922 = tpu.vector_load %arg12[%get3A_920, %get3A_921] {strides = array<i32>} : memref<80x128xf32, #tpu.memory_space<vmem>>, vector<16xf32>,
          %mul3A_923 = vector.broadcast %squeeze3A_899 : f32 to vector<16xf32>
          %mul3A_924 = arith.mulf %get3A_922, %mul3A_923 : vector<16xf32>
          %swap3A_925 = arith.index_cast %add3A_903 : i32 to index
          %swap3A_926 = arith.constant 32 : index
          %swap3A_927 = tpu.vector_load %arg12[%swap3A_925, %swap3A_926] {strides = array<i32>} : memref<80x128xf32, #tpu.memory_space<vmem>>, vector<16xf32>,
          tpu.vector_store %arg12[%swap3A_925, %swap3A_926], %mul3A_924 {strides = array<i32>} : memref<80x128xf32, #tpu.memory_space<vmem>>, vector<16xf32>,
          %get3A_928 = arith.index_cast %add3A_903 : i32 to index
          %get3A_929 = arith.constant 48 : index
          %get3A_930 = tpu.vector_load %arg12[%get3A_928, %get3A_929] {strides = array<i32>} : memref<80x128xf32, #tpu.memory_space<vmem>>, vector<16xf32>,
          %mul3A_931 = vector.broadcast %squeeze3A_899 : f32 to vector<16xf32>
          %mul3A_932 = arith.mulf %get3A_930, %mul3A_931 : vector<16xf32>
          %swap3A_933 = arith.index_cast %add3A_903 : i32 to index
          %swap3A_934 = arith.constant 48 : index
          %swap3A_935 = tpu.vector_load %arg12[%swap3A_933, %swap3A_934] {strides = array<i32>} : memref<80x128xf32, #tpu.memory_space<vmem>>, vector<16xf32>,
          tpu.vector_store %arg12[%swap3A_933, %swap3A_934], %mul3A_932 {strides = array<i32>} : memref<80x128xf32, #tpu.memory_space<vmem>>, vector<16xf32>,
          %get3A_936 = arith.index_cast %add3A_903 : i32 to index
          %get3A_937 = arith.constant 64 : index
          %get3A_938 = tpu.vector_load %arg12[%get3A_936, %get3A_937] {strides = array<i32>} : memref<80x128xf32, #tpu.memory_space<vmem>>, vector<16xf32>,
          %mul3A_939 = vector.broadcast %squeeze3A_899 : f32 to vector<16xf32>
          %mul3A_940 = arith.mulf %get3A_938, %mul3A_939 : vector<16xf32>
          %swap3A_941 = arith.index_cast %add3A_903 : i32 to index
          %swap3A_942 = arith.constant 64 : index
          %swap3A_943 = tpu.vector_load %arg12[%swap3A_941, %swap3A_942] {strides = array<i32>} : memref<80x128xf32, #tpu.memory_space<vmem>>, vector<16xf32>,
          tpu.vector_store %arg12[%swap3A_941, %swap3A_942], %mul3A_940 {strides = array<i32>} : memref<80x128xf32, #tpu.memory_space<vmem>>, vector<16xf32>,
          %get3A_944 = arith.index_cast %add3A_903 : i32 to index
          %get3A_945 = arith.constant 80 : index
          %get3A_946 = tpu.vector_load %arg12[%get3A_944, %get3A_945] {strides = array<i32>} : memref<80x128xf32, #tpu.memory_space<vmem>>, vector<16xf32>,
          %mul3A_947 = vector.broadcast %squeeze3A_899 : f32 to vector<16xf32>
          %mul3A_948 = arith.mulf %get3A_946, %mul3A_947 : vector<16xf32>
          %swap3A_949 = arith.index_cast %add3A_903 : i32 to index
          %swap3A_950 = arith.constant 80 : index
          %swap3A_951 = tpu.vector_load %arg12[%swap3A_949, %swap3A_950] {strides = array<i32>} : memref<80x128xf32, #tpu.memory_space<vmem>>, vector<16xf32>,
          tpu.vector_store %arg12[%swap3A_949, %swap3A_950], %mul3A_948 {strides = array<i32>} : memref<80x128xf32, #tpu.memory_space<vmem>>, vector<16xf32>,
          %get3A_952 = arith.index_cast %add3A_903 : i32 to index
          %get3A_953 = arith.constant 96 : index
          %get3A_954 = tpu.vector_load %arg12[%get3A_952, %get3A_953] {strides = array<i32>} : memref<80x128xf32, #tpu.memory_space<vmem>>, vector<16xf32>,
          %mul3A_955 = vector.broadcast %squeeze3A_899 : f32 to vector<16xf32>
          %mul3A_956 = arith.mulf %get3A_954, %mul3A_955 : vector<16xf32>
          %swap3A_957 = arith.index_cast %add3A_903 : i32 to index
          %swap3A_958 = arith.constant 96 : index
          %swap3A_959 = tpu.vector_load %arg12[%swap3A_957, %swap3A_958] {strides = array<i32>} : memref<80x128xf32, #tpu.memory_space<vmem>>, vector<16xf32>,
          tpu.vector_store %arg12[%swap3A_957, %swap3A_958], %mul3A_956 {strides = array<i32>} : memref<80x128xf32, #tpu.memory_space<vmem>>, vector<16xf32>,
          %get3A_960 = arith.index_cast %add3A_903 : i32 to index
          %get3A_961 = arith.constant 112 : index
          %get3A_962 = tpu.vector_load %arg12[%get3A_960, %get3A_961] {strides = array<i32>} : memref<80x128xf32, #tpu.memory_space<vmem>>, vector<16xf32>,
          %mul3A_963 = vector.broadcast %squeeze3A_899 : f32 to vector<16xf32>
          %mul3A_964 = arith.mulf %get3A_962, %mul3A_963 : vector<16xf32>
          %swap3A_965 = arith.index_cast %add3A_903 : i32 to index
          %swap3A_966 = arith.constant 112 : index
          %swap3A_967 = tpu.vector_load %arg12[%swap3A_965, %swap3A_966] {strides = array<i32>} : memref<80x128xf32, #tpu.memory_space<vmem>>, vector<16xf32>,
          tpu.vector_store %arg12[%swap3A_965, %swap3A_966], %mul3A_964 {strides = array<i32>} : memref<80x128xf32, #tpu.memory_space<vmem>>, vector<16xf32>,
          %slice3A_968 = vector.extract_strided_slice %get3A_60 {offsets = [13], sizes = [1], strides = [1]} : vector<16xf32> to vector<1xf32>
          %squeeze3A_969 = vector.extract %slice3A_968[0] : f32 from vector<1xf32>
          %mul3A_970 = arith.constant 16 : i32
          %mul3A_971 = arith.muli %add3A_56, %mul3A_970 : i32
          %add3A_972 = arith.constant 13 : i32
          %add3A_973 = arith.addi %mul3A_971, %add3A_972 : i32
          %get3A_974 = arith.index_cast %add3A_973 : i32 to index
          %get3A_975 = arith.constant 0 : index
          %get3A_976 = tpu.vector_load %arg12[%get3A_974, %get3A_975] {strides = array<i32>} : memref<80x128xf32, #tpu.memory_space<vmem>>, vector<16xf32>,
          %mul3A_977 = vector.broadcast %squeeze3A_969 : f32 to vector<16xf32>
          %mul3A_978 = arith.mulf %get3A_976, %mul3A_977 : vector<16xf32>
          %swap3A_979 = arith.index_cast %add3A_973 : i32 to index
          %swap3A_980 = arith.constant 0 : index
          %swap3A_981 = tpu.vector_load %arg12[%swap3A_979, %swap3A_980] {strides = array<i32>} : memref<80x128xf32, #tpu.memory_space<vmem>>, vector<16xf32>,
          tpu.vector_store %arg12[%swap3A_979, %swap3A_980], %mul3A_978 {strides = array<i32>} : memref<80x128xf32, #tpu.memory_space<vmem>>, vector<16xf32>,
          %get3A_982 = arith.index_cast %add3A_973 : i32 to index
          %get3A_983 = arith.constant 16 : index
          %get3A_984 = tpu.vector_load %arg12[%get3A_982, %get3A_983] {strides = array<i32>} : memref<80x128xf32, #tpu.memory_space<vmem>>, vector<16xf32>,
          %mul3A_985 = vector.broadcast %squeeze3A_969 : f32 to vector<16xf32>
          %mul3A_986 = arith.mulf %get3A_984, %mul3A_985 : vector<16xf32>
          %swap3A_987 = arith.index_cast %add3A_973 : i32 to index
          %swap3A_988 = arith.constant 16 : index
          %swap3A_989 = tpu.vector_load %arg12[%swap3A_987, %swap3A_988] {strides = array<i32>} : memref<80x128xf32, #tpu.memory_space<vmem>>, vector<16xf32>,
          tpu.vector_store %arg12[%swap3A_987, %swap3A_988], %mul3A_986 {strides = array<i32>} : memref<80x128xf32, #tpu.memory_space<vmem>>, vector<16xf32>,
          %get3A_990 = arith.index_cast %add3A_973 : i32 to index
          %get3A_991 = arith.constant 32 : index
          %get3A_992 = tpu.vector_load %arg12[%get3A_990, %get3A_991] {strides = array<i32>} : memref<80x128xf32, #tpu.memory_space<vmem>>, vector<16xf32>,
          %mul3A_993 = vector.broadcast %squeeze3A_969 : f32 to vector<16xf32>
          %mul3A_994 = arith.mulf %get3A_992, %mul3A_993 : vector<16xf32>
          %swap3A_995 = arith.index_cast %add3A_973 : i32 to index
          %swap3A_996 = arith.constant 32 : index
          %swap3A_997 = tpu.vector_load %arg12[%swap3A_995, %swap3A_996] {strides = array<i32>} : memref<80x128xf32, #tpu.memory_space<vmem>>, vector<16xf32>,
          tpu.vector_store %arg12[%swap3A_995, %swap3A_996], %mul3A_994 {strides = array<i32>} : memref<80x128xf32, #tpu.memory_space<vmem>>, vector<16xf32>,
          %get3A_998 = arith.index_cast %add3A_973 : i32 to index
          %get3A_999 = arith.constant 48 : index
          %get3A_1000 = tpu.vector_load %arg12[%get3A_998, %get3A_999] {strides = array<i32>} : memref<80x128xf32, #tpu.memory_space<vmem>>, vector<16xf32>,
          %mul3A_1001 = vector.broadcast %squeeze3A_969 : f32 to vector<16xf32>
          %mul3A_1002 = arith.mulf %get3A_1000, %mul3A_1001 : vector<16xf32>
          %swap3A_1003 = arith.index_cast %add3A_973 : i32 to index
          %swap3A_1004 = arith.constant 48 : index
          %swap3A_1005 = tpu.vector_load %arg12[%swap3A_1003, %swap3A_1004] {strides = array<i32>} : memref<80x128xf32, #tpu.memory_space<vmem>>, vector<16xf32>,
          tpu.vector_store %arg12[%swap3A_1003, %swap3A_1004], %mul3A_1002 {strides = array<i32>} : memref<80x128xf32, #tpu.memory_space<vmem>>, vector<16xf32>,
          %get3A_1006 = arith.index_cast %add3A_973 : i32 to index
          %get3A_1007 = arith.constant 64 : index
          %get3A_1008 = tpu.vector_load %arg12[%get3A_1006, %get3A_1007] {strides = array<i32>} : memref<80x128xf32, #tpu.memory_space<vmem>>, vector<16xf32>,
          %mul3A_1009 = vector.broadcast %squeeze3A_969 : f32 to vector<16xf32>
          %mul3A_1010 = arith.mulf %get3A_1008, %mul3A_1009 : vector<16xf32>
          %swap3A_1011 = arith.index_cast %add3A_973 : i32 to index
          %swap3A_1012 = arith.constant 64 : index
          %swap3A_1013 = tpu.vector_load %arg12[%swap3A_1011, %swap3A_1012] {strides = array<i32>} : memref<80x128xf32, #tpu.memory_space<vmem>>, vector<16xf32>,
          tpu.vector_store %arg12[%swap3A_1011, %swap3A_1012], %mul3A_1010 {strides = array<i32>} : memref<80x128xf32, #tpu.memory_space<vmem>>, vector<16xf32>,
          %get3A_1014 = arith.index_cast %add3A_973 : i32 to index
          %get3A_1015 = arith.constant 80 : index
          %get3A_1016 = tpu.vector_load %arg12[%get3A_1014, %get3A_1015] {strides = array<i32>} : memref<80x128xf32, #tpu.memory_space<vmem>>, vector<16xf32>,
          %mul3A_1017 = vector.broadcast %squeeze3A_969 : f32 to vector<16xf32>
          %mul3A_1018 = arith.mulf %get3A_1016, %mul3A_1017 : vector<16xf32>
          %swap3A_1019 = arith.index_cast %add3A_973 : i32 to index
          %swap3A_1020 = arith.constant 80 : index
          %swap3A_1021 = tpu.vector_load %arg12[%swap3A_1019, %swap3A_1020] {strides = array<i32>} : memref<80x128xf32, #tpu.memory_space<vmem>>, vector<16xf32>,
          tpu.vector_store %arg12[%swap3A_1019, %swap3A_1020], %mul3A_1018 {strides = array<i32>} : memref<80x128xf32, #tpu.memory_space<vmem>>, vector<16xf32>,
          %get3A_1022 = arith.index_cast %add3A_973 : i32 to index
          %get3A_1023 = arith.constant 96 : index
          %get3A_1024 = tpu.vector_load %arg12[%get3A_1022, %get3A_1023] {strides = array<i32>} : memref<80x128xf32, #tpu.memory_space<vmem>>, vector<16xf32>,
          %mul3A_1025 = vector.broadcast %squeeze3A_969 : f32 to vector<16xf32>
          %mul3A_1026 = arith.mulf %get3A_1024, %mul3A_1025 : vector<16xf32>
          %swap3A_1027 = arith.index_cast %add3A_973 : i32 to index
          %swap3A_1028 = arith.constant 96 : index
          %swap3A_1029 = tpu.vector_load %arg12[%swap3A_1027, %swap3A_1028] {strides = array<i32>} : memref<80x128xf32, #tpu.memory_space<vmem>>, vector<16xf32>,
          tpu.vector_store %arg12[%swap3A_1027, %swap3A_1028], %mul3A_1026 {strides = array<i32>} : memref<80x128xf32, #tpu.memory_space<vmem>>, vector<16xf32>,
          %get3A_1030 = arith.index_cast %add3A_973 : i32 to index
          %get3A_1031 = arith.constant 112 : index
          %get3A_1032 = tpu.vector_load %arg12[%get3A_1030, %get3A_1031] {strides = array<i32>} : memref<80x128xf32, #tpu.memory_space<vmem>>, vector<16xf32>,
          %mul3A_1033 = vector.broadcast %squeeze3A_969 : f32 to vector<16xf32>
          %mul3A_1034 = arith.mulf %get3A_1032, %mul3A_1033 : vector<16xf32>
          %swap3A_1035 = arith.index_cast %add3A_973 : i32 to index
          %swap3A_1036 = arith.constant 112 : index
          %swap3A_1037 = tpu.vector_load %arg12[%swap3A_1035, %swap3A_1036] {strides = array<i32>} : memref<80x128xf32, #tpu.memory_space<vmem>>, vector<16xf32>,
          tpu.vector_store %arg12[%swap3A_1035, %swap3A_1036], %mul3A_1034 {strides = array<i32>} : memref<80x128xf32, #tpu.memory_space<vmem>>, vector<16xf32>,
          %slice3A_1038 = vector.extract_strided_slice %get3A_60 {offsets = [14], sizes = [1], strides = [1]} : vector<16xf32> to vector<1xf32>
          %squeeze3A_1039 = vector.extract %slice3A_1038[0] : f32 from vector<1xf32>
          %mul3A_1040 = arith.constant 16 : i32
          %mul3A_1041 = arith.muli %add3A_56, %mul3A_1040 : i32
          %add3A_1042 = arith.constant 14 : i32
          %add3A_1043 = arith.addi %mul3A_1041, %add3A_1042 : i32
          %get3A_1044 = arith.index_cast %add3A_1043 : i32 to index
          %get3A_1045 = arith.constant 0 : index
          %get3A_1046 = tpu.vector_load %arg12[%get3A_1044, %get3A_1045] {strides = array<i32>} : memref<80x128xf32, #tpu.memory_space<vmem>>, vector<16xf32>,
          %mul3A_1047 = vector.broadcast %squeeze3A_1039 : f32 to vector<16xf32>
          %mul3A_1048 = arith.mulf %get3A_1046, %mul3A_1047 : vector<16xf32>
          %swap3A_1049 = arith.index_cast %add3A_1043 : i32 to index
          %swap3A_1050 = arith.constant 0 : index
          %swap3A_1051 = tpu.vector_load %arg12[%swap3A_1049, %swap3A_1050] {strides = array<i32>} : memref<80x128xf32, #tpu.memory_space<vmem>>, vector<16xf32>,
          tpu.vector_store %arg12[%swap3A_1049, %swap3A_1050], %mul3A_1048 {strides = array<i32>} : memref<80x128xf32, #tpu.memory_space<vmem>>, vector<16xf32>,
          %get3A_1052 = arith.index_cast %add3A_1043 : i32 to index
          %get3A_1053 = arith.constant 16 : index
          %get3A_1054 = tpu.vector_load %arg12[%get3A_1052, %get3A_1053] {strides = array<i32>} : memref<80x128xf32, #tpu.memory_space<vmem>>, vector<16xf32>,
          %mul3A_1055 = vector.broadcast %squeeze3A_1039 : f32 to vector<16xf32>
          %mul3A_1056 = arith.mulf %get3A_1054, %mul3A_1055 : vector<16xf32>
          %swap3A_1057 = arith.index_cast %add3A_1043 : i32 to index
          %swap3A_1058 = arith.constant 16 : index
          %swap3A_1059 = tpu.vector_load %arg12[%swap3A_1057, %swap3A_1058] {strides = array<i32>} : memref<80x128xf32, #tpu.memory_space<vmem>>, vector<16xf32>,
          tpu.vector_store %arg12[%swap3A_1057, %swap3A_1058], %mul3A_1056 {strides = array<i32>} : memref<80x128xf32, #tpu.memory_space<vmem>>, vector<16xf32>,
          %get3A_1060 = arith.index_cast %add3A_1043 : i32 to index
          %get3A_1061 = arith.constant 32 : index
          %get3A_1062 = tpu.vector_load %arg12[%get3A_1060, %get3A_1061] {strides = array<i32>} : memref<80x128xf32, #tpu.memory_space<vmem>>, vector<16xf32>,
          %mul3A_1063 = vector.broadcast %squeeze3A_1039 : f32 to vector<16xf32>
          %mul3A_1064 = arith.mulf %get3A_1062, %mul3A_1063 : vector<16xf32>
          %swap3A_1065 = arith.index_cast %add3A_1043 : i32 to index
          %swap3A_1066 = arith.constant 32 : index
          %swap3A_1067 = tpu.vector_load %arg12[%swap3A_1065, %swap3A_1066] {strides = array<i32>} : memref<80x128xf32, #tpu.memory_space<vmem>>, vector<16xf32>,
          tpu.vector_store %arg12[%swap3A_1065, %swap3A_1066], %mul3A_1064 {strides = array<i32>} : memref<80x128xf32, #tpu.memory_space<vmem>>, vector<16xf32>,
          %get3A_1068 = arith.index_cast %add3A_1043 : i32 to index
          %get3A_1069 = arith.constant 48 : index
          %get3A_1070 = tpu.vector_load %arg12[%get3A_1068, %get3A_1069] {strides = array<i32>} : memref<80x128xf32, #tpu.memory_space<vmem>>, vector<16xf32>,
          %mul3A_1071 = vector.broadcast %squeeze3A_1039 : f32 to vector<16xf32>
          %mul3A_1072 = arith.mulf %get3A_1070, %mul3A_1071 : vector<16xf32>
          %swap3A_1073 = arith.index_cast %add3A_1043 : i32 to index
          %swap3A_1074 = arith.constant 48 : index
          %swap3A_1075 = tpu.vector_load %arg12[%swap3A_1073, %swap3A_1074] {strides = array<i32>} : memref<80x128xf32, #tpu.memory_space<vmem>>, vector<16xf32>,
          tpu.vector_store %arg12[%swap3A_1073, %swap3A_1074], %mul3A_1072 {strides = array<i32>} : memref<80x128xf32, #tpu.memory_space<vmem>>, vector<16xf32>,
          %get3A_1076 = arith.index_cast %add3A_1043 : i32 to index
          %get3A_1077 = arith.constant 64 : index
          %get3A_1078 = tpu.vector_load %arg12[%get3A_1076, %get3A_1077] {strides = array<i32>} : memref<80x128xf32, #tpu.memory_space<vmem>>, vector<16xf32>,
          %mul3A_1079 = vector.broadcast %squeeze3A_1039 : f32 to vector<16xf32>
          %mul3A_1080 = arith.mulf %get3A_1078, %mul3A_1079 : vector<16xf32>
          %swap3A_1081 = arith.index_cast %add3A_1043 : i32 to index
          %swap3A_1082 = arith.constant 64 : index
          %swap3A_1083 = tpu.vector_load %arg12[%swap3A_1081, %swap3A_1082] {strides = array<i32>} : memref<80x128xf32, #tpu.memory_space<vmem>>, vector<16xf32>,
          tpu.vector_store %arg12[%swap3A_1081, %swap3A_1082], %mul3A_1080 {strides = array<i32>} : memref<80x128xf32, #tpu.memory_space<vmem>>, vector<16xf32>,
          %get3A_1084 = arith.index_cast %add3A_1043 : i32 to index
          %get3A_1085 = arith.constant 80 : index
          %get3A_1086 = tpu.vector_load %arg12[%get3A_1084, %get3A_1085] {strides = array<i32>} : memref<80x128xf32, #tpu.memory_space<vmem>>, vector<16xf32>,
          %mul3A_1087 = vector.broadcast %squeeze3A_1039 : f32 to vector<16xf32>
          %mul3A_1088 = arith.mulf %get3A_1086, %mul3A_1087 : vector<16xf32>
          %swap3A_1089 = arith.index_cast %add3A_1043 : i32 to index
          %swap3A_1090 = arith.constant 80 : index
          %swap3A_1091 = tpu.vector_load %arg12[%swap3A_1089, %swap3A_1090] {strides = array<i32>} : memref<80x128xf32, #tpu.memory_space<vmem>>, vector<16xf32>,
          tpu.vector_store %arg12[%swap3A_1089, %swap3A_1090], %mul3A_1088 {strides = array<i32>} : memref<80x128xf32, #tpu.memory_space<vmem>>, vector<16xf32>,
          %get3A_1092 = arith.index_cast %add3A_1043 : i32 to index
          %get3A_1093 = arith.constant 96 : index
          %get3A_1094 = tpu.vector_load %arg12[%get3A_1092, %get3A_1093] {strides = array<i32>} : memref<80x128xf32, #tpu.memory_space<vmem>>, vector<16xf32>,
          %mul3A_1095 = vector.broadcast %squeeze3A_1039 : f32 to vector<16xf32>
          %mul3A_1096 = arith.mulf %get3A_1094, %mul3A_1095 : vector<16xf32>
          %swap3A_1097 = arith.index_cast %add3A_1043 : i32 to index
          %swap3A_1098 = arith.constant 96 : index
          %swap3A_1099 = tpu.vector_load %arg12[%swap3A_1097, %swap3A_1098] {strides = array<i32>} : memref<80x128xf32, #tpu.memory_space<vmem>>, vector<16xf32>,
          tpu.vector_store %arg12[%swap3A_1097, %swap3A_1098], %mul3A_1096 {strides = array<i32>} : memref<80x128xf32, #tpu.memory_space<vmem>>, vector<16xf32>,
          %get3A_1100 = arith.index_cast %add3A_1043 : i32 to index
          %get3A_1101 = arith.constant 112 : index
          %get3A_1102 = tpu.vector_load %arg12[%get3A_1100, %get3A_1101] {strides = array<i32>} : memref<80x128xf32, #tpu.memory_space<vmem>>, vector<16xf32>,
          %mul3A_1103 = vector.broadcast %squeeze3A_1039 : f32 to vector<16xf32>
          %mul3A_1104 = arith.mulf %get3A_1102, %mul3A_1103 : vector<16xf32>
          %swap3A_1105 = arith.index_cast %add3A_1043 : i32 to index
          %swap3A_1106 = arith.constant 112 : index
          %swap3A_1107 = tpu.vector_load %arg12[%swap3A_1105, %swap3A_1106] {strides = array<i32>} : memref<80x128xf32, #tpu.memory_space<vmem>>, vector<16xf32>,
          tpu.vector_store %arg12[%swap3A_1105, %swap3A_1106], %mul3A_1104 {strides = array<i32>} : memref<80x128xf32, #tpu.memory_space<vmem>>, vector<16xf32>,
          %slice3A_1108 = vector.extract_strided_slice %get3A_60 {offsets = [15], sizes = [1], strides = [1]} : vector<16xf32> to vector<1xf32>
          %squeeze3A_1109 = vector.extract %slice3A_1108[0] : f32 from vector<1xf32>
          %mul3A_1110 = arith.constant 16 : i32
          %mul3A_1111 = arith.muli %add3A_56, %mul3A_1110 : i32
          %add3A_1112 = arith.constant 15 : i32
          %add3A_1113 = arith.addi %mul3A_1111, %add3A_1112 : i32
          %get3A_1114 = arith.index_cast %add3A_1113 : i32 to index
          %get3A_1115 = arith.constant 0 : index
          %get3A_1116 = tpu.vector_load %arg12[%get3A_1114, %get3A_1115] {strides = array<i32>} : memref<80x128xf32, #tpu.memory_space<vmem>>, vector<16xf32>,
          %mul3A_1117 = vector.broadcast %squeeze3A_1109 : f32 to vector<16xf32>
          %mul3A_1118 = arith.mulf %get3A_1116, %mul3A_1117 : vector<16xf32>
          %swap3A_1119 = arith.index_cast %add3A_1113 : i32 to index
          %swap3A_1120 = arith.constant 0 : index
          %swap3A_1121 = tpu.vector_load %arg12[%swap3A_1119, %swap3A_1120] {strides = array<i32>} : memref<80x128xf32, #tpu.memory_space<vmem>>, vector<16xf32>,
          tpu.vector_store %arg12[%swap3A_1119, %swap3A_1120], %mul3A_1118 {strides = array<i32>} : memref<80x128xf32, #tpu.memory_space<vmem>>, vector<16xf32>,
          %get3A_1122 = arith.index_cast %add3A_1113 : i32 to index
          %get3A_1123 = arith.constant 16 : index
          %get3A_1124 = tpu.vector_load %arg12[%get3A_1122, %get3A_1123] {strides = array<i32>} : memref<80x128xf32, #tpu.memory_space<vmem>>, vector<16xf32>,
          %mul3A_1125 = vector.broadcast %squeeze3A_1109 : f32 to vector<16xf32>
          %mul3A_1126 = arith.mulf %get3A_1124, %mul3A_1125 : vector<16xf32>
          %swap3A_1127 = arith.index_cast %add3A_1113 : i32 to index
          %swap3A_1128 = arith.constant 16 : index
          %swap3A_1129 = tpu.vector_load %arg12[%swap3A_1127, %swap3A_1128] {strides = array<i32>} : memref<80x128xf32, #tpu.memory_space<vmem>>, vector<16xf32>,
          tpu.vector_store %arg12[%swap3A_1127, %swap3A_1128], %mul3A_1126 {strides = array<i32>} : memref<80x128xf32, #tpu.memory_space<vmem>>, vector<16xf32>,
          %get3A_1130 = arith.index_cast %add3A_1113 : i32 to index
          %get3A_1131 = arith.constant 32 : index
          %get3A_1132 = tpu.vector_load %arg12[%get3A_1130, %get3A_1131] {strides = array<i32>} : memref<80x128xf32, #tpu.memory_space<vmem>>, vector<16xf32>,
          %mul3A_1133 = vector.broadcast %squeeze3A_1109 : f32 to vector<16xf32>
          %mul3A_1134 = arith.mulf %get3A_1132, %mul3A_1133 : vector<16xf32>
          %swap3A_1135 = arith.index_cast %add3A_1113 : i32 to index
          %swap3A_1136 = arith.constant 32 : index
          %swap3A_1137 = tpu.vector_load %arg12[%swap3A_1135, %swap3A_1136] {strides = array<i32>} : memref<80x128xf32, #tpu.memory_space<vmem>>, vector<16xf32>,
          tpu.vector_store %arg12[%swap3A_1135, %swap3A_1136], %mul3A_1134 {strides = array<i32>} : memref<80x128xf32, #tpu.memory_space<vmem>>, vector<16xf32>,
          %get3A_1138 = arith.index_cast %add3A_1113 : i32 to index
          %get3A_1139 = arith.constant 48 : index
          %get3A_1140 = tpu.vector_load %arg12[%get3A_1138, %get3A_1139] {strides = array<i32>} : memref<80x128xf32, #tpu.memory_space<vmem>>, vector<16xf32>,
          %mul3A_1141 = vector.broadcast %squeeze3A_1109 : f32 to vector<16xf32>
          %mul3A_1142 = arith.mulf %get3A_1140, %mul3A_1141 : vector<16xf32>
          %swap3A_1143 = arith.index_cast %add3A_1113 : i32 to index
          %swap3A_1144 = arith.constant 48 : index
          %swap3A_1145 = tpu.vector_load %arg12[%swap3A_1143, %swap3A_1144] {strides = array<i32>} : memref<80x128xf32, #tpu.memory_space<vmem>>, vector<16xf32>,
          tpu.vector_store %arg12[%swap3A_1143, %swap3A_1144], %mul3A_1142 {strides = array<i32>} : memref<80x128xf32, #tpu.memory_space<vmem>>, vector<16xf32>,
          %get3A_1146 = arith.index_cast %add3A_1113 : i32 to index
          %get3A_1147 = arith.constant 64 : index
          %get3A_1148 = tpu.vector_load %arg12[%get3A_1146, %get3A_1147] {strides = array<i32>} : memref<80x128xf32, #tpu.memory_space<vmem>>, vector<16xf32>,
          %mul3A_1149 = vector.broadcast %squeeze3A_1109 : f32 to vector<16xf32>
          %mul3A_1150 = arith.mulf %get3A_1148, %mul3A_1149 : vector<16xf32>
          %swap3A_1151 = arith.index_cast %add3A_1113 : i32 to index
          %swap3A_1152 = arith.constant 64 : index
          %swap3A_1153 = tpu.vector_load %arg12[%swap3A_1151, %swap3A_1152] {strides = array<i32>} : memref<80x128xf32, #tpu.memory_space<vmem>>, vector<16xf32>,
          tpu.vector_store %arg12[%swap3A_1151, %swap3A_1152], %mul3A_1150 {strides = array<i32>} : memref<80x128xf32, #tpu.memory_space<vmem>>, vector<16xf32>,
          %get3A_1154 = arith.index_cast %add3A_1113 : i32 to index
          %get3A_1155 = arith.constant 80 : index
          %get3A_1156 = tpu.vector_load %arg12[%get3A_1154, %get3A_1155] {strides = array<i32>} : memref<80x128xf32, #tpu.memory_space<vmem>>, vector<16xf32>,
          %mul3A_1157 = vector.broadcast %squeeze3A_1109 : f32 to vector<16xf32>
          %mul3A_1158 = arith.mulf %get3A_1156, %mul3A_1157 : vector<16xf32>
          %swap3A_1159 = arith.index_cast %add3A_1113 : i32 to index
          %swap3A_1160 = arith.constant 80 : index
          %swap3A_1161 = tpu.vector_load %arg12[%swap3A_1159, %swap3A_1160] {strides = array<i32>} : memref<80x128xf32, #tpu.memory_space<vmem>>, vector<16xf32>,
          tpu.vector_store %arg12[%swap3A_1159, %swap3A_1160], %mul3A_1158 {strides = array<i32>} : memref<80x128xf32, #tpu.memory_space<vmem>>, vector<16xf32>,
          %get3A_1162 = arith.index_cast %add3A_1113 : i32 to index
          %get3A_1163 = arith.constant 96 : index
          %get3A_1164 = tpu.vector_load %arg12[%get3A_1162, %get3A_1163] {strides = array<i32>} : memref<80x128xf32, #tpu.memory_space<vmem>>, vector<16xf32>,
          %mul3A_1165 = vector.broadcast %squeeze3A_1109 : f32 to vector<16xf32>
          %mul3A_1166 = arith.mulf %get3A_1164, %mul3A_1165 : vector<16xf32>
          %swap3A_1167 = arith.index_cast %add3A_1113 : i32 to index
          %swap3A_1168 = arith.constant 96 : index
          %swap3A_1169 = tpu.vector_load %arg12[%swap3A_1167, %swap3A_1168] {strides = array<i32>} : memref<80x128xf32, #tpu.memory_space<vmem>>, vector<16xf32>,
          tpu.vector_store %arg12[%swap3A_1167, %swap3A_1168], %mul3A_1166 {strides = array<i32>} : memref<80x128xf32, #tpu.memory_space<vmem>>, vector<16xf32>,
          %get3A_1170 = arith.index_cast %add3A_1113 : i32 to index
          %get3A_1171 = arith.constant 112 : index
          %get3A_1172 = tpu.vector_load %arg12[%get3A_1170, %get3A_1171] {strides = array<i32>} : memref<80x128xf32, #tpu.memory_space<vmem>>, vector<16xf32>,
          %mul3A_1173 = vector.broadcast %squeeze3A_1109 : f32 to vector<16xf32>
          %mul3A_1174 = arith.mulf %get3A_1172, %mul3A_1173 : vector<16xf32>
          %swap3A_1175 = arith.index_cast %add3A_1113 : i32 to index
          %swap3A_1176 = arith.constant 112 : index
          %swap3A_1177 = tpu.vector_load %arg12[%swap3A_1175, %swap3A_1176] {strides = array<i32>} : memref<80x128xf32, #tpu.memory_space<vmem>>, vector<16xf32>,
          tpu.vector_store %arg12[%swap3A_1175, %swap3A_1176], %mul3A_1174 {strides = array<i32>} : memref<80x128xf32, #tpu.memory_space<vmem>>, vector<16xf32>,
        }
        %scan3A_51 = arith.constant 5 : i32
        "tpu.region"() ({
          %run_scoped3A = tpu.sem_alloc : memref<!tpu.dma_semaphore, #tpu.memory_space<semaphore_mem>>
          %dma_start3A_52 = arith.constant 0 : i32
          %dma_start3A_53 = tpu.memref_slice %arg10[%add3A_36, %dma_start3A_52] : memref<25x80xi32, #tpu.memory_space<vmem>> -> memref<1x80xi32, #tpu.memory_space<vmem>>
          %dma_start3A_54 = tpu.memref_squeeze %dma_start3A_53 : memref<1x80xi32, #tpu.memory_space<vmem>> -> memref<80xi32, #tpu.memory_space<vmem>>
          %dma_start3A_55 = arith.constant 0 : i32
          %dma_start3A_56 = arith.constant 0 : i32
          %dma_start3A_57 = tpu.memref_slice %arg8[%dma_start3A_55, %dma_start3A_56] : memref<10000x128xf32, #tpu.memory_space<vmem_shared>> -> memref<10000x128xf32, #tpu.memory_space<vmem_shared>>
          tpu.enqueue_indirect_dma source(%arg12 : memref<80x128xf32, #tpu.memory_space<vmem>>) target(%dma_start3A_57 : memref<10000x128xf32, #tpu.memory_space<vmem_shared>>) offsets(%dma_start3A_54 : memref<80xi32, #tpu.memory_space<vmem>>) semaphore(%run_scoped3A : memref<!tpu.dma_semaphore, #tpu.memory_space<semaphore_mem>>) {add = true}
          %dma_wait3A_58 = arith.constant 0 : i32
          %dma_wait3A_59 = tpu.memref_slice %arg10[%add3A_36, %dma_wait3A_58] : memref<25x80xi32, #tpu.memory_space<vmem>> -> memref<1x80xi32, #tpu.memory_space<vmem>>
          %dma_wait3A_60 = tpu.memref_squeeze %dma_wait3A_59 : memref<1x80xi32, #tpu.memory_space<vmem>> -> memref<80xi32, #tpu.memory_space<vmem>>
          %dma_wait3A_61 = arith.constant 0 : i32
          %dma_wait3A_62 = arith.constant 0 : i32
          %dma_wait3A_63 = tpu.memref_slice %arg8[%dma_wait3A_61, %dma_wait3A_62] : memref<10000x128xf32, #tpu.memory_space<vmem_shared>> -> memref<10000x128xf32, #tpu.memory_space<vmem_shared>>
          tpu.wait_indirect_dma semaphore(%run_scoped3A : memref<!tpu.dma_semaphore, #tpu.memory_space<semaphore_mem>>) src(%arg12 : memref<80x128xf32, #tpu.memory_space<vmem>>) dst(%dma_wait3A_63 : memref<10000x128xf32, #tpu.memory_space<vmem_shared>>)
          tpu.yield
        }) : () -> ()
      }
      %scan3A_31 = arith.constant 25 : i32
    }
    %scan3A_10 = arith.constant 5 : i32
    %barrier3A_11 = arith.constant 0 : index
    tpu.barrier barrier_id(%barrier3A_11)
    %lt3A_12 = arith.constant 15 : i32
    %lt3A_13 = arith.cmpi slt, %arg1, %lt3A_12 : i32
    %convert_element_type3A_14 = arith.extui %lt3A_13 : i1 to i32
    %cond3A_15 = arith.constant 0 : i32
    %cond3A_16 = arith.cmpi ne, %convert_element_type3A_14, %cond3A_15 : i32
    scf.if %cond3A_16 {
      %mul3A_22 = arith.constant 632 : i32
      %mul3A_23 = arith.muli %arg1, %mul3A_22 : i32
      %mul3A_24 = arith.constant 632 : i32
      %mul3A_25 = arith.muli %arg1, %mul3A_24 : i32
      "tpu.region"() ({
        %run_scoped3A = tpu.sem_alloc : memref<!tpu.dma_semaphore, #tpu.memory_space<semaphore_mem>>
        %dma_start3A = arith.constant 0 : i32
        %dma_start3A_26 = tpu.memref_slice %arg7[%arg0, %mul3A_25, %dma_start3A] : memref<2x10000x128xf32, #tpu.memory_space<hbm>> -> memref<1x632x128xf32, #tpu.memory_space<hbm>>
        %dma_start3A_27 = tpu.memref_squeeze %dma_start3A_26 : memref<1x632x128xf32, #tpu.memory_space<hbm>> -> memref<632x128xf32, #tpu.memory_space<hbm>>
        %dma_start3A_28 = arith.constant 0 : i32
        %dma_start3A_29 = tpu.memref_slice %arg8[%mul3A_23, %dma_start3A_28] : memref<10000x128xf32, #tpu.memory_space<vmem_shared>> -> memref<632x128xf32, #tpu.memory_space<vmem_shared>>
        tpu.enqueue_dma source(%dma_start3A_29 : memref<632x128xf32, #tpu.memory_space<vmem_shared>>) target(%dma_start3A_27 : memref<632x128xf32, #tpu.memory_space<hbm>>) target_semaphore(%run_scoped3A : memref<!tpu.dma_semaphore, #tpu.memory_space<semaphore_mem>>)
        %dma_wait3A = arith.constant 0 : i32
        %dma_wait3A_30 = tpu.memref_slice %arg7[%arg0, %mul3A_25, %dma_wait3A] : memref<2x10000x128xf32, #tpu.memory_space<hbm>> -> memref<1x632x128xf32, #tpu.memory_space<hbm>>
        %dma_wait3A_31 = tpu.memref_squeeze %dma_wait3A_30 : memref<1x632x128xf32, #tpu.memory_space<hbm>> -> memref<632x128xf32, #tpu.memory_space<hbm>>
        %dma_wait3A_32 = arith.constant 0 : i32
        %dma_wait3A_33 = tpu.memref_slice %arg8[%mul3A_23, %dma_wait3A_32] : memref<10000x128xf32, #tpu.memory_space<vmem_shared>> -> memref<632x128xf32, #tpu.memory_space<vmem_shared>>
        tpu.wait_dma2 semaphore(%run_scoped3A : memref<!tpu.dma_semaphore, #tpu.memory_space<semaphore_mem>>) src(%dma_wait3A_33 : memref<632x128xf32, #tpu.memory_space<vmem_shared>>) dst(%dma_wait3A_31 : memref<632x128xf32, #tpu.memory_space<hbm>>)
        tpu.yield
      }) : () -> ()
    } else {
    }
    %eq3A_17 = arith.constant 15 : i32
    %eq3A_18 = arith.cmpi eq, %arg1, %eq3A_17 : i32
    %convert_element_type3A_19 = arith.extui %eq3A_18 : i1 to i32
    %cond3A_20 = arith.constant 0 : i32
    %cond3A_21 = arith.cmpi ne, %convert_element_type3A_19, %cond3A_20 : i32
    scf.if %cond3A_21 {
      "tpu.region"() ({
        %run_scoped3A = tpu.sem_alloc : memref<!tpu.dma_semaphore, #tpu.memory_space<semaphore_mem>>
        %dma_start3A = arith.constant 9480 : i32
        %dma_start3A_22 = arith.constant 0 : i32
        %dma_start3A_23 = tpu.memref_slice %arg7[%arg0, %dma_start3A, %dma_start3A_22] : memref<2x10000x128xf32, #tpu.memory_space<hbm>> -> memref<1x520x128xf32, #tpu.memory_space<hbm>>
        %dma_start3A_24 = tpu.memref_squeeze %dma_start3A_23 : memref<1x520x128xf32, #tpu.memory_space<hbm>> -> memref<520x128xf32, #tpu.memory_space<hbm>>
        %dma_start3A_25 = arith.constant 9480 : i32
        %dma_start3A_26 = arith.constant 0 : i32
        %dma_start3A_27 = tpu.memref_slice %arg8[%dma_start3A_25, %dma_start3A_26] : memref<10000x128xf32, #tpu.memory_space<vmem_shared>> -> memref<520x128xf32, #tpu.memory_space<vmem_shared>>
        tpu.enqueue_dma source(%dma_start3A_27 : memref<520x128xf32, #tpu.memory_space<vmem_shared>>) target(%dma_start3A_24 : memref<520x128xf32, #tpu.memory_space<hbm>>) target_semaphore(%run_scoped3A : memref<!tpu.dma_semaphore, #tpu.memory_space<semaphore_mem>>)
        %dma_wait3A = arith.constant 9480 : i32
        %dma_wait3A_28 = arith.constant 0 : i32
        %dma_wait3A_29 = tpu.memref_slice %arg7[%arg0, %dma_wait3A, %dma_wait3A_28] : memref<2x10000x128xf32, #tpu.memory_space<hbm>> -> memref<1x520x128xf32, #tpu.memory_space<hbm>>
        %dma_wait3A_30 = tpu.memref_squeeze %dma_wait3A_29 : memref<1x520x128xf32, #tpu.memory_space<hbm>> -> memref<520x128xf32, #tpu.memory_space<hbm>>
        %dma_wait3A_31 = arith.constant 9480 : i32
        %dma_wait3A_32 = arith.constant 0 : i32
        %dma_wait3A_33 = tpu.memref_slice %arg8[%dma_wait3A_31, %dma_wait3A_32] : memref<10000x128xf32, #tpu.memory_space<vmem_shared>> -> memref<520x128xf32, #tpu.memory_space<vmem_shared>>
        tpu.wait_dma2 semaphore(%run_scoped3A : memref<!tpu.dma_semaphore, #tpu.memory_space<semaphore_mem>>) src(%dma_wait3A_33 : memref<520x128xf32, #tpu.memory_space<vmem_shared>>) dst(%dma_wait3A_30 : memref<520x128xf32, #tpu.memory_space<hbm>>)
        tpu.yield
      }) : () -> ()
    } else {
    }
    return
  }
}

#map = affine_map<(d0, d1) -> (0, 0)>
#map1 = affine_map<(d0, d1) -> (0)>
#map2 = affine_map<(d0, d1) -> (0, 0, 0)>
module attributes {stable_mosaic.version = 14 : i64} {
  func.func @_sc_segment(%arg0: i32, %arg1: i32, %arg2: memref<10000x128xf32, #tpu.memory_space<hbm>>, %arg3: memref<10000xi32, #tpu.memory_space<hbm>>, %arg4: memref<10000x128xf32, #tpu.memory_space<hbm>>, %arg5: memref<2x56x128xf32, #tpu.memory_space<hbm>>, %arg6: memref<2x16x64xf32, #tpu.memory_space<hbm>>, %arg7: memref<56x128xf32, #tpu.memory_space<vmem_shared>>, %arg8: memref<1x80xi32, #tpu.memory_space<vmem>>, %arg9: memref<80x128xf32, #tpu.memory_space<vmem>>, %arg10: memref<64xf32, #tpu.memory_space<vmem>>) attributes {dimension_semantics = [#tpu.dimension_semantics<core_parallel>, #tpu.dimension_semantics<subcore_parallel>], iteration_bounds = array<i64: 2, 16>, scalar_prefetch = 0 : i64, scratch_operands = 4 : i64, tpu.core_type = #tpu.core_type<sc_vector_subcore>, window_params = [{transform_indices = #map}, {transform_indices = #map1}, {transform_indices = #map}, {transform_indices = #map2}, {transform_indices = #map2}]} {
    %mul3A = arith.constant 16 : i32
    %mul3A_0 = arith.muli %arg0, %mul3A : i32
    %add3A = arith.addi %mul3A_0, %arg1 : i32
    %lt3A = arith.constant 7 : i32
    %lt3A_1 = arith.cmpi slt, %arg1, %lt3A : i32
    %convert_element_type3A = arith.extui %lt3A_1 : i1 to i32
    %cond3A = arith.constant 0 : i32
    %cond3A_2 = arith.cmpi ne, %convert_element_type3A, %cond3A : i32
    scf.if %cond3A_2 {
      %mul3A_38 = arith.constant 8 : i32
      %mul3A_39 = arith.muli %arg1, %mul3A_38 : i32
      %mul3A_40 = arith.constant 8 : i32
      %mul3A_41 = arith.muli %arg1, %mul3A_40 : i32
      "tpu.region"() ({
        %run_scoped3A = tpu.sem_alloc : memref<!tpu.dma_semaphore, #tpu.memory_space<semaphore_mem>>
        %dma_start3A = arith.constant 0 : i32
        %dma_start3A_42 = tpu.memref_slice %arg7[%mul3A_41, %dma_start3A] : memref<56x128xf32, #tpu.memory_space<vmem_shared>> -> memref<8x128xf32, #tpu.memory_space<vmem_shared>>
        %dma_start3A_43 = arith.constant 0 : i32
        %dma_start3A_44 = tpu.memref_slice %arg4[%mul3A_39, %dma_start3A_43] : memref<10000x128xf32, #tpu.memory_space<hbm>> -> memref<8x128xf32, #tpu.memory_space<hbm>>
        tpu.enqueue_dma source(%dma_start3A_44 : memref<8x128xf32, #tpu.memory_space<hbm>>) target(%dma_start3A_42 : memref<8x128xf32, #tpu.memory_space<vmem_shared>>) target_semaphore(%run_scoped3A : memref<!tpu.dma_semaphore, #tpu.memory_space<semaphore_mem>>)
        %dma_wait3A = arith.constant 0 : i32
        %dma_wait3A_45 = tpu.memref_slice %arg7[%mul3A_41, %dma_wait3A] : memref<56x128xf32, #tpu.memory_space<vmem_shared>> -> memref<8x128xf32, #tpu.memory_space<vmem_shared>>
        %dma_wait3A_46 = arith.constant 0 : i32
        %dma_wait3A_47 = tpu.memref_slice %arg4[%mul3A_39, %dma_wait3A_46] : memref<10000x128xf32, #tpu.memory_space<hbm>> -> memref<8x128xf32, #tpu.memory_space<hbm>>
        tpu.wait_dma2 semaphore(%run_scoped3A : memref<!tpu.dma_semaphore, #tpu.memory_space<semaphore_mem>>) src(%dma_wait3A_47 : memref<8x128xf32, #tpu.memory_space<hbm>>) dst(%dma_wait3A_45 : memref<8x128xf32, #tpu.memory_space<vmem_shared>>)
        tpu.yield
      }) : () -> ()
    } else {
    }
    %broadcast_in_dim3A = arith.constant 0.000000e+00 : f32
    %broadcast_in_dim3A_3 = vector.broadcast %broadcast_in_dim3A : f32 to vector<16xf32>
    %swap3A = arith.constant 0 : index
    %swap3A_4 = tpu.vector_load %arg10[%swap3A] {strides = array<i32>} : memref<64xf32, #tpu.memory_space<vmem>>, vector<16xf32>,
    tpu.vector_store %arg10[%swap3A], %broadcast_in_dim3A_3 {strides = array<i32>} : memref<64xf32, #tpu.memory_space<vmem>>, vector<16xf32>,
    %broadcast_in_dim3A_5 = arith.constant 0.000000e+00 : f32
    %broadcast_in_dim3A_6 = vector.broadcast %broadcast_in_dim3A_5 : f32 to vector<16xf32>
    %swap3A_7 = arith.constant 16 : index
    %swap3A_8 = tpu.vector_load %arg10[%swap3A_7] {strides = array<i32>} : memref<64xf32, #tpu.memory_space<vmem>>, vector<16xf32>,
    tpu.vector_store %arg10[%swap3A_7], %broadcast_in_dim3A_6 {strides = array<i32>} : memref<64xf32, #tpu.memory_space<vmem>>, vector<16xf32>,
    %broadcast_in_dim3A_9 = arith.constant 0.000000e+00 : f32
    %broadcast_in_dim3A_10 = vector.broadcast %broadcast_in_dim3A_9 : f32 to vector<16xf32>
    %swap3A_11 = arith.constant 32 : index
    %swap3A_12 = tpu.vector_load %arg10[%swap3A_11] {strides = array<i32>} : memref<64xf32, #tpu.memory_space<vmem>>, vector<16xf32>,
    tpu.vector_store %arg10[%swap3A_11], %broadcast_in_dim3A_10 {strides = array<i32>} : memref<64xf32, #tpu.memory_space<vmem>>, vector<16xf32>,
    %broadcast_in_dim3A_13 = arith.constant 0.000000e+00 : f32
    %broadcast_in_dim3A_14 = vector.broadcast %broadcast_in_dim3A_13 : f32 to vector<16xf32>
    %swap3A_15 = arith.constant 48 : index
    %swap3A_16 = tpu.vector_load %arg10[%swap3A_15] {strides = array<i32>} : memref<64xf32, #tpu.memory_space<vmem>>, vector<16xf32>,
    tpu.vector_store %arg10[%swap3A_15], %broadcast_in_dim3A_14 {strides = array<i32>} : memref<64xf32, #tpu.memory_space<vmem>>, vector<16xf32>,
    %barrier3A = arith.constant 0 : index
    tpu.barrier barrier_id(%barrier3A)
    %sub3A = arith.constant 125 : i32
    %sub3A_17 = arith.subi %sub3A, %add3A : i32
    %sub3A_18 = arith.constant 32 : i32
    %sub3A_19 = arith.constant 1 : i32
    %sub3A_20 = arith.subi %sub3A_18, %sub3A_19 : i32
    %add3A_21 = arith.addi %sub3A_17, %sub3A_20 : i32
    %div3A = arith.constant 32 : i32
    %div3A_22 = arith.divsi %add3A_21, %div3A : i32
    %while3A = arith.constant 32 : i32
    %while3A_23 = arith.constant 0 : i32
    %while3A_24 = arith.subi %div3A_22, %while3A_23 : i32
    %while3A_25 = arith.addi %while3A_23, %while3A_24 : i32
    %while3A_26 = arith.constant 1 : i32
    %while3A_27 = arith.divsi %while3A_24, %while3A_26 : i32
    %while3A_28 = arith.muli %while3A_27, %while3A_26 : i32
    %while3A_29 = arith.addi %while3A_23, %while3A_28 : i32
    %while3A_30 = arith.constant 1 : i32
    scf.for %while3A_38 = %while3A_23 to %while3A_29 step %while3A_30  : i32 {
      %mul3A_39 = arith.muli %while3A_38, %while3A : i32
      %add3A_40 = arith.addi %add3A, %mul3A_39 : i32
      %mul3A_41 = arith.constant 80 : i32
      %mul3A_42 = arith.muli %add3A_40, %mul3A_41 : i32
      "tpu.region"() ({
        %run_scoped3A_73 = tpu.sem_alloc : memref<!tpu.dma_semaphore, #tpu.memory_space<semaphore_mem>>
        %dma_start3A = arith.constant 0 : i32
        %dma_start3A_74 = tpu.memref_slice %arg2[%mul3A_42, %dma_start3A] : memref<10000x128xf32, #tpu.memory_space<hbm>> -> memref<80x128xf32, #tpu.memory_space<hbm>>
        %dma_start3A_75 = arith.constant 0 : i32
        %dma_start3A_76 = tpu.memref_slice %arg2[%mul3A_42, %dma_start3A_75] : memref<10000x128xf32, #tpu.memory_space<hbm>> -> memref<80x128xf32, #tpu.memory_space<hbm>>
        tpu.enqueue_dma source(%dma_start3A_76 : memref<80x128xf32, #tpu.memory_space<hbm>>) target(%arg9 : memref<80x128xf32, #tpu.memory_space<vmem>>) target_semaphore(%run_scoped3A_73 : memref<!tpu.dma_semaphore, #tpu.memory_space<semaphore_mem>>)
        %dma_wait3A = arith.constant 0 : i32
        %dma_wait3A_77 = tpu.memref_slice %arg2[%mul3A_42, %dma_wait3A] : memref<10000x128xf32, #tpu.memory_space<hbm>> -> memref<80x128xf32, #tpu.memory_space<hbm>>
        %dma_wait3A_78 = arith.constant 0 : i32
        %dma_wait3A_79 = tpu.memref_slice %arg2[%mul3A_42, %dma_wait3A_78] : memref<10000x128xf32, #tpu.memory_space<hbm>> -> memref<80x128xf32, #tpu.memory_space<hbm>>
        tpu.wait_dma2 semaphore(%run_scoped3A_73 : memref<!tpu.dma_semaphore, #tpu.memory_space<semaphore_mem>>) src(%dma_wait3A_79 : memref<80x128xf32, #tpu.memory_space<hbm>>) dst(%arg9 : memref<80x128xf32, #tpu.memory_space<vmem>>)
        tpu.yield
      }) : () -> ()
      %run_scoped3A = arith.constant 0 : i32
      "tpu.region"() ({
        %run_scoped3A_73 = tpu.sem_alloc : memref<!tpu.dma_semaphore, #tpu.memory_space<semaphore_mem>>
        %dma_start3A = arith.constant 0 : i32
        %dma_start3A_74 = tpu.memref_slice %arg8[%run_scoped3A, %dma_start3A] : memref<1x80xi32, #tpu.memory_space<vmem>> -> memref<1x80xi32, #tpu.memory_space<vmem>>
        %dma_start3A_75 = tpu.memref_squeeze %dma_start3A_74 : memref<1x80xi32, #tpu.memory_space<vmem>> -> memref<80xi32, #tpu.memory_space<vmem>>
        %dma_start3A_76 = tpu.memref_slice %arg3[%mul3A_42] : memref<10000xi32, #tpu.memory_space<hbm>> -> memref<80xi32, #tpu.memory_space<hbm>>
        %dma_start3A_77 = arith.constant 0 : i32
        %dma_start3A_78 = tpu.memref_slice %arg8[%run_scoped3A, %dma_start3A_77] : memref<1x80xi32, #tpu.memory_space<vmem>> -> memref<1x80xi32, #tpu.memory_space<vmem>>
        %dma_start3A_79 = tpu.memref_squeeze %dma_start3A_78 : memref<1x80xi32, #tpu.memory_space<vmem>> -> memref<80xi32, #tpu.memory_space<vmem>>
        %dma_start3A_80 = tpu.memref_slice %arg3[%mul3A_42] : memref<10000xi32, #tpu.memory_space<hbm>> -> memref<80xi32, #tpu.memory_space<hbm>>
        tpu.enqueue_dma source(%dma_start3A_80 : memref<80xi32, #tpu.memory_space<hbm>>) target(%dma_start3A_79 : memref<80xi32, #tpu.memory_space<vmem>>) target_semaphore(%run_scoped3A_73 : memref<!tpu.dma_semaphore, #tpu.memory_space<semaphore_mem>>)
        %dma_wait3A = arith.constant 0 : i32
        %dma_wait3A_81 = tpu.memref_slice %arg8[%run_scoped3A, %dma_wait3A] : memref<1x80xi32, #tpu.memory_space<vmem>> -> memref<1x80xi32, #tpu.memory_space<vmem>>
        %dma_wait3A_82 = tpu.memref_squeeze %dma_wait3A_81 : memref<1x80xi32, #tpu.memory_space<vmem>> -> memref<80xi32, #tpu.memory_space<vmem>>
        %dma_wait3A_83 = tpu.memref_slice %arg3[%mul3A_42] : memref<10000xi32, #tpu.memory_space<hbm>> -> memref<80xi32, #tpu.memory_space<hbm>>
        %dma_wait3A_84 = arith.constant 0 : i32
        %dma_wait3A_85 = tpu.memref_slice %arg8[%run_scoped3A, %dma_wait3A_84] : memref<1x80xi32, #tpu.memory_space<vmem>> -> memref<1x80xi32, #tpu.memory_space<vmem>>
        %dma_wait3A_86 = tpu.memref_squeeze %dma_wait3A_85 : memref<1x80xi32, #tpu.memory_space<vmem>> -> memref<80xi32, #tpu.memory_space<vmem>>
        %dma_wait3A_87 = tpu.memref_slice %arg3[%mul3A_42] : memref<10000xi32, #tpu.memory_space<hbm>> -> memref<80xi32, #tpu.memory_space<hbm>>
        tpu.wait_dma2 semaphore(%run_scoped3A_73 : memref<!tpu.dma_semaphore, #tpu.memory_space<semaphore_mem>>) src(%dma_wait3A_87 : memref<80xi32, #tpu.memory_space<hbm>>) dst(%dma_wait3A_86 : memref<80xi32, #tpu.memory_space<vmem>>)
        tpu.yield
      }) : () -> ()
      %run_scoped3A_43 = arith.constant 0 : i32
      "tpu.region"() ({
        %run_scoped3A_73 = tpu.sem_alloc : memref<!tpu.dma_semaphore, #tpu.memory_space<semaphore_mem>>
        %dma_start3A = arith.constant 0 : i32
        %dma_start3A_74 = tpu.memref_slice %arg8[%run_scoped3A_43, %dma_start3A] : memref<1x80xi32, #tpu.memory_space<vmem>> -> memref<1x80xi32, #tpu.memory_space<vmem>>
        %dma_start3A_75 = tpu.memref_squeeze %dma_start3A_74 : memref<1x80xi32, #tpu.memory_space<vmem>> -> memref<80xi32, #tpu.memory_space<vmem>>
        %dma_start3A_76 = arith.constant 0 : i32
        %dma_start3A_77 = arith.constant 0 : i32
        %dma_start3A_78 = tpu.memref_slice %arg7[%dma_start3A_76, %dma_start3A_77] : memref<56x128xf32, #tpu.memory_space<vmem_shared>> -> memref<56x128xf32, #tpu.memory_space<vmem_shared>>
        tpu.enqueue_indirect_dma source(%arg9 : memref<80x128xf32, #tpu.memory_space<vmem>>) target(%dma_start3A_78 : memref<56x128xf32, #tpu.memory_space<vmem_shared>>) offsets(%dma_start3A_75 : memref<80xi32, #tpu.memory_space<vmem>>) semaphore(%run_scoped3A_73 : memref<!tpu.dma_semaphore, #tpu.memory_space<semaphore_mem>>) {add = true}
        %dma_wait3A = arith.constant 0 : i32
        %dma_wait3A_79 = tpu.memref_slice %arg8[%run_scoped3A_43, %dma_wait3A] : memref<1x80xi32, #tpu.memory_space<vmem>> -> memref<1x80xi32, #tpu.memory_space<vmem>>
        %dma_wait3A_80 = tpu.memref_squeeze %dma_wait3A_79 : memref<1x80xi32, #tpu.memory_space<vmem>> -> memref<80xi32, #tpu.memory_space<vmem>>
        %dma_wait3A_81 = arith.constant 0 : i32
        %dma_wait3A_82 = arith.constant 0 : i32
        %dma_wait3A_83 = tpu.memref_slice %arg7[%dma_wait3A_81, %dma_wait3A_82] : memref<56x128xf32, #tpu.memory_space<vmem_shared>> -> memref<56x128xf32, #tpu.memory_space<vmem_shared>>
        tpu.wait_indirect_dma semaphore(%run_scoped3A_73 : memref<!tpu.dma_semaphore, #tpu.memory_space<semaphore_mem>>) src(%arg9 : memref<80x128xf32, #tpu.memory_space<vmem>>) dst(%dma_wait3A_83 : memref<56x128xf32, #tpu.memory_space<vmem_shared>>)
        tpu.yield
      }) : () -> ()
      %get3A = arith.constant 0 : i32
      %get3A_44 = arith.index_cast %get3A : i32 to index
      %get3A_45 = arith.constant 0 : index
      %get3A_46 = tpu.vector_load %arg8[%get3A_44, %get3A_45] {strides = array<i32>} : memref<1x80xi32, #tpu.memory_space<vmem>>, vector<16xi32>,
      %broadcast_in_dim3A_47 = arith.constant 1.000000e+00 : f32
      %broadcast_in_dim3A_48 = vector.broadcast %broadcast_in_dim3A_47 : f32 to vector<16xf32>
      tpu.vector_store_idx %arg10[%get3A_46], %broadcast_in_dim3A_48 {add = true} : memref<64xf32, #tpu.memory_space<vmem>>[vector<16xi32>], vector<16xf32>,
      %get3A_49 = arith.constant 0 : i32
      %get3A_50 = arith.index_cast %get3A_49 : i32 to index
      %get3A_51 = arith.constant 16 : index
      %get3A_52 = tpu.vector_load %arg8[%get3A_50, %get3A_51] {strides = array<i32>} : memref<1x80xi32, #tpu.memory_space<vmem>>, vector<16xi32>,
      %broadcast_in_dim3A_53 = arith.constant 1.000000e+00 : f32
      %broadcast_in_dim3A_54 = vector.broadcast %broadcast_in_dim3A_53 : f32 to vector<16xf32>
      tpu.vector_store_idx %arg10[%get3A_52], %broadcast_in_dim3A_54 {add = true} : memref<64xf32, #tpu.memory_space<vmem>>[vector<16xi32>], vector<16xf32>,
      %get3A_55 = arith.constant 0 : i32
      %get3A_56 = arith.index_cast %get3A_55 : i32 to index
      %get3A_57 = arith.constant 32 : index
      %get3A_58 = tpu.vector_load %arg8[%get3A_56, %get3A_57] {strides = array<i32>} : memref<1x80xi32, #tpu.memory_space<vmem>>, vector<16xi32>,
      %broadcast_in_dim3A_59 = arith.constant 1.000000e+00 : f32
      %broadcast_in_dim3A_60 = vector.broadcast %broadcast_in_dim3A_59 : f32 to vector<16xf32>
      tpu.vector_store_idx %arg10[%get3A_58], %broadcast_in_dim3A_60 {add = true} : memref<64xf32, #tpu.memory_space<vmem>>[vector<16xi32>], vector<16xf32>,
      %get3A_61 = arith.constant 0 : i32
      %get3A_62 = arith.index_cast %get3A_61 : i32 to index
      %get3A_63 = arith.constant 48 : index
      %get3A_64 = tpu.vector_load %arg8[%get3A_62, %get3A_63] {strides = array<i32>} : memref<1x80xi32, #tpu.memory_space<vmem>>, vector<16xi32>,
      %broadcast_in_dim3A_65 = arith.constant 1.000000e+00 : f32
      %broadcast_in_dim3A_66 = vector.broadcast %broadcast_in_dim3A_65 : f32 to vector<16xf32>
      tpu.vector_store_idx %arg10[%get3A_64], %broadcast_in_dim3A_66 {add = true} : memref<64xf32, #tpu.memory_space<vmem>>[vector<16xi32>], vector<16xf32>,
      %get3A_67 = arith.constant 0 : i32
      %get3A_68 = arith.index_cast %get3A_67 : i32 to index
      %get3A_69 = arith.constant 64 : index
      %get3A_70 = tpu.vector_load %arg8[%get3A_68, %get3A_69] {strides = array<i32>} : memref<1x80xi32, #tpu.memory_space<vmem>>, vector<16xi32>,
      %broadcast_in_dim3A_71 = arith.constant 1.000000e+00 : f32
      %broadcast_in_dim3A_72 = vector.broadcast %broadcast_in_dim3A_71 : f32 to vector<16xf32>
      tpu.vector_store_idx %arg10[%get3A_70], %broadcast_in_dim3A_72 {add = true} : memref<64xf32, #tpu.memory_space<vmem>>[vector<16xi32>], vector<16xf32>,
    }
    %while3A_31 = arith.constant 1 : i32
    scf.for %while3A_38 = %while3A_29 to %while3A_25 step %while3A_31  : i32 {
      %mul3A_39 = arith.muli %while3A_38, %while3A : i32
      %add3A_40 = arith.addi %add3A, %mul3A_39 : i32
      %mul3A_41 = arith.constant 80 : i32
      %mul3A_42 = arith.muli %add3A_40, %mul3A_41 : i32
      "tpu.region"() ({
        %run_scoped3A_73 = tpu.sem_alloc : memref<!tpu.dma_semaphore, #tpu.memory_space<semaphore_mem>>
        %dma_start3A = arith.constant 0 : i32
        %dma_start3A_74 = tpu.memref_slice %arg2[%mul3A_42, %dma_start3A] : memref<10000x128xf32, #tpu.memory_space<hbm>> -> memref<80x128xf32, #tpu.memory_space<hbm>>
        %dma_start3A_75 = arith.constant 0 : i32
        %dma_start3A_76 = tpu.memref_slice %arg2[%mul3A_42, %dma_start3A_75] : memref<10000x128xf32, #tpu.memory_space<hbm>> -> memref<80x128xf32, #tpu.memory_space<hbm>>
        tpu.enqueue_dma source(%dma_start3A_76 : memref<80x128xf32, #tpu.memory_space<hbm>>) target(%arg9 : memref<80x128xf32, #tpu.memory_space<vmem>>) target_semaphore(%run_scoped3A_73 : memref<!tpu.dma_semaphore, #tpu.memory_space<semaphore_mem>>)
        %dma_wait3A = arith.constant 0 : i32
        %dma_wait3A_77 = tpu.memref_slice %arg2[%mul3A_42, %dma_wait3A] : memref<10000x128xf32, #tpu.memory_space<hbm>> -> memref<80x128xf32, #tpu.memory_space<hbm>>
        %dma_wait3A_78 = arith.constant 0 : i32
        %dma_wait3A_79 = tpu.memref_slice %arg2[%mul3A_42, %dma_wait3A_78] : memref<10000x128xf32, #tpu.memory_space<hbm>> -> memref<80x128xf32, #tpu.memory_space<hbm>>
        tpu.wait_dma2 semaphore(%run_scoped3A_73 : memref<!tpu.dma_semaphore, #tpu.memory_space<semaphore_mem>>) src(%dma_wait3A_79 : memref<80x128xf32, #tpu.memory_space<hbm>>) dst(%arg9 : memref<80x128xf32, #tpu.memory_space<vmem>>)
        tpu.yield
      }) : () -> ()
      %run_scoped3A = arith.constant 0 : i32
      "tpu.region"() ({
        %run_scoped3A_73 = tpu.sem_alloc : memref<!tpu.dma_semaphore, #tpu.memory_space<semaphore_mem>>
        %dma_start3A = arith.constant 0 : i32
        %dma_start3A_74 = tpu.memref_slice %arg8[%run_scoped3A, %dma_start3A] : memref<1x80xi32, #tpu.memory_space<vmem>> -> memref<1x80xi32, #tpu.memory_space<vmem>>
        %dma_start3A_75 = tpu.memref_squeeze %dma_start3A_74 : memref<1x80xi32, #tpu.memory_space<vmem>> -> memref<80xi32, #tpu.memory_space<vmem>>
        %dma_start3A_76 = tpu.memref_slice %arg3[%mul3A_42] : memref<10000xi32, #tpu.memory_space<hbm>> -> memref<80xi32, #tpu.memory_space<hbm>>
        %dma_start3A_77 = arith.constant 0 : i32
        %dma_start3A_78 = tpu.memref_slice %arg8[%run_scoped3A, %dma_start3A_77] : memref<1x80xi32, #tpu.memory_space<vmem>> -> memref<1x80xi32, #tpu.memory_space<vmem>>
        %dma_start3A_79 = tpu.memref_squeeze %dma_start3A_78 : memref<1x80xi32, #tpu.memory_space<vmem>> -> memref<80xi32, #tpu.memory_space<vmem>>
        %dma_start3A_80 = tpu.memref_slice %arg3[%mul3A_42] : memref<10000xi32, #tpu.memory_space<hbm>> -> memref<80xi32, #tpu.memory_space<hbm>>
        tpu.enqueue_dma source(%dma_start3A_80 : memref<80xi32, #tpu.memory_space<hbm>>) target(%dma_start3A_79 : memref<80xi32, #tpu.memory_space<vmem>>) target_semaphore(%run_scoped3A_73 : memref<!tpu.dma_semaphore, #tpu.memory_space<semaphore_mem>>)
        %dma_wait3A = arith.constant 0 : i32
        %dma_wait3A_81 = tpu.memref_slice %arg8[%run_scoped3A, %dma_wait3A] : memref<1x80xi32, #tpu.memory_space<vmem>> -> memref<1x80xi32, #tpu.memory_space<vmem>>
        %dma_wait3A_82 = tpu.memref_squeeze %dma_wait3A_81 : memref<1x80xi32, #tpu.memory_space<vmem>> -> memref<80xi32, #tpu.memory_space<vmem>>
        %dma_wait3A_83 = tpu.memref_slice %arg3[%mul3A_42] : memref<10000xi32, #tpu.memory_space<hbm>> -> memref<80xi32, #tpu.memory_space<hbm>>
        %dma_wait3A_84 = arith.constant 0 : i32
        %dma_wait3A_85 = tpu.memref_slice %arg8[%run_scoped3A, %dma_wait3A_84] : memref<1x80xi32, #tpu.memory_space<vmem>> -> memref<1x80xi32, #tpu.memory_space<vmem>>
        %dma_wait3A_86 = tpu.memref_squeeze %dma_wait3A_85 : memref<1x80xi32, #tpu.memory_space<vmem>> -> memref<80xi32, #tpu.memory_space<vmem>>
        %dma_wait3A_87 = tpu.memref_slice %arg3[%mul3A_42] : memref<10000xi32, #tpu.memory_space<hbm>> -> memref<80xi32, #tpu.memory_space<hbm>>
        tpu.wait_dma2 semaphore(%run_scoped3A_73 : memref<!tpu.dma_semaphore, #tpu.memory_space<semaphore_mem>>) src(%dma_wait3A_87 : memref<80xi32, #tpu.memory_space<hbm>>) dst(%dma_wait3A_86 : memref<80xi32, #tpu.memory_space<vmem>>)
        tpu.yield
      }) : () -> ()
      %run_scoped3A_43 = arith.constant 0 : i32
      "tpu.region"() ({
        %run_scoped3A_73 = tpu.sem_alloc : memref<!tpu.dma_semaphore, #tpu.memory_space<semaphore_mem>>
        %dma_start3A = arith.constant 0 : i32
        %dma_start3A_74 = tpu.memref_slice %arg8[%run_scoped3A_43, %dma_start3A] : memref<1x80xi32, #tpu.memory_space<vmem>> -> memref<1x80xi32, #tpu.memory_space<vmem>>
        %dma_start3A_75 = tpu.memref_squeeze %dma_start3A_74 : memref<1x80xi32, #tpu.memory_space<vmem>> -> memref<80xi32, #tpu.memory_space<vmem>>
        %dma_start3A_76 = arith.constant 0 : i32
        %dma_start3A_77 = arith.constant 0 : i32
        %dma_start3A_78 = tpu.memref_slice %arg7[%dma_start3A_76, %dma_start3A_77] : memref<56x128xf32, #tpu.memory_space<vmem_shared>> -> memref<56x128xf32, #tpu.memory_space<vmem_shared>>
        tpu.enqueue_indirect_dma source(%arg9 : memref<80x128xf32, #tpu.memory_space<vmem>>) target(%dma_start3A_78 : memref<56x128xf32, #tpu.memory_space<vmem_shared>>) offsets(%dma_start3A_75 : memref<80xi32, #tpu.memory_space<vmem>>) semaphore(%run_scoped3A_73 : memref<!tpu.dma_semaphore, #tpu.memory_space<semaphore_mem>>) {add = true}
        %dma_wait3A = arith.constant 0 : i32
        %dma_wait3A_79 = tpu.memref_slice %arg8[%run_scoped3A_43, %dma_wait3A] : memref<1x80xi32, #tpu.memory_space<vmem>> -> memref<1x80xi32, #tpu.memory_space<vmem>>
        %dma_wait3A_80 = tpu.memref_squeeze %dma_wait3A_79 : memref<1x80xi32, #tpu.memory_space<vmem>> -> memref<80xi32, #tpu.memory_space<vmem>>
        %dma_wait3A_81 = arith.constant 0 : i32
        %dma_wait3A_82 = arith.constant 0 : i32
        %dma_wait3A_83 = tpu.memref_slice %arg7[%dma_wait3A_81, %dma_wait3A_82] : memref<56x128xf32, #tpu.memory_space<vmem_shared>> -> memref<56x128xf32, #tpu.memory_space<vmem_shared>>
        tpu.wait_indirect_dma semaphore(%run_scoped3A_73 : memref<!tpu.dma_semaphore, #tpu.memory_space<semaphore_mem>>) src(%arg9 : memref<80x128xf32, #tpu.memory_space<vmem>>) dst(%dma_wait3A_83 : memref<56x128xf32, #tpu.memory_space<vmem_shared>>)
        tpu.yield
      }) : () -> ()
      %get3A = arith.constant 0 : i32
      %get3A_44 = arith.index_cast %get3A : i32 to index
      %get3A_45 = arith.constant 0 : index
      %get3A_46 = tpu.vector_load %arg8[%get3A_44, %get3A_45] {strides = array<i32>} : memref<1x80xi32, #tpu.memory_space<vmem>>, vector<16xi32>,
      %broadcast_in_dim3A_47 = arith.constant 1.000000e+00 : f32
      %broadcast_in_dim3A_48 = vector.broadcast %broadcast_in_dim3A_47 : f32 to vector<16xf32>
      tpu.vector_store_idx %arg10[%get3A_46], %broadcast_in_dim3A_48 {add = true} : memref<64xf32, #tpu.memory_space<vmem>>[vector<16xi32>], vector<16xf32>,
      %get3A_49 = arith.constant 0 : i32
      %get3A_50 = arith.index_cast %get3A_49 : i32 to index
      %get3A_51 = arith.constant 16 : index
      %get3A_52 = tpu.vector_load %arg8[%get3A_50, %get3A_51] {strides = array<i32>} : memref<1x80xi32, #tpu.memory_space<vmem>>, vector<16xi32>,
      %broadcast_in_dim3A_53 = arith.constant 1.000000e+00 : f32
      %broadcast_in_dim3A_54 = vector.broadcast %broadcast_in_dim3A_53 : f32 to vector<16xf32>
      tpu.vector_store_idx %arg10[%get3A_52], %broadcast_in_dim3A_54 {add = true} : memref<64xf32, #tpu.memory_space<vmem>>[vector<16xi32>], vector<16xf32>,
      %get3A_55 = arith.constant 0 : i32
      %get3A_56 = arith.index_cast %get3A_55 : i32 to index
      %get3A_57 = arith.constant 32 : index
      %get3A_58 = tpu.vector_load %arg8[%get3A_56, %get3A_57] {strides = array<i32>} : memref<1x80xi32, #tpu.memory_space<vmem>>, vector<16xi32>,
      %broadcast_in_dim3A_59 = arith.constant 1.000000e+00 : f32
      %broadcast_in_dim3A_60 = vector.broadcast %broadcast_in_dim3A_59 : f32 to vector<16xf32>
      tpu.vector_store_idx %arg10[%get3A_58], %broadcast_in_dim3A_60 {add = true} : memref<64xf32, #tpu.memory_space<vmem>>[vector<16xi32>], vector<16xf32>,
      %get3A_61 = arith.constant 0 : i32
      %get3A_62 = arith.index_cast %get3A_61 : i32 to index
      %get3A_63 = arith.constant 48 : index
      %get3A_64 = tpu.vector_load %arg8[%get3A_62, %get3A_63] {strides = array<i32>} : memref<1x80xi32, #tpu.memory_space<vmem>>, vector<16xi32>,
      %broadcast_in_dim3A_65 = arith.constant 1.000000e+00 : f32
      %broadcast_in_dim3A_66 = vector.broadcast %broadcast_in_dim3A_65 : f32 to vector<16xf32>
      tpu.vector_store_idx %arg10[%get3A_64], %broadcast_in_dim3A_66 {add = true} : memref<64xf32, #tpu.memory_space<vmem>>[vector<16xi32>], vector<16xf32>,
      %get3A_67 = arith.constant 0 : i32
      %get3A_68 = arith.index_cast %get3A_67 : i32 to index
      %get3A_69 = arith.constant 64 : index
      %get3A_70 = tpu.vector_load %arg8[%get3A_68, %get3A_69] {strides = array<i32>} : memref<1x80xi32, #tpu.memory_space<vmem>>, vector<16xi32>,
      %broadcast_in_dim3A_71 = arith.constant 1.000000e+00 : f32
      %broadcast_in_dim3A_72 = vector.broadcast %broadcast_in_dim3A_71 : f32 to vector<16xf32>
      tpu.vector_store_idx %arg10[%get3A_70], %broadcast_in_dim3A_72 {add = true} : memref<64xf32, #tpu.memory_space<vmem>>[vector<16xi32>], vector<16xf32>,
    }
    "tpu.region"() ({
      %run_scoped3A = tpu.sem_alloc : memref<!tpu.dma_semaphore, #tpu.memory_space<semaphore_mem>>
      %dma_start3A = arith.constant 0 : i32
      %dma_start3A_38 = tpu.memref_slice %arg6[%arg0, %arg1, %dma_start3A] : memref<2x16x64xf32, #tpu.memory_space<hbm>> -> memref<1x1x64xf32, #tpu.memory_space<hbm>>
      %dma_start3A_39 = tpu.memref_squeeze %dma_start3A_38 : memref<1x1x64xf32, #tpu.memory_space<hbm>> -> memref<64xf32, #tpu.memory_space<hbm>>
      %dma_start3A_40 = arith.constant 0 : i32
      %dma_start3A_41 = tpu.memref_slice %arg6[%arg0, %arg1, %dma_start3A_40] : memref<2x16x64xf32, #tpu.memory_space<hbm>> -> memref<1x1x64xf32, #tpu.memory_space<hbm>>
      %dma_start3A_42 = tpu.memref_squeeze %dma_start3A_41 : memref<1x1x64xf32, #tpu.memory_space<hbm>> -> memref<64xf32, #tpu.memory_space<hbm>>
      tpu.enqueue_dma source(%arg10 : memref<64xf32, #tpu.memory_space<vmem>>) target(%dma_start3A_42 : memref<64xf32, #tpu.memory_space<hbm>>) target_semaphore(%run_scoped3A : memref<!tpu.dma_semaphore, #tpu.memory_space<semaphore_mem>>)
      %dma_wait3A = arith.constant 0 : i32
      %dma_wait3A_43 = tpu.memref_slice %arg6[%arg0, %arg1, %dma_wait3A] : memref<2x16x64xf32, #tpu.memory_space<hbm>> -> memref<1x1x64xf32, #tpu.memory_space<hbm>>
      %dma_wait3A_44 = tpu.memref_squeeze %dma_wait3A_43 : memref<1x1x64xf32, #tpu.memory_space<hbm>> -> memref<64xf32, #tpu.memory_space<hbm>>
      %dma_wait3A_45 = arith.constant 0 : i32
      %dma_wait3A_46 = tpu.memref_slice %arg6[%arg0, %arg1, %dma_wait3A_45] : memref<2x16x64xf32, #tpu.memory_space<hbm>> -> memref<1x1x64xf32, #tpu.memory_space<hbm>>
      %dma_wait3A_47 = tpu.memref_squeeze %dma_wait3A_46 : memref<1x1x64xf32, #tpu.memory_space<hbm>> -> memref<64xf32, #tpu.memory_space<hbm>>
      tpu.wait_dma2 semaphore(%run_scoped3A : memref<!tpu.dma_semaphore, #tpu.memory_space<semaphore_mem>>) src(%arg10 : memref<64xf32, #tpu.memory_space<vmem>>) dst(%dma_wait3A_47 : memref<64xf32, #tpu.memory_space<hbm>>)
      tpu.yield
    }) : () -> ()
    %barrier3A_32 = arith.constant 0 : index
    tpu.barrier barrier_id(%barrier3A_32)
    %lt3A_33 = arith.constant 7 : i32
    %lt3A_34 = arith.cmpi slt, %arg1, %lt3A_33 : i32
    %convert_element_type3A_35 = arith.extui %lt3A_34 : i1 to i32
    %cond3A_36 = arith.constant 0 : i32
    %cond3A_37 = arith.cmpi ne, %convert_element_type3A_35, %cond3A_36 : i32
    scf.if %cond3A_37 {
      %mul3A_38 = arith.constant 8 : i32
      %mul3A_39 = arith.muli %arg1, %mul3A_38 : i32
      %mul3A_40 = arith.constant 8 : i32
      %mul3A_41 = arith.muli %arg1, %mul3A_40 : i32
      "tpu.region"() ({
        %run_scoped3A = tpu.sem_alloc : memref<!tpu.dma_semaphore, #tpu.memory_space<semaphore_mem>>
        %dma_start3A = arith.constant 0 : i32
        %dma_start3A_42 = tpu.memref_slice %arg5[%arg0, %mul3A_41, %dma_start3A] : memref<2x56x128xf32, #tpu.memory_space<hbm>> -> memref<1x8x128xf32, #tpu.memory_space<hbm>>
        %dma_start3A_43 = tpu.memref_squeeze %dma_start3A_42 : memref<1x8x128xf32, #tpu.memory_space<hbm>> -> memref<8x128xf32, #tpu.memory_space<hbm>>
        %dma_start3A_44 = arith.constant 0 : i32
        %dma_start3A_45 = tpu.memref_slice %arg7[%mul3A_39, %dma_start3A_44] : memref<56x128xf32, #tpu.memory_space<vmem_shared>> -> memref<8x128xf32, #tpu.memory_space<vmem_shared>>
        tpu.enqueue_dma source(%dma_start3A_45 : memref<8x128xf32, #tpu.memory_space<vmem_shared>>) target(%dma_start3A_43 : memref<8x128xf32, #tpu.memory_space<hbm>>) target_semaphore(%run_scoped3A : memref<!tpu.dma_semaphore, #tpu.memory_space<semaphore_mem>>)
        %dma_wait3A = arith.constant 0 : i32
        %dma_wait3A_46 = tpu.memref_slice %arg5[%arg0, %mul3A_41, %dma_wait3A] : memref<2x56x128xf32, #tpu.memory_space<hbm>> -> memref<1x8x128xf32, #tpu.memory_space<hbm>>
        %dma_wait3A_47 = tpu.memref_squeeze %dma_wait3A_46 : memref<1x8x128xf32, #tpu.memory_space<hbm>> -> memref<8x128xf32, #tpu.memory_space<hbm>>
        %dma_wait3A_48 = arith.constant 0 : i32
        %dma_wait3A_49 = tpu.memref_slice %arg7[%mul3A_39, %dma_wait3A_48] : memref<56x128xf32, #tpu.memory_space<vmem_shared>> -> memref<8x128xf32, #tpu.memory_space<vmem_shared>>
        tpu.wait_dma2 semaphore(%run_scoped3A : memref<!tpu.dma_semaphore, #tpu.memory_space<semaphore_mem>>) src(%dma_wait3A_49 : memref<8x128xf32, #tpu.memory_space<vmem_shared>>) dst(%dma_wait3A_47 : memref<8x128xf32, #tpu.memory_space<hbm>>)
        tpu.yield
      }) : () -> ()
    } else {
    }
    return
  }
}

module attributes {stable_mosaic.version = 14 : i64} {
  func.func @_tc1_body(%arg0: memref<10000x128xf32, #tpu.memory_space<vmem>>, %arg1: memref<128x128xf32, #tpu.memory_space<vmem>>, %arg2: memref<32x10000xf32, #tpu.memory_space<vmem>>, %arg3: memref<10000x128xf32, #tpu.memory_space<vmem>>, %arg4: memref<10000x1xf32, #tpu.memory_space<vmem>>) attributes {dimension_semantics = [], scalar_prefetch = 0 : i64, scratch_operands = 0 : i64, tpu.core_type = #tpu.core_type<tc>} {
    %get3A = arith.constant 0 : index
    %get3A_0 = arith.constant 0 : index
    %get3A_1 = vector.load %arg2[%get3A, %get3A_0] : memref<32x10000xf32, #tpu.memory_space<vmem>>, vector<32x10000xf32>
    %reduce_sum3A = arith.constant dense<0.000000e+00> : vector<10000xf32>
    %reduce_sum3A_2 = vector.multi_reduction <add>, %get3A_1, %reduce_sum3A [0] : vector<32x10000xf32> to vector<10000xf32>
    %add3A = arith.constant 1.000000e+00 : f32
    %add3A_3 = vector.broadcast %add3A : f32 to vector<10000xf32>
    %add3A_4 = arith.addf %reduce_sum3A_2, %add3A_3 : vector<10000xf32>
    %gt3A = arith.constant 0.000000e+00 : f32
    %gt3A_5 = vector.broadcast %gt3A : f32 to vector<10000xf32>
    %gt3A_6 = arith.cmpf ogt, %add3A_4, %gt3A_5 : vector<10000xf32>
    %rsqrt3A = math.rsqrt %add3A_4 : vector<10000xf32>
    %jit3A = arith.constant 0.000000e+00 : f32
    %broadcast_in_dim3A = vector.broadcast %jit3A : f32 to vector<10000xf32>
    %select_n3A = arith.select %gt3A_6, %rsqrt3A, %broadcast_in_dim3A : vector<10000xi1>, vector<10000xf32>
    %broadcast_in_dim3A_7 = vector.shape_cast %select_n3A : vector<10000xf32> to vector<10000x1xf32>
    %swap3A = arith.constant 0 : index
    %swap3A_8 = arith.constant 0 : index
    %swap3A_9 = vector.load %arg4[%swap3A, %swap3A_8] : memref<10000x1xf32, #tpu.memory_space<vmem>>, vector<10000x1xf32>
    tpu.vector_store %arg4[%swap3A, %swap3A_8], %broadcast_in_dim3A_7 {strides = array<i32>} : memref<10000x1xf32, #tpu.memory_space<vmem>>, vector<10000x1xf32>,
    %get3A_10 = arith.constant 0 : index
    %get3A_11 = arith.constant 0 : index
    %get3A_12 = vector.load %arg0[%get3A_10, %get3A_11] : memref<10000x128xf32, #tpu.memory_space<vmem>>, vector<10000x128xf32>
    %get3A_13 = arith.constant 0 : index
    %get3A_14 = arith.constant 0 : index
    %get3A_15 = vector.load %arg1[%get3A_13, %get3A_14] : memref<128x128xf32, #tpu.memory_space<vmem>>, vector<128x128xf32>
    %dot_general3A = arith.constant dense<0.000000e+00> : vector<10000x128xf32>
    %dot_general3A_16 = tpu.matmul %get3A_12, %get3A_15, %dot_general3A {dimension_numbers = #tpu.dot_dimension_numbers<[1], [0], [0], [1], [0, 0, 1, 1], [], []>, transpose_lhs_hint = false} : vector<10000x128xf32>, vector<128x128xf32>, vector<10000x128xf32> -> vector<10000x128xf32>
    %broadcast_in_dim3A_17 = vector.shape_cast %select_n3A : vector<10000xf32> to vector<10000x1xf32>
    %mul3A = vector.broadcast %broadcast_in_dim3A_17 : vector<10000x1xf32> to vector<10000x128xf32>
    %mul3A_18 = arith.mulf %dot_general3A_16, %mul3A : vector<10000x128xf32>
    %swap3A_19 = arith.constant 0 : index
    %swap3A_20 = arith.constant 0 : index
    %swap3A_21 = vector.load %arg3[%swap3A_19, %swap3A_20] : memref<10000x128xf32, #tpu.memory_space<vmem>>, vector<10000x128xf32>
    tpu.vector_store %arg3[%swap3A_19, %swap3A_20], %mul3A_18 {strides = array<i32>} : memref<10000x128xf32, #tpu.memory_space<vmem>>, vector<10000x128xf32>,
    return
  }
}

module attributes {stable_mosaic.version = 14 : i64} {
  func.func @_tc2_body(%arg0: memref<2x10000x128xf32, #tpu.memory_space<vmem>>, %arg1: memref<10000x128xf32, #tpu.memory_space<vmem>>, %arg2: memref<10000x1xf32, #tpu.memory_space<vmem>>, %arg3: memref<128xf32, #tpu.memory_space<vmem>>, %arg4: memref<128x128xf32, #tpu.memory_space<vmem>>, %arg5: memref<10000x128xf32, #tpu.memory_space<vmem>>) attributes {dimension_semantics = [], scalar_prefetch = 0 : i64, scratch_operands = 0 : i64, tpu.core_type = #tpu.core_type<tc>} {
    %get3A = arith.constant 0 : index
    %get3A_0 = arith.constant 0 : index
    %get3A_1 = vector.load %arg2[%get3A, %get3A_0] : memref<10000x1xf32, #tpu.memory_space<vmem>>, vector<10000x1xf32>
    %get3A_2 = arith.constant 0 : index
    %get3A_3 = arith.constant 0 : index
    %get3A_4 = arith.constant 0 : index
    %get3A_5 = vector.load %arg0[%get3A_2, %get3A_3, %get3A_4] : memref<2x10000x128xf32, #tpu.memory_space<vmem>>, vector<1x10000x128xf32>
    %get3A_6 = vector.shape_cast %get3A_5 : vector<1x10000x128xf32> to vector<10000x128xf32>
    %get3A_7 = arith.constant 1 : index
    %get3A_8 = arith.constant 0 : index
    %get3A_9 = arith.constant 0 : index
    %get3A_10 = vector.load %arg0[%get3A_7, %get3A_8, %get3A_9] : memref<2x10000x128xf32, #tpu.memory_space<vmem>>, vector<1x10000x128xf32>
    %get3A_11 = vector.shape_cast %get3A_10 : vector<1x10000x128xf32> to vector<10000x128xf32>
    %add3A = arith.addf %get3A_6, %get3A_11 : vector<10000x128xf32>
    %get3A_12 = arith.constant 0 : index
    %get3A_13 = arith.constant 0 : index
    %get3A_14 = vector.load %arg1[%get3A_12, %get3A_13] : memref<10000x128xf32, #tpu.memory_space<vmem>>, vector<10000x128xf32>
    %add3A_15 = arith.addf %add3A, %get3A_14 : vector<10000x128xf32>
    %mul3A = vector.broadcast %get3A_1 : vector<10000x1xf32> to vector<10000x128xf32>
    %mul3A_16 = arith.mulf %add3A_15, %mul3A : vector<10000x128xf32>
    %get3A_17 = arith.constant 0 : index
    %get3A_18 = vector.load %arg3[%get3A_17] : memref<128xf32, #tpu.memory_space<vmem>>, vector<128xf32>
    %broadcast_in_dim3A = vector.shape_cast %get3A_18 : vector<128xf32> to vector<1x128xf32>
    %add3A_19 = vector.broadcast %broadcast_in_dim3A : vector<1x128xf32> to vector<10000x128xf32>
    %add3A_20 = arith.addf %mul3A_16, %add3A_19 : vector<10000x128xf32>
    %max3A = arith.constant 0.000000e+00 : f32
    %max3A_21 = vector.broadcast %max3A : f32 to vector<10000x128xf32>
    %max3A_22 = arith.maximumf %add3A_20, %max3A_21 : vector<10000x128xf32>
    %get3A_23 = arith.constant 0 : index
    %get3A_24 = arith.constant 0 : index
    %get3A_25 = vector.load %arg4[%get3A_23, %get3A_24] : memref<128x128xf32, #tpu.memory_space<vmem>>, vector<128x128xf32>
    %dot_general3A = arith.constant dense<0.000000e+00> : vector<10000x128xf32>
    %dot_general3A_26 = tpu.matmul %max3A_22, %get3A_25, %dot_general3A {dimension_numbers = #tpu.dot_dimension_numbers<[1], [0], [0], [1], [0, 0, 1, 1], [], []>, transpose_lhs_hint = false} : vector<10000x128xf32>, vector<128x128xf32>, vector<10000x128xf32> -> vector<10000x128xf32>
    %mul3A_27 = vector.broadcast %get3A_1 : vector<10000x1xf32> to vector<10000x128xf32>
    %mul3A_28 = arith.mulf %dot_general3A_26, %mul3A_27 : vector<10000x128xf32>
    %swap3A = arith.constant 0 : index
    %swap3A_29 = arith.constant 0 : index
    %swap3A_30 = vector.load %arg5[%swap3A, %swap3A_29] : memref<10000x128xf32, #tpu.memory_space<vmem>>, vector<10000x128xf32>
    tpu.vector_store %arg5[%swap3A, %swap3A_29], %mul3A_28 {strides = array<i32>} : memref<10000x128xf32, #tpu.memory_space<vmem>>, vector<10000x128xf32>,
    return
  }
}

module attributes {stable_mosaic.version = 14 : i64} {
  func.func @_tc3_body(%arg0: memref<2x10000x128xf32, #tpu.memory_space<vmem>>, %arg1: memref<10000x128xf32, #tpu.memory_space<vmem>>, %arg2: memref<10000x1xf32, #tpu.memory_space<vmem>>, %arg3: memref<128xf32, #tpu.memory_space<vmem>>, %arg4: memref<10000x128xf32, #tpu.memory_space<vmem>>) attributes {dimension_semantics = [], scalar_prefetch = 0 : i64, scratch_operands = 0 : i64, tpu.core_type = #tpu.core_type<tc>} {
    %get3A = arith.constant 0 : index
    %get3A_0 = arith.constant 0 : index
    %get3A_1 = arith.constant 0 : index
    %get3A_2 = vector.load %arg0[%get3A, %get3A_0, %get3A_1] : memref<2x10000x128xf32, #tpu.memory_space<vmem>>, vector<1x10000x128xf32>
    %get3A_3 = vector.shape_cast %get3A_2 : vector<1x10000x128xf32> to vector<10000x128xf32>
    %get3A_4 = arith.constant 1 : index
    %get3A_5 = arith.constant 0 : index
    %get3A_6 = arith.constant 0 : index
    %get3A_7 = vector.load %arg0[%get3A_4, %get3A_5, %get3A_6] : memref<2x10000x128xf32, #tpu.memory_space<vmem>>, vector<1x10000x128xf32>
    %get3A_8 = vector.shape_cast %get3A_7 : vector<1x10000x128xf32> to vector<10000x128xf32>
    %add3A = arith.addf %get3A_3, %get3A_8 : vector<10000x128xf32>
    %get3A_9 = arith.constant 0 : index
    %get3A_10 = arith.constant 0 : index
    %get3A_11 = vector.load %arg1[%get3A_9, %get3A_10] : memref<10000x128xf32, #tpu.memory_space<vmem>>, vector<10000x128xf32>
    %add3A_12 = arith.addf %add3A, %get3A_11 : vector<10000x128xf32>
    %get3A_13 = arith.constant 0 : index
    %get3A_14 = arith.constant 0 : index
    %get3A_15 = vector.load %arg2[%get3A_13, %get3A_14] : memref<10000x1xf32, #tpu.memory_space<vmem>>, vector<10000x1xf32>
    %mul3A = vector.broadcast %get3A_15 : vector<10000x1xf32> to vector<10000x128xf32>
    %mul3A_16 = arith.mulf %add3A_12, %mul3A : vector<10000x128xf32>
    %get3A_17 = arith.constant 0 : index
    %get3A_18 = vector.load %arg3[%get3A_17] : memref<128xf32, #tpu.memory_space<vmem>>, vector<128xf32>
    %broadcast_in_dim3A = vector.shape_cast %get3A_18 : vector<128xf32> to vector<1x128xf32>
    %add3A_19 = vector.broadcast %broadcast_in_dim3A : vector<1x128xf32> to vector<10000x128xf32>
    %add3A_20 = arith.addf %mul3A_16, %add3A_19 : vector<10000x128xf32>
    %swap3A = arith.constant 0 : index
    %swap3A_21 = arith.constant 0 : index
    %swap3A_22 = vector.load %arg4[%swap3A, %swap3A_21] : memref<10000x128xf32, #tpu.memory_space<vmem>>, vector<10000x128xf32>
    tpu.vector_store %arg4[%swap3A, %swap3A_21], %add3A_20 {strides = array<i32>} : memref<10000x128xf32, #tpu.memory_space<vmem>>, vector<10000x128xf32>,
    return
  }
}

module attributes {stable_mosaic.version = 14 : i64} {
  func.func @_tc4_body(%arg0: memref<2x56x128xf32, #tpu.memory_space<vmem>>, %arg1: memref<2x16x64xf32, #tpu.memory_space<vmem>>, %arg2: memref<50x128xf32, #tpu.memory_space<vmem>>) attributes {dimension_semantics = [], scalar_prefetch = 0 : i64, scratch_operands = 0 : i64, tpu.core_type = #tpu.core_type<tc>} {
    %get3A = arith.constant 0 : index
    %get3A_0 = arith.constant 0 : index
    %get3A_1 = arith.constant 0 : index
    %get3A_2 = vector.load %arg1[%get3A, %get3A_0, %get3A_1] : memref<2x16x64xf32, #tpu.memory_space<vmem>>, vector<2x16x64xf32>
    %reduce_sum3A = arith.constant dense<0.000000e+00> : vector<64xf32>
    %reduce_sum3A_3 = vector.multi_reduction <add>, %get3A_2, %reduce_sum3A [0, 1] : vector<2x16x64xf32> to vector<64xf32>
    %slice3A = vector.extract_strided_slice %reduce_sum3A_3 {offsets = [0], sizes = [50], strides = [1]} : vector<64xf32> to vector<50xf32>
    %get3A_4 = arith.constant 0 : index
    %get3A_5 = arith.constant 0 : index
    %get3A_6 = arith.constant 0 : index
    %get3A_7 = vector.load %arg0[%get3A_4, %get3A_5, %get3A_6] : memref<2x56x128xf32, #tpu.memory_space<vmem>>, vector<1x50x128xf32>
    %get3A_8 = vector.shape_cast %get3A_7 : vector<1x50x128xf32> to vector<50x128xf32>
    %get3A_9 = arith.constant 1 : index
    %get3A_10 = arith.constant 0 : index
    %get3A_11 = arith.constant 0 : index
    %get3A_12 = vector.load %arg0[%get3A_9, %get3A_10, %get3A_11] : memref<2x56x128xf32, #tpu.memory_space<vmem>>, vector<1x50x128xf32>
    %get3A_13 = vector.shape_cast %get3A_12 : vector<1x50x128xf32> to vector<50x128xf32>
    %add3A = arith.addf %get3A_8, %get3A_13 : vector<50x128xf32>
    %max3A = arith.constant 1.000000e+00 : f32
    %max3A_14 = vector.broadcast %max3A : f32 to vector<50xf32>
    %max3A_15 = arith.maximumf %slice3A, %max3A_14 : vector<50xf32>
    %broadcast_in_dim3A = vector.shape_cast %max3A_15 : vector<50xf32> to vector<50x1xf32>
    %div3A = vector.broadcast %broadcast_in_dim3A : vector<50x1xf32> to vector<50x128xf32>
    %div3A_16 = arith.divf %add3A, %div3A : vector<50x128xf32>
    %swap3A = arith.constant 0 : index
    %swap3A_17 = arith.constant 0 : index
    %swap3A_18 = vector.load %arg2[%swap3A, %swap3A_17] : memref<50x128xf32, #tpu.memory_space<vmem>>, vector<50x128xf32>
    tpu.vector_store %arg2[%swap3A, %swap3A_17], %div3A_16 {strides = array<i32>} : memref<50x128xf32, #tpu.memory_space<vmem>>, vector<50x128xf32>,
    return
  }
}

</mosaic_0001>

<sc_bundles>
// kernel: kernel.10.cloned.1.call-start
scs
__scs_entry_jumppad:
0x0: {  	(pc) =	sbr.rel $0x88, $3  }
0x1: {  	(tag) =	ssettag $0x0;
	lr =	simm.s32 $0x1  }
0x2: {  	[smem:$0x3F99] =	sst lr;
	_ =	strace $0xD0000000  }
0x3: {  	_ = 	snop  }
0x4: {  	_ = 	snop  }
0x5: {  	_ = 	snop  }
0x6: {  	_ = 	snop  }
0x7: {  	_ = 	snop  }
__scs_overlays_trampoline_lowered:
0x8: {  	[smem:$0x3FA8] =	sst s0  }
0x9: {  	[smem:$0x3FA9] =	sst s1  }
0xa: {  	[smem:$0x3FAA] =	sst s2  }
0xb: {  	[smem:$0x3FAB] =	sst s3  }
0xc: {  	[smem:$0x3FAC] =	sst s4  }
0xd: {  	[smem:$0x3FAD] =	sst s5  }
0xe: {  	[smem:$0x3FAE] =	sst s6  }
0xf: {  	[smem:$0x3FAF] =	sst s7  }
0x10: {  	[smem:$0x3FB0] =	sst s8  }
0x11: {  	[smem:$0x3FB1] =	sst s9;
	s0 =	simm.s32 @!p0 $0x0  }
0x12: {  	s1 =	sld [smem:$0x3F97];
	s0 =	simm.s32 @p0 $0x1  }
0x13: {  	[smem:$0x3FB2] =	sst s0;
	s0 =	simm.s32 @!p1 $0x0  }
0x14: {  	s2 =	sld [smem:$0x3F96];
	s0 =	simm.s32 @p1 $0x1  }
0x15: {  	[smem:$0x3FB3] =	sst s0;
	s0 =	simm.s32 @!p2 $0x0  }
0x16: {  	s3 =	sld [smem:$0x3FDB];
	s0 =	simm.s32 @p2 $0x1  }
0x17: {  	s4 =	simm.s32 $0x1BF5;
	[smem:$0x3FB5] =	sst s0  }
0x18: {  	s0 =	sld [smem:$0x3F98];
	_ =	swait.ge [sflag:s4], $0x0  }
0x19: {  	s7 =	sld [smem:$0x3F99]  }
0x1a: {  	s8 =	sadd.s32 $0xFFFFE003, lr  }
0x1b: {  	s9 =	sadd.s32 $0xFFFFFEF7, lr;
	s5 =	simm.s32 $0xFFFFFFFF;
	p2 =	slt.u32 s8, $0xFFFFF086  }
0x1c: {  	p1 =	slt.u32 s9, $0xF7A;
	s5 =	simm.s32 @!p2 $0x0  }
0x1d: {  	s5 =	simm.s32 @p1 $0x1;
	p0 =	seq.s32 s7, s2  }
0x1e: {  	s7 =	smul.u32 @!p0 $0xF7A, s2;
	p2 =	seq.s32 @!p0 s5, $0x0  }
0x1f: {  	s9 =	smul.u32 $0xF7A, s1;
	s8 =	simm.s32 @!p0 $0x1BF5;
	p2 =	por !p2, p0  }
0x20: {  	[sflag:s8] =	ssyncset.s32 @!p0 $0xFFFFF086;
	s6 =	sadd.s32 @!p0 s3, s7;
	s7 =	simm.s32 @!p0 $0x108  }
0x21: {  	s3 =	sadd.s32 s3, s9;
	s6 =	sadd.s32 @!p0 $0x88, s6;
	s7 =	simm.s32 @p2 $0x1082  }
0x22: {  	[simem:s7], [sflag:s8] =	dma.local @!p0 [hbm:s6], $0xF7A  }
0x23: {  	s9 =	sor.u32 $0xD0000000, s2;
	s6 =	simm.s32 $0x108;
	_ =	swait.ge @!p0 [sflag:s8], $0x0  }
0x24: {  	s3 =	sadd.s32 $0x88, s3;
	s6 =	simm.s32 @!p1 $0x1082;
	[sflag:s4] =	ssyncset.s32 $0xFFFFF086  }
0x25: {  	[simem:s6], [sflag:s4] =	dma.local [hbm:s3], $0xF7A  }
0x26: {  	[smem:$0x3F99] =	sst s1;
	(tag) =	ssettag s2;
	_ =	strace s9  }
0x27: {  	s1 =	sld [smem:$0x3FA9]  }
0x28: {  	s2 =	sld [smem:$0x3FAA]  }
0x29: {  	s4 =	sld [smem:$0x3FAC]  }
0x2a: {  	p0 =	seq.s32 s5, $0x0;
	s5 =	sld [smem:$0x3FAD]  }
0x2b: {  	s6 =	sld [smem:$0x3FAE]  }
0x2c: {  	s7 =	sld [smem:$0x3FAF]  }
0x2d: {  	s3 =	simm.s32 $0x108;
	s8 =	sld [smem:$0x3FB0]  }
0x2e: {  	s3 =	simm.s32 @!p0 $0x1082;
	s9 =	sld [smem:$0x3FB1]  }
0x2f: {  	lr =	sadd.s32 s0, s3;
	s0 =	sld [smem:$0x3FA8]  }
0x30: {  	s3 =	sld [smem:$0x3FAB]  }
0x31: {  	[smem:$0x3FB4] =	sst s10  }
0x32: {  	s10 =	sld [smem:$0x3FB2];
	_ =	sdelay $0x3  }
0x33: {  	p0 =	seq.s32 s10, $0x1;
	s10 =	sld [smem:$0x3FB4];
	_ =	sdelay $0x3  }
0x34: {  	[smem:$0x3FB4] =	sst s10  }
0x35: {  	s10 =	sld [smem:$0x3FB3];
	_ =	sdelay $0x3  }
0x36: {  	p1 =	seq.s32 s10, $0x1;
	s10 =	sld [smem:$0x3FB4];
	_ =	sdelay $0x3  }
0x37: {  	[smem:$0x3FB4] =	sst s10  }
0x38: {  	s10 =	sld [smem:$0x3FB5]  }
0x39: {  	_ = 	snop;
	(pc) =	sbr.ind lr, $3  }
0x3a: {  	_ = 	snop  }
0x3b: {  	_ = 	snop  }
0x3c: {  	p2 =	seq.s32 s10, $0x1;
	s10 =	sld [smem:$0x3FB4]  }
0x3d: {  	_ =	shalt  }
0x3e: {  	_ =	shalt  }
0x3f: {  	_ =	shalt  }
0x40: {  	_ =	shalt  }
0x41: {  	_ =	shalt  }
0x42: {  	_ =	shalt  }
0x43: {  	_ =	shalt  }
0x44: {  	_ =	shalt  }
0x45: {  	_ =	shalt  }
0x46: {  	_ =	shalt  }
0x47: {  	_ =	shalt  }
0x48: {  	_ =	shalt  }
0x49: {  	_ =	shalt  }
0x4a: {  	_ =	shalt  }
0x4b: {  	_ =	shalt  }
0x4c: {  	_ =	shalt  }
0x4d: {  	_ =	shalt  }
0x4e: {  	_ =	shalt  }
0x4f: {  	_ =	shalt  }
0x50: {  	_ =	shalt  }
0x51: {  	_ =	shalt  }
0x52: {  	_ =	shalt  }
0x53: {  	_ =	shalt  }
0x54: {  	_ =	shalt  }
0x55: {  	_ =	shalt  }
0x56: {  	_ =	shalt  }
0x57: {  	_ =	shalt  }
0x58: {  	_ =	shalt  }
0x59: {  	_ =	shalt  }
0x5a: {  	_ =	shalt  }
0x5b: {  	_ =	shalt  }
0x5c: {  	_ =	shalt  }
0x5d: {  	_ =	shalt  }
0x5e: {  	_ =	shalt  }
0x5f: {  	_ =	shalt  }
0x60: {  	_ =	shalt  }
0x61: {  	_ =	shalt  }
0x62: {  	_ =	shalt  }
0x63: {  	_ =	shalt  }
0x64: {  	_ =	shalt  }
0x65: {  	_ =	shalt  }
0x66: {  	_ =	shalt  }
0x67: {  	_ =	shalt  }
0x68: {  	_ =	shalt  }
0x69: {  	_ =	shalt  }
0x6a: {  	_ =	shalt  }
0x6b: {  	_ =	shalt  }
0x6c: {  	_ =	shalt  }
0x6d: {  	_ =	shalt  }
0x6e: {  	_ =	shalt  }
0x6f: {  	_ =	shalt  }
0x70: {  	_ =	shalt  }
0x71: {  	_ =	shalt  }
0x72: {  	_ =	shalt  }
0x73: {  	_ =	shalt  }
0x74: {  	_ =	shalt  }
0x75: {  	_ =	shalt  }
0x76: {  	_ =	shalt  }
0x77: {  	_ =	shalt  }
0x78: {  	_ =	shalt  }
0x79: {  	_ =	shalt  }
0x7a: {  	_ =	shalt  }
0x7b: {  	_ =	shalt  }
0x7c: {  	_ =	shalt  }
0x7d: {  	_ =	shalt  }
0x7e: {  	_ =	shalt  }
0x7f: {  	_ =	shalt  }
0x80: {  	_ =	shalt  }
0x81: {  	_ =	shalt  }
0x82: {  	_ =	shalt  }
0x83: {  	_ =	shalt  }
0x84: {  	_ =	shalt  }
0x85: {  	_ =	shalt  }
0x86: {  	_ =	shalt  }
0x87: {  	_ =	shalt  }
.Lfunc_end0:
.L_simem_size_0:
called_computation_lowered:
.L_overlay_start_0:
0x88: {  	s2 =	sld [smem:$0x3FD9]  }
0x89: {  	s3 =	sld [smem:$0x3FFE];
	_ =	sdelay $0x1  }
0x8a: {  	s1 =	srdreg.scid  }
0x8b: {  	s0 =	sand.u32 $0x1, s1  }
0x8c: {  	s17 =	sshll.u32 s0, $0xA;
	s2 =	sadd.s32 s3, s2  }
0x8d: {  	s2 =	sadd.s32 s2, s17  }
0x8e: {  	[smem:$0x3FC0] =	sst s2  }
0x8f: {  	_ = 	snop  }
0x90: {  	s2 =	sld [smem:$0x3FC7];
	(tm) =	ssettm $0x1  }
0x91: {  	s18 =	sld [smem:$0x3FFB];
	_ =	sdelay $0x3  }
0x92: {  	_ =	strace s18  }
0x93: {  	s3 =	sld [smem:$0x3FFC];
	_ =	sdelay $0x3  }
0x94: {  	_ =	strace s3  }
0x95: {  	s3 =	sld [smem:$0x3FFD];
	_ =	sdelay $0x3  }
0x96: {  	_ =	strace s3  }
0x97: {  	_ =	strace $0x8FFFFFFF  }
0x98: {  	s19 =	sld [smem:$0x3FDB];
	_ =	sdelay $0x1  }
0x99: {  	s4 =	simm.s32 $_scs_section_size  }
0x9a: {  	s5 =	simm.s32 $_size__tile_overlayer_lowered;
	s6 =	simm.s32 $_tile_overlayer_lowered  }
0x9b: {  	s22 =	simm.s32 $0x1BFF;
	s21 =	sshll.u32 s6, $0x1;
	s3 =	sadd.s32 s4, s19  }
0x9c: {  	s7 =	simm.s32 $0x0;
	s20 =	sshll.u32 s5, $0x1;
	s5 =	sadd.s32 s21, s3  }
0x9d: {  	[timem:s7], [sflag:s22] =	dma.local [hbm:s5], s20  }
0x9e: {  	_ =	swait.ge [sflag:s22], s20  }
0x9f: {  	s4 =	ssub.s32 $0x0, s20;
	[sflag:s22] =	ssyncset.done $0x0  }
0xa0: {  	[sflag:s22] =	ssyncadd.s32 s4;
	_ =	sdelay $0x1  }
0xa1: {  	s23 =	simm.s32 $0x1B8B  }
0xa2: {  	_ =	swait.ge [sflag:s23], $0x1  }
0xa3: {  	[sflag:s23] =	ssyncset.done $0x0  }
0xa4: {  	s25 =	simm.s32 $0x1B8E;
	s24 =	sld [smem:$0x3FFE];
	[sflag:s23] =	ssyncadd.s32 $0xFFFFFFFF  }
0xa5: {  	s26 =	simm.s32 $execute0_lowered;
	[smem:$0x3FD2] =	sst s25  }
0xa6: {  	s5 =	sshll.u32 s26, $0x1;
	_ =	strace $0x80000046;
	[dreg:$0x1] =	wrdreg $0xFFFFFFFF  }
0xa7: {  	s28 =	simm.s32 $_size_execute0_lowered;
	s3 =	sadd.s32 s3, s5;
	[dreg:$0x0] =	wrdreg $0x0  }
0xa8: {  	s5 =	sshll.u32 s28, $0x1;
	[dreg:$0x2] =	wrdreg s3  }
0xa9: {  	[dreg:$0x3] =	wrdreg s5  }
0xaa: {  	[dreg:$0x4] =	wrdreg $0xC0  }
0xab: {  	_ =	task [dreg:s7], $0x5FFFF  }
0xac: {  	[dreg:$0x1] =	wrdreg $0xFFFFFFFF  }
0xad: {  	[dreg:$0x0] =	wrdreg $0x60  }
0xae: {  	[dreg:$0x2] =	wrdreg s24  }
0xaf: {  	[dreg:$0x3] =	wrdreg s2  }
0xb0: {  	[dreg:$0x4] =	wrdreg $0x9  }
0xb1: {  	_ =	task.clear_ibuf [dreg:s7], $0x5FFFF;
	_ =	strace $0x90000046  }
0xb2: {  	s29 =	simm.s32 $0x9;
	_ =	strace $0x80000048  }
0xb3: {  	_ =	swait.ge [sflag:s29], $0x1  }
0xb4: {  	[sflag:s29] =	ssyncadd.s32 $0xFFFFFFFF  }
0xb5: {  	_ =	strace $0x90000048  }
0xb6: {  	_ =	sfence  }
0xb7: {  	s30 =	sld [smem:$0x0];
	_ =	sdelay $0x2  }
0xb8: {  	s31 =	sshll.u32 s1, $0xD;
	s1 =	sshrl.u32 s1, $0x2  }
0xb9: {  	s3 =	sand.u32 $0x4000, s31;
	s1 =	sadd.s32 s1, s30  }
0xba: {  	s0 =	sor.u32 s3, s0;
	s1 =	sshll.u32 s1, $0x11  }
0xbb: {  	s0 =	sor.u32 s1, s0  }
0xbc: {  	s0 =	sadd.s32 $0x8F2B, s0  }
0xbd: {  	[sflag:s0] =	ssyncadd.remote.s32 $0x1  }
0xbe: {  	_ =	sfence.sel $0xFFFF  }
0xbf: {  	[dreg:$0x0] =	wrdreg $0xFFFFFFFF;
	(pc) =	sbr.abs _section_cstart, $3  }
0xc0: {  	[dreg:$0x1] =	wrdreg $0xFFFFFFFF  }
0xc1: {  	_ =	task.clear_ibuf [dreg:s7], $0x2FFFF;
	_ =	strace $0x9FFFFFFF  }
0xc2: {  	(tm) =	ssettm $0x7FFFFFFF  }
0xc3: {  	_ =	shalt  }
tec
execute0_lowered:
.L_overlay_start_1:
0x0: {  	(tag) =	ssettag $0x1  }
0x1: {  	s0 =	srdreg.scid;
	s6 =	rddreg [dreg:$0x0]  }
0x2: {  	s2 =	rddreg [dreg:$0x1];
	s4 =	sand.u32 $0x1, s0  }
0x3: {  	s3 =	simm.s32 $0x0;
	s0 =	stileid.u32;
	s1 =	sshll.u32 s4, $0x4  }
0x4: {  	s10 =	simm.s32 $0x2F80;
	s11 =	simm.s32 $0x80;
	s5 =	sor.u32 s0, s1  }
0x5: {  	s12 =	simm.s32 $0x400;
	s13 =	simm.s32 $0x0;
	s1 =	sshrl.u32 s5, $0x3  }
0x6: {  	s8 =	sshll.u32 s0, $0x7;
	s30 =	ssub.s32 $0x2, s4;
	s7 =	smul.u32 $0x13C00, s1  }
0x7: {  	[smem:$0x7FF] =	sst s3;
	s8 =	sand.u32 $0x380, s8;
	s9 =	sshrl.u32 s30, $0x1  }
0x8: {  	s4 =	sadd.s32 $0x3200, s6;
	s31 =	ssub.s32 s30, s9;
	s7 =	sor.u32 s8, s7  }
0x9: {  	s5 =	smul.u32 $0x2710, s5;
	s9 =	simm.s32 $0x1;
	s7 =	sshrl.u32 s7, $0x3  }
0xa: {  	s1 =	rddreg [dreg:$0x2];
	_ =	strace $0x80000047;
	s6 =	sadd.s32 s7, s6  }
0xb: {  	v0 =	vimm.f32 $0.0e+00;
	s8 =	simm.s32 $0x2780;
	s7 =	smax.u32 s31, $0x1;
	s6 =	sadd.s32 $0xD000, s6  }
.LBB2_1:
0xc: {  	s14 =	simm.s32 $0x40;
	s15 =	simm.s32 $0x0  }
.LBB2_2:
0xd: {  	p0 =	sne.s32 s14, $0x9C00;
	[tilespmem:s15+$0x0] =	vst v0;
	s15 =	smov.u32 s14;
	s14 =	sadd.s32 $0x40, s14  }
.Ltmp0:
0xe: {  	(pc) =	sbr.rel @p0 .LBB2_2-.Ltmp0, $2  }
0xf: {  	_ =	sdelay $0x2  }
0x10: {  	s15 =	sshra.s32 s15, $0x2  }
0x11: {  	[tilespmem:s15+$0x0] =	vst v0;
	s14 =	simm.s32 $0x0;
	s15 =	simm.s32 $0x0  }
.LBB2_4:
0x12: {  	s16 =	smul.u32 $0x7D0, s15;
	_ =	sdelay $0x1  }
0x13: {  	s16 =	sadd.s32 s5, s16  }
0x14: {  	s16 =	sshrl.u32 s16, $0x3  }
0x15: {  	s17 =	sadd.s32 s4, s16  }
0x16: {  	[tilespmem:s8], [sflag:$0x1] =	stream.linear.gather [hbm4b:s17+s14], $0x7D0, $0x38;
	[tilespmem:$0x3780] =	vst v63  }
0x17: {  	_ =	swait.ge [sflag:s9], $0x7D0  }
0x18: {  	[sflag:s9] =	ssyncset.done $0x0  }
0x19: {  	s16 =	sadd.s32 s2, s16;
	[sflag:s9] =	ssyncadd.s32 $0xFFFFF830  }
0x1a: {  	[tilespmem:s10], [sflag:$0x1] =	stream.linear.gather [hbm4b:s16+s14], $0x7D0, $0x38;
	[tilespmem:$0x3780] =	vst v63  }
0x1b: {  	_ =	swait.ge [sflag:s9], $0x7D0  }
0x1c: {  	[sflag:s9] =	ssyncset.done $0x0  }
0x1d: {  	s17 =	simm.s32 $0x0;
	s16 =	simm.s32 $0x40;
	[sflag:s9] =	ssyncadd.s32 $0xFFFFF830  }
.LBB2_5:
0x1e: {  	p0 =	sne.s32 s16, $0x1F00;
	v1 =	vld [tilespmem:s17+$0x2780];
	_ =	sdelay $0x2  }
0x1f: {  	v2 =	vld [tilespmem:s17+$0x2F80]  }
.Ltmp1:
0x20: {  	(pc) =	sbr.rel @p0 .LBB2_5-.Ltmp1, $2  }
0x21: {  	_ =	sdelay $0x2  }
0x22: {  	s17 =	sshra.s32 s16, $0x2;
	s16 =	sadd.s32 $0x40, s16;
	[tilespmem:v1+s3+$0x0] =	vst.idx.add.f32.msk $0xffff, v2  }
0x23: {  	v1 =	vld [tilespmem:s17+$0x2780];
	_ =	sdelay $0x1  }
0x24: {  	s15 =	sadd.s32 $0x1, s15  }
0x25: {  	v2 =	vld [tilespmem:s17+$0x2F80];
	p0 =	sne.s32 s15, $0x5  }
.Ltmp2:
0x26: {  	_ = 	snop;
	(pc) =	sbr.rel @p0 .LBB2_4-.Ltmp2, $2  }
0x27: {  	_ =	sdelay $0x2  }
0x28: {  	[tilespmem:v1+s3+$0x0] =	vst.idx.add.f32.msk $0xffff, v2  }
0x29: {  	s13 =	sadd.s32 $0x1, s13  }
0x2a: {  	p0 =	sne.s32 s13, s7  }
.Ltmp3:
0x2b: {  	_ = 	snop;
	(pc) =	sbr.rel @p0 .LBB2_1-.Ltmp3, $4  }
0x2c: {  	[hbm4b:s6+s11] =	stream.strided.scatter [tilespmem:s3], [sflag:$0x1], $0x2780, s12, s11, $0x38;
	[tilespmem:$0x3780] =	vst v63  }
0x2d: {  	_ =	swait.ge [sflag:s9], $0x2780  }
0x2e: {  	[sflag:s9] =	ssyncset.done $0x0  }
0x2f: {  	[sflag:s9] =	ssyncadd.s32 $0xFFFFD880  }
0x30: {  	_ =	sfence.sel $0x180000  }
0x31: {  	[bflag:$0x0] =	sbarrier.arrive $0xFFFF  }
0x32: {  	p0 =	sne.s32 s0, $0x0;
	_ =	strace $0x90000047  }
0x33: {  	s0 =	sadd.s32 @!p0 $0x100000, s1;
	[bflag:$0x2] =	sbarrier.arrive $0xFFFF  }
0x34: {  	[sflag:s0] =	ssyncadd.tile.s32 @!p0 $0x1;
	_ =	shalt  }
.Lfunc_end2:
_tile_overlayer_lowered:
.L_overlay_start_2:
0x35: {  	(tag) =	ssettag $0x2  }
0x36: {  	s0 =	rddreg [dreg:$0x0];
	s2 =	stileid.u32  }
0x37: {  	s1 =	rddreg [dreg:$0x1];
	p0 =	sne.s32 s2, $0x0  }
0x38: {  	s3 =	rddreg [dreg:$0x2];
	[bflag:$0x3] =	sbarrier.arrive $0xFFFF;
	s2 =	simm.s32 @!p0 $0x1C01  }
0x39: {  	[timem:s3], [sflag:s2] =	dma.local @!p0 [hbm:s0], s1  }
0x3a: {  	s0 =	simm.s32 @!p0 $0x1  }
0x3b: {  	_ =	swait.ge @!p0 [sflag:s0], s1  }
0x3c: {  	s1 =	ssub.s32 @!p0 $0x0, s1;
	[sflag:s0] =	ssyncset.done @!p0 $0x0  }
0x3d: {  	[sflag:s0] =	ssyncadd.s32 @!p0 s1  }
0x3e: {  	[bflag:$0x3] =	sbarrier.arrive $0xFFFF  }
0x3f: {  	_ =	shalt  }

// kernel: kernel.13.cloned.1.call-start
scs
__scs_entry_jumppad:
0x0: {  	(pc) =	sbr.rel $0x88, $3  }
0x1: {  	(tag) =	ssettag $0x0;
	lr =	simm.s32 $0x1  }
0x2: {  	[smem:$0x3F99] =	sst lr;
	_ =	strace $0xD0000000  }
0x3: {  	_ = 	snop  }
0x4: {  	_ = 	snop  }
0x5: {  	_ = 	snop  }
0x6: {  	_ = 	snop  }
0x7: {  	_ = 	snop  }
__scs_overlays_trampoline_lowered:
0x8: {  	[smem:$0x3FA8] =	sst s0  }
0x9: {  	[smem:$0x3FA9] =	sst s1  }
0xa: {  	[smem:$0x3FAA] =	sst s2  }
0xb: {  	[smem:$0x3FAB] =	sst s3  }
0xc: {  	[smem:$0x3FAC] =	sst s4  }
0xd: {  	[smem:$0x3FAD] =	sst s5  }
0xe: {  	[smem:$0x3FAE] =	sst s6  }
0xf: {  	[smem:$0x3FAF] =	sst s7  }
0x10: {  	[smem:$0x3FB0] =	sst s8  }
0x11: {  	[smem:$0x3FB1] =	sst s9;
	s0 =	simm.s32 @!p0 $0x0  }
0x12: {  	s1 =	sld [smem:$0x3F97];
	s0 =	simm.s32 @p0 $0x1  }
0x13: {  	[smem:$0x3FB2] =	sst s0;
	s0 =	simm.s32 @!p1 $0x0  }
0x14: {  	s2 =	sld [smem:$0x3F96];
	s0 =	simm.s32 @p1 $0x1  }
0x15: {  	[smem:$0x3FB3] =	sst s0;
	s0 =	simm.s32 @!p2 $0x0  }
0x16: {  	s3 =	sld [smem:$0x3FDB];
	s0 =	simm.s32 @p2 $0x1  }
0x17: {  	s4 =	simm.s32 $0x1BF5;
	[smem:$0x3FB5] =	sst s0  }
0x18: {  	s0 =	sld [smem:$0x3F98];
	_ =	swait.ge [sflag:s4], $0x0  }
0x19: {  	s7 =	sld [smem:$0x3F99]  }
0x1a: {  	s8 =	sadd.s32 $0xFFFFE003, lr  }
0x1b: {  	s9 =	sadd.s32 $0xFFFFFEF7, lr;
	s5 =	simm.s32 $0xFFFFFFFF;
	p2 =	slt.u32 s8, $0xFFFFF086  }
0x1c: {  	p1 =	slt.u32 s9, $0xF7A;
	s5 =	simm.s32 @!p2 $0x0  }
0x1d: {  	s5 =	simm.s32 @p1 $0x1;
	p0 =	seq.s32 s7, s2  }
0x1e: {  	s7 =	smul.u32 @!p0 $0xF7A, s2;
	p2 =	seq.s32 @!p0 s5, $0x0  }
0x1f: {  	s9 =	smul.u32 $0xF7A, s1;
	s8 =	simm.s32 @!p0 $0x1BF5;
	p2 =	por !p2, p0  }
0x20: {  	[sflag:s8] =	ssyncset.s32 @!p0 $0xFFFFF086;
	s6 =	sadd.s32 @!p0 s3, s7;
	s7 =	simm.s32 @!p0 $0x108  }
0x21: {  	s3 =	sadd.s32 s3, s9;
	s6 =	sadd.s32 @!p0 $0x88, s6;
	s7 =	simm.s32 @p2 $0x1082  }
0x22: {  	[simem:s7], [sflag:s8] =	dma.local @!p0 [hbm:s6], $0xF7A  }
0x23: {  	s9 =	sor.u32 $0xD0000000, s2;
	s6 =	simm.s32 $0x108;
	_ =	swait.ge @!p0 [sflag:s8], $0x0  }
0x24: {  	s3 =	sadd.s32 $0x88, s3;
	s6 =	simm.s32 @!p1 $0x1082;
	[sflag:s4] =	ssyncset.s32 $0xFFFFF086  }
0x25: {  	[simem:s6], [sflag:s4] =	dma.local [hbm:s3], $0xF7A  }
0x26: {  	[smem:$0x3F99] =	sst s1;
	(tag) =	ssettag s2;
	_ =	strace s9  }
0x27: {  	s1 =	sld [smem:$0x3FA9]  }
0x28: {  	s2 =	sld [smem:$0x3FAA]  }
0x29: {  	s4 =	sld [smem:$0x3FAC]  }
0x2a: {  	p0 =	seq.s32 s5, $0x0;
	s5 =	sld [smem:$0x3FAD]  }
0x2b: {  	s6 =	sld [smem:$0x3FAE]  }
0x2c: {  	s7 =	sld [smem:$0x3FAF]  }
0x2d: {  	s3 =	simm.s32 $0x108;
	s8 =	sld [smem:$0x3FB0]  }
0x2e: {  	s3 =	simm.s32 @!p0 $0x1082;
	s9 =	sld [smem:$0x3FB1]  }
0x2f: {  	lr =	sadd.s32 s0, s3;
	s0 =	sld [smem:$0x3FA8]  }
0x30: {  	s3 =	sld [smem:$0x3FAB]  }
0x31: {  	[smem:$0x3FB4] =	sst s10  }
0x32: {  	s10 =	sld [smem:$0x3FB2];
	_ =	sdelay $0x3  }
0x33: {  	p0 =	seq.s32 s10, $0x1;
	s10 =	sld [smem:$0x3FB4];
	_ =	sdelay $0x3  }
0x34: {  	[smem:$0x3FB4] =	sst s10  }
0x35: {  	s10 =	sld [smem:$0x3FB3];
	_ =	sdelay $0x3  }
0x36: {  	p1 =	seq.s32 s10, $0x1;
	s10 =	sld [smem:$0x3FB4];
	_ =	sdelay $0x3  }
0x37: {  	[smem:$0x3FB4] =	sst s10  }
0x38: {  	s10 =	sld [smem:$0x3FB5]  }
0x39: {  	_ = 	snop;
	(pc) =	sbr.ind lr, $3  }
0x3a: {  	_ = 	snop  }
0x3b: {  	_ = 	snop  }
0x3c: {  	p2 =	seq.s32 s10, $0x1;
	s10 =	sld [smem:$0x3FB4]  }
0x3d: {  	_ =	shalt  }
0x3e: {  	_ =	shalt  }
0x3f: {  	_ =	shalt  }
0x40: {  	_ =	shalt  }
0x41: {  	_ =	shalt  }
0x42: {  	_ =	shalt  }
0x43: {  	_ =	shalt  }
0x44: {  	_ =	shalt  }
0x45: {  	_ =	shalt  }
0x46: {  	_ =	shalt  }
0x47: {  	_ =	shalt  }
0x48: {  	_ =	shalt  }
0x49: {  	_ =	shalt  }
0x4a: {  	_ =	shalt  }
0x4b: {  	_ =	shalt  }
0x4c: {  	_ =	shalt  }
0x4d: {  	_ =	shalt  }
0x4e: {  	_ =	shalt  }
0x4f: {  	_ =	shalt  }
0x50: {  	_ =	shalt  }
0x51: {  	_ =	shalt  }
0x52: {  	_ =	shalt  }
0x53: {  	_ =	shalt  }
0x54: {  	_ =	shalt  }
0x55: {  	_ =	shalt  }
0x56: {  	_ =	shalt  }
0x57: {  	_ =	shalt  }
0x58: {  	_ =	shalt  }
0x59: {  	_ =	shalt  }
0x5a: {  	_ =	shalt  }
0x5b: {  	_ =	shalt  }
0x5c: {  	_ =	shalt  }
0x5d: {  	_ =	shalt  }
0x5e: {  	_ =	shalt  }
0x5f: {  	_ =	shalt  }
0x60: {  	_ =	shalt  }
0x61: {  	_ =	shalt  }
0x62: {  	_ =	shalt  }
0x63: {  	_ =	shalt  }
0x64: {  	_ =	shalt  }
0x65: {  	_ =	shalt  }
0x66: {  	_ =	shalt  }
0x67: {  	_ =	shalt  }
0x68: {  	_ =	shalt  }
0x69: {  	_ =	shalt  }
0x6a: {  	_ =	shalt  }
0x6b: {  	_ =	shalt  }
0x6c: {  	_ =	shalt  }
0x6d: {  	_ =	shalt  }
0x6e: {  	_ =	shalt  }
0x6f: {  	_ =	shalt  }
0x70: {  	_ =	shalt  }
0x71: {  	_ =	shalt  }
0x72: {  	_ =	shalt  }
0x73: {  	_ =	shalt  }
0x74: {  	_ =	shalt  }
0x75: {  	_ =	shalt  }
0x76: {  	_ =	shalt  }
0x77: {  	_ =	shalt  }
0x78: {  	_ =	shalt  }
0x79: {  	_ =	shalt  }
0x7a: {  	_ =	shalt  }
0x7b: {  	_ =	shalt  }
0x7c: {  	_ =	shalt  }
0x7d: {  	_ =	shalt  }
0x7e: {  	_ =	shalt  }
0x7f: {  	_ =	shalt  }
0x80: {  	_ =	shalt  }
0x81: {  	_ =	shalt  }
0x82: {  	_ =	shalt  }
0x83: {  	_ =	shalt  }
0x84: {  	_ =	shalt  }
0x85: {  	_ =	shalt  }
0x86: {  	_ =	shalt  }
0x87: {  	_ =	shalt  }
.Lfunc_end0:
.L_simem_size_0:
called_computation.1_lowered:
.L_overlay_start_0:
0x88: {  	s2 =	sld [smem:$0x3FD9]  }
0x89: {  	s3 =	sld [smem:$0x3FFE];
	_ =	sdelay $0x1  }
0x8a: {  	s1 =	srdreg.scid  }
0x8b: {  	s0 =	sand.u32 $0x1, s1  }
0x8c: {  	s16 =	sshll.u32 s0, $0xA;
	s2 =	sadd.s32 s3, s2  }
0x8d: {  	s2 =	sadd.s32 s2, s16  }
0x8e: {  	[smem:$0x3FC0] =	sst s2  }
0x8f: {  	_ = 	snop  }
0x90: {  	(tm) =	ssettm $0x1  }
0x91: {  	s17 =	sld [smem:$0x3FFB];
	_ =	sdelay $0x3  }
0x92: {  	_ =	strace s17  }
0x93: {  	s2 =	sld [smem:$0x3FFC];
	_ =	sdelay $0x3  }
0x94: {  	_ =	strace s2  }
0x95: {  	s2 =	sld [smem:$0x3FFD];
	_ =	sdelay $0x3  }
0x96: {  	_ =	strace s2  }
0x97: {  	_ =	strace $0x8FFFFFFF  }
0x98: {  	s18 =	sld [smem:$0x3FDB];
	_ =	sdelay $0x1  }
0x99: {  	s19 =	simm.s32 $_scs_section_size  }
0x9a: {  	s4 =	simm.s32 $_size__tile_overlayer_lowered;
	s5 =	simm.s32 $_tile_overlayer_lowered  }
0x9b: {  	s22 =	simm.s32 $0x1BFF;
	s21 =	sshll.u32 s5, $0x1;
	s2 =	sadd.s32 s19, s18  }
0x9c: {  	s6 =	simm.s32 $0x0;
	s20 =	sshll.u32 s4, $0x1;
	s4 =	sadd.s32 s21, s2  }
0x9d: {  	[timem:s6], [sflag:s22] =	dma.local [hbm:s4], s20  }
0x9e: {  	_ =	swait.ge [sflag:s22], s20  }
0x9f: {  	s3 =	ssub.s32 $0x0, s20;
	[sflag:s22] =	ssyncset.done $0x0  }
0xa0: {  	[sflag:s22] =	ssyncadd.s32 s3;
	_ =	sdelay $0x1  }
0xa1: {  	s23 =	simm.s32 $0x1B8B  }
0xa2: {  	_ =	swait.ge [sflag:s23], $0x1  }
0xa3: {  	[sflag:s23] =	ssyncset.done $0x0  }
0xa4: {  	s25 =	simm.s32 $0x1B8E;
	s24 =	sld [smem:$0x3FFE];
	[sflag:s23] =	ssyncadd.s32 $0xFFFFFFFF  }
0xa5: {  	s26 =	simm.s32 $execute0_lowered;
	[smem:$0x3FD2] =	sst s25  }
0xa6: {  	s4 =	sshll.u32 s26, $0x1;
	_ =	strace $0x80000049;
	[dreg:$0x1] =	wrdreg $0xFFFFFFFF  }
0xa7: {  	s28 =	simm.s32 $_size_execute0_lowered;
	s2 =	sadd.s32 s2, s4;
	[dreg:$0x0] =	wrdreg $0x0  }
0xa8: {  	s4 =	sshll.u32 s28, $0x1;
	[dreg:$0x2] =	wrdreg s2  }
0xa9: {  	[dreg:$0x3] =	wrdreg s4  }
0xaa: {  	[dreg:$0x4] =	wrdreg $0xC0  }
0xab: {  	_ =	task [dreg:s6], $0x5FFFF  }
0xac: {  	[dreg:$0x1] =	wrdreg $0xFFFFFFFF  }
0xad: {  	[dreg:$0x0] =	wrdreg $0x60  }
0xae: {  	[dreg:$0x2] =	wrdreg s24  }
0xaf: {  	[dreg:$0x3] =	wrdreg $0x0  }
0xb0: {  	[dreg:$0x4] =	wrdreg $0x9  }
0xb1: {  	_ =	task.clear_ibuf [dreg:s6], $0x5FFFF;
	_ =	strace $0x90000049  }
0xb2: {  	s29 =	simm.s32 $0x9;
	_ =	strace $0x8000004B  }
0xb3: {  	_ =	swait.ge [sflag:s29], $0x1  }
0xb4: {  	[sflag:s29] =	ssyncadd.s32 $0xFFFFFFFF  }
0xb5: {  	_ =	strace $0x9000004B  }
0xb6: {  	_ =	sfence  }
0xb7: {  	s30 =	sld [smem:$0x0];
	_ =	sdelay $0x2  }
0xb8: {  	s31 =	sshll.u32 s1, $0xD;
	s1 =	sshrl.u32 s1, $0x2  }
0xb9: {  	s3 =	sand.u32 $0x4000, s31;
	s1 =	sadd.s32 s1, s30  }
0xba: {  	s0 =	sor.u32 s3, s0;
	s1 =	sshll.u32 s1, $0x11  }
0xbb: {  	s0 =	sor.u32 s1, s0  }
0xbc: {  	s0 =	sadd.s32 $0x8F2B, s0  }
0xbd: {  	[sflag:s0] =	ssyncadd.remote.s32 $0x1  }
0xbe: {  	_ =	sfence.sel $0xFFFF  }
0xbf: {  	[dreg:$0x0] =	wrdreg $0xFFFFFFFF;
	(pc) =	sbr.abs _section_cstart, $3  }
0xc0: {  	[dreg:$0x1] =	wrdreg $0xFFFFFFFF  }
0xc1: {  	_ =	task.clear_ibuf [dreg:s6], $0x2FFFF;
	_ =	strace $0x9FFFFFFF  }
0xc2: {  	(tm) =	ssettm $0x7FFFFFFF  }
0xc3: {  	_ =	shalt  }
tec
execute0_lowered:
.L_overlay_start_1:
0x0: {  	(tag) =	ssettag $0x1  }
0x1: {  	s9 =	rddreg [dreg:$0x0]  }
0x2: {  	s1 =	rddreg [dreg:$0x1]  }
0x3: {  	s0 =	rddreg [dreg:$0x2];
	s3 =	simm.s32 $0x0  }
0x4: {  	s2 =	stileid.u32;
	s7 =	srdreg.scid;
	s18 =	simm.s32 $0x2  }
0x5: {  	s19 =	simm.s32 $0x14880;
	s20 =	simm.s32 $0x15880;
	s21 =	simm.s32 $0x50  }
0x6: {  	s22 =	simm.s32 $0x16880;
	s23 =	simm.s32 $0x1;
	[smem:$0x7FF] =	sst s3  }
0x7: {  	s4 =	sadd.s32 $0x52E00, s9;
	s8 =	smul.u32 $0x2780, s2;
	s5 =	sadd.s32 $0x3EE00, s9  }
0x8: {  	s6 =	sadd.s32 $0x16E00, s9;
	s10 =	sand.u32 $0x1, s7;
	s14 =	smul.u32 $0x4F000, s2  }
0x9: {  	s7 =	sadd.s32 $0x2AE00, s9;
	s12 =	sadd.s32 $0xA1200, s9;
	s15 =	smul.u32 $0x13C00, s2  }
0xa: {  	p0 =	seq.s32 s2, $0xF;
	_ =	strace $0x8000004A;
	s11 =	ssub.s32 $0x2, s10  }
0xb: {  	s29 =	sshll.u32 s10, $0x4;
	s10 =	smul.u32 $0x138800, s10;
	s8 =	sadd.s32 s8, s9  }
0xc: {  	s13 =	sshrl.u32 s11, $0x1;
	s14 =	sshrl.u32 s14, $0x2;
	s9 =	sadd.s32 $0x9F080, s9  }
0xd: {  	s13 =	ssub.s32 s11, s13;
	s11 =	sor.u32 s2, s29;
	s16 =	sadd.s32 s14, s1  }
0xe: {  	s8 =	sadd.s32 $0x7A000, s8;
	s14 =	sadd.s32 $0x128400, s1;
	s15 =	sadd.s32 s15, s10  }
0xf: {  	s17 =	sshrl.u32 s10, $0x3;
	s10 =	smul.u32 $0x5000, s11;
	s30 =	sshrl.u32 s15, $0x3  }
0x10: {  	s31 =	sadd.s32 s12, s17;
	s13 =	smax.u32 s13, $0x1;
	s14 =	sshrl.u32 @p0 s14, $0x3  }
0x11: {  	s15 =	sshll.u32 @!p0 s2, $0x6;
	s16 =	sshrl.u32 @!p0 s16, $0x3;
	s17 =	simm.s32 $0x13880  }
0x12: {  	s11 =	sadd.s32 s12, s30;
	s12 =	sadd.s32 $0x25080, s31;
	s15 =	sor.u32 @!p0 $0x1C02, s15  }
.LBB2_1:
0x13: {  	s24 =	simm.s32 @p0 $0x1FC2  }
0x14: {  	[spmem:s14], [sflag:s24] =	dma.local @p0 [hbm:s9], $0x2080  }
0x15: {  	s24 =	simm.s32 @p0 $0x2  }
0x16: {  	_ =	swait.ge @p0 [sflag:s24], $0x2080  }
0x17: {  	[sflag:s24] =	ssyncset.done @p0 $0x0  }
0x18: {  	[sflag:s24] =	ssyncadd.s32 @p0 $0xFFFFDF80;
	s24 =	simm.s32 @!p0 $0x2  }
0x19: {  	[spmem:s16], [sflag:s15] =	dma.local @!p0 [hbm:s8], $0x2780  }
0x1a: {  	_ =	swait.ge @!p0 [sflag:s24], $0x2780  }
0x1b: {  	[sflag:s24] =	ssyncset.done @!p0 $0x0  }
0x1c: {  	[sflag:s24] =	ssyncadd.s32 @!p0 $0xFFFFD880  }
0x1d: {  	s24 =	simm.s32 $0x0;
	[bflag:$0x0] =	sbarrier.arrive $0xFFFF  }
.LBB2_2:
0x1e: {  	s25 =	sshll.u32 s24, $0xC  }
0x1f: {  	s25 =	sadd.s32 s10, s25  }
0x20: {  	s26 =	sshrl.u32 s25, $0x3  }
0x21: {  	s25 =	simm.s32 $0x0;
	s28 =	sadd.s32 s5, s26  }
0x22: {  	[tilespmem:s17], [sflag:$0x2] =	stream.linear.gather [hbm4b:s28+s25], $0xC80, $0x38;
	[tilespmem:$0x19080] =	vst v63  }
0x23: {  	_ =	swait.ge [sflag:s18], $0xC80  }
0x24: {  	[sflag:s18] =	ssyncset.done $0x0  }
0x25: {  	s31 =	sadd.s32 s6, s26;
	[sflag:s18] =	ssyncadd.s32 $0xFFFFF380  }
0x26: {  	[tilespmem:s19], [sflag:$0x2] =	stream.linear.gather [hbm4b:s31+s25], $0xC80, $0x38;
	[tilespmem:$0x19080] =	vst v63  }
0x27: {  	_ =	swait.ge [sflag:s18], $0xC80  }
0x28: {  	[sflag:s18] =	ssyncset.done $0x0  }
0x29: {  	s26 =	sadd.s32 s7, s26;
	[sflag:s18] =	ssyncadd.s32 $0xFFFFF380  }
0x2a: {  	[tilespmem:s20], [sflag:$0x2] =	stream.linear.gather [hbm4b:s26+s25], $0xC80, $0x38;
	[tilespmem:$0x19080] =	vst v63  }
0x2b: {  	_ =	swait.ge [sflag:s18], $0xC80  }
0x2c: {  	[sflag:s18] =	ssyncset.done $0x0  }
0x2d: {  	[sflag:s18] =	ssyncadd.s32 $0xFFFFF380  }
.LBB2_3:
0x2e: {  	s26 =	sshll.u32 s25, $0x7  }
0x2f: {  	s28 =	sadd.s32 $0x15880, s26  }
0x30: {  	s29 =	sadd.s32 $0x13880, s26;
	v0 =	vmov s28  }
0x31: {  	[tilespmem:s22], [sflag:$0x1] =	stream.indirect.gather [hbm4b:s4+s21], $0x80, s29, s21, $0xb8;
	[tilespmem:$0x19080] =	vst v63  }
0x32: {  	_ =	swait.ge [sflag:s23], $0x2800  }
0x33: {  	s28 =	simm.s32 $0x0;
	[sflag:s23] =	ssyncset.done $0x0  }
0x34: {  	s28 =	sand.u32 $0x3FFFFFF0, s28;
	[sflag:s23] =	ssyncadd.s32 $0xFFFFD800  }
0x35: {  	s29 =	simm.s32 $0x0;
	v1 =	vld.idx.msk [tilespmem:v0+s28+$0x0 ss:$0x1], $0xffff  }
0x36: {  	s28 =	sand.u32 $0x3FFFF800, s29  }
0x37: {  	v3 =	vld [tilespmem:s28+$0x168A0]  }
0x38: {  	v4 =	vld [tilespmem:s28+$0x168B0]  }
0x39: {  	v10 =	vld [tilespmem:s28+$0x168E0]  }
0x3a: {  	v11 =	vld [tilespmem:s28+$0x168F0];
	v2 =	vbroadcast v1, $0x0  }
0x3b: {  	v12 =	vld [tilespmem:s28+$0x16900]  }
0x3c: {  	v13 =	vld [tilespmem:s28+$0x16910];
	v3 =	vmul.f32 v3, v2  }
0x3d: {  	v14 =	vld [tilespmem:s28+$0x16920];
	v4 =	vmul.f32 v4, v2  }
0x3e: {  	v9 =	vld [tilespmem:s28+$0x16930];
	v23 =	vbroadcast v1, $0x1;
	v22 =	vmul.f32 v10, v2;
	[tilespmem:s28+$0x168A0] =	vst v3  }
0x3f: {  	v7 =	vld [tilespmem:s28+$0x16940];
	v11 =	vmul.f32 v11, v2;
	[tilespmem:s28+$0x168B0] =	vst v4  }
0x40: {  	v8 =	vld [tilespmem:s28+$0x16950];
	v12 =	vmul.f32 v12, v23;
	[tilespmem:s28+$0x168E0] =	vst v22  }
0x41: {  	v25 =	vld [tilespmem:s28+$0x16970];
	v13 =	vmul.f32 v13, v23;
	[tilespmem:s28+$0x168F0] =	vst v11  }
0x42: {  	v26 =	vld [tilespmem:s28+$0x16980];
	v14 =	vmul.f32 v14, v23;
	[tilespmem:s28+$0x16900] =	vst v12  }
0x43: {  	v27 =	vld [tilespmem:s28+$0x16990];
	v9 =	vmul.f32 v9, v23;
	[tilespmem:s28+$0x16910] =	vst v13  }
0x44: {  	v6 =	vld [tilespmem:s28+$0x16DF0];
	v7 =	vmul.f32 v7, v23;
	[tilespmem:s28+$0x16920] =	vst v14  }
0x45: {  	v24 =	vld [tilespmem:s28+$0x16960];
	v15 =	vbroadcast v1, $0x2;
	v8 =	vmul.f32 v8, v23;
	[tilespmem:s28+$0x16930] =	vst v9  }
0x46: {  	v28 =	vld [tilespmem:s28+$0x169A0];
	v10 =	vmul.f32 v25, v23;
	[tilespmem:s28+$0x16940] =	vst v7  }
0x47: {  	v29 =	vld [tilespmem:s28+$0x169B0];
	v5 =	vbroadcast v1, $0xA;
	v32 =	vmul.f32 v26, v15;
	[tilespmem:s28+$0x16950] =	vst v8  }
0x48: {  	v30 =	vld [tilespmem:s28+$0x169C0];
	v34 =	vmul.f32 v27, v15;
	[tilespmem:s28+$0x16970] =	vst v10  }
0x49: {  	v33 =	vld [tilespmem:s28+$0x169E0];
	v3 =	vmul.f32 v6, v5;
	[tilespmem:s28+$0x16980] =	vst v32  }
0x4a: {  	v35 =	vld [tilespmem:s28+$0x169F0];
	v11 =	vmul.f32 v24, v23;
	[tilespmem:s28+$0x16990] =	vst v34  }
0x4b: {  	v36 =	vld [tilespmem:s28+$0x16A00];
	v9 =	vmul.f32 v28, v15;
	[tilespmem:s28+$0x16DF0] =	vst v3  }
0x4c: {  	v31 =	vld [tilespmem:s28+$0x169D0];
	v7 =	vmul.f32 v29, v15;
	[tilespmem:s28+$0x16960] =	vst v11  }
0x4d: {  	v37 =	vld [tilespmem:s28+$0x16A10];
	v8 =	vmul.f32 v30, v15;
	[tilespmem:s28+$0x169A0] =	vst v9  }
0x4e: {  	v38 =	vld [tilespmem:s28+$0x16A20];
	v41 =	vbroadcast v1, $0x3;
	v10 =	vmul.f32 v33, v15;
	[tilespmem:s28+$0x169B0] =	vst v7  }
0x4f: {  	v39 =	vld [tilespmem:s28+$0x16A30];
	v12 =	vmul.f32 v35, v15;
	[tilespmem:s28+$0x169C0] =	vst v8  }
0x50: {  	v42 =	vld [tilespmem:s28+$0x16A50];
	v13 =	vmul.f32 v36, v41;
	[tilespmem:s28+$0x169E0] =	vst v10  }
0x51: {  	v43 =	vld [tilespmem:s28+$0x16A60];
	v11 =	vmul.f32 v31, v15;
	[tilespmem:s28+$0x169F0] =	vst v12  }
0x52: {  	v44 =	vld [tilespmem:s28+$0x16A70];
	v9 =	vmul.f32 v37, v41;
	[tilespmem:s28+$0x16A00] =	vst v13  }
0x53: {  	v40 =	vld [tilespmem:s28+$0x16A40];
	v7 =	vmul.f32 v38, v41;
	[tilespmem:s28+$0x169D0] =	vst v11  }
0x54: {  	v45 =	vld [tilespmem:s28+$0x16A80];
	v8 =	vmul.f32 v39, v41;
	[tilespmem:s28+$0x16A10] =	vst v9  }
0x55: {  	v46 =	vld [tilespmem:s28+$0x16A90];
	v10 =	vmul.f32 v42, v41;
	[tilespmem:s28+$0x16A20] =	vst v7  }
0x56: {  	v47 =	vld [tilespmem:s28+$0x16AA0];
	v12 =	vmul.f32 v43, v41;
	[tilespmem:s28+$0x16A30] =	vst v8  }
0x57: {  	v49 =	vld [tilespmem:s28+$0x16AC0];
	v50 =	vbroadcast v1, $0x4;
	v13 =	vmul.f32 v44, v41;
	[tilespmem:s28+$0x16A50] =	vst v10  }
0x58: {  	v51 =	vld [tilespmem:s28+$0x16AD0];
	v11 =	vmul.f32 v40, v41;
	[tilespmem:s28+$0x16A60] =	vst v12  }
0x59: {  	v52 =	vld [tilespmem:s28+$0x16AE0];
	v9 =	vmul.f32 v45, v50;
	[tilespmem:s28+$0x16A70] =	vst v13  }
0x5a: {  	v48 =	vld [tilespmem:s28+$0x16AB0];
	v7 =	vmul.f32 v46, v50;
	[tilespmem:s28+$0x16A40] =	vst v11  }
0x5b: {  	v53 =	vld [tilespmem:s28+$0x16AF0];
	v8 =	vmul.f32 v47, v50;
	[tilespmem:s28+$0x16A80] =	vst v9  }
0x5c: {  	v54 =	vld [tilespmem:s28+$0x16B00];
	v10 =	vmul.f32 v49, v50;
	[tilespmem:s28+$0x16A90] =	vst v7  }
0x5d: {  	v55 =	vld [tilespmem:s28+$0x16B10];
	v12 =	vmul.f32 v51, v50;
	[tilespmem:s28+$0x16AA0] =	vst v8  }
0x5e: {  	v57 =	vld [tilespmem:s28+$0x16B30];
	v13 =	vmul.f32 v52, v50;
	[tilespmem:s28+$0x16AC0] =	vst v10  }
0x5f: {  	v58 =	vld [tilespmem:s28+$0x16B40];
	v59 =	vbroadcast v1, $0x5;
	v11 =	vmul.f32 v48, v50;
	[tilespmem:s28+$0x16AD0] =	vst v12  }
0x60: {  	v60 =	vld [tilespmem:s28+$0x16B50];
	v9 =	vmul.f32 v53, v50;
	[tilespmem:s28+$0x16AE0] =	vst v13  }
0x61: {  	v56 =	vld [tilespmem:s28+$0x16B20];
	v7 =	vmul.f32 v54, v59;
	[tilespmem:s28+$0x16AB0] =	vst v11  }
0x62: {  	v61 =	vld [tilespmem:s28+$0x16B60];
	v8 =	vmul.f32 v55, v59;
	[tilespmem:s28+$0x16AF0] =	vst v9  }
0x63: {  	v62 =	vld [tilespmem:s28+$0x16B70];
	v10 =	vmul.f32 v57, v59;
	[tilespmem:s28+$0x16B00] =	vst v7  }
0x64: {  	v63 =	vld [tilespmem:s28+$0x16B80];
	v12 =	vmul.f32 v58, v59;
	[tilespmem:s28+$0x16B10] =	vst v8  }
0x65: {  	v19 =	vld [tilespmem:s28+$0x16BA0];
	v13 =	vmul.f32 v60, v59;
	[tilespmem:s28+$0x16B30] =	vst v10  }
0x66: {  	v20 =	vld [tilespmem:s28+$0x16BB0];
	v11 =	vmul.f32 v56, v59;
	[tilespmem:s28+$0x16B40] =	vst v12  }
0x67: {  	v21 =	vld [tilespmem:s28+$0x16BC0];
	v22 =	vbroadcast v1, $0x6;
	v9 =	vmul.f32 v61, v59;
	[tilespmem:s28+$0x16B50] =	vst v13  }
0x68: {  	v18 =	vld [tilespmem:s28+$0x16B90];
	v7 =	vmul.f32 v62, v59;
	[tilespmem:s28+$0x16B20] =	vst v11  }
0x69: {  	v23 =	vld [tilespmem:s28+$0x16BD0];
	v8 =	vmul.f32 v63, v22;
	[tilespmem:s28+$0x16B60] =	vst v9  }
0x6a: {  	v24 =	vld [tilespmem:s28+$0x16BE0];
	v10 =	vmul.f32 v19, v22;
	[tilespmem:s28+$0x16B70] =	vst v7  }
0x6b: {  	v25 =	vld [tilespmem:s28+$0x16BF0];
	v12 =	vmul.f32 v20, v22;
	[tilespmem:s28+$0x16B80] =	vst v8  }
0x6c: {  	v27 =	vld [tilespmem:s28+$0x16C10];
	v13 =	vmul.f32 v21, v22;
	[tilespmem:s28+$0x16BA0] =	vst v10  }
0x6d: {  	v28 =	vld [tilespmem:s28+$0x16C20];
	v11 =	vmul.f32 v18, v22;
	[tilespmem:s28+$0x16BB0] =	vst v12  }
0x6e: {  	v29 =	vld [tilespmem:s28+$0x16C30];
	v9 =	vmul.f32 v23, v22;
	[tilespmem:s28+$0x16BC0] =	vst v13  }
0x6f: {  	v31 =	vbroadcast v1, $0x7;
	v53 =	vld [tilespmem:s28+$0x16D80];
	v7 =	vmul.f32 v24, v22;
	[tilespmem:s28+$0x16B90] =	vst v11  }
0x70: {  	v57 =	vld [tilespmem:s28+$0x16DC0];
	v8 =	vmul.f32 v25, v22;
	[tilespmem:s28+$0x16BD0] =	vst v9  }
0x71: {  	v58 =	vld [tilespmem:s28+$0x16DD0];
	v10 =	vmul.f32 v27, v31;
	[tilespmem:s28+$0x16BE0] =	vst v7  }
0x72: {  	v26 =	vld [tilespmem:s28+$0x16C00];
	v12 =	vmul.f32 v28, v31;
	[tilespmem:s28+$0x16BF0] =	vst v8  }
0x73: {  	v30 =	vld [tilespmem:s28+$0x16C40];
	v13 =	vmul.f32 v29, v31;
	[tilespmem:s28+$0x16C10] =	vst v10  }
0x74: {  	v32 =	vld [tilespmem:s28+$0x16C50];
	v59 =	vmul.f32 v53, v5;
	[tilespmem:s28+$0x16C20] =	vst v12  }
0x75: {  	v33 =	vld [tilespmem:s28+$0x16C60];
	v18 =	vmul.f32 v57, v5;
	[tilespmem:s28+$0x16C30] =	vst v13  }
0x76: {  	v35 =	vld [tilespmem:s28+$0x16C80];
	v20 =	vmul.f32 v58, v5;
	[tilespmem:s28+$0x16D80] =	vst v59  }
0x77: {  	v36 =	vld [tilespmem:s28+$0x16C90];
	v11 =	vmul.f32 v26, v31;
	[tilespmem:s28+$0x16DC0] =	vst v18  }
0x78: {  	v37 =	vld [tilespmem:s28+$0x16CA0];
	v9 =	vmul.f32 v30, v31;
	[tilespmem:s28+$0x16DD0] =	vst v20  }
0x79: {  	v4 =	vld [tilespmem:s28+$0x16E00];
	v40 =	vbroadcast v1, $0x8;
	v7 =	vmul.f32 v32, v31;
	[tilespmem:s28+$0x16C00] =	vst v11  }
0x7a: {  	v6 =	vld [tilespmem:s28+$0x16E10];
	v8 =	vmul.f32 v33, v31;
	[tilespmem:s28+$0x16C40] =	vst v9  }
0x7b: {  	v3 =	vld [tilespmem:s28+$0x17050];
	v10 =	vmul.f32 v35, v40;
	[tilespmem:s28+$0x16C50] =	vst v7  }
0x7c: {  	v61 =	vld [tilespmem:s28+$0x16880];
	v23 =	vbroadcast v1, $0xB;
	v12 =	vmul.f32 v36, v40;
	[tilespmem:s28+$0x16C60] =	vst v8  }
0x7d: {  	v34 =	vld [tilespmem:s28+$0x16C70];
	v13 =	vmul.f32 v37, v40;
	[tilespmem:s28+$0x16C80] =	vst v10  }
0x7e: {  	v38 =	vld [tilespmem:s28+$0x16CB0];
	v27 =	vbroadcast v1, $0xF;
	v4 =	vmul.f32 v4, v23;
	[tilespmem:s28+$0x16C90] =	vst v12  }
0x7f: {  	v39 =	vld [tilespmem:s28+$0x16CC0];
	v6 =	vmul.f32 v6, v23;
	[tilespmem:s28+$0x16CA0] =	vst v13  }
0x80: {  	v41 =	vld [tilespmem:s28+$0x16CD0];
	v3 =	vmul.f32 v3, v27;
	[tilespmem:s28+$0x16E00] =	vst v4  }
0x81: {  	v43 =	vld [tilespmem:s28+$0x16CF0];
	v24 =	vmul.f32 v2, v61;
	[tilespmem:s28+$0x16E10] =	vst v6  }
0x82: {  	v44 =	vld [tilespmem:s28+$0x16D00];
	v11 =	vmul.f32 v34, v31;
	[tilespmem:s28+$0x17050] =	vst v3  }
0x83: {  	v45 =	vld [tilespmem:s28+$0x16D10];
	v9 =	vmul.f32 v38, v40;
	[tilespmem:s28+$0x16880] =	vst v24  }
0x84: {  	v63 =	vld [tilespmem:s28+$0x168C0];
	v7 =	vmul.f32 v39, v40;
	[tilespmem:s28+$0x16C70] =	vst v11  }
0x85: {  	v49 =	vbroadcast v1, $0x9;
	v29 =	vld [tilespmem:s28+$0x16E70];
	v8 =	vmul.f32 v41, v40;
	[tilespmem:s28+$0x16CB0] =	vst v9  }
0x86: {  	v42 =	vld [tilespmem:s28+$0x16CE0];
	v10 =	vmul.f32 v43, v40;
	[tilespmem:s28+$0x16CC0] =	vst v7  }
0x87: {  	v46 =	vld [tilespmem:s28+$0x16D20];
	v12 =	vmul.f32 v44, v49;
	[tilespmem:s28+$0x16CD0] =	vst v8  }
0x88: {  	v47 =	vld [tilespmem:s28+$0x16D30];
	v13 =	vmul.f32 v45, v49;
	[tilespmem:s28+$0x16CF0] =	vst v10  }
0x89: {  	v48 =	vld [tilespmem:s28+$0x16D40];
	v3 =	vmul.f32 v63, v2;
	[tilespmem:s28+$0x16D00] =	vst v12  }
0x8a: {  	v51 =	vld [tilespmem:s28+$0x16D60];
	v6 =	vmul.f32 v29, v23;
	[tilespmem:s28+$0x16D10] =	vst v13  }
0x8b: {  	v52 =	vld [tilespmem:s28+$0x16D70];
	v11 =	vmul.f32 v42, v40;
	[tilespmem:s28+$0x168C0] =	vst v3  }
0x8c: {  	v28 =	vld [tilespmem:s28+$0x16E60];
	v9 =	vmul.f32 v46, v49;
	[tilespmem:s28+$0x16E70] =	vst v6  }
0x8d: {  	v26 =	vld [tilespmem:s28+$0x16E50];
	v7 =	vmul.f32 v47, v49;
	[tilespmem:s28+$0x16CE0] =	vst v11  }
0x8e: {  	v30 =	vld [tilespmem:s28+$0x16E80];
	v8 =	vmul.f32 v48, v49;
	[tilespmem:s28+$0x16D20] =	vst v9  }
0x8f: {  	v50 =	vld [tilespmem:s28+$0x16D50];
	v10 =	vmul.f32 v51, v49;
	[tilespmem:s28+$0x16D30] =	vst v7  }
0x90: {  	v54 =	vld [tilespmem:s28+$0x16D90];
	v12 =	vmul.f32 v52, v49;
	[tilespmem:s28+$0x16D40] =	vst v8  }
0x91: {  	v55 =	vld [tilespmem:s28+$0x16DA0];
	v35 =	vbroadcast v1, $0xC;
	v40 =	vmul.f32 v28, v23;
	[tilespmem:s28+$0x16D60] =	vst v10  }
0x92: {  	v56 =	vld [tilespmem:s28+$0x16DB0];
	v32 =	vmul.f32 v26, v23;
	[tilespmem:s28+$0x16D70] =	vst v12  }
0x93: {  	v60 =	vld [tilespmem:s28+$0x16DE0];
	v15 =	vmul.f32 v30, v35;
	[tilespmem:s28+$0x16E60] =	vst v40  }
0x94: {  	v62 =	vld [tilespmem:s28+$0x16890];
	v11 =	vmul.f32 v50, v49;
	[tilespmem:s28+$0x16E50] =	vst v32  }
0x95: {  	v19 =	vld [tilespmem:s28+$0x168D0];
	v9 =	vmul.f32 v54, v5;
	[tilespmem:s28+$0x16E80] =	vst v15  }
0x96: {  	v33 =	vld [tilespmem:s28+$0x16EB0];
	v7 =	vmul.f32 v55, v5;
	[tilespmem:s28+$0x16D50] =	vst v11  }
0x97: {  	v61 =	vld [tilespmem:s28+$0x17070];
	v8 =	vmul.f32 v56, v5;
	[tilespmem:s28+$0x16D90] =	vst v9  }
0x98: {  	v38 =	vld [tilespmem:s28+$0x16EF0];
	v5 =	vmul.f32 v60, v5;
	[tilespmem:s28+$0x16DA0] =	vst v7  }
0x99: {  	v21 =	vld [tilespmem:s28+$0x16E20];
	v12 =	vmul.f32 v62, v2;
	[tilespmem:s28+$0x16DB0] =	vst v8  }
0x9a: {  	v22 =	vld [tilespmem:s28+$0x16E30];
	v2 =	vmul.f32 v19, v2;
	[tilespmem:s28+$0x16DE0] =	vst v5  }
0x9b: {  	v25 =	vld [tilespmem:s28+$0x16E40];
	v62 =	vmul.f32 v33, v35;
	[tilespmem:s28+$0x16890] =	vst v12  }
0x9c: {  	v31 =	vld [tilespmem:s28+$0x16E90];
	v63 =	vmul.f32 v61, v27;
	[tilespmem:s28+$0x168D0] =	vst v2  }
0x9d: {  	v34 =	vld [tilespmem:s28+$0x16EC0];
	v15 =	vmul.f32 v38, v35;
	[tilespmem:s28+$0x16EB0] =	vst v62  }
0x9e: {  	v41 =	vld [tilespmem:s28+$0x16F20];
	v7 =	vmul.f32 v21, v23;
	[tilespmem:s28+$0x17070] =	vst v63  }
0x9f: {  	v46 =	vld [tilespmem:s28+$0x16F60];
	v8 =	vmul.f32 v22, v23;
	[tilespmem:s28+$0x16EF0] =	vst v15  }
0xa0: {  	v36 =	vld [tilespmem:s28+$0x16ED0];
	v5 =	vmul.f32 v25, v23;
	[tilespmem:s28+$0x16E20] =	vst v7  }
0xa1: {  	v44 =	vbroadcast v1, $0xD;
	v9 =	vmul.f32 v31, v35;
	v2 =	vld [tilespmem:s28+$0x16F10];
	[tilespmem:s28+$0x16E30] =	vst v8  }
0xa2: {  	v37 =	vld [tilespmem:s28+$0x16EE0];
	v12 =	vmul.f32 v34, v35;
	[tilespmem:s28+$0x16E40] =	vst v5  }
0xa3: {  	v39 =	vld [tilespmem:s28+$0x16F00];
	v11 =	vmul.f32 v41, v44;
	[tilespmem:s28+$0x16E90] =	vst v9  }
0xa4: {  	v42 =	vld [tilespmem:s28+$0x16F30];
	v51 =	vmul.f32 v46, v44;
	[tilespmem:s28+$0x16EC0] =	vst v12  }
0xa5: {  	v48 =	vld [tilespmem:s28+$0x16F90];
	v8 =	vmul.f32 v36, v35;
	[tilespmem:s28+$0x16F20] =	vst v11  }
0xa6: {  	v49 =	vld [tilespmem:s28+$0x16FA0];
	[tilespmem:s28+$0x16F60] =	vst v51;
	v2 =	vmul.f32 v2, v44  }
0xa7: {  	v50 =	vld [tilespmem:s28+$0x16FB0];
	v5 =	vmul.f32 v37, v35;
	[tilespmem:s28+$0x16ED0] =	vst v8  }
0xa8: {  	v1 =	vbroadcast v1, $0xE;
	v9 =	vmul.f32 v39, v44;
	[tilespmem:s28+$0x16F10] =	vst v2;
	v2 =	vld [tilespmem:s28+$0x16F80]  }
0xa9: {  	v60 =	vld [tilespmem:s28+$0x17060];
	v12 =	vmul.f32 v42, v44;
	[tilespmem:s28+$0x16EE0] =	vst v5  }
0xaa: {  	v45 =	vld [tilespmem:s28+$0x16F50];
	v11 =	vmul.f32 v48, v1;
	[tilespmem:s28+$0x16F00] =	vst v9  }
0xab: {  	v47 =	vld [tilespmem:s28+$0x16F70];
	v10 =	vmul.f32 v49, v1;
	[tilespmem:s28+$0x16F30] =	vst v12  }
0xac: {  	v43 =	vld [tilespmem:s28+$0x16F40];
	v6 =	vmul.f32 v50, v1;
	[tilespmem:s28+$0x16F90] =	vst v11  }
0xad: {  	v55 =	vld [tilespmem:s28+$0x17000];
	[tilespmem:s28+$0x16FA0] =	vst v10;
	v2 =	vmul.f32 v2, v1  }
0xae: {  	v57 =	vld [tilespmem:s28+$0x17020];
	v4 =	vmul.f32 v60, v27;
	[tilespmem:s28+$0x16FB0] =	vst v6  }
0xaf: {  	v5 =	vmul.f32 v45, v44;
	[tilespmem:s28+$0x16F80] =	vst v2;
	v2 =	vld [tilespmem:s28+$0x16FF0]  }
0xb0: {  	v52 =	vld [tilespmem:s28+$0x16FC0];
	v9 =	vmul.f32 v47, v44;
	[tilespmem:s28+$0x17060] =	vst v4  }
0xb1: {  	v56 =	vld [tilespmem:s28+$0x17010];
	v8 =	vmul.f32 v43, v44;
	[tilespmem:s28+$0x16F50] =	vst v5  }
0xb2: {  	v54 =	vld [tilespmem:s28+$0x16FE0];
	v11 =	vmul.f32 v55, v27;
	[tilespmem:s28+$0x16F70] =	vst v9  }
0xb3: {  	v58 =	vld [tilespmem:s28+$0x17030];
	v6 =	vmul.f32 v57, v27;
	[tilespmem:s28+$0x16F40] =	vst v8  }
0xb4: {  	v53 =	vld [tilespmem:s28+$0x16FD0];
	[tilespmem:s28+$0x17000] =	vst v11;
	v2 =	vmul.f32 v2, v1  }
0xb5: {  	v59 =	vld [tilespmem:s28+$0x17040];
	v5 =	vmul.f32 v52, v1;
	[tilespmem:s28+$0x17020] =	vst v6  }
0xb6: {  	[tilespmem:s28+$0x16FF0] =	vst v2;
	v2 =	vmul.f32 v56, v27  }
0xb7: {  	v3 =	vld [tilespmem:s28+$0x16EA0];
	v9 =	vmul.f32 v54, v1;
	[tilespmem:s28+$0x16FC0] =	vst v5  }
0xb8: {  	[tilespmem:s28+$0x17010] =	vst v2;
	v2 =	vmul.f32 v58, v27  }
0xb9: {  	[tilespmem:s28+$0x16FE0] =	vst v9;
	v1 =	vmul.f32 v53, v1  }
0xba: {  	[tilespmem:s28+$0x17030] =	vst v2;
	v2 =	vmul.f32 v59, v27  }
0xbb: {  	[tilespmem:s28+$0x16FD0] =	vst v1  }
0xbc: {  	s29 =	simm.s32 $0x1;
	[tilespmem:s28+$0x17040] =	vst v2;
	v2 =	vmul.f32 v3, v35  }
.LBB2_4:
0xbd: {  	s30 =	sshll.u32 s29, $0x4  }
0xbe: {  	p1 =	sne.s32 s29, $0x4;
	[tilespmem:s28+$0x16EA0] =	vst v2;
	s28 =	smov.u32 s29;
	s29 =	sadd.s32 $0x1, s29  }
0xbf: {  	s30 =	sand.u32 $0x3FFFFFF0, s30  }
0xc0: {  	v1 =	vld.idx.msk [tilespmem:v0+s30+$0x0 ss:$0x1], $0xffff  }
0xc1: {  	s28 =	sshll.u32 s28, $0xB  }
0xc2: {  	s28 =	sand.u32 $0x3FFFF800, s28  }
0xc3: {  	v8 =	vld [tilespmem:s28+$0x16940]  }
0xc4: {  	v9 =	vld [tilespmem:s28+$0x16950]  }
0xc5: {  	v10 =	vld [tilespmem:s28+$0x16930]  }
0xc6: {  	v2 =	vbroadcast v1, $0x0;
	v7 =	vbroadcast v1, $0x4;
	v3 =	vld [tilespmem:s28+$0x168A0]  }
0xc7: {  	v5 =	vld [tilespmem:s28+$0x168B0]  }
0xc8: {  	v6 =	vld [tilespmem:s28+$0x16DF0]  }
0xc9: {  	v11 =	vld [tilespmem:s28+$0x168E0]  }
0xca: {  	v12 =	vld [tilespmem:s28+$0x168F0]  }
0xcb: {  	v4 =	vbroadcast v1, $0xA;
	v3 =	vmul.f32 v3, v2;
	v13 =	vld [tilespmem:s28+$0x16900]  }
0xcc: {  	v5 =	vmul.f32 v5, v2;
	v14 =	vld [tilespmem:s28+$0x16910]  }
0xcd: {  	[tilespmem:s28+$0x168A0] =	vst v3;
	v15 =	vld [tilespmem:s28+$0x16920];
	v3 =	vmul.f32 v6, v4  }
0xce: {  	[tilespmem:s28+$0x168B0] =	vst v5;
	v6 =	vmul.f32 v11, v2;
	v11 =	vbroadcast v1, $0x1;
	v5 =	vld [tilespmem:s28+$0x16E00]  }
0xcf: {  	v12 =	vmul.f32 v12, v2;
	[tilespmem:s28+$0x16DF0] =	vst v3;
	v3 =	vld [tilespmem:s28+$0x17050]  }
0xd0: {  	[tilespmem:s28+$0x168E0] =	vst v6;
	v13 =	vmul.f32 v13, v11;
	v6 =	vld [tilespmem:s28+$0x16E10]  }
0xd1: {  	[tilespmem:s28+$0x168F0] =	vst v12;
	v12 =	vmul.f32 v14, v11;
	v14 =	vld [tilespmem:s28+$0x16960]  }
0xd2: {  	[tilespmem:s28+$0x16900] =	vst v13;
	v13 =	vmul.f32 v15, v11;
	v15 =	vld [tilespmem:s28+$0x16970]  }
0xd3: {  	v10 =	vmul.f32 v10, v11;
	[tilespmem:s28+$0x16910] =	vst v12;
	v12 =	vld [tilespmem:s28+$0x16980]  }
0xd4: {  	v8 =	vmul.f32 v8, v11;
	[tilespmem:s28+$0x16920] =	vst v13;
	v13 =	vld [tilespmem:s28+$0x16990]  }
0xd5: {  	v9 =	vmul.f32 v9, v11;
	[tilespmem:s28+$0x16930] =	vst v10;
	v10 =	vld [tilespmem:s28+$0x169A0]  }
0xd6: {  	[tilespmem:s28+$0x16940] =	vst v8;
	v8 =	vmul.f32 v14, v11;
	v14 =	vbroadcast v1, $0x2;
	v16 =	vld [tilespmem:s28+$0x169B0]  }
0xd7: {  	[tilespmem:s28+$0x16950] =	vst v9;
	v9 =	vmul.f32 v15, v11;
	v11 =	vld [tilespmem:s28+$0x169C0]  }
0xd8: {  	[tilespmem:s28+$0x16960] =	vst v8;
	v8 =	vmul.f32 v12, v14;
	v12 =	vld [tilespmem:s28+$0x169D0]  }
0xd9: {  	[tilespmem:s28+$0x16970] =	vst v9;
	v9 =	vmul.f32 v13, v14;
	v13 =	vld [tilespmem:s28+$0x169E0]  }
0xda: {  	[tilespmem:s28+$0x16980] =	vst v8;
	v8 =	vmul.f32 v10, v14;
	v10 =	vld [tilespmem:s28+$0x169F0]  }
0xdb: {  	[tilespmem:s28+$0x16990] =	vst v9;
	v9 =	vmul.f32 v16, v14;
	v15 =	vld [tilespmem:s28+$0x16A00]  }
0xdc: {  	[tilespmem:s28+$0x169A0] =	vst v8;
	v8 =	vmul.f32 v11, v14;
	v11 =	vld [tilespmem:s28+$0x16A10]  }
0xdd: {  	[tilespmem:s28+$0x169B0] =	vst v9;
	v9 =	vmul.f32 v12, v14;
	v12 =	vld [tilespmem:s28+$0x16A20]  }
0xde: {  	[tilespmem:s28+$0x169C0] =	vst v8;
	v8 =	vmul.f32 v13, v14;
	v13 =	vbroadcast v1, $0x3;
	v16 =	vld [tilespmem:s28+$0x16A30]  }
0xdf: {  	[tilespmem:s28+$0x169D0] =	vst v9;
	v9 =	vmul.f32 v10, v14;
	v10 =	vld [tilespmem:s28+$0x16A40]  }
0xe0: {  	[tilespmem:s28+$0x169E0] =	vst v8;
	v8 =	vmul.f32 v15, v13;
	v14 =	vld [tilespmem:s28+$0x16A50]  }
0xe1: {  	[tilespmem:s28+$0x169F0] =	vst v9;
	v9 =	vmul.f32 v11, v13;
	v11 =	vld [tilespmem:s28+$0x16A60]  }
0xe2: {  	[tilespmem:s28+$0x16A00] =	vst v8;
	v8 =	vmul.f32 v12, v13;
	v12 =	vld [tilespmem:s28+$0x16A70]  }
0xe3: {  	[tilespmem:s28+$0x16A10] =	vst v9;
	v9 =	vmul.f32 v16, v13;
	v15 =	vld [tilespmem:s28+$0x16A80]  }
0xe4: {  	[tilespmem:s28+$0x16A20] =	vst v8;
	v8 =	vmul.f32 v10, v13;
	v10 =	vld [tilespmem:s28+$0x16A90]  }
0xe5: {  	[tilespmem:s28+$0x16A30] =	vst v9;
	v9 =	vmul.f32 v14, v13;
	v14 =	vld [tilespmem:s28+$0x16AA0]  }
0xe6: {  	[tilespmem:s28+$0x16A40] =	vst v8;
	v8 =	vmul.f32 v11, v13;
	v11 =	vld [tilespmem:s28+$0x16AB0]  }
0xe7: {  	[tilespmem:s28+$0x16A50] =	vst v9;
	v9 =	vmul.f32 v12, v13;
	v12 =	vld [tilespmem:s28+$0x16AC0]  }
0xe8: {  	[tilespmem:s28+$0x16A60] =	vst v8;
	v8 =	vmul.f32 v15, v7;
	v13 =	vld [tilespmem:s28+$0x16AD0]  }
0xe9: {  	[tilespmem:s28+$0x16A70] =	vst v9;
	v9 =	vmul.f32 v10, v7;
	v10 =	vld [tilespmem:s28+$0x16AE0]  }
0xea: {  	[tilespmem:s28+$0x16A80] =	vst v8;
	v8 =	vmul.f32 v14, v7;
	v14 =	vld [tilespmem:s28+$0x16AF0]  }
0xeb: {  	[tilespmem:s28+$0x16A90] =	vst v9;
	v9 =	vmul.f32 v11, v7;
	v11 =	vld [tilespmem:s28+$0x16B00]  }
0xec: {  	[tilespmem:s28+$0x16AA0] =	vst v8;
	v8 =	vmul.f32 v12, v7;
	v12 =	vld [tilespmem:s28+$0x16B10]  }
0xed: {  	[tilespmem:s28+$0x16AB0] =	vst v9;
	v9 =	vmul.f32 v13, v7;
	v13 =	vld [tilespmem:s28+$0x16B20]  }
0xee: {  	[tilespmem:s28+$0x16AC0] =	vst v8;
	v8 =	vmul.f32 v10, v7;
	v10 =	vbroadcast v1, $0x5;
	v15 =	vld [tilespmem:s28+$0x16B30]  }
0xef: {  	[tilespmem:s28+$0x16AD0] =	vst v9;
	v7 =	vmul.f32 v14, v7;
	v9 =	vld [tilespmem:s28+$0x16B40]  }
0xf0: {  	[tilespmem:s28+$0x16AE0] =	vst v8;
	v8 =	vmul.f32 v11, v10;
	v11 =	vld [tilespmem:s28+$0x16B50]  }
0xf1: {  	[tilespmem:s28+$0x16AF0] =	vst v7;
	v7 =	vmul.f32 v12, v10;
	v12 =	vld [tilespmem:s28+$0x16B60]  }
0xf2: {  	[tilespmem:s28+$0x16B00] =	vst v8;
	v8 =	vmul.f32 v13, v10;
	v13 =	vld [tilespmem:s28+$0x16B70]  }
0xf3: {  	[tilespmem:s28+$0x16B10] =	vst v7;
	v7 =	vmul.f32 v15, v10;
	v14 =	vld [tilespmem:s28+$0x16B80]  }
0xf4: {  	[tilespmem:s28+$0x16B20] =	vst v8;
	v8 =	vmul.f32 v9, v10;
	v9 =	vld [tilespmem:s28+$0x16B90]  }
0xf5: {  	[tilespmem:s28+$0x16B30] =	vst v7;
	v7 =	vmul.f32 v11, v10;
	v11 =	vld [tilespmem:s28+$0x16BA0]  }
0xf6: {  	[tilespmem:s28+$0x16B40] =	vst v8;
	v8 =	vmul.f32 v12, v10;
	v12 =	vbroadcast v1, $0x6;
	v15 =	vld [tilespmem:s28+$0x16BB0]  }
0xf7: {  	[tilespmem:s28+$0x16B50] =	vst v7;
	v7 =	vmul.f32 v13, v10;
	v10 =	vld [tilespmem:s28+$0x16BC0]  }
0xf8: {  	[tilespmem:s28+$0x16B60] =	vst v8;
	v8 =	vmul.f32 v14, v12;
	v13 =	vld [tilespmem:s28+$0x16BD0]  }
0xf9: {  	[tilespmem:s28+$0x16B70] =	vst v7;
	v7 =	vmul.f32 v9, v12;
	v9 =	vld [tilespmem:s28+$0x16BE0]  }
0xfa: {  	[tilespmem:s28+$0x16B80] =	vst v8;
	v8 =	vmul.f32 v11, v12;
	v11 =	vld [tilespmem:s28+$0x16BF0]  }
0xfb: {  	[tilespmem:s28+$0x16B90] =	vst v7;
	v7 =	vmul.f32 v15, v12;
	v14 =	vld [tilespmem:s28+$0x16C00]  }
0xfc: {  	[tilespmem:s28+$0x16BA0] =	vst v8;
	v8 =	vmul.f32 v10, v12;
	v10 =	vld [tilespmem:s28+$0x16C10]  }
0xfd: {  	[tilespmem:s28+$0x16BB0] =	vst v7;
	v7 =	vmul.f32 v13, v12;
	v13 =	vld [tilespmem:s28+$0x16C20]  }
0xfe: {  	[tilespmem:s28+$0x16BC0] =	vst v8;
	v8 =	vmul.f32 v9, v12;
	v9 =	vbroadcast v1, $0x7;
	v15 =	vld [tilespmem:s28+$0x16C30]  }
0xff: {  	[tilespmem:s28+$0x16BD0] =	vst v7;
	v7 =	vmul.f32 v11, v12;
	v11 =	vld [tilespmem:s28+$0x16C40]  }
0x100: {  	[tilespmem:s28+$0x16BE0] =	vst v8;
	v8 =	vmul.f32 v14, v9;
	v12 =	vld [tilespmem:s28+$0x16C50]  }
0x101: {  	[tilespmem:s28+$0x16BF0] =	vst v7;
	v7 =	vmul.f32 v10, v9;
	v10 =	vld [tilespmem:s28+$0x16C60]  }
0x102: {  	[tilespmem:s28+$0x16C00] =	vst v8;
	v8 =	vmul.f32 v13, v9;
	v13 =	vld [tilespmem:s28+$0x16C70]  }
0x103: {  	[tilespmem:s28+$0x16C10] =	vst v7;
	v7 =	vmul.f32 v15, v9;
	v14 =	vld [tilespmem:s28+$0x16C80]  }
0x104: {  	[tilespmem:s28+$0x16C20] =	vst v8;
	v8 =	vmul.f32 v11, v9;
	v11 =	vld [tilespmem:s28+$0x16C90]  }
0x105: {  	[tilespmem:s28+$0x16C30] =	vst v7;
	v7 =	vmul.f32 v12, v9;
	v12 =	vld [tilespmem:s28+$0x16CA0]  }
0x106: {  	[tilespmem:s28+$0x16C40] =	vst v8;
	v8 =	vmul.f32 v10, v9;
	v10 =	vbroadcast v1, $0x8;
	v15 =	vld [tilespmem:s28+$0x16CB0]  }
0x107: {  	[tilespmem:s28+$0x16C50] =	vst v7;
	v7 =	vmul.f32 v13, v9;
	v9 =	vld [tilespmem:s28+$0x16CC0]  }
0x108: {  	[tilespmem:s28+$0x16C60] =	vst v8;
	v8 =	vmul.f32 v14, v10;
	v13 =	vld [tilespmem:s28+$0x16CD0]  }
0x109: {  	[tilespmem:s28+$0x16C70] =	vst v7;
	v7 =	vmul.f32 v11, v10;
	v11 =	vld [tilespmem:s28+$0x16CE0]  }
0x10a: {  	[tilespmem:s28+$0x16C80] =	vst v8;
	v8 =	vmul.f32 v12, v10;
	v12 =	vld [tilespmem:s28+$0x16CF0]  }
0x10b: {  	[tilespmem:s28+$0x16C90] =	vst v7;
	v7 =	vmul.f32 v15, v10;
	v14 =	vld [tilespmem:s28+$0x16D00]  }
0x10c: {  	[tilespmem:s28+$0x16CA0] =	vst v8;
	v8 =	vmul.f32 v9, v10;
	v9 =	vld [tilespmem:s28+$0x16D10]  }
0x10d: {  	[tilespmem:s28+$0x16CB0] =	vst v7;
	v7 =	vmul.f32 v13, v10;
	v13 =	vld [tilespmem:s28+$0x16D20]  }
0x10e: {  	[tilespmem:s28+$0x16CC0] =	vst v8;
	v8 =	vmul.f32 v11, v10;
	v11 =	vbroadcast v1, $0x9;
	v15 =	vld [tilespmem:s28+$0x16D30]  }
0x10f: {  	[tilespmem:s28+$0x16CD0] =	vst v7;
	v7 =	vmul.f32 v12, v10;
	v10 =	vld [tilespmem:s28+$0x16D40]  }
0x110: {  	[tilespmem:s28+$0x16CE0] =	vst v8;
	v8 =	vmul.f32 v14, v11;
	v12 =	vld [tilespmem:s28+$0x16D50]  }
0x111: {  	[tilespmem:s28+$0x16CF0] =	vst v7;
	v7 =	vmul.f32 v9, v11;
	v9 =	vld [tilespmem:s28+$0x16D60]  }
0x112: {  	[tilespmem:s28+$0x16D00] =	vst v8;
	v8 =	vmul.f32 v13, v11;
	v13 =	vld [tilespmem:s28+$0x16D70]  }
0x113: {  	[tilespmem:s28+$0x16D10] =	vst v7;
	v7 =	vmul.f32 v15, v11;
	v14 =	vld [tilespmem:s28+$0x16D80]  }
0x114: {  	[tilespmem:s28+$0x16D20] =	vst v8;
	v8 =	vmul.f32 v10, v11;
	v10 =	vld [tilespmem:s28+$0x16D90]  }
0x115: {  	[tilespmem:s28+$0x16D30] =	vst v7;
	v7 =	vmul.f32 v12, v11;
	v12 =	vld [tilespmem:s28+$0x16DA0]  }
0x116: {  	[tilespmem:s28+$0x16D40] =	vst v8;
	v8 =	vmul.f32 v9, v11;
	v9 =	vld [tilespmem:s28+$0x16DB0]  }
0x117: {  	[tilespmem:s28+$0x16D50] =	vst v7;
	v7 =	vmul.f32 v13, v11;
	v11 =	vld [tilespmem:s28+$0x16DC0]  }
0x118: {  	[tilespmem:s28+$0x16D60] =	vst v8;
	v8 =	vmul.f32 v14, v4;
	v13 =	vld [tilespmem:s28+$0x16DD0]  }
0x119: {  	[tilespmem:s28+$0x16D70] =	vst v7;
	v7 =	vmul.f32 v10, v4;
	v10 =	vld [tilespmem:s28+$0x16DE0]  }
0x11a: {  	v14 =	vld [tilespmem:s28+$0x16880];
	[tilespmem:s28+$0x16D80] =	vst v8;
	v8 =	vmul.f32 v12, v4  }
0x11b: {  	v12 =	vld [tilespmem:s28+$0x16890];
	[tilespmem:s28+$0x16D90] =	vst v7;
	v7 =	vmul.f32 v9, v4  }
0x11c: {  	v9 =	vld [tilespmem:s28+$0x168C0];
	[tilespmem:s28+$0x16DA0] =	vst v8;
	v8 =	vmul.f32 v11, v4  }
0x11d: {  	v11 =	vld [tilespmem:s28+$0x168D0];
	[tilespmem:s28+$0x16DB0] =	vst v7;
	v7 =	vmul.f32 v13, v4  }
0x11e: {  	[tilespmem:s28+$0x16DC0] =	vst v8;
	v8 =	vmul.f32 v10, v4;
	v10 =	vbroadcast v1, $0xB;
	v13 =	vld [tilespmem:s28+$0x16E20]  }
0x11f: {  	v4 =	vbroadcast v1, $0xF;
	v14 =	vmul.f32 v2, v14;
	[tilespmem:s28+$0x16DD0] =	vst v7;
	v7 =	vld [tilespmem:s28+$0x16E30]  }
0x120: {  	v12 =	vmul.f32 v12, v2;
	[tilespmem:s28+$0x16DE0] =	vst v8;
	v5 =	vmul.f32 v5, v10;
	v8 =	vld [tilespmem:s28+$0x16E40]  }
0x121: {  	v6 =	vmul.f32 v6, v10;
	[tilespmem:s28+$0x16880] =	vst v14;
	v9 =	vmul.f32 v9, v2;
	v14 =	vld [tilespmem:s28+$0x16E50]  }
0x122: {  	v3 =	vmul.f32 v3, v4;
	v11 =	vmul.f32 v11, v2;
	[tilespmem:s28+$0x16E00] =	vst v5;
	v2 =	vld [tilespmem:s28+$0x16E60]  }
0x123: {  	[tilespmem:s28+$0x16E10] =	vst v6;
	v5 =	vmul.f32 v13, v10;
	v6 =	vld [tilespmem:s28+$0x16E70]  }
0x124: {  	v7 =	vmul.f32 v7, v10;
	v13 =	vld [tilespmem:s28+$0x16E80];
	[tilespmem:s28+$0x17050] =	vst v3  }
0x125: {  	[tilespmem:s28+$0x16890] =	vst v12;
	v3 =	vmul.f32 v8, v10;
	v8 =	vld [tilespmem:s28+$0x16E90]  }
0x126: {  	[tilespmem:s28+$0x168C0] =	vst v9;
	v9 =	vmul.f32 v14, v10;
	v12 =	vld [tilespmem:s28+$0x16EA0]  }
0x127: {  	v14 =	vbroadcast v1, $0xC;
	[tilespmem:s28+$0x16E20] =	vst v5;
	v5 =	vmul.f32 v2, v10;
	v15 =	vld [tilespmem:s28+$0x16EB0]  }
0x128: {  	[tilespmem:s28+$0x16E50] =	vst v9;
	v6 =	vmul.f32 v6, v10;
	v9 =	vld [tilespmem:s28+$0x16EC0]  }
0x129: {  	[tilespmem:s28+$0x16E30] =	vst v7;
	v2 =	vmul.f32 v13, v14;
	v7 =	vld [tilespmem:s28+$0x16ED0]  }
0x12a: {  	[tilespmem:s28+$0x16E40] =	vst v3;
	v3 =	vmul.f32 v8, v14;
	v8 =	vld [tilespmem:s28+$0x16EE0]  }
0x12b: {  	[tilespmem:s28+$0x16E80] =	vst v2;
	v2 =	vmul.f32 v12, v14;
	v10 =	vld [tilespmem:s28+$0x16EF0]  }
0x12c: {  	[tilespmem:s28+$0x16E90] =	vst v3;
	v3 =	vld [tilespmem:s28+$0x16F00]  }
0x12d: {  	[tilespmem:s28+$0x168D0] =	vst v11;
	v9 =	vmul.f32 v9, v14;
	v11 =	vld [tilespmem:s28+$0x16F10]  }
0x12e: {  	[tilespmem:s28+$0x16E60] =	vst v5;
	v5 =	vmul.f32 v7, v14;
	v7 =	vld [tilespmem:s28+$0x16F20]  }
0x12f: {  	[tilespmem:s28+$0x16EC0] =	vst v9;
	v8 =	vmul.f32 v8, v14;
	v9 =	vbroadcast v1, $0xD;
	v12 =	vld [tilespmem:s28+$0x16F30]  }
0x130: {  	[tilespmem:s28+$0x16ED0] =	vst v5;
	v5 =	vmul.f32 v10, v14;
	v10 =	vld [tilespmem:s28+$0x16F40]  }
0x131: {  	[tilespmem:s28+$0x16EE0] =	vst v8;
	v3 =	vmul.f32 v3, v9;
	v8 =	vld [tilespmem:s28+$0x16F50]  }
0x132: {  	[tilespmem:s28+$0x16EF0] =	vst v5;
	v5 =	vmul.f32 v11, v9;
	v11 =	vld [tilespmem:s28+$0x16F60]  }
0x133: {  	[tilespmem:s28+$0x16F00] =	vst v3;
	v3 =	vmul.f32 v7, v9;
	v7 =	vld [tilespmem:s28+$0x16F70]  }
0x134: {  	[tilespmem:s28+$0x16F10] =	vst v5;
	v5 =	vmul.f32 v12, v9;
	v12 =	vld [tilespmem:s28+$0x16F80]  }
0x135: {  	[tilespmem:s28+$0x16F20] =	vst v3;
	v3 =	vmul.f32 v10, v9;
	v10 =	vld [tilespmem:s28+$0x16F90]  }
0x136: {  	[tilespmem:s28+$0x16F30] =	vst v5;
	v5 =	vmul.f32 v8, v9;
	v8 =	vld [tilespmem:s28+$0x16FA0]  }
0x137: {  	v1 =	vbroadcast v1, $0xE;
	[tilespmem:s28+$0x16E70] =	vst v6;
	v6 =	vmul.f32 v11, v9;
	v11 =	vld [tilespmem:s28+$0x16FB0]  }
0x138: {  	[tilespmem:s28+$0x16F50] =	vst v5;
	v5 =	vmul.f32 v7, v9;
	v7 =	vld [tilespmem:s28+$0x16FC0]  }
0x139: {  	[tilespmem:s28+$0x16F60] =	vst v6;
	v6 =	vmul.f32 v12, v1;
	v9 =	vld [tilespmem:s28+$0x16FD0]  }
0x13a: {  	[tilespmem:s28+$0x16F70] =	vst v5;
	v5 =	vmul.f32 v10, v1;
	v10 =	vld [tilespmem:s28+$0x16FE0]  }
0x13b: {  	[tilespmem:s28+$0x16F80] =	vst v6;
	v6 =	vmul.f32 v8, v1;
	v8 =	vld [tilespmem:s28+$0x16FF0]  }
0x13c: {  	[tilespmem:s28+$0x16F90] =	vst v5;
	v5 =	vmul.f32 v11, v1;
	v11 =	vld [tilespmem:s28+$0x17000]  }
0x13d: {  	[tilespmem:s28+$0x16FA0] =	vst v6;
	v6 =	vmul.f32 v7, v1;
	v7 =	vld [tilespmem:s28+$0x17010]  }
0x13e: {  	[tilespmem:s28+$0x16FB0] =	vst v5;
	v5 =	vmul.f32 v9, v1;
	v9 =	vld [tilespmem:s28+$0x17020]  }
0x13f: {  	[tilespmem:s28+$0x16FC0] =	vst v6;
	v6 =	vmul.f32 v10, v1;
	v10 =	vld [tilespmem:s28+$0x17030]  }
0x140: {  	[tilespmem:s28+$0x16F40] =	vst v3;
	v1 =	vmul.f32 v8, v1;
	v3 =	vld [tilespmem:s28+$0x17040]  }
0x141: {  	[tilespmem:s28+$0x16FE0] =	vst v6;
	v6 =	vmul.f32 v11, v4;
	v8 =	vld [tilespmem:s28+$0x17060]  }
0x142: {  	[tilespmem:s28+$0x16FF0] =	vst v1;
	v1 =	vmul.f32 v7, v4;
	v7 =	vld [tilespmem:s28+$0x17070]  }
0x143: {  	[tilespmem:s28+$0x17000] =	vst v6;
	v6 =	vmul.f32 v9, v4  }
0x144: {  	[tilespmem:s28+$0x17010] =	vst v1;
	v1 =	vmul.f32 v10, v4  }
0x145: {  	v9 =	vmul.f32 v15, v14;
	[tilespmem:s28+$0x17020] =	vst v6  }
0x146: {  	[tilespmem:s28+$0x17030] =	vst v1;
	v1 =	vmul.f32 v3, v4  }
.Ltmp0:
0x147: {  	[tilespmem:s28+$0x16EB0] =	vst v9;
	v3 =	vmul.f32 v7, v4;
	(pc) =	sbr.rel @p1 .LBB2_4-.Ltmp0, $4  }
0x148: {  	[tilespmem:s28+$0x17040] =	vst v1  }
0x149: {  	v1 =	vmul.f32 v8, v4;
	[tilespmem:s28+$0x17070] =	vst v3  }
0x14a: {  	[tilespmem:s28+$0x16FD0] =	vst v5  }
0x14b: {  	[tilespmem:s28+$0x17060] =	vst v1  }
0x14c: {  	s25 =	sadd.s32 $0x1, s25  }
0x14d: {  	p1 =	sne.s32 s25, $0x19  }
.Ltmp1:
0x14e: {  	[tilespmem:s28+$0x16EA0] =	vst v2;
	s26 =	sadd.s32 $0x14880, s26;
	(pc) =	sbr.rel @p1 .LBB2_3-.Ltmp1, $4  }
0x14f: {  	[spmem:s1] =	stream.indirect.scatter.add.f32 [tilespmem:s22], [sflag:$0x2], $0x80, s26, s21, $0xb8;
	[tilespmem:$0x19080] =	vst v63  }
0x150: {  	_ =	swait.ge [sflag:s18], $0x2800  }
0x151: {  	[sflag:s18] =	ssyncset.done $0x0  }
0x152: {  	[sflag:s18] =	ssyncadd.s32 $0xFFFFD800  }
0x153: {  	s24 =	sadd.s32 $0x1, s24  }
0x154: {  	p1 =	sne.s32 s24, $0x5  }
.Ltmp2:
0x155: {  	_ = 	snop;
	(pc) =	sbr.rel @p1 .LBB2_2-.Ltmp2, $1  }
0x156: {  	_ =	sdelay $0x3  }
0x157: {  	[bflag:$0x0] =	sbarrier.arrive $0xFFFF;
	s24 =	simm.s32 @p0 $0x1FC2  }
0x158: {  	[hbm:s12], [sflag:s24] =	dma.local @p0 [spmem:s14], $0x2080  }
0x159: {  	s24 =	simm.s32 @p0 $0x2  }
0x15a: {  	s3 =	sadd.s32 $0x1, s3;
	_ =	swait.ge @p0 [sflag:s24], $0x2080  }
0x15b: {  	p1 =	sne.s32 s3, s13;
	[sflag:s24] =	ssyncset.done @p0 $0x0  }
.Ltmp3:
0x15c: {  	[sflag:s24] =	ssyncadd.s32 @p0 $0xFFFFDF80;
	s24 =	simm.s32 @!p0 $0x2;
	(pc) =	sbr.rel @p1 .LBB2_1-.Ltmp3, $4  }
0x15d: {  	[hbm:s11], [sflag:s15] =	dma.local @!p0 [spmem:s16], $0x2780  }
0x15e: {  	_ =	swait.ge @!p0 [sflag:s24], $0x2780  }
0x15f: {  	[sflag:s24] =	ssyncset.done @!p0 $0x0  }
0x160: {  	[sflag:s24] =	ssyncadd.s32 @!p0 $0xFFFFD880  }
0x161: {  	_ =	sfence.sel $0x180000  }
0x162: {  	[bflag:$0x0] =	sbarrier.arrive $0xFFFF  }
0x163: {  	p0 =	sne.s32 s2, $0x0;
	_ =	strace $0x9000004A  }
0x164: {  	s0 =	sadd.s32 @!p0 $0x100000, s0;
	[bflag:$0x2] =	sbarrier.arrive $0xFFFF  }
0x165: {  	[sflag:s0] =	ssyncadd.tile.s32 @!p0 $0x1;
	_ =	shalt  }
.Lfunc_end2:
_tile_overlayer_lowered:
.L_overlay_start_2:
0x166: {  	(tag) =	ssettag $0x2  }
0x167: {  	s0 =	rddreg [dreg:$0x0];
	s2 =	stileid.u32  }
0x168: {  	s1 =	rddreg [dreg:$0x1];
	p0 =	sne.s32 s2, $0x0  }
0x169: {  	s3 =	rddreg [dreg:$0x2];
	[bflag:$0x3] =	sbarrier.arrive $0xFFFF;
	s2 =	simm.s32 @!p0 $0x1C02  }
0x16a: {  	[timem:s3], [sflag:s2] =	dma.local @!p0 [hbm:s0], s1  }
0x16b: {  	s0 =	simm.s32 @!p0 $0x2  }
0x16c: {  	_ =	swait.ge @!p0 [sflag:s0], s1  }
0x16d: {  	s1 =	ssub.s32 @!p0 $0x0, s1;
	[sflag:s0] =	ssyncset.done @!p0 $0x0  }
0x16e: {  	[sflag:s0] =	ssyncadd.s32 @!p0 s1  }
0x16f: {  	[bflag:$0x3] =	sbarrier.arrive $0xFFFF  }
0x170: {  	_ =	shalt  }

// kernel: kernel.16.cloned.1.call-start
scs
__scs_entry_jumppad:
0x0: {  	(pc) =	sbr.rel $0x88, $3  }
0x1: {  	(tag) =	ssettag $0x0;
	lr =	simm.s32 $0x1  }
0x2: {  	[smem:$0x3F99] =	sst lr;
	_ =	strace $0xD0000000  }
0x3: {  	_ = 	snop  }
0x4: {  	_ = 	snop  }
0x5: {  	_ = 	snop  }
0x6: {  	_ = 	snop  }
0x7: {  	_ = 	snop  }
__scs_overlays_trampoline_lowered:
0x8: {  	[smem:$0x3FA8] =	sst s0  }
0x9: {  	[smem:$0x3FA9] =	sst s1  }
0xa: {  	[smem:$0x3FAA] =	sst s2  }
0xb: {  	[smem:$0x3FAB] =	sst s3  }
0xc: {  	[smem:$0x3FAC] =	sst s4  }
0xd: {  	[smem:$0x3FAD] =	sst s5  }
0xe: {  	[smem:$0x3FAE] =	sst s6  }
0xf: {  	[smem:$0x3FAF] =	sst s7  }
0x10: {  	[smem:$0x3FB0] =	sst s8  }
0x11: {  	[smem:$0x3FB1] =	sst s9;
	s0 =	simm.s32 @!p0 $0x0  }
0x12: {  	s1 =	sld [smem:$0x3F97];
	s0 =	simm.s32 @p0 $0x1  }
0x13: {  	[smem:$0x3FB2] =	sst s0;
	s0 =	simm.s32 @!p1 $0x0  }
0x14: {  	s2 =	sld [smem:$0x3F96];
	s0 =	simm.s32 @p1 $0x1  }
0x15: {  	[smem:$0x3FB3] =	sst s0;
	s0 =	simm.s32 @!p2 $0x0  }
0x16: {  	s3 =	sld [smem:$0x3FDB];
	s0 =	simm.s32 @p2 $0x1  }
0x17: {  	s4 =	simm.s32 $0x1BF5;
	[smem:$0x3FB5] =	sst s0  }
0x18: {  	s0 =	sld [smem:$0x3F98];
	_ =	swait.ge [sflag:s4], $0x0  }
0x19: {  	s7 =	sld [smem:$0x3F99]  }
0x1a: {  	s8 =	sadd.s32 $0xFFFFE003, lr  }
0x1b: {  	s9 =	sadd.s32 $0xFFFFFEF7, lr;
	s5 =	simm.s32 $0xFFFFFFFF;
	p2 =	slt.u32 s8, $0xFFFFF086  }
0x1c: {  	p1 =	slt.u32 s9, $0xF7A;
	s5 =	simm.s32 @!p2 $0x0  }
0x1d: {  	s5 =	simm.s32 @p1 $0x1;
	p0 =	seq.s32 s7, s2  }
0x1e: {  	s7 =	smul.u32 @!p0 $0xF7A, s2;
	p2 =	seq.s32 @!p0 s5, $0x0  }
0x1f: {  	s9 =	smul.u32 $0xF7A, s1;
	s8 =	simm.s32 @!p0 $0x1BF5;
	p2 =	por !p2, p0  }
0x20: {  	[sflag:s8] =	ssyncset.s32 @!p0 $0xFFFFF086;
	s6 =	sadd.s32 @!p0 s3, s7;
	s7 =	simm.s32 @!p0 $0x108  }
0x21: {  	s3 =	sadd.s32 s3, s9;
	s6 =	sadd.s32 @!p0 $0x88, s6;
	s7 =	simm.s32 @p2 $0x1082  }
0x22: {  	[simem:s7], [sflag:s8] =	dma.local @!p0 [hbm:s6], $0xF7A  }
0x23: {  	s9 =	sor.u32 $0xD0000000, s2;
	s6 =	simm.s32 $0x108;
	_ =	swait.ge @!p0 [sflag:s8], $0x0  }
0x24: {  	s3 =	sadd.s32 $0x88, s3;
	s6 =	simm.s32 @!p1 $0x1082;
	[sflag:s4] =	ssyncset.s32 $0xFFFFF086  }
0x25: {  	[simem:s6], [sflag:s4] =	dma.local [hbm:s3], $0xF7A  }
0x26: {  	[smem:$0x3F99] =	sst s1;
	(tag) =	ssettag s2;
	_ =	strace s9  }
0x27: {  	s1 =	sld [smem:$0x3FA9]  }
0x28: {  	s2 =	sld [smem:$0x3FAA]  }
0x29: {  	s4 =	sld [smem:$0x3FAC]  }
0x2a: {  	p0 =	seq.s32 s5, $0x0;
	s5 =	sld [smem:$0x3FAD]  }
0x2b: {  	s6 =	sld [smem:$0x3FAE]  }
0x2c: {  	s7 =	sld [smem:$0x3FAF]  }
0x2d: {  	s3 =	simm.s32 $0x108;
	s8 =	sld [smem:$0x3FB0]  }
0x2e: {  	s3 =	simm.s32 @!p0 $0x1082;
	s9 =	sld [smem:$0x3FB1]  }
0x2f: {  	lr =	sadd.s32 s0, s3;
	s0 =	sld [smem:$0x3FA8]  }
0x30: {  	s3 =	sld [smem:$0x3FAB]  }
0x31: {  	[smem:$0x3FB4] =	sst s10  }
0x32: {  	s10 =	sld [smem:$0x3FB2];
	_ =	sdelay $0x3  }
0x33: {  	p0 =	seq.s32 s10, $0x1;
	s10 =	sld [smem:$0x3FB4];
	_ =	sdelay $0x3  }
0x34: {  	[smem:$0x3FB4] =	sst s10  }
0x35: {  	s10 =	sld [smem:$0x3FB3];
	_ =	sdelay $0x3  }
0x36: {  	p1 =	seq.s32 s10, $0x1;
	s10 =	sld [smem:$0x3FB4];
	_ =	sdelay $0x3  }
0x37: {  	[smem:$0x3FB4] =	sst s10  }
0x38: {  	s10 =	sld [smem:$0x3FB5]  }
0x39: {  	_ = 	snop;
	(pc) =	sbr.ind lr, $3  }
0x3a: {  	_ = 	snop  }
0x3b: {  	_ = 	snop  }
0x3c: {  	p2 =	seq.s32 s10, $0x1;
	s10 =	sld [smem:$0x3FB4]  }
0x3d: {  	_ =	shalt  }
0x3e: {  	_ =	shalt  }
0x3f: {  	_ =	shalt  }
0x40: {  	_ =	shalt  }
0x41: {  	_ =	shalt  }
0x42: {  	_ =	shalt  }
0x43: {  	_ =	shalt  }
0x44: {  	_ =	shalt  }
0x45: {  	_ =	shalt  }
0x46: {  	_ =	shalt  }
0x47: {  	_ =	shalt  }
0x48: {  	_ =	shalt  }
0x49: {  	_ =	shalt  }
0x4a: {  	_ =	shalt  }
0x4b: {  	_ =	shalt  }
0x4c: {  	_ =	shalt  }
0x4d: {  	_ =	shalt  }
0x4e: {  	_ =	shalt  }
0x4f: {  	_ =	shalt  }
0x50: {  	_ =	shalt  }
0x51: {  	_ =	shalt  }
0x52: {  	_ =	shalt  }
0x53: {  	_ =	shalt  }
0x54: {  	_ =	shalt  }
0x55: {  	_ =	shalt  }
0x56: {  	_ =	shalt  }
0x57: {  	_ =	shalt  }
0x58: {  	_ =	shalt  }
0x59: {  	_ =	shalt  }
0x5a: {  	_ =	shalt  }
0x5b: {  	_ =	shalt  }
0x5c: {  	_ =	shalt  }
0x5d: {  	_ =	shalt  }
0x5e: {  	_ =	shalt  }
0x5f: {  	_ =	shalt  }
0x60: {  	_ =	shalt  }
0x61: {  	_ =	shalt  }
0x62: {  	_ =	shalt  }
0x63: {  	_ =	shalt  }
0x64: {  	_ =	shalt  }
0x65: {  	_ =	shalt  }
0x66: {  	_ =	shalt  }
0x67: {  	_ =	shalt  }
0x68: {  	_ =	shalt  }
0x69: {  	_ =	shalt  }
0x6a: {  	_ =	shalt  }
0x6b: {  	_ =	shalt  }
0x6c: {  	_ =	shalt  }
0x6d: {  	_ =	shalt  }
0x6e: {  	_ =	shalt  }
0x6f: {  	_ =	shalt  }
0x70: {  	_ =	shalt  }
0x71: {  	_ =	shalt  }
0x72: {  	_ =	shalt  }
0x73: {  	_ =	shalt  }
0x74: {  	_ =	shalt  }
0x75: {  	_ =	shalt  }
0x76: {  	_ =	shalt  }
0x77: {  	_ =	shalt  }
0x78: {  	_ =	shalt  }
0x79: {  	_ =	shalt  }
0x7a: {  	_ =	shalt  }
0x7b: {  	_ =	shalt  }
0x7c: {  	_ =	shalt  }
0x7d: {  	_ =	shalt  }
0x7e: {  	_ =	shalt  }
0x7f: {  	_ =	shalt  }
0x80: {  	_ =	shalt  }
0x81: {  	_ =	shalt  }
0x82: {  	_ =	shalt  }
0x83: {  	_ =	shalt  }
0x84: {  	_ =	shalt  }
0x85: {  	_ =	shalt  }
0x86: {  	_ =	shalt  }
0x87: {  	_ =	shalt  }
.Lfunc_end0:
.L_simem_size_0:
called_computation.2_lowered:
.L_overlay_start_0:
0x88: {  	s2 =	sld [smem:$0x3FD9]  }
0x89: {  	s3 =	sld [smem:$0x3FFE];
	_ =	sdelay $0x1  }
0x8a: {  	s1 =	srdreg.scid  }
0x8b: {  	s0 =	sand.u32 $0x1, s1  }
0x8c: {  	s16 =	sshll.u32 s0, $0xA;
	s2 =	sadd.s32 s3, s2  }
0x8d: {  	s2 =	sadd.s32 s2, s16  }
0x8e: {  	[smem:$0x3FC0] =	sst s2  }
0x8f: {  	_ = 	snop  }
0x90: {  	(tm) =	ssettm $0x1  }
0x91: {  	s17 =	sld [smem:$0x3FFB];
	_ =	sdelay $0x3  }
0x92: {  	_ =	strace s17  }
0x93: {  	s2 =	sld [smem:$0x3FFC];
	_ =	sdelay $0x3  }
0x94: {  	_ =	strace s2  }
0x95: {  	s2 =	sld [smem:$0x3FFD];
	_ =	sdelay $0x3  }
0x96: {  	_ =	strace s2  }
0x97: {  	_ =	strace $0x8FFFFFFF  }
0x98: {  	s18 =	sld [smem:$0x3FDB];
	_ =	sdelay $0x1  }
0x99: {  	s19 =	simm.s32 $_scs_section_size  }
0x9a: {  	s4 =	simm.s32 $_size__tile_overlayer_lowered;
	s5 =	simm.s32 $_tile_overlayer_lowered  }
0x9b: {  	s22 =	simm.s32 $0x1BFF;
	s21 =	sshll.u32 s5, $0x1;
	s2 =	sadd.s32 s19, s18  }
0x9c: {  	s6 =	simm.s32 $0x0;
	s20 =	sshll.u32 s4, $0x1;
	s4 =	sadd.s32 s21, s2  }
0x9d: {  	[timem:s6], [sflag:s22] =	dma.local [hbm:s4], s20  }
0x9e: {  	_ =	swait.ge [sflag:s22], s20  }
0x9f: {  	s3 =	ssub.s32 $0x0, s20;
	[sflag:s22] =	ssyncset.done $0x0  }
0xa0: {  	[sflag:s22] =	ssyncadd.s32 s3;
	_ =	sdelay $0x1  }
0xa1: {  	s23 =	simm.s32 $0x1B8B  }
0xa2: {  	_ =	swait.ge [sflag:s23], $0x1  }
0xa3: {  	[sflag:s23] =	ssyncset.done $0x0  }
0xa4: {  	s25 =	simm.s32 $0x1B8E;
	s24 =	sld [smem:$0x3FFE];
	[sflag:s23] =	ssyncadd.s32 $0xFFFFFFFF  }
0xa5: {  	s26 =	simm.s32 $execute0_lowered;
	[smem:$0x3FD2] =	sst s25  }
0xa6: {  	s4 =	sshll.u32 s26, $0x1;
	_ =	strace $0x8000004C;
	[dreg:$0x1] =	wrdreg $0xFFFFFFFF  }
0xa7: {  	s28 =	simm.s32 $_size_execute0_lowered;
	s2 =	sadd.s32 s2, s4;
	[dreg:$0x0] =	wrdreg $0x0  }
0xa8: {  	s4 =	sshll.u32 s28, $0x1;
	[dreg:$0x2] =	wrdreg s2  }
0xa9: {  	[dreg:$0x3] =	wrdreg s4  }
0xaa: {  	[dreg:$0x4] =	wrdreg $0xC0  }
0xab: {  	_ =	task [dreg:s6], $0x5FFFF  }
0xac: {  	[dreg:$0x1] =	wrdreg $0xFFFFFFFF  }
0xad: {  	[dreg:$0x0] =	wrdreg $0x60  }
0xae: {  	[dreg:$0x2] =	wrdreg s24  }
0xaf: {  	[dreg:$0x3] =	wrdreg $0x0  }
0xb0: {  	[dreg:$0x4] =	wrdreg $0x9  }
0xb1: {  	_ =	task.clear_ibuf [dreg:s6], $0x5FFFF;
	_ =	strace $0x9000004C  }
0xb2: {  	s29 =	simm.s32 $0x9;
	_ =	strace $0x8000004E  }
0xb3: {  	_ =	swait.ge [sflag:s29], $0x1  }
0xb4: {  	[sflag:s29] =	ssyncadd.s32 $0xFFFFFFFF  }
0xb5: {  	_ =	strace $0x9000004E  }
0xb6: {  	_ =	sfence  }
0xb7: {  	s30 =	sld [smem:$0x0];
	_ =	sdelay $0x2  }
0xb8: {  	s31 =	sshll.u32 s1, $0xD;
	s1 =	sshrl.u32 s1, $0x2  }
0xb9: {  	s3 =	sand.u32 $0x4000, s31;
	s1 =	sadd.s32 s1, s30  }
0xba: {  	s0 =	sor.u32 s3, s0;
	s1 =	sshll.u32 s1, $0x11  }
0xbb: {  	s0 =	sor.u32 s1, s0  }
0xbc: {  	s0 =	sadd.s32 $0x8F2B, s0  }
0xbd: {  	[sflag:s0] =	ssyncadd.remote.s32 $0x1  }
0xbe: {  	_ =	sfence.sel $0xFFFF  }
0xbf: {  	[dreg:$0x0] =	wrdreg $0xFFFFFFFF;
	(pc) =	sbr.abs _section_cstart, $3  }
0xc0: {  	[dreg:$0x1] =	wrdreg $0xFFFFFFFF  }
0xc1: {  	_ =	task.clear_ibuf [dreg:s6], $0x2FFFF;
	_ =	strace $0x9FFFFFFF  }
0xc2: {  	(tm) =	ssettm $0x7FFFFFFF  }
0xc3: {  	_ =	shalt  }
tec
execute0_lowered:
.L_overlay_start_1:
0x0: {  	(tag) =	ssettag $0x1  }
0x1: {  	s9 =	rddreg [dreg:$0x0]  }
0x2: {  	s1 =	rddreg [dreg:$0x1]  }
0x3: {  	s0 =	rddreg [dreg:$0x2];
	s3 =	simm.s32 $0x0  }
0x4: {  	s2 =	stileid.u32;
	s7 =	srdreg.scid;
	s18 =	simm.s32 $0x2  }
0x5: {  	s19 =	simm.s32 $0x14880;
	s20 =	simm.s32 $0x15880;
	s21 =	simm.s32 $0x50  }
0x6: {  	s22 =	simm.s32 $0x16880;
	s23 =	simm.s32 $0x1;
	[smem:$0x7FF] =	sst s3  }
0x7: {  	s4 =	sadd.s32 $0x52E00, s9;
	s8 =	smul.u32 $0x2780, s2;
	s5 =	sadd.s32 $0x3EE00, s9  }
0x8: {  	s6 =	sadd.s32 $0x16E00, s9;
	s10 =	sand.u32 $0x1, s7;
	s14 =	smul.u32 $0x4F000, s2  }
0x9: {  	s7 =	sadd.s32 $0x2AE00, s9;
	s12 =	sadd.s32 $0xA1200, s9;
	s15 =	smul.u32 $0x13C00, s2  }
0xa: {  	p0 =	seq.s32 s2, $0xF;
	_ =	strace $0x8000004D;
	s11 =	ssub.s32 $0x2, s10  }
0xb: {  	s29 =	sshll.u32 s10, $0x4;
	s10 =	smul.u32 $0x138800, s10;
	s8 =	sadd.s32 s8, s9  }
0xc: {  	s13 =	sshrl.u32 s11, $0x1;
	s14 =	sshrl.u32 s14, $0x2;
	s9 =	sadd.s32 $0x9F080, s9  }
0xd: {  	s13 =	ssub.s32 s11, s13;
	s11 =	sor.u32 s2, s29;
	s16 =	sadd.s32 s14, s1  }
0xe: {  	s8 =	sadd.s32 $0x7A000, s8;
	s14 =	sadd.s32 $0x128400, s1;
	s15 =	sadd.s32 s15, s10  }
0xf: {  	s17 =	sshrl.u32 s10, $0x3;
	s10 =	smul.u32 $0x5000, s11;
	s30 =	sshrl.u32 s15, $0x3  }
0x10: {  	s31 =	sadd.s32 s12, s17;
	s13 =	smax.u32 s13, $0x1;
	s14 =	sshrl.u32 @p0 s14, $0x3  }
0x11: {  	s15 =	sshll.u32 @!p0 s2, $0x6;
	s16 =	sshrl.u32 @!p0 s16, $0x3;
	s17 =	simm.s32 $0x13880  }
0x12: {  	s11 =	sadd.s32 s12, s30;
	s12 =	sadd.s32 $0x25080, s31;
	s15 =	sor.u32 @!p0 $0x1C02, s15  }
.LBB2_1:
0x13: {  	s24 =	simm.s32 @p0 $0x1FC2  }
0x14: {  	[spmem:s14], [sflag:s24] =	dma.local @p0 [hbm:s9], $0x2080  }
0x15: {  	s24 =	simm.s32 @p0 $0x2  }
0x16: {  	_ =	swait.ge @p0 [sflag:s24], $0x2080  }
0x17: {  	[sflag:s24] =	ssyncset.done @p0 $0x0  }
0x18: {  	[sflag:s24] =	ssyncadd.s32 @p0 $0xFFFFDF80;
	s24 =	simm.s32 @!p0 $0x2  }
0x19: {  	[spmem:s16], [sflag:s15] =	dma.local @!p0 [hbm:s8], $0x2780  }
0x1a: {  	_ =	swait.ge @!p0 [sflag:s24], $0x2780  }
0x1b: {  	[sflag:s24] =	ssyncset.done @!p0 $0x0  }
0x1c: {  	[sflag:s24] =	ssyncadd.s32 @!p0 $0xFFFFD880  }
0x1d: {  	s24 =	simm.s32 $0x0;
	[bflag:$0x0] =	sbarrier.arrive $0xFFFF  }
.LBB2_2:
0x1e: {  	s25 =	sshll.u32 s24, $0xC  }
0x1f: {  	s25 =	sadd.s32 s10, s25  }
0x20: {  	s26 =	sshrl.u32 s25, $0x3  }
0x21: {  	s25 =	simm.s32 $0x0;
	s28 =	sadd.s32 s5, s26  }
0x22: {  	[tilespmem:s17], [sflag:$0x2] =	stream.linear.gather [hbm4b:s28+s25], $0xC80, $0x38;
	[tilespmem:$0x19080] =	vst v63  }
0x23: {  	_ =	swait.ge [sflag:s18], $0xC80  }
0x24: {  	[sflag:s18] =	ssyncset.done $0x0  }
0x25: {  	s31 =	sadd.s32 s6, s26;
	[sflag:s18] =	ssyncadd.s32 $0xFFFFF380  }
0x26: {  	[tilespmem:s19], [sflag:$0x2] =	stream.linear.gather [hbm4b:s31+s25], $0xC80, $0x38;
	[tilespmem:$0x19080] =	vst v63  }
0x27: {  	_ =	swait.ge [sflag:s18], $0xC80  }
0x28: {  	[sflag:s18] =	ssyncset.done $0x0  }
0x29: {  	s26 =	sadd.s32 s7, s26;
	[sflag:s18] =	ssyncadd.s32 $0xFFFFF380  }
0x2a: {  	[tilespmem:s20], [sflag:$0x2] =	stream.linear.gather [hbm4b:s26+s25], $0xC80, $0x38;
	[tilespmem:$0x19080] =	vst v63  }
0x2b: {  	_ =	swait.ge [sflag:s18], $0xC80  }
0x2c: {  	[sflag:s18] =	ssyncset.done $0x0  }
0x2d: {  	[sflag:s18] =	ssyncadd.s32 $0xFFFFF380  }
.LBB2_3:
0x2e: {  	s26 =	sshll.u32 s25, $0x7  }
0x2f: {  	s28 =	sadd.s32 $0x15880, s26  }
0x30: {  	s29 =	sadd.s32 $0x13880, s26;
	v0 =	vmov s28  }
0x31: {  	[tilespmem:s22], [sflag:$0x1] =	stream.indirect.gather [hbm4b:s4+s21], $0x80, s29, s21, $0xb8;
	[tilespmem:$0x19080] =	vst v63  }
0x32: {  	_ =	swait.ge [sflag:s23], $0x2800  }
0x33: {  	s28 =	simm.s32 $0x0;
	[sflag:s23] =	ssyncset.done $0x0  }
0x34: {  	s28 =	sand.u32 $0x3FFFFFF0, s28;
	[sflag:s23] =	ssyncadd.s32 $0xFFFFD800  }
0x35: {  	s29 =	simm.s32 $0x0;
	v1 =	vld.idx.msk [tilespmem:v0+s28+$0x0 ss:$0x1], $0xffff  }
0x36: {  	s28 =	sand.u32 $0x3FFFF800, s29  }
0x37: {  	v3 =	vld [tilespmem:s28+$0x168A0]  }
0x38: {  	v4 =	vld [tilespmem:s28+$0x168B0]  }
0x39: {  	v10 =	vld [tilespmem:s28+$0x168E0]  }
0x3a: {  	v11 =	vld [tilespmem:s28+$0x168F0];
	v2 =	vbroadcast v1, $0x0  }
0x3b: {  	v12 =	vld [tilespmem:s28+$0x16900]  }
0x3c: {  	v13 =	vld [tilespmem:s28+$0x16910];
	v3 =	vmul.f32 v3, v2  }
0x3d: {  	v14 =	vld [tilespmem:s28+$0x16920];
	v4 =	vmul.f32 v4, v2  }
0x3e: {  	v9 =	vld [tilespmem:s28+$0x16930];
	v23 =	vbroadcast v1, $0x1;
	v22 =	vmul.f32 v10, v2;
	[tilespmem:s28+$0x168A0] =	vst v3  }
0x3f: {  	v7 =	vld [tilespmem:s28+$0x16940];
	v11 =	vmul.f32 v11, v2;
	[tilespmem:s28+$0x168B0] =	vst v4  }
0x40: {  	v8 =	vld [tilespmem:s28+$0x16950];
	v12 =	vmul.f32 v12, v23;
	[tilespmem:s28+$0x168E0] =	vst v22  }
0x41: {  	v25 =	vld [tilespmem:s28+$0x16970];
	v13 =	vmul.f32 v13, v23;
	[tilespmem:s28+$0x168F0] =	vst v11  }
0x42: {  	v26 =	vld [tilespmem:s28+$0x16980];
	v14 =	vmul.f32 v14, v23;
	[tilespmem:s28+$0x16900] =	vst v12  }
0x43: {  	v27 =	vld [tilespmem:s28+$0x16990];
	v9 =	vmul.f32 v9, v23;
	[tilespmem:s28+$0x16910] =	vst v13  }
0x44: {  	v6 =	vld [tilespmem:s28+$0x16DF0];
	v7 =	vmul.f32 v7, v23;
	[tilespmem:s28+$0x16920] =	vst v14  }
0x45: {  	v24 =	vld [tilespmem:s28+$0x16960];
	v15 =	vbroadcast v1, $0x2;
	v8 =	vmul.f32 v8, v23;
	[tilespmem:s28+$0x16930] =	vst v9  }
0x46: {  	v28 =	vld [tilespmem:s28+$0x169A0];
	v10 =	vmul.f32 v25, v23;
	[tilespmem:s28+$0x16940] =	vst v7  }
0x47: {  	v29 =	vld [tilespmem:s28+$0x169B0];
	v5 =	vbroadcast v1, $0xA;
	v32 =	vmul.f32 v26, v15;
	[tilespmem:s28+$0x16950] =	vst v8  }
0x48: {  	v30 =	vld [tilespmem:s28+$0x169C0];
	v34 =	vmul.f32 v27, v15;
	[tilespmem:s28+$0x16970] =	vst v10  }
0x49: {  	v33 =	vld [tilespmem:s28+$0x169E0];
	v3 =	vmul.f32 v6, v5;
	[tilespmem:s28+$0x16980] =	vst v32  }
0x4a: {  	v35 =	vld [tilespmem:s28+$0x169F0];
	v11 =	vmul.f32 v24, v23;
	[tilespmem:s28+$0x16990] =	vst v34  }
0x4b: {  	v36 =	vld [tilespmem:s28+$0x16A00];
	v9 =	vmul.f32 v28, v15;
	[tilespmem:s28+$0x16DF0] =	vst v3  }
0x4c: {  	v31 =	vld [tilespmem:s28+$0x169D0];
	v7 =	vmul.f32 v29, v15;
	[tilespmem:s28+$0x16960] =	vst v11  }
0x4d: {  	v37 =	vld [tilespmem:s28+$0x16A10];
	v8 =	vmul.f32 v30, v15;
	[tilespmem:s28+$0x169A0] =	vst v9  }
0x4e: {  	v38 =	vld [tilespmem:s28+$0x16A20];
	v41 =	vbroadcast v1, $0x3;
	v10 =	vmul.f32 v33, v15;
	[tilespmem:s28+$0x169B0] =	vst v7  }
0x4f: {  	v39 =	vld [tilespmem:s28+$0x16A30];
	v12 =	vmul.f32 v35, v15;
	[tilespmem:s28+$0x169C0] =	vst v8  }
0x50: {  	v42 =	vld [tilespmem:s28+$0x16A50];
	v13 =	vmul.f32 v36, v41;
	[tilespmem:s28+$0x169E0] =	vst v10  }
0x51: {  	v43 =	vld [tilespmem:s28+$0x16A60];
	v11 =	vmul.f32 v31, v15;
	[tilespmem:s28+$0x169F0] =	vst v12  }
0x52: {  	v44 =	vld [tilespmem:s28+$0x16A70];
	v9 =	vmul.f32 v37, v41;
	[tilespmem:s28+$0x16A00] =	vst v13  }
0x53: {  	v40 =	vld [tilespmem:s28+$0x16A40];
	v7 =	vmul.f32 v38, v41;
	[tilespmem:s28+$0x169D0] =	vst v11  }
0x54: {  	v45 =	vld [tilespmem:s28+$0x16A80];
	v8 =	vmul.f32 v39, v41;
	[tilespmem:s28+$0x16A10] =	vst v9  }
0x55: {  	v46 =	vld [tilespmem:s28+$0x16A90];
	v10 =	vmul.f32 v42, v41;
	[tilespmem:s28+$0x16A20] =	vst v7  }
0x56: {  	v47 =	vld [tilespmem:s28+$0x16AA0];
	v12 =	vmul.f32 v43, v41;
	[tilespmem:s28+$0x16A30] =	vst v8  }
0x57: {  	v49 =	vld [tilespmem:s28+$0x16AC0];
	v50 =	vbroadcast v1, $0x4;
	v13 =	vmul.f32 v44, v41;
	[tilespmem:s28+$0x16A50] =	vst v10  }
0x58: {  	v51 =	vld [tilespmem:s28+$0x16AD0];
	v11 =	vmul.f32 v40, v41;
	[tilespmem:s28+$0x16A60] =	vst v12  }
0x59: {  	v52 =	vld [tilespmem:s28+$0x16AE0];
	v9 =	vmul.f32 v45, v50;
	[tilespmem:s28+$0x16A70] =	vst v13  }
0x5a: {  	v48 =	vld [tilespmem:s28+$0x16AB0];
	v7 =	vmul.f32 v46, v50;
	[tilespmem:s28+$0x16A40] =	vst v11  }
0x5b: {  	v53 =	vld [tilespmem:s28+$0x16AF0];
	v8 =	vmul.f32 v47, v50;
	[tilespmem:s28+$0x16A80] =	vst v9  }
0x5c: {  	v54 =	vld [tilespmem:s28+$0x16B00];
	v10 =	vmul.f32 v49, v50;
	[tilespmem:s28+$0x16A90] =	vst v7  }
0x5d: {  	v55 =	vld [tilespmem:s28+$0x16B10];
	v12 =	vmul.f32 v51, v50;
	[tilespmem:s28+$0x16AA0] =	vst v8  }
0x5e: {  	v57 =	vld [tilespmem:s28+$0x16B30];
	v13 =	vmul.f32 v52, v50;
	[tilespmem:s28+$0x16AC0] =	vst v10  }
0x5f: {  	v58 =	vld [tilespmem:s28+$0x16B40];
	v59 =	vbroadcast v1, $0x5;
	v11 =	vmul.f32 v48, v50;
	[tilespmem:s28+$0x16AD0] =	vst v12  }
0x60: {  	v60 =	vld [tilespmem:s28+$0x16B50];
	v9 =	vmul.f32 v53, v50;
	[tilespmem:s28+$0x16AE0] =	vst v13  }
0x61: {  	v56 =	vld [tilespmem:s28+$0x16B20];
	v7 =	vmul.f32 v54, v59;
	[tilespmem:s28+$0x16AB0] =	vst v11  }
0x62: {  	v61 =	vld [tilespmem:s28+$0x16B60];
	v8 =	vmul.f32 v55, v59;
	[tilespmem:s28+$0x16AF0] =	vst v9  }
0x63: {  	v62 =	vld [tilespmem:s28+$0x16B70];
	v10 =	vmul.f32 v57, v59;
	[tilespmem:s28+$0x16B00] =	vst v7  }
0x64: {  	v63 =	vld [tilespmem:s28+$0x16B80];
	v12 =	vmul.f32 v58, v59;
	[tilespmem:s28+$0x16B10] =	vst v8  }
0x65: {  	v19 =	vld [tilespmem:s28+$0x16BA0];
	v13 =	vmul.f32 v60, v59;
	[tilespmem:s28+$0x16B30] =	vst v10  }
0x66: {  	v20 =	vld [tilespmem:s28+$0x16BB0];
	v11 =	vmul.f32 v56, v59;
	[tilespmem:s28+$0x16B40] =	vst v12  }
0x67: {  	v21 =	vld [tilespmem:s28+$0x16BC0];
	v22 =	vbroadcast v1, $0x6;
	v9 =	vmul.f32 v61, v59;
	[tilespmem:s28+$0x16B50] =	vst v13  }
0x68: {  	v18 =	vld [tilespmem:s28+$0x16B90];
	v7 =	vmul.f32 v62, v59;
	[tilespmem:s28+$0x16B20] =	vst v11  }
0x69: {  	v23 =	vld [tilespmem:s28+$0x16BD0];
	v8 =	vmul.f32 v63, v22;
	[tilespmem:s28+$0x16B60] =	vst v9  }
0x6a: {  	v24 =	vld [tilespmem:s28+$0x16BE0];
	v10 =	vmul.f32 v19, v22;
	[tilespmem:s28+$0x16B70] =	vst v7  }
0x6b: {  	v25 =	vld [tilespmem:s28+$0x16BF0];
	v12 =	vmul.f32 v20, v22;
	[tilespmem:s28+$0x16B80] =	vst v8  }
0x6c: {  	v27 =	vld [tilespmem:s28+$0x16C10];
	v13 =	vmul.f32 v21, v22;
	[tilespmem:s28+$0x16BA0] =	vst v10  }
0x6d: {  	v28 =	vld [tilespmem:s28+$0x16C20];
	v11 =	vmul.f32 v18, v22;
	[tilespmem:s28+$0x16BB0] =	vst v12  }
0x6e: {  	v29 =	vld [tilespmem:s28+$0x16C30];
	v9 =	vmul.f32 v23, v22;
	[tilespmem:s28+$0x16BC0] =	vst v13  }
0x6f: {  	v31 =	vbroadcast v1, $0x7;
	v53 =	vld [tilespmem:s28+$0x16D80];
	v7 =	vmul.f32 v24, v22;
	[tilespmem:s28+$0x16B90] =	vst v11  }
0x70: {  	v57 =	vld [tilespmem:s28+$0x16DC0];
	v8 =	vmul.f32 v25, v22;
	[tilespmem:s28+$0x16BD0] =	vst v9  }
0x71: {  	v58 =	vld [tilespmem:s28+$0x16DD0];
	v10 =	vmul.f32 v27, v31;
	[tilespmem:s28+$0x16BE0] =	vst v7  }
0x72: {  	v26 =	vld [tilespmem:s28+$0x16C00];
	v12 =	vmul.f32 v28, v31;
	[tilespmem:s28+$0x16BF0] =	vst v8  }
0x73: {  	v30 =	vld [tilespmem:s28+$0x16C40];
	v13 =	vmul.f32 v29, v31;
	[tilespmem:s28+$0x16C10] =	vst v10  }
0x74: {  	v32 =	vld [tilespmem:s28+$0x16C50];
	v59 =	vmul.f32 v53, v5;
	[tilespmem:s28+$0x16C20] =	vst v12  }
0x75: {  	v33 =	vld [tilespmem:s28+$0x16C60];
	v18 =	vmul.f32 v57, v5;
	[tilespmem:s28+$0x16C30] =	vst v13  }
0x76: {  	v35 =	vld [tilespmem:s28+$0x16C80];
	v20 =	vmul.f32 v58, v5;
	[tilespmem:s28+$0x16D80] =	vst v59  }
0x77: {  	v36 =	vld [tilespmem:s28+$0x16C90];
	v11 =	vmul.f32 v26, v31;
	[tilespmem:s28+$0x16DC0] =	vst v18  }
0x78: {  	v37 =	vld [tilespmem:s28+$0x16CA0];
	v9 =	vmul.f32 v30, v31;
	[tilespmem:s28+$0x16DD0] =	vst v20  }
0x79: {  	v4 =	vld [tilespmem:s28+$0x16E00];
	v40 =	vbroadcast v1, $0x8;
	v7 =	vmul.f32 v32, v31;
	[tilespmem:s28+$0x16C00] =	vst v11  }
0x7a: {  	v6 =	vld [tilespmem:s28+$0x16E10];
	v8 =	vmul.f32 v33, v31;
	[tilespmem:s28+$0x16C40] =	vst v9  }
0x7b: {  	v3 =	vld [tilespmem:s28+$0x17050];
	v10 =	vmul.f32 v35, v40;
	[tilespmem:s28+$0x16C50] =	vst v7  }
0x7c: {  	v61 =	vld [tilespmem:s28+$0x16880];
	v23 =	vbroadcast v1, $0xB;
	v12 =	vmul.f32 v36, v40;
	[tilespmem:s28+$0x16C60] =	vst v8  }
0x7d: {  	v34 =	vld [tilespmem:s28+$0x16C70];
	v13 =	vmul.f32 v37, v40;
	[tilespmem:s28+$0x16C80] =	vst v10  }
0x7e: {  	v38 =	vld [tilespmem:s28+$0x16CB0];
	v27 =	vbroadcast v1, $0xF;
	v4 =	vmul.f32 v4, v23;
	[tilespmem:s28+$0x16C90] =	vst v12  }
0x7f: {  	v39 =	vld [tilespmem:s28+$0x16CC0];
	v6 =	vmul.f32 v6, v23;
	[tilespmem:s28+$0x16CA0] =	vst v13  }
0x80: {  	v41 =	vld [tilespmem:s28+$0x16CD0];
	v3 =	vmul.f32 v3, v27;
	[tilespmem:s28+$0x16E00] =	vst v4  }
0x81: {  	v43 =	vld [tilespmem:s28+$0x16CF0];
	v24 =	vmul.f32 v2, v61;
	[tilespmem:s28+$0x16E10] =	vst v6  }
0x82: {  	v44 =	vld [tilespmem:s28+$0x16D00];
	v11 =	vmul.f32 v34, v31;
	[tilespmem:s28+$0x17050] =	vst v3  }
0x83: {  	v45 =	vld [tilespmem:s28+$0x16D10];
	v9 =	vmul.f32 v38, v40;
	[tilespmem:s28+$0x16880] =	vst v24  }
0x84: {  	v63 =	vld [tilespmem:s28+$0x168C0];
	v7 =	vmul.f32 v39, v40;
	[tilespmem:s28+$0x16C70] =	vst v11  }
0x85: {  	v49 =	vbroadcast v1, $0x9;
	v29 =	vld [tilespmem:s28+$0x16E70];
	v8 =	vmul.f32 v41, v40;
	[tilespmem:s28+$0x16CB0] =	vst v9  }
0x86: {  	v42 =	vld [tilespmem:s28+$0x16CE0];
	v10 =	vmul.f32 v43, v40;
	[tilespmem:s28+$0x16CC0] =	vst v7  }
0x87: {  	v46 =	vld [tilespmem:s28+$0x16D20];
	v12 =	vmul.f32 v44, v49;
	[tilespmem:s28+$0x16CD0] =	vst v8  }
0x88: {  	v47 =	vld [tilespmem:s28+$0x16D30];
	v13 =	vmul.f32 v45, v49;
	[tilespmem:s28+$0x16CF0] =	vst v10  }
0x89: {  	v48 =	vld [tilespmem:s28+$0x16D40];
	v3 =	vmul.f32 v63, v2;
	[tilespmem:s28+$0x16D00] =	vst v12  }
0x8a: {  	v51 =	vld [tilespmem:s28+$0x16D60];
	v6 =	vmul.f32 v29, v23;
	[tilespmem:s28+$0x16D10] =	vst v13  }
0x8b: {  	v52 =	vld [tilespmem:s28+$0x16D70];
	v11 =	vmul.f32 v42, v40;
	[tilespmem:s28+$0x168C0] =	vst v3  }
0x8c: {  	v28 =	vld [tilespmem:s28+$0x16E60];
	v9 =	vmul.f32 v46, v49;
	[tilespmem:s28+$0x16E70] =	vst v6  }
0x8d: {  	v26 =	vld [tilespmem:s28+$0x16E50];
	v7 =	vmul.f32 v47, v49;
	[tilespmem:s28+$0x16CE0] =	vst v11  }
0x8e: {  	v30 =	vld [tilespmem:s28+$0x16E80];
	v8 =	vmul.f32 v48, v49;
	[tilespmem:s28+$0x16D20] =	vst v9  }
0x8f: {  	v50 =	vld [tilespmem:s28+$0x16D50];
	v10 =	vmul.f32 v51, v49;
	[tilespmem:s28+$0x16D30] =	vst v7  }
0x90: {  	v54 =	vld [tilespmem:s28+$0x16D90];
	v12 =	vmul.f32 v52, v49;
	[tilespmem:s28+$0x16D40] =	vst v8  }
0x91: {  	v55 =	vld [tilespmem:s28+$0x16DA0];
	v35 =	vbroadcast v1, $0xC;
	v40 =	vmul.f32 v28, v23;
	[tilespmem:s28+$0x16D60] =	vst v10  }
0x92: {  	v56 =	vld [tilespmem:s28+$0x16DB0];
	v32 =	vmul.f32 v26, v23;
	[tilespmem:s28+$0x16D70] =	vst v12  }
0x93: {  	v60 =	vld [tilespmem:s28+$0x16DE0];
	v15 =	vmul.f32 v30, v35;
	[tilespmem:s28+$0x16E60] =	vst v40  }
0x94: {  	v62 =	vld [tilespmem:s28+$0x16890];
	v11 =	vmul.f32 v50, v49;
	[tilespmem:s28+$0x16E50] =	vst v32  }
0x95: {  	v19 =	vld [tilespmem:s28+$0x168D0];
	v9 =	vmul.f32 v54, v5;
	[tilespmem:s28+$0x16E80] =	vst v15  }
0x96: {  	v33 =	vld [tilespmem:s28+$0x16EB0];
	v7 =	vmul.f32 v55, v5;
	[tilespmem:s28+$0x16D50] =	vst v11  }
0x97: {  	v61 =	vld [tilespmem:s28+$0x17070];
	v8 =	vmul.f32 v56, v5;
	[tilespmem:s28+$0x16D90] =	vst v9  }
0x98: {  	v38 =	vld [tilespmem:s28+$0x16EF0];
	v5 =	vmul.f32 v60, v5;
	[tilespmem:s28+$0x16DA0] =	vst v7  }
0x99: {  	v21 =	vld [tilespmem:s28+$0x16E20];
	v12 =	vmul.f32 v62, v2;
	[tilespmem:s28+$0x16DB0] =	vst v8  }
0x9a: {  	v22 =	vld [tilespmem:s28+$0x16E30];
	v2 =	vmul.f32 v19, v2;
	[tilespmem:s28+$0x16DE0] =	vst v5  }
0x9b: {  	v25 =	vld [tilespmem:s28+$0x16E40];
	v62 =	vmul.f32 v33, v35;
	[tilespmem:s28+$0x16890] =	vst v12  }
0x9c: {  	v31 =	vld [tilespmem:s28+$0x16E90];
	v63 =	vmul.f32 v61, v27;
	[tilespmem:s28+$0x168D0] =	vst v2  }
0x9d: {  	v34 =	vld [tilespmem:s28+$0x16EC0];
	v15 =	vmul.f32 v38, v35;
	[tilespmem:s28+$0x16EB0] =	vst v62  }
0x9e: {  	v41 =	vld [tilespmem:s28+$0x16F20];
	v7 =	vmul.f32 v21, v23;
	[tilespmem:s28+$0x17070] =	vst v63  }
0x9f: {  	v46 =	vld [tilespmem:s28+$0x16F60];
	v8 =	vmul.f32 v22, v23;
	[tilespmem:s28+$0x16EF0] =	vst v15  }
0xa0: {  	v36 =	vld [tilespmem:s28+$0x16ED0];
	v5 =	vmul.f32 v25, v23;
	[tilespmem:s28+$0x16E20] =	vst v7  }
0xa1: {  	v44 =	vbroadcast v1, $0xD;
	v9 =	vmul.f32 v31, v35;
	v2 =	vld [tilespmem:s28+$0x16F10];
	[tilespmem:s28+$0x16E30] =	vst v8  }
0xa2: {  	v37 =	vld [tilespmem:s28+$0x16EE0];
	v12 =	vmul.f32 v34, v35;
	[tilespmem:s28+$0x16E40] =	vst v5  }
0xa3: {  	v39 =	vld [tilespmem:s28+$0x16F00];
	v11 =	vmul.f32 v41, v44;
	[tilespmem:s28+$0x16E90] =	vst v9  }
0xa4: {  	v42 =	vld [tilespmem:s28+$0x16F30];
	v51 =	vmul.f32 v46, v44;
	[tilespmem:s28+$0x16EC0] =	vst v12  }
0xa5: {  	v48 =	vld [tilespmem:s28+$0x16F90];
	v8 =	vmul.f32 v36, v35;
	[tilespmem:s28+$0x16F20] =	vst v11  }
0xa6: {  	v49 =	vld [tilespmem:s28+$0x16FA0];
	[tilespmem:s28+$0x16F60] =	vst v51;
	v2 =	vmul.f32 v2, v44  }
0xa7: {  	v50 =	vld [tilespmem:s28+$0x16FB0];
	v5 =	vmul.f32 v37, v35;
	[tilespmem:s28+$0x16ED0] =	vst v8  }
0xa8: {  	v1 =	vbroadcast v1, $0xE;
	v9 =	vmul.f32 v39, v44;
	[tilespmem:s28+$0x16F10] =	vst v2;
	v2 =	vld [tilespmem:s28+$0x16F80]  }
0xa9: {  	v60 =	vld [tilespmem:s28+$0x17060];
	v12 =	vmul.f32 v42, v44;
	[tilespmem:s28+$0x16EE0] =	vst v5  }
0xaa: {  	v45 =	vld [tilespmem:s28+$0x16F50];
	v11 =	vmul.f32 v48, v1;
	[tilespmem:s28+$0x16F00] =	vst v9  }
0xab: {  	v47 =	vld [tilespmem:s28+$0x16F70];
	v10 =	vmul.f32 v49, v1;
	[tilespmem:s28+$0x16F30] =	vst v12  }
0xac: {  	v43 =	vld [tilespmem:s28+$0x16F40];
	v6 =	vmul.f32 v50, v1;
	[tilespmem:s28+$0x16F90] =	vst v11  }
0xad: {  	v55 =	vld [tilespmem:s28+$0x17000];
	[tilespmem:s28+$0x16FA0] =	vst v10;
	v2 =	vmul.f32 v2, v1  }
0xae: {  	v57 =	vld [tilespmem:s28+$0x17020];
	v4 =	vmul.f32 v60, v27;
	[tilespmem:s28+$0x16FB0] =	vst v6  }
0xaf: {  	v5 =	vmul.f32 v45, v44;
	[tilespmem:s28+$0x16F80] =	vst v2;
	v2 =	vld [tilespmem:s28+$0x16FF0]  }
0xb0: {  	v52 =	vld [tilespmem:s28+$0x16FC0];
	v9 =	vmul.f32 v47, v44;
	[tilespmem:s28+$0x17060] =	vst v4  }
0xb1: {  	v56 =	vld [tilespmem:s28+$0x17010];
	v8 =	vmul.f32 v43, v44;
	[tilespmem:s28+$0x16F50] =	vst v5  }
0xb2: {  	v54 =	vld [tilespmem:s28+$0x16FE0];
	v11 =	vmul.f32 v55, v27;
	[tilespmem:s28+$0x16F70] =	vst v9  }
0xb3: {  	v58 =	vld [tilespmem:s28+$0x17030];
	v6 =	vmul.f32 v57, v27;
	[tilespmem:s28+$0x16F40] =	vst v8  }
0xb4: {  	v53 =	vld [tilespmem:s28+$0x16FD0];
	[tilespmem:s28+$0x17000] =	vst v11;
	v2 =	vmul.f32 v2, v1  }
0xb5: {  	v59 =	vld [tilespmem:s28+$0x17040];
	v5 =	vmul.f32 v52, v1;
	[tilespmem:s28+$0x17020] =	vst v6  }
0xb6: {  	[tilespmem:s28+$0x16FF0] =	vst v2;
	v2 =	vmul.f32 v56, v27  }
0xb7: {  	v3 =	vld [tilespmem:s28+$0x16EA0];
	v9 =	vmul.f32 v54, v1;
	[tilespmem:s28+$0x16FC0] =	vst v5  }
0xb8: {  	[tilespmem:s28+$0x17010] =	vst v2;
	v2 =	vmul.f32 v58, v27  }
0xb9: {  	[tilespmem:s28+$0x16FE0] =	vst v9;
	v1 =	vmul.f32 v53, v1  }
0xba: {  	[tilespmem:s28+$0x17030] =	vst v2;
	v2 =	vmul.f32 v59, v27  }
0xbb: {  	[tilespmem:s28+$0x16FD0] =	vst v1  }
0xbc: {  	s29 =	simm.s32 $0x1;
	[tilespmem:s28+$0x17040] =	vst v2;
	v2 =	vmul.f32 v3, v35  }
.LBB2_4:
0xbd: {  	s30 =	sshll.u32 s29, $0x4  }
0xbe: {  	p1 =	sne.s32 s29, $0x4;
	[tilespmem:s28+$0x16EA0] =	vst v2;
	s28 =	smov.u32 s29;
	s29 =	sadd.s32 $0x1, s29  }
0xbf: {  	s30 =	sand.u32 $0x3FFFFFF0, s30  }
0xc0: {  	v1 =	vld.idx.msk [tilespmem:v0+s30+$0x0 ss:$0x1], $0xffff  }
0xc1: {  	s28 =	sshll.u32 s28, $0xB  }
0xc2: {  	s28 =	sand.u32 $0x3FFFF800, s28  }
0xc3: {  	v8 =	vld [tilespmem:s28+$0x16940]  }
0xc4: {  	v9 =	vld [tilespmem:s28+$0x16950]  }
0xc5: {  	v10 =	vld [tilespmem:s28+$0x16930]  }
0xc6: {  	v2 =	vbroadcast v1, $0x0;
	v7 =	vbroadcast v1, $0x4;
	v3 =	vld [tilespmem:s28+$0x168A0]  }
0xc7: {  	v5 =	vld [tilespmem:s28+$0x168B0]  }
0xc8: {  	v6 =	vld [tilespmem:s28+$0x16DF0]  }
0xc9: {  	v11 =	vld [tilespmem:s28+$0x168E0]  }
0xca: {  	v12 =	vld [tilespmem:s28+$0x168F0]  }
0xcb: {  	v4 =	vbroadcast v1, $0xA;
	v3 =	vmul.f32 v3, v2;
	v13 =	vld [tilespmem:s28+$0x16900]  }
0xcc: {  	v5 =	vmul.f32 v5, v2;
	v14 =	vld [tilespmem:s28+$0x16910]  }
0xcd: {  	[tilespmem:s28+$0x168A0] =	vst v3;
	v15 =	vld [tilespmem:s28+$0x16920];
	v3 =	vmul.f32 v6, v4  }
0xce: {  	[tilespmem:s28+$0x168B0] =	vst v5;
	v6 =	vmul.f32 v11, v2;
	v11 =	vbroadcast v1, $0x1;
	v5 =	vld [tilespmem:s28+$0x16E00]  }
0xcf: {  	v12 =	vmul.f32 v12, v2;
	[tilespmem:s28+$0x16DF0] =	vst v3;
	v3 =	vld [tilespmem:s28+$0x17050]  }
0xd0: {  	[tilespmem:s28+$0x168E0] =	vst v6;
	v13 =	vmul.f32 v13, v11;
	v6 =	vld [tilespmem:s28+$0x16E10]  }
0xd1: {  	[tilespmem:s28+$0x168F0] =	vst v12;
	v12 =	vmul.f32 v14, v11;
	v14 =	vld [tilespmem:s28+$0x16960]  }
0xd2: {  	[tilespmem:s28+$0x16900] =	vst v13;
	v13 =	vmul.f32 v15, v11;
	v15 =	vld [tilespmem:s28+$0x16970]  }
0xd3: {  	v10 =	vmul.f32 v10, v11;
	[tilespmem:s28+$0x16910] =	vst v12;
	v12 =	vld [tilespmem:s28+$0x16980]  }
0xd4: {  	v8 =	vmul.f32 v8, v11;
	[tilespmem:s28+$0x16920] =	vst v13;
	v13 =	vld [tilespmem:s28+$0x16990]  }
0xd5: {  	v9 =	vmul.f32 v9, v11;
	[tilespmem:s28+$0x16930] =	vst v10;
	v10 =	vld [tilespmem:s28+$0x169A0]  }
0xd6: {  	[tilespmem:s28+$0x16940] =	vst v8;
	v8 =	vmul.f32 v14, v11;
	v14 =	vbroadcast v1, $0x2;
	v16 =	vld [tilespmem:s28+$0x169B0]  }
0xd7: {  	[tilespmem:s28+$0x16950] =	vst v9;
	v9 =	vmul.f32 v15, v11;
	v11 =	vld [tilespmem:s28+$0x169C0]  }
0xd8: {  	[tilespmem:s28+$0x16960] =	vst v8;
	v8 =	vmul.f32 v12, v14;
	v12 =	vld [tilespmem:s28+$0x169D0]  }
0xd9: {  	[tilespmem:s28+$0x16970] =	vst v9;
	v9 =	vmul.f32 v13, v14;
	v13 =	vld [tilespmem:s28+$0x169E0]  }
0xda: {  	[tilespmem:s28+$0x16980] =	vst v8;
	v8 =	vmul.f32 v10, v14;
	v10 =	vld [tilespmem:s28+$0x169F0]  }
0xdb: {  	[tilespmem:s28+$0x16990] =	vst v9;
	v9 =	vmul.f32 v16, v14;
	v15 =	vld [tilespmem:s28+$0x16A00]  }
0xdc: {  	[tilespmem:s28+$0x169A0] =	vst v8;
	v8 =	vmul.f32 v11, v14;
	v11 =	vld [tilespmem:s28+$0x16A10]  }
0xdd: {  	[tilespmem:s28+$0x169B0] =	vst v9;
	v9 =	vmul.f32 v12, v14;
	v12 =	vld [tilespmem:s28+$0x16A20]  }
0xde: {  	[tilespmem:s28+$0x169C0] =	vst v8;
	v8 =	vmul.f32 v13, v14;
	v13 =	vbroadcast v1, $0x3;
	v16 =	vld [tilespmem:s28+$0x16A30]  }
0xdf: {  	[tilespmem:s28+$0x169D0] =	vst v9;
	v9 =	vmul.f32 v10, v14;
	v10 =	vld [tilespmem:s28+$0x16A40]  }
0xe0: {  	[tilespmem:s28+$0x169E0] =	vst v8;
	v8 =	vmul.f32 v15, v13;
	v14 =	vld [tilespmem:s28+$0x16A50]  }
0xe1: {  	[tilespmem:s28+$0x169F0] =	vst v9;
	v9 =	vmul.f32 v11, v13;
	v11 =	vld [tilespmem:s28+$0x16A60]  }
0xe2: {  	[tilespmem:s28+$0x16A00] =	vst v8;
	v8 =	vmul.f32 v12, v13;
	v12 =	vld [tilespmem:s28+$0x16A70]  }
0xe3: {  	[tilespmem:s28+$0x16A10] =	vst v9;
	v9 =	vmul.f32 v16, v13;
	v15 =	vld [tilespmem:s28+$0x16A80]  }
0xe4: {  	[tilespmem:s28+$0x16A20] =	vst v8;
	v8 =	vmul.f32 v10, v13;
	v10 =	vld [tilespmem:s28+$0x16A90]  }
0xe5: {  	[tilespmem:s28+$0x16A30] =	vst v9;
	v9 =	vmul.f32 v14, v13;
	v14 =	vld [tilespmem:s28+$0x16AA0]  }
0xe6: {  	[tilespmem:s28+$0x16A40] =	vst v8;
	v8 =	vmul.f32 v11, v13;
	v11 =	vld [tilespmem:s28+$0x16AB0]  }
0xe7: {  	[tilespmem:s28+$0x16A50] =	vst v9;
	v9 =	vmul.f32 v12, v13;
	v12 =	vld [tilespmem:s28+$0x16AC0]  }
0xe8: {  	[tilespmem:s28+$0x16A60] =	vst v8;
	v8 =	vmul.f32 v15, v7;
	v13 =	vld [tilespmem:s28+$0x16AD0]  }
0xe9: {  	[tilespmem:s28+$0x16A70] =	vst v9;
	v9 =	vmul.f32 v10, v7;
	v10 =	vld [tilespmem:s28+$0x16AE0]  }
0xea: {  	[tilespmem:s28+$0x16A80] =	vst v8;
	v8 =	vmul.f32 v14, v7;
	v14 =	vld [tilespmem:s28+$0x16AF0]  }
0xeb: {  	[tilespmem:s28+$0x16A90] =	vst v9;
	v9 =	vmul.f32 v11, v7;
	v11 =	vld [tilespmem:s28+$0x16B00]  }
0xec: {  	[tilespmem:s28+$0x16AA0] =	vst v8;
	v8 =	vmul.f32 v12, v7;
	v12 =	vld [tilespmem:s28+$0x16B10]  }
0xed: {  	[tilespmem:s28+$0x16AB0] =	vst v9;
	v9 =	vmul.f32 v13, v7;
	v13 =	vld [tilespmem:s28+$0x16B20]  }
0xee: {  	[tilespmem:s28+$0x16AC0] =	vst v8;
	v8 =	vmul.f32 v10, v7;
	v10 =	vbroadcast v1, $0x5;
	v15 =	vld [tilespmem:s28+$0x16B30]  }
0xef: {  	[tilespmem:s28+$0x16AD0] =	vst v9;
	v7 =	vmul.f32 v14, v7;
	v9 =	vld [tilespmem:s28+$0x16B40]  }
0xf0: {  	[tilespmem:s28+$0x16AE0] =	vst v8;
	v8 =	vmul.f32 v11, v10;
	v11 =	vld [tilespmem:s28+$0x16B50]  }
0xf1: {  	[tilespmem:s28+$0x16AF0] =	vst v7;
	v7 =	vmul.f32 v12, v10;
	v12 =	vld [tilespmem:s28+$0x16B60]  }
0xf2: {  	[tilespmem:s28+$0x16B00] =	vst v8;
	v8 =	vmul.f32 v13, v10;
	v13 =	vld [tilespmem:s28+$0x16B70]  }
0xf3: {  	[tilespmem:s28+$0x16B10] =	vst v7;
	v7 =	vmul.f32 v15, v10;
	v14 =	vld [tilespmem:s28+$0x16B80]  }
0xf4: {  	[tilespmem:s28+$0x16B20] =	vst v8;
	v8 =	vmul.f32 v9, v10;
	v9 =	vld [tilespmem:s28+$0x16B90]  }
0xf5: {  	[tilespmem:s28+$0x16B30] =	vst v7;
	v7 =	vmul.f32 v11, v10;
	v11 =	vld [tilespmem:s28+$0x16BA0]  }
0xf6: {  	[tilespmem:s28+$0x16B40] =	vst v8;
	v8 =	vmul.f32 v12, v10;
	v12 =	vbroadcast v1, $0x6;
	v15 =	vld [tilespmem:s28+$0x16BB0]  }
0xf7: {  	[tilespmem:s28+$0x16B50] =	vst v7;
	v7 =	vmul.f32 v13, v10;
	v10 =	vld [tilespmem:s28+$0x16BC0]  }
0xf8: {  	[tilespmem:s28+$0x16B60] =	vst v8;
	v8 =	vmul.f32 v14, v12;
	v13 =	vld [tilespmem:s28+$0x16BD0]  }
0xf9: {  	[tilespmem:s28+$0x16B70] =	vst v7;
	v7 =	vmul.f32 v9, v12;
	v9 =	vld [tilespmem:s28+$0x16BE0]  }
0xfa: {  	[tilespmem:s28+$0x16B80] =	vst v8;
	v8 =	vmul.f32 v11, v12;
	v11 =	vld [tilespmem:s28+$0x16BF0]  }
0xfb: {  	[tilespmem:s28+$0x16B90] =	vst v7;
	v7 =	vmul.f32 v15, v12;
	v14 =	vld [tilespmem:s28+$0x16C00]  }
0xfc: {  	[tilespmem:s28+$0x16BA0] =	vst v8;
	v8 =	vmul.f32 v10, v12;
	v10 =	vld [tilespmem:s28+$0x16C10]  }
0xfd: {  	[tilespmem:s28+$0x16BB0] =	vst v7;
	v7 =	vmul.f32 v13, v12;
	v13 =	vld [tilespmem:s28+$0x16C20]  }
0xfe: {  	[tilespmem:s28+$0x16BC0] =	vst v8;
	v8 =	vmul.f32 v9, v12;
	v9 =	vbroadcast v1, $0x7;
	v15 =	vld [tilespmem:s28+$0x16C30]  }
0xff: {  	[tilespmem:s28+$0x16BD0] =	vst v7;
	v7 =	vmul.f32 v11, v12;
	v11 =	vld [tilespmem:s28+$0x16C40]  }
0x100: {  	[tilespmem:s28+$0x16BE0] =	vst v8;
	v8 =	vmul.f32 v14, v9;
	v12 =	vld [tilespmem:s28+$0x16C50]  }
0x101: {  	[tilespmem:s28+$0x16BF0] =	vst v7;
	v7 =	vmul.f32 v10, v9;
	v10 =	vld [tilespmem:s28+$0x16C60]  }
0x102: {  	[tilespmem:s28+$0x16C00] =	vst v8;
	v8 =	vmul.f32 v13, v9;
	v13 =	vld [tilespmem:s28+$0x16C70]  }
0x103: {  	[tilespmem:s28+$0x16C10] =	vst v7;
	v7 =	vmul.f32 v15, v9;
	v14 =	vld [tilespmem:s28+$0x16C80]  }
0x104: {  	[tilespmem:s28+$0x16C20] =	vst v8;
	v8 =	vmul.f32 v11, v9;
	v11 =	vld [tilespmem:s28+$0x16C90]  }
0x105: {  	[tilespmem:s28+$0x16C30] =	vst v7;
	v7 =	vmul.f32 v12, v9;
	v12 =	vld [tilespmem:s28+$0x16CA0]  }
0x106: {  	[tilespmem:s28+$0x16C40] =	vst v8;
	v8 =	vmul.f32 v10, v9;
	v10 =	vbroadcast v1, $0x8;
	v15 =	vld [tilespmem:s28+$0x16CB0]  }
0x107: {  	[tilespmem:s28+$0x16C50] =	vst v7;
	v7 =	vmul.f32 v13, v9;
	v9 =	vld [tilespmem:s28+$0x16CC0]  }
0x108: {  	[tilespmem:s28+$0x16C60] =	vst v8;
	v8 =	vmul.f32 v14, v10;
	v13 =	vld [tilespmem:s28+$0x16CD0]  }
0x109: {  	[tilespmem:s28+$0x16C70] =	vst v7;
	v7 =	vmul.f32 v11, v10;
	v11 =	vld [tilespmem:s28+$0x16CE0]  }
0x10a: {  	[tilespmem:s28+$0x16C80] =	vst v8;
	v8 =	vmul.f32 v12, v10;
	v12 =	vld [tilespmem:s28+$0x16CF0]  }
0x10b: {  	[tilespmem:s28+$0x16C90] =	vst v7;
	v7 =	vmul.f32 v15, v10;
	v14 =	vld [tilespmem:s28+$0x16D00]  }
0x10c: {  	[tilespmem:s28+$0x16CA0] =	vst v8;
	v8 =	vmul.f32 v9, v10;
	v9 =	vld [tilespmem:s28+$0x16D10]  }
0x10d: {  	[tilespmem:s28+$0x16CB0] =	vst v7;
	v7 =	vmul.f32 v13, v10;
	v13 =	vld [tilespmem:s28+$0x16D20]  }
0x10e: {  	[tilespmem:s28+$0x16CC0] =	vst v8;
	v8 =	vmul.f32 v11, v10;
	v11 =	vbroadcast v1, $0x9;
	v15 =	vld [tilespmem:s28+$0x16D30]  }
0x10f: {  	[tilespmem:s28+$0x16CD0] =	vst v7;
	v7 =	vmul.f32 v12, v10;
	v10 =	vld [tilespmem:s28+$0x16D40]  }
0x110: {  	[tilespmem:s28+$0x16CE0] =	vst v8;
	v8 =	vmul.f32 v14, v11;
	v12 =	vld [tilespmem:s28+$0x16D50]  }
0x111: {  	[tilespmem:s28+$0x16CF0] =	vst v7;
	v7 =	vmul.f32 v9, v11;
	v9 =	vld [tilespmem:s28+$0x16D60]  }
0x112: {  	[tilespmem:s28+$0x16D00] =	vst v8;
	v8 =	vmul.f32 v13, v11;
	v13 =	vld [tilespmem:s28+$0x16D70]  }
0x113: {  	[tilespmem:s28+$0x16D10] =	vst v7;
	v7 =	vmul.f32 v15, v11;
	v14 =	vld [tilespmem:s28+$0x16D80]  }
0x114: {  	[tilespmem:s28+$0x16D20] =	vst v8;
	v8 =	vmul.f32 v10, v11;
	v10 =	vld [tilespmem:s28+$0x16D90]  }
0x115: {  	[tilespmem:s28+$0x16D30] =	vst v7;
	v7 =	vmul.f32 v12, v11;
	v12 =	vld [tilespmem:s28+$0x16DA0]  }
0x116: {  	[tilespmem:s28+$0x16D40] =	vst v8;
	v8 =	vmul.f32 v9, v11;
	v9 =	vld [tilespmem:s28+$0x16DB0]  }
0x117: {  	[tilespmem:s28+$0x16D50] =	vst v7;
	v7 =	vmul.f32 v13, v11;
	v11 =	vld [tilespmem:s28+$0x16DC0]  }
0x118: {  	[tilespmem:s28+$0x16D60] =	vst v8;
	v8 =	vmul.f32 v14, v4;
	v13 =	vld [tilespmem:s28+$0x16DD0]  }
0x119: {  	[tilespmem:s28+$0x16D70] =	vst v7;
	v7 =	vmul.f32 v10, v4;
	v10 =	vld [tilespmem:s28+$0x16DE0]  }
0x11a: {  	v14 =	vld [tilespmem:s28+$0x16880];
	[tilespmem:s28+$0x16D80] =	vst v8;
	v8 =	vmul.f32 v12, v4  }
0x11b: {  	v12 =	vld [tilespmem:s28+$0x16890];
	[tilespmem:s28+$0x16D90] =	vst v7;
	v7 =	vmul.f32 v9, v4  }
0x11c: {  	v9 =	vld [tilespmem:s28+$0x168C0];
	[tilespmem:s28+$0x16DA0] =	vst v8;
	v8 =	vmul.f32 v11, v4  }
0x11d: {  	v11 =	vld [tilespmem:s28+$0x168D0];
	[tilespmem:s28+$0x16DB0] =	vst v7;
	v7 =	vmul.f32 v13, v4  }
0x11e: {  	[tilespmem:s28+$0x16DC0] =	vst v8;
	v8 =	vmul.f32 v10, v4;
	v10 =	vbroadcast v1, $0xB;
	v13 =	vld [tilespmem:s28+$0x16E20]  }
0x11f: {  	v4 =	vbroadcast v1, $0xF;
	v14 =	vmul.f32 v2, v14;
	[tilespmem:s28+$0x16DD0] =	vst v7;
	v7 =	vld [tilespmem:s28+$0x16E30]  }
0x120: {  	v12 =	vmul.f32 v12, v2;
	[tilespmem:s28+$0x16DE0] =	vst v8;
	v5 =	vmul.f32 v5, v10;
	v8 =	vld [tilespmem:s28+$0x16E40]  }
0x121: {  	v6 =	vmul.f32 v6, v10;
	[tilespmem:s28+$0x16880] =	vst v14;
	v9 =	vmul.f32 v9, v2;
	v14 =	vld [tilespmem:s28+$0x16E50]  }
0x122: {  	v3 =	vmul.f32 v3, v4;
	v11 =	vmul.f32 v11, v2;
	[tilespmem:s28+$0x16E00] =	vst v5;
	v2 =	vld [tilespmem:s28+$0x16E60]  }
0x123: {  	[tilespmem:s28+$0x16E10] =	vst v6;
	v5 =	vmul.f32 v13, v10;
	v6 =	vld [tilespmem:s28+$0x16E70]  }
0x124: {  	v7 =	vmul.f32 v7, v10;
	v13 =	vld [tilespmem:s28+$0x16E80];
	[tilespmem:s28+$0x17050] =	vst v3  }
0x125: {  	[tilespmem:s28+$0x16890] =	vst v12;
	v3 =	vmul.f32 v8, v10;
	v8 =	vld [tilespmem:s28+$0x16E90]  }
0x126: {  	[tilespmem:s28+$0x168C0] =	vst v9;
	v9 =	vmul.f32 v14, v10;
	v12 =	vld [tilespmem:s28+$0x16EA0]  }
0x127: {  	v14 =	vbroadcast v1, $0xC;
	[tilespmem:s28+$0x16E20] =	vst v5;
	v5 =	vmul.f32 v2, v10;
	v15 =	vld [tilespmem:s28+$0x16EB0]  }
0x128: {  	[tilespmem:s28+$0x16E50] =	vst v9;
	v6 =	vmul.f32 v6, v10;
	v9 =	vld [tilespmem:s28+$0x16EC0]  }
0x129: {  	[tilespmem:s28+$0x16E30] =	vst v7;
	v2 =	vmul.f32 v13, v14;
	v7 =	vld [tilespmem:s28+$0x16ED0]  }
0x12a: {  	[tilespmem:s28+$0x16E40] =	vst v3;
	v3 =	vmul.f32 v8, v14;
	v8 =	vld [tilespmem:s28+$0x16EE0]  }
0x12b: {  	[tilespmem:s28+$0x16E80] =	vst v2;
	v2 =	vmul.f32 v12, v14;
	v10 =	vld [tilespmem:s28+$0x16EF0]  }
0x12c: {  	[tilespmem:s28+$0x16E90] =	vst v3;
	v3 =	vld [tilespmem:s28+$0x16F00]  }
0x12d: {  	[tilespmem:s28+$0x168D0] =	vst v11;
	v9 =	vmul.f32 v9, v14;
	v11 =	vld [tilespmem:s28+$0x16F10]  }
0x12e: {  	[tilespmem:s28+$0x16E60] =	vst v5;
	v5 =	vmul.f32 v7, v14;
	v7 =	vld [tilespmem:s28+$0x16F20]  }
0x12f: {  	[tilespmem:s28+$0x16EC0] =	vst v9;
	v8 =	vmul.f32 v8, v14;
	v9 =	vbroadcast v1, $0xD;
	v12 =	vld [tilespmem:s28+$0x16F30]  }
0x130: {  	[tilespmem:s28+$0x16ED0] =	vst v5;
	v5 =	vmul.f32 v10, v14;
	v10 =	vld [tilespmem:s28+$0x16F40]  }
0x131: {  	[tilespmem:s28+$0x16EE0] =	vst v8;
	v3 =	vmul.f32 v3, v9;
	v8 =	vld [tilespmem:s28+$0x16F50]  }
0x132: {  	[tilespmem:s28+$0x16EF0] =	vst v5;
	v5 =	vmul.f32 v11, v9;
	v11 =	vld [tilespmem:s28+$0x16F60]  }
0x133: {  	[tilespmem:s28+$0x16F00] =	vst v3;
	v3 =	vmul.f32 v7, v9;
	v7 =	vld [tilespmem:s28+$0x16F70]  }
0x134: {  	[tilespmem:s28+$0x16F10] =	vst v5;
	v5 =	vmul.f32 v12, v9;
	v12 =	vld [tilespmem:s28+$0x16F80]  }
0x135: {  	[tilespmem:s28+$0x16F20] =	vst v3;
	v3 =	vmul.f32 v10, v9;
	v10 =	vld [tilespmem:s28+$0x16F90]  }
0x136: {  	[tilespmem:s28+$0x16F30] =	vst v5;
	v5 =	vmul.f32 v8, v9;
	v8 =	vld [tilespmem:s28+$0x16FA0]  }
0x137: {  	v1 =	vbroadcast v1, $0xE;
	[tilespmem:s28+$0x16E70] =	vst v6;
	v6 =	vmul.f32 v11, v9;
	v11 =	vld [tilespmem:s28+$0x16FB0]  }
0x138: {  	[tilespmem:s28+$0x16F50] =	vst v5;
	v5 =	vmul.f32 v7, v9;
	v7 =	vld [tilespmem:s28+$0x16FC0]  }
0x139: {  	[tilespmem:s28+$0x16F60] =	vst v6;
	v6 =	vmul.f32 v12, v1;
	v9 =	vld [tilespmem:s28+$0x16FD0]  }
0x13a: {  	[tilespmem:s28+$0x16F70] =	vst v5;
	v5 =	vmul.f32 v10, v1;
	v10 =	vld [tilespmem:s28+$0x16FE0]  }
0x13b: {  	[tilespmem:s28+$0x16F80] =	vst v6;
	v6 =	vmul.f32 v8, v1;
	v8 =	vld [tilespmem:s28+$0x16FF0]  }
0x13c: {  	[tilespmem:s28+$0x16F90] =	vst v5;
	v5 =	vmul.f32 v11, v1;
	v11 =	vld [tilespmem:s28+$0x17000]  }
0x13d: {  	[tilespmem:s28+$0x16FA0] =	vst v6;
	v6 =	vmul.f32 v7, v1;
	v7 =	vld [tilespmem:s28+$0x17010]  }
0x13e: {  	[tilespmem:s28+$0x16FB0] =	vst v5;
	v5 =	vmul.f32 v9, v1;
	v9 =	vld [tilespmem:s28+$0x17020]  }
0x13f: {  	[tilespmem:s28+$0x16FC0] =	vst v6;
	v6 =	vmul.f32 v10, v1;
	v10 =	vld [tilespmem:s28+$0x17030]  }
0x140: {  	[tilespmem:s28+$0x16F40] =	vst v3;
	v1 =	vmul.f32 v8, v1;
	v3 =	vld [tilespmem:s28+$0x17040]  }
0x141: {  	[tilespmem:s28+$0x16FE0] =	vst v6;
	v6 =	vmul.f32 v11, v4;
	v8 =	vld [tilespmem:s28+$0x17060]  }
0x142: {  	[tilespmem:s28+$0x16FF0] =	vst v1;
	v1 =	vmul.f32 v7, v4;
	v7 =	vld [tilespmem:s28+$0x17070]  }
0x143: {  	[tilespmem:s28+$0x17000] =	vst v6;
	v6 =	vmul.f32 v9, v4  }
0x144: {  	[tilespmem:s28+$0x17010] =	vst v1;
	v1 =	vmul.f32 v10, v4  }
0x145: {  	v9 =	vmul.f32 v15, v14;
	[tilespmem:s28+$0x17020] =	vst v6  }
0x146: {  	[tilespmem:s28+$0x17030] =	vst v1;
	v1 =	vmul.f32 v3, v4  }
.Ltmp0:
0x147: {  	[tilespmem:s28+$0x16EB0] =	vst v9;
	v3 =	vmul.f32 v7, v4;
	(pc) =	sbr.rel @p1 .LBB2_4-.Ltmp0, $4  }
0x148: {  	[tilespmem:s28+$0x17040] =	vst v1  }
0x149: {  	v1 =	vmul.f32 v8, v4;
	[tilespmem:s28+$0x17070] =	vst v3  }
0x14a: {  	[tilespmem:s28+$0x16FD0] =	vst v5  }
0x14b: {  	[tilespmem:s28+$0x17060] =	vst v1  }
0x14c: {  	s25 =	sadd.s32 $0x1, s25  }
0x14d: {  	p1 =	sne.s32 s25, $0x19  }
.Ltmp1:
0x14e: {  	[tilespmem:s28+$0x16EA0] =	vst v2;
	s26 =	sadd.s32 $0x14880, s26;
	(pc) =	sbr.rel @p1 .LBB2_3-.Ltmp1, $4  }
0x14f: {  	[spmem:s1] =	stream.indirect.scatter.add.f32 [tilespmem:s22], [sflag:$0x2], $0x80, s26, s21, $0xb8;
	[tilespmem:$0x19080] =	vst v63  }
0x150: {  	_ =	swait.ge [sflag:s18], $0x2800  }
0x151: {  	[sflag:s18] =	ssyncset.done $0x0  }
0x152: {  	[sflag:s18] =	ssyncadd.s32 $0xFFFFD800  }
0x153: {  	s24 =	sadd.s32 $0x1, s24  }
0x154: {  	p1 =	sne.s32 s24, $0x5  }
.Ltmp2:
0x155: {  	_ = 	snop;
	(pc) =	sbr.rel @p1 .LBB2_2-.Ltmp2, $1  }
0x156: {  	_ =	sdelay $0x3  }
0x157: {  	[bflag:$0x0] =	sbarrier.arrive $0xFFFF;
	s24 =	simm.s32 @p0 $0x1FC2  }
0x158: {  	[hbm:s12], [sflag:s24] =	dma.local @p0 [spmem:s14], $0x2080  }
0x159: {  	s24 =	simm.s32 @p0 $0x2  }
0x15a: {  	s3 =	sadd.s32 $0x1, s3;
	_ =	swait.ge @p0 [sflag:s24], $0x2080  }
0x15b: {  	p1 =	sne.s32 s3, s13;
	[sflag:s24] =	ssyncset.done @p0 $0x0  }
.Ltmp3:
0x15c: {  	[sflag:s24] =	ssyncadd.s32 @p0 $0xFFFFDF80;
	s24 =	simm.s32 @!p0 $0x2;
	(pc) =	sbr.rel @p1 .LBB2_1-.Ltmp3, $4  }
0x15d: {  	[hbm:s11], [sflag:s15] =	dma.local @!p0 [spmem:s16], $0x2780  }
0x15e: {  	_ =	swait.ge @!p0 [sflag:s24], $0x2780  }
0x15f: {  	[sflag:s24] =	ssyncset.done @!p0 $0x0  }
0x160: {  	[sflag:s24] =	ssyncadd.s32 @!p0 $0xFFFFD880  }
0x161: {  	_ =	sfence.sel $0x180000  }
0x162: {  	[bflag:$0x0] =	sbarrier.arrive $0xFFFF  }
0x163: {  	p0 =	sne.s32 s2, $0x0;
	_ =	strace $0x9000004D  }
0x164: {  	s0 =	sadd.s32 @!p0 $0x100000, s0;
	[bflag:$0x2] =	sbarrier.arrive $0xFFFF  }
0x165: {  	[sflag:s0] =	ssyncadd.tile.s32 @!p0 $0x1;
	_ =	shalt  }
.Lfunc_end2:
_tile_overlayer_lowered:
.L_overlay_start_2:
0x166: {  	(tag) =	ssettag $0x2  }
0x167: {  	s0 =	rddreg [dreg:$0x0];
	s2 =	stileid.u32  }
0x168: {  	s1 =	rddreg [dreg:$0x1];
	p0 =	sne.s32 s2, $0x0  }
0x169: {  	s3 =	rddreg [dreg:$0x2];
	[bflag:$0x3] =	sbarrier.arrive $0xFFFF;
	s2 =	simm.s32 @!p0 $0x1C02  }
0x16a: {  	[timem:s3], [sflag:s2] =	dma.local @!p0 [hbm:s0], s1  }
0x16b: {  	s0 =	simm.s32 @!p0 $0x2  }
0x16c: {  	_ =	swait.ge @!p0 [sflag:s0], s1  }
0x16d: {  	s1 =	ssub.s32 @!p0 $0x0, s1;
	[sflag:s0] =	ssyncset.done @!p0 $0x0  }
0x16e: {  	[sflag:s0] =	ssyncadd.s32 @!p0 s1  }
0x16f: {  	[bflag:$0x3] =	sbarrier.arrive $0xFFFF  }
0x170: {  	_ =	shalt  }

// kernel: kernel.19.cloned.1.call-start
scs
__scs_entry_jumppad:
0x0: {  	(pc) =	sbr.rel $0x88, $3  }
0x1: {  	(tag) =	ssettag $0x0;
	lr =	simm.s32 $0x1  }
0x2: {  	[smem:$0x3F99] =	sst lr;
	_ =	strace $0xD0000000  }
0x3: {  	_ = 	snop  }
0x4: {  	_ = 	snop  }
0x5: {  	_ = 	snop  }
0x6: {  	_ = 	snop  }
0x7: {  	_ = 	snop  }
__scs_overlays_trampoline_lowered:
0x8: {  	[smem:$0x3FA8] =	sst s0  }
0x9: {  	[smem:$0x3FA9] =	sst s1  }
0xa: {  	[smem:$0x3FAA] =	sst s2  }
0xb: {  	[smem:$0x3FAB] =	sst s3  }
0xc: {  	[smem:$0x3FAC] =	sst s4  }
0xd: {  	[smem:$0x3FAD] =	sst s5  }
0xe: {  	[smem:$0x3FAE] =	sst s6  }
0xf: {  	[smem:$0x3FAF] =	sst s7  }
0x10: {  	[smem:$0x3FB0] =	sst s8  }
0x11: {  	[smem:$0x3FB1] =	sst s9;
	s0 =	simm.s32 @!p0 $0x0  }
0x12: {  	s1 =	sld [smem:$0x3F97];
	s0 =	simm.s32 @p0 $0x1  }
0x13: {  	[smem:$0x3FB2] =	sst s0;
	s0 =	simm.s32 @!p1 $0x0  }
0x14: {  	s2 =	sld [smem:$0x3F96];
	s0 =	simm.s32 @p1 $0x1  }
0x15: {  	[smem:$0x3FB3] =	sst s0;
	s0 =	simm.s32 @!p2 $0x0  }
0x16: {  	s3 =	sld [smem:$0x3FDB];
	s0 =	simm.s32 @p2 $0x1  }
0x17: {  	s4 =	simm.s32 $0x1BF5;
	[smem:$0x3FB5] =	sst s0  }
0x18: {  	s0 =	sld [smem:$0x3F98];
	_ =	swait.ge [sflag:s4], $0x0  }
0x19: {  	s7 =	sld [smem:$0x3F99]  }
0x1a: {  	s8 =	sadd.s32 $0xFFFFE003, lr  }
0x1b: {  	s9 =	sadd.s32 $0xFFFFFEF7, lr;
	s5 =	simm.s32 $0xFFFFFFFF;
	p2 =	slt.u32 s8, $0xFFFFF086  }
0x1c: {  	p1 =	slt.u32 s9, $0xF7A;
	s5 =	simm.s32 @!p2 $0x0  }
0x1d: {  	s5 =	simm.s32 @p1 $0x1;
	p0 =	seq.s32 s7, s2  }
0x1e: {  	s7 =	smul.u32 @!p0 $0xF7A, s2;
	p2 =	seq.s32 @!p0 s5, $0x0  }
0x1f: {  	s9 =	smul.u32 $0xF7A, s1;
	s8 =	simm.s32 @!p0 $0x1BF5;
	p2 =	por !p2, p0  }
0x20: {  	[sflag:s8] =	ssyncset.s32 @!p0 $0xFFFFF086;
	s6 =	sadd.s32 @!p0 s3, s7;
	s7 =	simm.s32 @!p0 $0x108  }
0x21: {  	s3 =	sadd.s32 s3, s9;
	s6 =	sadd.s32 @!p0 $0x88, s6;
	s7 =	simm.s32 @p2 $0x1082  }
0x22: {  	[simem:s7], [sflag:s8] =	dma.local @!p0 [hbm:s6], $0xF7A  }
0x23: {  	s9 =	sor.u32 $0xD0000000, s2;
	s6 =	simm.s32 $0x108;
	_ =	swait.ge @!p0 [sflag:s8], $0x0  }
0x24: {  	s3 =	sadd.s32 $0x88, s3;
	s6 =	simm.s32 @!p1 $0x1082;
	[sflag:s4] =	ssyncset.s32 $0xFFFFF086  }
0x25: {  	[simem:s6], [sflag:s4] =	dma.local [hbm:s3], $0xF7A  }
0x26: {  	[smem:$0x3F99] =	sst s1;
	(tag) =	ssettag s2;
	_ =	strace s9  }
0x27: {  	s1 =	sld [smem:$0x3FA9]  }
0x28: {  	s2 =	sld [smem:$0x3FAA]  }
0x29: {  	s4 =	sld [smem:$0x3FAC]  }
0x2a: {  	p0 =	seq.s32 s5, $0x0;
	s5 =	sld [smem:$0x3FAD]  }
0x2b: {  	s6 =	sld [smem:$0x3FAE]  }
0x2c: {  	s7 =	sld [smem:$0x3FAF]  }
0x2d: {  	s3 =	simm.s32 $0x108;
	s8 =	sld [smem:$0x3FB0]  }
0x2e: {  	s3 =	simm.s32 @!p0 $0x1082;
	s9 =	sld [smem:$0x3FB1]  }
0x2f: {  	lr =	sadd.s32 s0, s3;
	s0 =	sld [smem:$0x3FA8]  }
0x30: {  	s3 =	sld [smem:$0x3FAB]  }
0x31: {  	[smem:$0x3FB4] =	sst s10  }
0x32: {  	s10 =	sld [smem:$0x3FB2];
	_ =	sdelay $0x3  }
0x33: {  	p0 =	seq.s32 s10, $0x1;
	s10 =	sld [smem:$0x3FB4];
	_ =	sdelay $0x3  }
0x34: {  	[smem:$0x3FB4] =	sst s10  }
0x35: {  	s10 =	sld [smem:$0x3FB3];
	_ =	sdelay $0x3  }
0x36: {  	p1 =	seq.s32 s10, $0x1;
	s10 =	sld [smem:$0x3FB4];
	_ =	sdelay $0x3  }
0x37: {  	[smem:$0x3FB4] =	sst s10  }
0x38: {  	s10 =	sld [smem:$0x3FB5]  }
0x39: {  	_ = 	snop;
	(pc) =	sbr.ind lr, $3  }
0x3a: {  	_ = 	snop  }
0x3b: {  	_ = 	snop  }
0x3c: {  	p2 =	seq.s32 s10, $0x1;
	s10 =	sld [smem:$0x3FB4]  }
0x3d: {  	_ =	shalt  }
0x3e: {  	_ =	shalt  }
0x3f: {  	_ =	shalt  }
0x40: {  	_ =	shalt  }
0x41: {  	_ =	shalt  }
0x42: {  	_ =	shalt  }
0x43: {  	_ =	shalt  }
0x44: {  	_ =	shalt  }
0x45: {  	_ =	shalt  }
0x46: {  	_ =	shalt  }
0x47: {  	_ =	shalt  }
0x48: {  	_ =	shalt  }
0x49: {  	_ =	shalt  }
0x4a: {  	_ =	shalt  }
0x4b: {  	_ =	shalt  }
0x4c: {  	_ =	shalt  }
0x4d: {  	_ =	shalt  }
0x4e: {  	_ =	shalt  }
0x4f: {  	_ =	shalt  }
0x50: {  	_ =	shalt  }
0x51: {  	_ =	shalt  }
0x52: {  	_ =	shalt  }
0x53: {  	_ =	shalt  }
0x54: {  	_ =	shalt  }
0x55: {  	_ =	shalt  }
0x56: {  	_ =	shalt  }
0x57: {  	_ =	shalt  }
0x58: {  	_ =	shalt  }
0x59: {  	_ =	shalt  }
0x5a: {  	_ =	shalt  }
0x5b: {  	_ =	shalt  }
0x5c: {  	_ =	shalt  }
0x5d: {  	_ =	shalt  }
0x5e: {  	_ =	shalt  }
0x5f: {  	_ =	shalt  }
0x60: {  	_ =	shalt  }
0x61: {  	_ =	shalt  }
0x62: {  	_ =	shalt  }
0x63: {  	_ =	shalt  }
0x64: {  	_ =	shalt  }
0x65: {  	_ =	shalt  }
0x66: {  	_ =	shalt  }
0x67: {  	_ =	shalt  }
0x68: {  	_ =	shalt  }
0x69: {  	_ =	shalt  }
0x6a: {  	_ =	shalt  }
0x6b: {  	_ =	shalt  }
0x6c: {  	_ =	shalt  }
0x6d: {  	_ =	shalt  }
0x6e: {  	_ =	shalt  }
0x6f: {  	_ =	shalt  }
0x70: {  	_ =	shalt  }
0x71: {  	_ =	shalt  }
0x72: {  	_ =	shalt  }
0x73: {  	_ =	shalt  }
0x74: {  	_ =	shalt  }
0x75: {  	_ =	shalt  }
0x76: {  	_ =	shalt  }
0x77: {  	_ =	shalt  }
0x78: {  	_ =	shalt  }
0x79: {  	_ =	shalt  }
0x7a: {  	_ =	shalt  }
0x7b: {  	_ =	shalt  }
0x7c: {  	_ =	shalt  }
0x7d: {  	_ =	shalt  }
0x7e: {  	_ =	shalt  }
0x7f: {  	_ =	shalt  }
0x80: {  	_ =	shalt  }
0x81: {  	_ =	shalt  }
0x82: {  	_ =	shalt  }
0x83: {  	_ =	shalt  }
0x84: {  	_ =	shalt  }
0x85: {  	_ =	shalt  }
0x86: {  	_ =	shalt  }
0x87: {  	_ =	shalt  }
.Lfunc_end0:
.L_simem_size_0:
called_computation.3_lowered:
.L_overlay_start_0:
0x88: {  	s2 =	sld [smem:$0x3FD9]  }
0x89: {  	s3 =	sld [smem:$0x3FFE];
	_ =	sdelay $0x1  }
0x8a: {  	s1 =	srdreg.scid  }
0x8b: {  	s0 =	sand.u32 $0x1, s1  }
0x8c: {  	s17 =	sshll.u32 s0, $0xA;
	s2 =	sadd.s32 s3, s2  }
0x8d: {  	s2 =	sadd.s32 s2, s17  }
0x8e: {  	[smem:$0x3FC0] =	sst s2  }
0x8f: {  	_ = 	snop  }
0x90: {  	s2 =	sld [smem:$0x3FC6]  }
0x91: {  	s18 =	sld [smem:$0x3FD0];
	(tm) =	ssettm $0x1  }
0x92: {  	s4 =	sld [smem:$0x3FFB];
	_ =	sdelay $0x3  }
0x93: {  	_ =	strace s4  }
0x94: {  	s4 =	sld [smem:$0x3FFC];
	_ =	sdelay $0x3  }
0x95: {  	_ =	strace s4  }
0x96: {  	s4 =	sld [smem:$0x3FFD];
	_ =	sdelay $0x3  }
0x97: {  	_ =	strace s4  }
0x98: {  	_ =	strace $0x8FFFFFFF  }
0x99: {  	s19 =	sld [smem:$0x3FDB];
	_ =	sdelay $0x1  }
0x9a: {  	s5 =	simm.s32 $_scs_section_size  }
0x9b: {  	s6 =	simm.s32 $_size__tile_overlayer_lowered;
	s7 =	simm.s32 $_tile_overlayer_lowered  }
0x9c: {  	s22 =	simm.s32 $0x1BFF;
	s21 =	sshll.u32 s7, $0x1;
	s4 =	sadd.s32 s5, s19  }
0x9d: {  	s8 =	simm.s32 $0x0;
	s20 =	sshll.u32 s6, $0x1;
	s6 =	sadd.s32 s21, s4  }
0x9e: {  	[timem:s8], [sflag:s22] =	dma.local [hbm:s6], s20  }
0x9f: {  	_ =	swait.ge [sflag:s22], s20  }
0xa0: {  	s5 =	ssub.s32 $0x0, s20;
	[sflag:s22] =	ssyncset.done $0x0  }
0xa1: {  	[sflag:s22] =	ssyncadd.s32 s5;
	_ =	sdelay $0x1  }
0xa2: {  	s23 =	simm.s32 $0x1B8B  }
0xa3: {  	_ =	swait.ge [sflag:s23], $0x1  }
0xa4: {  	[sflag:s23] =	ssyncset.done $0x0  }
0xa5: {  	s25 =	simm.s32 $0x1B8E;
	s24 =	sld [smem:$0x3FFE];
	[sflag:s23] =	ssyncadd.s32 $0xFFFFFFFF  }
0xa6: {  	s26 =	simm.s32 $execute0_lowered;
	[smem:$0x3FD2] =	sst s25  }
0xa7: {  	s6 =	sshll.u32 s26, $0x1;
	_ =	strace $0x8000004F;
	[dreg:$0x1] =	wrdreg $0xFFFFFFFF  }
0xa8: {  	s28 =	simm.s32 $_size_execute0_lowered;
	s4 =	sadd.s32 s4, s6;
	[dreg:$0x0] =	wrdreg $0x0  }
0xa9: {  	s6 =	sshll.u32 s28, $0x1;
	[dreg:$0x2] =	wrdreg s4  }
0xaa: {  	[dreg:$0x3] =	wrdreg s6  }
0xab: {  	[dreg:$0x4] =	wrdreg $0xC0  }
0xac: {  	_ =	task [dreg:s8], $0x5FFFF  }
0xad: {  	[dreg:$0x1] =	wrdreg $0xFFFFFFFF  }
0xae: {  	[dreg:$0x0] =	wrdreg $0x60  }
0xaf: {  	[dreg:$0x2] =	wrdreg s24  }
0xb0: {  	[dreg:$0x3] =	wrdreg s2  }
0xb1: {  	[dreg:$0x4] =	wrdreg s18  }
0xb2: {  	[dreg:$0x5] =	wrdreg $0x0  }
0xb3: {  	[dreg:$0x6] =	wrdreg $0x9  }
0xb4: {  	_ =	task.clear_ibuf [dreg:s8], $0x7FFFF;
	_ =	strace $0x9000004F  }
0xb5: {  	s29 =	simm.s32 $0x9;
	_ =	strace $0x80000051  }
0xb6: {  	_ =	swait.ge [sflag:s29], $0x1  }
0xb7: {  	[sflag:s29] =	ssyncadd.s32 $0xFFFFFFFF  }
0xb8: {  	_ =	strace $0x90000051  }
0xb9: {  	_ =	sfence  }
0xba: {  	s30 =	sld [smem:$0x0];
	_ =	sdelay $0x2  }
0xbb: {  	s31 =	sshll.u32 s1, $0xD;
	s1 =	sshrl.u32 s1, $0x2  }
0xbc: {  	s3 =	sand.u32 $0x4000, s31;
	s1 =	sadd.s32 s1, s30  }
0xbd: {  	s0 =	sor.u32 s3, s0;
	s1 =	sshll.u32 s1, $0x11  }
0xbe: {  	s0 =	sor.u32 s1, s0  }
0xbf: {  	s0 =	sadd.s32 $0x8F2B, s0  }
0xc0: {  	[sflag:s0] =	ssyncadd.remote.s32 $0x1  }
0xc1: {  	_ =	sfence.sel $0xFFFF  }
0xc2: {  	[dreg:$0x0] =	wrdreg $0xFFFFFFFF;
	(pc) =	sbr.abs _section_cstart, $3  }
0xc3: {  	[dreg:$0x1] =	wrdreg $0xFFFFFFFF  }
0xc4: {  	_ =	task.clear_ibuf [dreg:s8], $0x2FFFF;
	_ =	strace $0x9FFFFFFF  }
0xc5: {  	(tm) =	ssettm $0x7FFFFFFF  }
tec
execute0_lowered:
.L_overlay_start_1:
0x0: {  	(tag) =	ssettag $0x1  }
0x1: {  	s6 =	rddreg [dreg:$0x0]  }
0x2: {  	s1 =	rddreg [dreg:$0x1]  }
0x3: {  	s7 =	rddreg [dreg:$0x2]  }
0x4: {  	s2 =	rddreg [dreg:$0x3]  }
0x5: {  	s0 =	rddreg [dreg:$0x4]  }
0x6: {  	s4 =	simm.s32 $0x0;
	s3 =	srdreg.scid;
	s16 =	simm.s32 $0x1  }
0x7: {  	s17 =	simm.s32 $0x1C0;
	s18 =	simm.s32 $0x50;
	s19 =	simm.s32 $0x2A40  }
0x8: {  	s20 =	simm.s32 $0x0;
	[smem:$0x7FF] =	sst s4;
	s10 =	sand.u32 $0x1, s3  }
0x9: {  	s3 =	stileid.u32;
	s5 =	sadd.s32 $0x3200, s6;
	s8 =	smul.u32 $0x1C00, s10  }
0xa: {  	_ =	strace $0x80000050;
	s9 =	sshll.u32 s3, $0xA;
	s15 =	smul.u32 $0x500, s10  }
0xb: {  	s11 =	sshll.u32 s3, $0x7;
	s12 =	ssub.s32 $0x2, s10;
	s26 =	smul.u32 $0x50, s3  }
0xc: {  	s23 =	sshll.u32 s10, $0x4;
	s24 =	sshll.u32 s3, $0x4;
	s29 =	smul.u32 $0x28000, s10  }
0xd: {  	s25 =	sshll.u32 s10, $0x8;
	s31 =	smul.u32 $0x2800, s3;
	p0 =	sgt.u32 s3, $0x6  }
0xe: {  	s11 =	sadd.s32 s11, s6;
	s13 =	sshrl.u32 s12, $0x1;
	s14 =	sadd.s32 s9, s2  }
0xf: {  	s7 =	sadd.s32 s7, s24;
	s28 =	sor.u32 s23, s3;
	s8 =	sadd.s32 s9, s8  }
0x10: {  	s12 =	ssub.s32 s12, s13;
	s7 =	sadd.s32 s25, s7;
	s30 =	ssub.s32 $0x9C, s28  }
0x11: {  	s14 =	sshrl.u32 @!p0 s14, $0x3;
	s8 =	sshrl.u32 s8, $0x3;
	s9 =	smax.u32 s12, $0x1  }
0x12: {  	s10 =	sshrl.u32 s30, $0x5;
	s12 =	sadd.s32 s31, s29;
	s8 =	sadd.s32 s8, s6  }
0x13: {  	s6 =	sadd.s32 $0x7A000, s11;
	s11 =	sadd.s32 s26, s15;
	s15 =	sshll.u32 @!p0 s3, $0x6  }
0x14: {  	v0 =	vimm.f32 $0.0e+00;
	v1 =	vimm.f32 $1.000000000e+00;
	s8 =	sadd.s32 $0x2A400, s8;
	s13 =	sor.u32 @!p0 $0x1C01, s15;
	s15 =	simm.s32 $0x240  }
.LBB2_1:
0x15: {  	[spmem:s14], [sflag:s13] =	dma.local @!p0 [hbm:s6], $0x80  }
0x16: {  	s21 =	simm.s32 @!p0 $0x1  }
0x17: {  	_ =	swait.ge @!p0 [sflag:s21], $0x80  }
0x18: {  	[sflag:s21] =	ssyncset.done @!p0 $0x0  }
0x19: {  	[sflag:s21] =	ssyncadd.s32 @!p0 $0xFFFFFF80  }
0x1a: {  	[tilespmem:$0x2A40] =	vst v0  }
0x1b: {  	[tilespmem:$0x2A50] =	vst v0  }
0x1c: {  	[tilespmem:$0x2A60] =	vst v0  }
0x1d: {  	s22 =	smov.u32 s11;
	[tilespmem:$0x2A70] =	vst v0  }
0x1e: {  	s23 =	smov.u32 s10;
	s21 =	smov.u32 s12;
	[bflag:$0x0] =	sbarrier.arrive $0xFFFF  }
.LBB2_2:
0x1f: {  	s24 =	sshrl.u32 s21, $0x3  }
0x20: {  	s24 =	sadd.s32 s5, s24  }
0x21: {  	[tilespmem:s15], [sflag:$0x1] =	stream.linear.gather [hbm4b:s24+s4], $0x2800, $0x38;
	[tilespmem:$0x2AC0] =	vst v63  }
0x22: {  	_ =	swait.ge [sflag:s16], $0x2800  }
0x23: {  	s31 =	sshrl.u32 s22, $0x3;
	[sflag:s16] =	ssyncset.done $0x0  }
0x24: {  	s24 =	sadd.s32 s1, s31;
	[sflag:s16] =	ssyncadd.s32 $0xFFFFD800  }
0x25: {  	[tilespmem:s17], [sflag:$0x1] =	stream.linear.gather [hbm4b:s24+s4], $0x50, $0x38;
	[tilespmem:$0x2AC0] =	vst v63  }
0x26: {  	_ =	swait.ge [sflag:s16], $0x50  }
0x27: {  	[sflag:s16] =	ssyncset.done $0x0  }
0x28: {  	[sflag:s16] =	ssyncadd.s32 $0xFFFFFFB0  }
0x29: {  	[spmem:s2] =	stream.indirect.scatter.add.f32 [tilespmem:s15], [sflag:$0x1], $0x80, s17, s18, $0xb8;
	[tilespmem:$0x2AC0] =	vst v63  }
0x2a: {  	_ =	swait.ge [sflag:s16], $0x2800  }
0x2b: {  	[sflag:s16] =	ssyncset.done $0x0  }
0x2c: {  	[sflag:s16] =	ssyncadd.s32 $0xFFFFD800  }
0x2d: {  	v2 =	vld [tilespmem:$0x1C0];
	_ =	sdelay $0x7  }
0x2e: {  	[tilespmem:v2+s19+$0x0] =	vst.idx.add.f32.msk $0xffff, v1  }
0x2f: {  	v2 =	vld [tilespmem:$0x1D0];
	_ =	sdelay $0x7  }
0x30: {  	[tilespmem:v2+s19+$0x0] =	vst.idx.add.f32.msk $0xffff, v1  }
0x31: {  	v2 =	vld [tilespmem:$0x1E0];
	_ =	sdelay $0x7  }
0x32: {  	[tilespmem:v2+s19+$0x0] =	vst.idx.add.f32.msk $0xffff, v1  }
0x33: {  	v2 =	vld [tilespmem:$0x1F0];
	_ =	sdelay $0x7  }
0x34: {  	[tilespmem:v2+s19+$0x0] =	vst.idx.add.f32.msk $0xffff, v1  }
0x35: {  	v2 =	vld [tilespmem:$0x200];
	_ =	sdelay $0x2  }
0x36: {  	p1 =	sne.s32 s23, $0x1  }
.Ltmp0:
0x37: {  	_ = 	snop;
	(pc) =	sbr.rel @p1 .LBB2_2-.Ltmp0, $2  }
0x38: {  	_ =	sdelay $0x2  }
0x39: {  	s22 =	sadd.s32 $0xA00, s22;
	s21 =	sadd.s32 $0x50000, s21;
	s23 =	sadd.s32 $0xFFFFFFFF, s23;
	[tilespmem:v2+s19+$0x0] =	vst.idx.add.f32.msk $0xffff, v1  }
0x3a: {  	[hbm4b:s7+s4] =	stream.linear.scatter [tilespmem:s19], [sflag:$0x1], $0x80, $0x38;
	[tilespmem:$0x2AC0] =	vst v63  }
0x3b: {  	_ =	swait.ge [sflag:s16], $0x80  }
0x3c: {  	s20 =	sadd.s32 $0x1, s20;
	[sflag:s16] =	ssyncset.done $0x0  }
0x3d: {  	p1 =	sne.s32 s20, s9;
	[sflag:s16] =	ssyncadd.s32 $0xFFFFFF80  }
.Ltmp1:
0x3e: {  	s21 =	simm.s32 @!p0 $0x1;
	[bflag:$0x0] =	sbarrier.arrive $0xFFFF;
	(pc) =	sbr.rel @p1 .LBB2_1-.Ltmp1, $4  }
0x3f: {  	[hbm:s8], [sflag:s13] =	dma.local @!p0 [spmem:s14], $0x80  }
0x40: {  	_ =	swait.ge @!p0 [sflag:s21], $0x80  }
0x41: {  	[sflag:s21] =	ssyncset.done @!p0 $0x0  }
0x42: {  	[sflag:s21] =	ssyncadd.s32 @!p0 $0xFFFFFF80  }
0x43: {  	_ =	sfence.sel $0x180000  }
0x44: {  	[bflag:$0x0] =	sbarrier.arrive $0xFFFF  }
0x45: {  	p0 =	sne.s32 s3, $0x0;
	_ =	strace $0x90000050  }
0x46: {  	s0 =	sadd.s32 @!p0 $0x100000, s0;
	[bflag:$0x2] =	sbarrier.arrive $0xFFFF  }
0x47: {  	[sflag:s0] =	ssyncadd.tile.s32 @!p0 $0x1;
	_ =	shalt  }
.Lfunc_end2:
_tile_overlayer_lowered:
.L_overlay_start_2:
0x48: {  	(tag) =	ssettag $0x2  }
0x49: {  	s0 =	rddreg [dreg:$0x0];
	s2 =	stileid.u32  }
0x4a: {  	s1 =	rddreg [dreg:$0x1];
	p0 =	sne.s32 s2, $0x0  }
0x4b: {  	s3 =	rddreg [dreg:$0x2];
	[bflag:$0x3] =	sbarrier.arrive $0xFFFF;
	s2 =	simm.s32 @!p0 $0x1C01  }
0x4c: {  	[timem:s3], [sflag:s2] =	dma.local @!p0 [hbm:s0], s1  }
0x4d: {  	s0 =	simm.s32 @!p0 $0x1  }
0x4e: {  	_ =	swait.ge @!p0 [sflag:s0], s1  }
0x4f: {  	s1 =	ssub.s32 @!p0 $0x0, s1;
	[sflag:s0] =	ssyncset.done @!p0 $0x0  }
0x50: {  	[sflag:s0] =	ssyncadd.s32 @!p0 s1  }
0x51: {  	[bflag:$0x3] =	sbarrier.arrive $0xFFFF  }
0x52: {  	_ =	shalt  }

</sc_bundles>
